<compile_context>
chip_gen: v7x
topology: tpu7x:2x2x1
jax: 0.10.2.dev20260603
libtpu: 0.0.44.dev20260713+nightly
codegen_flags: <defaults>
</compile_context>

<pallas_src>
import functools

import jax
import jax.numpy as jnp
from jax import lax
from jax.experimental import pallas as pl
from jax.experimental.pallas import tpu as pltpu
from jax.experimental.pallas import tpu_sc as plsc

NC = 2
NS = 16
LANES = 16

ACC_SCALE = 0.005
MAX_VEL = 0.05
EPS = 1e-6
CLOSE_Q = 0.01


def _pad_up(v, m):
    return (v + m - 1) // m * m


def _sc_gather_columns(xTflat, src, dst, n_pad, e, e_pad):
    ehalf = e // 2
    c = 32000
    nch = ehalf // c
    mesh = plsc.VectorSubcoreMesh(core_axis_name="c", subcore_axis_name="s")

    @functools.partial(
        pl.kernel,
        out_type=jax.ShapeDtypeStruct((14 * e_pad,), jnp.float32),
        mesh=mesh,
        compiler_params=pltpu.CompilerParams(needs_layout_passes=False),
        scratch_types=[
            pltpu.VMEM((n_pad,), jnp.float32),
            pltpu.VMEM((c,), jnp.int32),
            pltpu.VMEM((c,), jnp.float32),
        ],
    )
    def k(xT_ref, src_ref, dst_ref, g_ref, tab, idxb, outb):
        wid = lax.axis_index("s") * NC + lax.axis_index("c")
        f = wid % 7
        sd = (wid // 7) % 2
        half = wid // 14

        @pl.when(wid < 28)
        def _():
            pltpu.sync_copy(xT_ref.at[pl.ds(f * n_pad, n_pad)], tab)
            row = f + 7 * sd
            base0 = half * ehalf

            @pl.loop(0, nch)
            def _(ci):
                base = base0 + ci * c

                @pl.when(sd == 0)
                def _():
                    pltpu.sync_copy(src_ref.at[pl.ds(base, c)], idxb)

                @pl.when(sd == 1)
                def _():
                    pltpu.sync_copy(dst_ref.at[pl.ds(base, c)], idxb)

                @plsc.parallel_loop(0, c // LANES, unroll=8)
                def _(j):
                    iv = idxb[pl.ds(j * LANES, LANES)]
                    outb[pl.ds(j * LANES, LANES)] = plsc.load_gather(tab, [iv])

                pltpu.sync_copy(outb, g_ref.at[pl.ds(row * e_pad + base, c)])

    return k(xTflat, src, dst)


def _sc_segment_sum4(h_flat, dst, n_pad, e, e_pad):
    esh = e // 8
    c = 10000
    nch = esh // c
    nsl = n_pad // 4
    mesh = plsc.VectorSubcoreMesh(core_axis_name="c", subcore_axis_name="s")

    @functools.partial(
        pl.kernel,
        out_type=jax.ShapeDtypeStruct((2 * 4 * n_pad,), jnp.float32),
        mesh=mesh,
        compiler_params=pltpu.CompilerParams(needs_layout_passes=False),
        scratch_types=[
            pltpu.VMEM((n_pad,), jnp.float32),
            pltpu.VMEM((c,), jnp.float32),
            pltpu.VMEM((c,), jnp.int32),
            pltpu.VMEM_SHARED((16 * n_pad,), jnp.float32),
        ],
    )
    def k(h_ref, dst_ref, out_ref, acc, hb, ib, shared):
        core = lax.axis_index("c")
        s = lax.axis_index("s")
        ch = s % 4
        sh = s // 4
        shard = core * 4 + sh
        base0 = shard * esh

        @pl.loop(0, n_pad // LANES)
        def _(j):
            acc[pl.ds(j * LANES, LANES)] = jnp.zeros((LANES,), jnp.float32)

        @pl.loop(0, nch)
        def _(ci):
            base = base0 + ci * c
            pltpu.sync_copy(h_ref.at[pl.ds(ch * e_pad + base, c)], hb)
            pltpu.sync_copy(dst_ref.at[pl.ds(base, c)], ib)

            @pl.loop(0, c // LANES, unroll=4)
            def _(j):
                iv = ib[pl.ds(j * LANES, LANES)]
                vv = hb[pl.ds(j * LANES, LANES)]
                plsc.addupdate_scatter(acc, [iv], vv)

        pltpu.sync_copy(acc, shared.at[pl.ds(s * n_pad, n_pad)])
        plsc.subcore_barrier()
        rch = s % 4
        rns = s // 4
        off = rns * nsl
        for p in range(4):
            pltpu.sync_copy(shared.at[pl.ds((rch + 4 * p) * n_pad + off, nsl)],
                            acc.at[pl.ds(p * nsl, nsl)])

        @pl.loop(0, nsl // LANES, unroll=4)
        def _(j):
            t = acc[pl.ds(j * LANES, LANES)]
            t = t + acc[pl.ds(nsl + j * LANES, LANES)]
            t = t + acc[pl.ds(2 * nsl + j * LANES, LANES)]
            t = t + acc[pl.ds(3 * nsl + j * LANES, LANES)]
            acc[pl.ds(j * LANES, LANES)] = t

        pltpu.sync_copy(acc.at[pl.ds(0, nsl)],
                        out_ref.at[pl.ds(core * 4 * n_pad + rch * n_pad + off, nsl)])

    return k(h_flat, dst)


def _sc_segment_sum1(values, dst, n_pad, e):
    esh = e // 32
    c = 10000
    nch = esh // c
    nsl = n_pad // 16
    mesh = plsc.VectorSubcoreMesh(core_axis_name="c", subcore_axis_name="s")
    have_vals = values is not None

    scratch = [
        pltpu.VMEM((n_pad,), jnp.float32),
        pltpu.VMEM((c,), jnp.int32),
        pltpu.VMEM((c,), jnp.float32),
        pltpu.VMEM_SHARED((16 * n_pad,), jnp.float32),
    ]

    def body(v_ref, dst_ref, out_ref, acc, ib, vb, shared):
        core = lax.axis_index("c")
        s = lax.axis_index("s")
        shard = core * 16 + s
        base0 = shard * esh

        @pl.loop(0, n_pad // LANES)
        def _(j):
            acc[pl.ds(j * LANES, LANES)] = jnp.zeros((LANES,), jnp.float32)

        @pl.loop(0, nch)
        def _(ci):
            base = base0 + ci * c
            pltpu.sync_copy(dst_ref.at[pl.ds(base, c)], ib)
            if have_vals:
                pltpu.sync_copy(v_ref.at[pl.ds(base, c)], vb)

            @pl.loop(0, c // LANES, unroll=4)
            def _(j):
                iv = ib[pl.ds(j * LANES, LANES)]
                if have_vals:
                    vv = vb[pl.ds(j * LANES, LANES)]
                else:
                    vv = jnp.ones((LANES,), jnp.float32)
                plsc.addupdate_scatter(acc, [iv], vv)

        pltpu.sync_copy(acc, shared.at[pl.ds(s * n_pad, n_pad)])
        plsc.subcore_barrier()
        off = s * nsl
        for p in range(16):
            pltpu.sync_copy(shared.at[pl.ds(p * n_pad + off, nsl)],
                            acc.at[pl.ds(p * nsl, nsl)])

        @pl.loop(0, nsl // LANES, unroll=2)
        def _(j):
            t = acc[pl.ds(j * LANES, LANES)]
            for p in range(1, 16):
                t = t + acc[pl.ds(p * nsl + j * LANES, LANES)]
            acc[pl.ds(j * LANES, LANES)] = t

        pltpu.sync_copy(acc.at[pl.ds(0, nsl)],
                        out_ref.at[pl.ds(core * n_pad + off, nsl)])

    out_type = jax.ShapeDtypeStruct((2 * n_pad,), jnp.float32)
    if have_vals:
        fn = pl.kernel(body, out_type=out_type, mesh=mesh, scratch_types=scratch, compiler_params=pltpu.CompilerParams(needs_layout_passes=False))
        return fn(values, dst)
    else:
        def body5(dst_ref, out_ref, acc, ib, vb, shared):
            body(None, dst_ref, out_ref, acc, ib, vb, shared)
        fn = pl.kernel(body5, out_type=out_type, mesh=mesh, scratch_types=scratch, compiler_params=pltpu.CompilerParams(needs_layout_passes=False))
        return fn(dst)


def _sc_close_edges(xnflat, src, dst, n_pad, e):
    esh = e // 32
    c = 10000
    nch = esh // c
    mesh = plsc.VectorSubcoreMesh(core_axis_name="c", subcore_axis_name="s")

    @functools.partial(
        pl.kernel,
        out_type=jax.ShapeDtypeStruct((e,), jnp.float32),
        mesh=mesh,
        compiler_params=pltpu.CompilerParams(needs_layout_passes=False),
        scratch_types=[
            pltpu.VMEM((n_pad,), jnp.float32),
            pltpu.VMEM((n_pad,), jnp.float32),
            pltpu.VMEM((c,), jnp.int32),
            pltpu.VMEM((c,), jnp.int32),
            pltpu.VMEM((c,), jnp.float32),
        ],
    )
    def k(xn_ref, src_ref, dst_ref, cl_ref, tabx, taby, sb, db, ob):
        core = lax.axis_index("c")
        s = lax.axis_index("s")
        shard = core * 16 + s
        base0 = shard * esh
        pltpu.sync_copy(xn_ref.at[pl.ds(0, n_pad)], tabx)
        pltpu.sync_copy(xn_ref.at[pl.ds(n_pad, n_pad)], taby)

        @pl.loop(0, nch)
        def _(ci):
            base = base0 + ci * c
            pltpu.sync_copy(src_ref.at[pl.ds(base, c)], sb)
            pltpu.sync_copy(dst_ref.at[pl.ds(base, c)], db)

            @plsc.parallel_loop(0, c // LANES, unroll=4)
            def _(j):
                sv = sb[pl.ds(j * LANES, LANES)]
                dv = db[pl.ds(j * LANES, LANES)]
                ax = plsc.load_gather(tabx, [sv])
                ay = plsc.load_gather(taby, [sv])
                bx = plsc.load_gather(tabx, [dv])
                by = plsc.load_gather(taby, [dv])
                dx = ax - bx
                dy = ay - by
                q = dx * dx + dy * dy + jnp.float32(EPS)
                ob[pl.ds(j * LANES, LANES)] = jnp.where(
                    q < jnp.float32(CLOSE_Q),
                    jnp.float32(1.0), jnp.float32(0.0)).astype(jnp.float32)

            pltpu.sync_copy(ob, cl_ref.at[pl.ds(base, c)])

    return k(xnflat, src, dst)


def _tc_edge_mlp(g3, ea3, w1, b1, w2, b2, re_blocks, br):
    ng = re_blocks // br

    def body(g_ref, ea_ref, w1a_ref, w1c_ref, b1_ref, w2_ref, b2_ref, out_ref):
        out_ref[...] = g_ref[0:4] + ea_ref[...]

    w1aT = w1[:14].T
    w1cT = w1[14:18].T
    b1c = b1[:, None]
    w2T = w2.T
    b2c = b2[:, None]
    return pl.pallas_call(
        body,
        grid=(ng,),
        in_specs=[
            pl.BlockSpec((14, br, 128), lambda i: (0, i, 0)),
            pl.BlockSpec((4, br, 128), lambda i: (0, i, 0)),
            pl.BlockSpec((32, 14), lambda i: (0, 0)),
            pl.BlockSpec((32, 4), lambda i: (0, 0)),
            pl.BlockSpec((32, 1), lambda i: (0, 0)),
            pl.BlockSpec((4, 32), lambda i: (0, 0)),
            pl.BlockSpec((4, 1), lambda i: (0, 0)),
        ],
        out_specs=pl.BlockSpec((4, br, 128), lambda i: (0, i, 0)),
        out_shape=jax.ShapeDtypeStruct((4, re_blocks, 128), jnp.float32),
    )(g3, ea3, w1aT, w1cT, b1c, w2T, b2c)


def _tc_visible_food(ea3):
    re_blocks = ea3.shape[1]
    brv = 64
    ng = re_blocks // brv

    def body(ea_ref, vf_ref):
        i = pl.program_id(0)

        @pl.when(i == 0)
        def _():
            vf_ref[...] = jnp.zeros_like(vf_ref)

        vf_ref[...] += jnp.sum(
            (ea_ref[3] == 0.0).astype(jnp.float32), axis=0, keepdims=True)

    return pl.pallas_call(
        body,
        grid=(ng,),
        in_specs=[pl.BlockSpec((4, brv, 128), lambda i: (0, i, 0))],
        out_specs=pl.BlockSpec((1, 128), lambda i: (0, 0)),
        out_shape=jax.ShapeDtypeStruct((1, 128), jnp.float32),
    )(ea3)


def _tc_node_update(x3, agg4, deg3, n_real):
    def body(x_ref, agg_ref, deg_ref, xn_ref, st_ref):
        px, py = x_ref[0], x_ref[1]
        vx, vy = x_ref[2], x_ref[3]
        alive = x_ref[4]
        deg = deg_ref[0] + deg_ref[1]
        degc = jnp.maximum(deg, 1.0)
        cmask = (alive > 0.5).astype(jnp.float32)
        sc = jnp.float32(ACC_SCALE)
        h = [((agg_ref[0, cc] + agg_ref[1, cc]) / degc) * sc * cmask
             for cc in range(4)]
        velx = jnp.clip(vx + h[0], -MAX_VEL, MAX_VEL)
        vely = jnp.clip(vy + h[1], -MAX_VEL, MAX_VEL)
        posx = px + velx
        posy = py + vely
        bx = jnp.log(jnp.abs(posx) + EPS) * (jnp.abs(posx) > 1.0).astype(jnp.float32)
        by = jnp.log(jnp.abs(posy) + EPS) * (jnp.abs(posy) > 1.0).astype(jnp.float32)
        border = jnp.sum(bx) + jnp.sum(by)
        inv_n = jnp.float32(1.0 / n_real)
        vbx = jnp.sum(jnp.abs(velx)) * inv_n
        vby = jnp.sum(jnp.abs(vely)) * inv_n
        xn_ref[0] = posx
        xn_ref[1] = posy
        xn_ref[2] = velx
        xn_ref[3] = vely
        xn_ref[4] = alive
        xn_ref[5] = h[2]
        xn_ref[6] = h[3]
        xn_ref[7] = jnp.zeros_like(posx)
        st_ref[0:1, :] = jnp.full((1, 128), border)
        st_ref[1:2, :] = jnp.full((1, 128), vbx)
        st_ref[2:3, :] = jnp.full((1, 128), vby)
        st_ref[3:8, :] = jnp.zeros((5, 128), jnp.float32)

    rn = x3.shape[1]
    return pl.pallas_call(
        body,
        out_shape=(
            jax.ShapeDtypeStruct((8, rn, 128), jnp.float32),
            jax.ShapeDtypeStruct((8, 128), jnp.float32),
        ),
    )(x3, agg4, deg3)


def _tc_finalize(xn3, food2, deg3):
    def body(xn_ref, food_ref, deg_ref, xo_ref, st_ref):
        alive = xn_ref[4]
        deg = deg_ref[0] + deg_ref[1]
        food = food_ref[0] + food_ref[1]
        dead = jnp.logical_and(deg < 3.0, alive > 0.5)
        consumed = jnp.logical_and(alive <= 0.5, food >= 5.0)
        keep = jnp.logical_not(jnp.logical_or(dead, consumed)).astype(jnp.float32)
        for r in range(8):
            xo_ref[r] = xn_ref[r] * keep
        deadf = dead.astype(jnp.float32)
        consf = consumed.astype(jnp.float32)
        st_ref[0:1, :] = jnp.full((1, 128), jnp.sum(deadf))
        st_ref[1:2, :] = jnp.full((1, 128), jnp.sum(consf))
        st_ref[2:8, :] = jnp.zeros((6, 128), jnp.float32)

    rn = xn3.shape[1]
    return pl.pallas_call(
        body,
        out_shape=(
            jax.ShapeDtypeStruct((8, rn, 128), jnp.float32),
            jax.ShapeDtypeStruct((8, 128), jnp.float32),
        ),
    )(xn3, food2, deg3)


def kernel(x, edge_index, edge_attr, W1, b1, W2, b2, time_steps):
    n, chn = x.shape
    e = edge_index.shape[1]
    n_pad = _pad_up(n, 256)
    br = 32
    e_pad = _pad_up(e, 128 * br)
    rn = n_pad // 128
    re_blocks = e_pad // 128

    src = edge_index[0]
    dst = edge_index[1]
    xT = jnp.zeros((8, n_pad), jnp.float32).at[:chn, :n].set(x.T)
    eaT = jnp.ones((4, e_pad), jnp.float32).at[:, :e].set(edge_attr.T)
    ea3 = eaT.reshape(4, re_blocks, 128)

    deg2 = _sc_segment_sum1(None, dst, n_pad, e)
    deg3 = deg2.reshape(2, rn, 128)
    vf0 = jnp.sum(_tc_visible_food(ea3))

    def step(xT):
        g = _sc_gather_columns(xT.reshape(-1), src, dst, n_pad, e, e_pad)
        g3 = g.reshape(14, re_blocks, 128)
        h_e3 = _tc_edge_mlp(g3, ea3, W1, b1, W2, b2, re_blocks, br)
        agg2 = _sc_segment_sum4(h_e3.reshape(-1), dst, n_pad, e, e_pad)
        agg4 = agg2.reshape(2, 4, rn, 128)
        x3 = xT.reshape(8, rn, 128)
        xn3, st1 = _tc_node_update(x3, agg4, deg3, n)
        close = _sc_close_edges(xn3.reshape(-1), src, dst, n_pad, e)
        food2 = _sc_segment_sum1(close, dst, n_pad, e)
        xo3, st2 = _tc_finalize(xn3, food2.reshape(2, rn, 128), deg3)
        vb = jnp.stack([st1[1, 0], st1[2, 0]])
        return (xo3.reshape(8, n_pad), vb, st1[0, 0], st2[1, 0], st2[0, 0])

    def body(_, carry):
        xT, vbs, bcs, frs, dcs, vfs = carry
        xT2, vb, bc, fr, dc = step(xT)
        return (xT2, vbs + vb, bcs + bc, frs + fr, dcs + dc, vfs + vf0)

    init = (xT, jnp.zeros((2,), jnp.float32), jnp.float32(0.0),
            jnp.float32(0.0), jnp.float32(0.0), jnp.float32(0.0))
    xT_f, vbs, bcs, frs, dcs, vfs = lax.fori_loop(0, time_steps, body, init)
    x_out = xT_f[:chn, :n].T
    return (x_out, vbs, bcs, frs, dcs, vfs)

# --- scband reference (transcript-rebuilt; emitter-appended) ---
"""Pipeline reference for scband-gnca-78211354460679 (READ-ONLY COPY).

The authoritative reference and input builder live on the scoring server;
editing this copy changes nothing except your own understanding.
"""

import jax, jax.numpy as jnp
import numpy as np

N = 50000
E = 1600000
CH = 7
ED = 4
HID = 32


def setup_inputs(seed: int = 0) -> dict:
    key = jax.random.key(seed)
    k1, k2, k3, k4, k5 = jax.random.split(key, 5)
    x = jax.random.uniform(k1, (N, CH), dtype=jnp.float32)
    edge_index = jax.random.randint(k2, (2, E), 0, N, dtype=jnp.int32)
    edge_attr = jax.random.uniform(k3, (E, ED), dtype=jnp.float32)
    W1 = 0.1 * jax.random.normal(k4, (2 * CH + ED, HID), dtype=jnp.float32)
    b1 = jnp.zeros((HID,), dtype=jnp.float32)
    W2 = 0.1 * jax.random.normal(k5, (HID, 4), dtype=jnp.float32)
    b2 = jnp.zeros((4,), dtype=jnp.float32)
    return {"x": x, "edge_index": edge_index, "edge_attr": edge_attr,
            "W1": W1, "b1": b1, "W2": W2, "b2": b2, "time_steps": 1}


def _step(x, src, dst, edge_attr, W1, b1, W2, b2):
    acceleration_scale = 0.005
    max_velocity = 0.05
    consume_radius = 0.1
    eps = 1e-06
    n = x.shape[0]
    # message passing: edge MLP over (x_src, x_dst, edge_attr), mean-aggregated at dst
    m_in = jnp.concatenate([x[src], x[dst], edge_attr], axis=1)
    h_e = jnp.tanh(m_in @ W1 + b1) @ W2 + b2
    agg = jax.ops.segment_sum(h_e, dst, num_segments=n)
    deg = jax.ops.segment_sum(jnp.ones((src.shape[0],), jnp.float32), dst, num_segments=n)
    h = agg / jnp.clip(deg, 1.0)[:, None]
    c_mask = (x[:, 4] > 0.5).astype(jnp.float32)
    h = h * acceleration_scale * jnp.stack((c_mask, c_mask, c_mask, c_mask), axis=1)
    acc = h[:, :2]
    hidden = h[:, 2:]
    vel = jnp.clip(x[:, 2:4] + acc, -max_velocity, max_velocity)
    pos = x[:, :2] + vel
    x_new = jnp.concatenate([pos, vel, x[:, 4:5], hidden], axis=1)
    # border cost
    bmask = jnp.abs(pos) > 1.0
    bx = jnp.log(jnp.abs(pos[:, 0]) + eps) * bmask[:, 0].astype(jnp.float32)
    by = jnp.log(jnp.abs(pos[:, 1]) + eps) * bmask[:, 1].astype(jnp.float32)
    border_cost = bx.sum() + by.sum()
    visible_food = (edge_attr[:, 3] == 0).astype(jnp.float32).sum()
    # remove nodes (mask-multiply to keep static shapes)
    dead = (deg < 3.0) & (x[:, 4] > 0.5)
    d = jnp.sqrt(jnp.sum((pos[src] - pos[dst]) ** 2, axis=1) + eps)
    close = (d < consume_radius).astype(jnp.float32)
    food_edges = jax.ops.segment_sum(close, dst, num_segments=n)
    consumed = (x[:, 4] <= 0.5) & (food_edges >= 5.0)
    keep = jnp.logical_not(dead | consumed)
    x_out = x_new * keep[:, None].astype(jnp.float32)
    vel_bonus = jnp.abs(vel).mean(axis=0)
    dead_cost = dead.astype(jnp.float32).sum()
    food_reward = consumed.astype(jnp.float32).sum()
    return x_out, vel_bonus, border_cost, food_reward, dead_cost, visible_food


def reference(x, edge_index, edge_attr, W1, b1, W2, b2, time_steps=1):
    src = edge_index[0]
    dst = edge_index[1]
    velocity_bonus = jnp.zeros((2,), jnp.float32)
    border_costs = jnp.float32(0.0)
    food_rewards = jnp.float32(0.0)
    dead_costs = jnp.float32(0.0)
    visible_foods = jnp.float32(0.0)

    def _body(_, carry):
        x, velocity_bonus, border_costs, food_rewards, dead_costs, visible_foods = carry
        x, v, b, f, d, vf = _step(x, src, dst, edge_attr, W1, b1, W2, b2)
        velocity_bonus = velocity_bonus + v
        border_costs = border_costs + b
        food_rewards = food_rewards + f
        dead_costs = dead_costs + d
        visible_foods = visible_foods + vf
        return (x, velocity_bonus, border_costs, food_rewards, dead_costs, visible_foods)

    (x, velocity_bonus, border_costs, food_rewards, dead_costs, visible_foods) = jax.lax.fori_loop(
        0, time_steps, _body,
        (x, velocity_bonus, border_costs, food_rewards, dead_costs, visible_foods))
    return (x, velocity_bonus, border_costs, food_rewards, dead_costs, visible_foods)


if False:  # reference __main__ guard neutralized (emitter)
    out = reference(**setup_inputs())
    print([o.shape for o in out])

if __name__ == "__main__":
    import jax
    _d = setup_inputs()
    print(jax.jit(kernel)(*tuple(_d.values())))

</pallas_src>

<mosaic_0001>
#map = affine_map<(d0, d1) -> (0)>
module attributes {stable_mosaic.version = 14 : i64} {
  func.func @body5(%arg0: i32, %arg1: i32, %arg2: memref<1600000xi32, #tpu.memory_space<hbm>>, %arg3: memref<100352xf32, #tpu.memory_space<hbm>>, %arg4: memref<50176xf32, #tpu.memory_space<vmem>>, %arg5: memref<10000xi32, #tpu.memory_space<vmem>>, %arg6: memref<10000xf32, #tpu.memory_space<vmem>>, %arg7: memref<802816xf32, #tpu.memory_space<vmem_shared>>) attributes {dimension_semantics = [#tpu.dimension_semantics<core_parallel>, #tpu.dimension_semantics<subcore_parallel>], iteration_bounds = array<i64: 2, 16>, scalar_prefetch = 0 : i64, scratch_operands = 4 : i64, tpu.core_type = #tpu.core_type<sc_vector_subcore>, window_params = [{transform_indices = #map}, {transform_indices = #map}]} {
    %mul3A = arith.constant 16 : i32
    %mul3A_0 = arith.muli %arg0, %mul3A : i32
    %add3A = arith.addi %mul3A_0, %arg1 : i32
    %mul3A_1 = arith.constant 50000 : i32
    %mul3A_2 = arith.muli %add3A, %mul3A_1 : i32
    %scan3A = arith.constant 0 : i32
    %scan3A_3 = arith.constant 3136 : i32
    %scan3A_4 = arith.addi %scan3A, %scan3A_3 : i32
    %scan3A_5 = arith.constant 1 : i32
    scf.for %scan3A_56 = %scan3A to %scan3A_4 step %scan3A_5  : i32 {
      %mul3A_57 = arith.constant 1 : i32
      %mul3A_58 = arith.muli %scan3A_56, %mul3A_57 : i32
      %add3A_59 = arith.constant 0 : i32
      %add3A_60 = arith.addi %add3A_59, %mul3A_58 : i32
      %broadcast_in_dim3A = arith.constant 0.000000e+00 : f32
      %broadcast_in_dim3A_61 = vector.broadcast %broadcast_in_dim3A : f32 to vector<16xf32>
      %mul3A_62 = arith.constant 16 : i32
      %mul3A_63 = arith.muli %add3A_60, %mul3A_62 : i32
      %swap3A = arith.index_cast %mul3A_63 : i32 to index
      %swap3A_64 = tpu.vector_load %arg4[%swap3A] {strides = array<i32>} : memref<50176xf32, #tpu.memory_space<vmem>>, vector<16xf32>,
      tpu.vector_store %arg4[%swap3A], %broadcast_in_dim3A_61 {strides = array<i32>} : memref<50176xf32, #tpu.memory_space<vmem>>, vector<16xf32>,
    }
    %scan3A_6 = arith.constant 3136 : i32
    %scan3A_7 = arith.constant 0 : i32
    %scan3A_8 = arith.constant 5 : i32
    %scan3A_9 = arith.addi %scan3A_7, %scan3A_8 : i32
    %scan3A_10 = arith.constant 1 : i32
    scf.for %scan3A_56 = %scan3A_7 to %scan3A_9 step %scan3A_10  : i32 {
      %mul3A_57 = arith.constant 1 : i32
      %mul3A_58 = arith.muli %scan3A_56, %mul3A_57 : i32
      %add3A_59 = arith.constant 0 : i32
      %add3A_60 = arith.addi %add3A_59, %mul3A_58 : i32
      %mul3A_61 = arith.constant 10000 : i32
      %mul3A_62 = arith.muli %add3A_60, %mul3A_61 : i32
      %add3A_63 = arith.addi %mul3A_2, %mul3A_62 : i32
      "tpu.region"() ({
        %run_scoped3A = tpu.sem_alloc : memref<!tpu.dma_semaphore, #tpu.memory_space<semaphore_mem>>
        %dma_start3A = tpu.memref_slice %arg2[%add3A_63] : memref<1600000xi32, #tpu.memory_space<hbm>> -> memref<10000xi32, #tpu.memory_space<hbm>>
        %dma_start3A_79 = tpu.memref_slice %arg2[%add3A_63] : memref<1600000xi32, #tpu.memory_space<hbm>> -> memref<10000xi32, #tpu.memory_space<hbm>>
        tpu.enqueue_dma source(%dma_start3A_79 : memref<10000xi32, #tpu.memory_space<hbm>>) target(%arg5 : memref<10000xi32, #tpu.memory_space<vmem>>) target_semaphore(%run_scoped3A : memref<!tpu.dma_semaphore, #tpu.memory_space<semaphore_mem>>)
        %dma_wait3A = tpu.memref_slice %arg2[%add3A_63] : memref<1600000xi32, #tpu.memory_space<hbm>> -> memref<10000xi32, #tpu.memory_space<hbm>>
        %dma_wait3A_80 = tpu.memref_slice %arg2[%add3A_63] : memref<1600000xi32, #tpu.memory_space<hbm>> -> memref<10000xi32, #tpu.memory_space<hbm>>
        tpu.wait_dma2 semaphore(%run_scoped3A : memref<!tpu.dma_semaphore, #tpu.memory_space<semaphore_mem>>) src(%dma_wait3A_80 : memref<10000xi32, #tpu.memory_space<hbm>>) dst(%arg5 : memref<10000xi32, #tpu.memory_space<vmem>>)
        tpu.yield
      }) : () -> ()
      %scan3A_64 = arith.constant 0 : i32
      %scan3A_65 = arith.constant 624 : i32
      %scan3A_66 = arith.addi %scan3A_64, %scan3A_65 : i32
      %scan3A_67 = arith.constant 4 : i32
      scf.for %scan3A_79 = %scan3A_64 to %scan3A_66 step %scan3A_67  : i32 {
        %mul3A_80 = arith.constant 1 : i32
        %mul3A_81 = arith.muli %scan3A_79, %mul3A_80 : i32
        %add3A_82 = arith.constant 0 : i32
        %add3A_83 = arith.addi %add3A_82, %mul3A_81 : i32
        %mul3A_84 = arith.constant 16 : i32
        %mul3A_85 = arith.muli %add3A_83, %mul3A_84 : i32
        %get3A_86 = arith.index_cast %mul3A_85 : i32 to index
        %get3A_87 = tpu.vector_load %arg5[%get3A_86] {strides = array<i32>} : memref<10000xi32, #tpu.memory_space<vmem>>, vector<16xi32>,
        %broadcast_in_dim3A_88 = arith.constant 1.000000e+00 : f32
        %broadcast_in_dim3A_89 = vector.broadcast %broadcast_in_dim3A_88 : f32 to vector<16xf32>
        tpu.vector_store_idx %arg4[%get3A_87], %broadcast_in_dim3A_89 {add = true} : memref<50176xf32, #tpu.memory_space<vmem>>[vector<16xi32>], vector<16xf32>,
        %scan3A_90 = arith.constant 1 : i32
        %scan3A_91 = arith.addi %scan3A_79, %scan3A_90 : i32
        %mul3A_92 = arith.constant 1 : i32
        %mul3A_93 = arith.muli %scan3A_91, %mul3A_92 : i32
        %add3A_94 = arith.constant 0 : i32
        %add3A_95 = arith.addi %add3A_94, %mul3A_93 : i32
        %mul3A_96 = arith.constant 16 : i32
        %mul3A_97 = arith.muli %add3A_95, %mul3A_96 : i32
        %get3A_98 = arith.index_cast %mul3A_97 : i32 to index
        %get3A_99 = tpu.vector_load %arg5[%get3A_98] {strides = array<i32>} : memref<10000xi32, #tpu.memory_space<vmem>>, vector<16xi32>,
        %broadcast_in_dim3A_100 = arith.constant 1.000000e+00 : f32
        %broadcast_in_dim3A_101 = vector.broadcast %broadcast_in_dim3A_100 : f32 to vector<16xf32>
        tpu.vector_store_idx %arg4[%get3A_99], %broadcast_in_dim3A_101 {add = true} : memref<50176xf32, #tpu.memory_space<vmem>>[vector<16xi32>], vector<16xf32>,
        %scan3A_102 = arith.constant 2 : i32
        %scan3A_103 = arith.addi %scan3A_79, %scan3A_102 : i32
        %mul3A_104 = arith.constant 1 : i32
        %mul3A_105 = arith.muli %scan3A_103, %mul3A_104 : i32
        %add3A_106 = arith.constant 0 : i32
        %add3A_107 = arith.addi %add3A_106, %mul3A_105 : i32
        %mul3A_108 = arith.constant 16 : i32
        %mul3A_109 = arith.muli %add3A_107, %mul3A_108 : i32
        %get3A_110 = arith.index_cast %mul3A_109 : i32 to index
        %get3A_111 = tpu.vector_load %arg5[%get3A_110] {strides = array<i32>} : memref<10000xi32, #tpu.memory_space<vmem>>, vector<16xi32>,
        %broadcast_in_dim3A_112 = arith.constant 1.000000e+00 : f32
        %broadcast_in_dim3A_113 = vector.broadcast %broadcast_in_dim3A_112 : f32 to vector<16xf32>
        tpu.vector_store_idx %arg4[%get3A_111], %broadcast_in_dim3A_113 {add = true} : memref<50176xf32, #tpu.memory_space<vmem>>[vector<16xi32>], vector<16xf32>,
        %scan3A_114 = arith.constant 3 : i32
        %scan3A_115 = arith.addi %scan3A_79, %scan3A_114 : i32
        %mul3A_116 = arith.constant 1 : i32
        %mul3A_117 = arith.muli %scan3A_115, %mul3A_116 : i32
        %add3A_118 = arith.constant 0 : i32
        %add3A_119 = arith.addi %add3A_118, %mul3A_117 : i32
        %mul3A_120 = arith.constant 16 : i32
        %mul3A_121 = arith.muli %add3A_119, %mul3A_120 : i32
        %get3A_122 = arith.index_cast %mul3A_121 : i32 to index
        %get3A_123 = tpu.vector_load %arg5[%get3A_122] {strides = array<i32>} : memref<10000xi32, #tpu.memory_space<vmem>>, vector<16xi32>,
        %broadcast_in_dim3A_124 = arith.constant 1.000000e+00 : f32
        %broadcast_in_dim3A_125 = vector.broadcast %broadcast_in_dim3A_124 : f32 to vector<16xf32>
        tpu.vector_store_idx %arg4[%get3A_123], %broadcast_in_dim3A_125 {add = true} : memref<50176xf32, #tpu.memory_space<vmem>>[vector<16xi32>], vector<16xf32>,
      }
      %scan3A_68 = arith.constant 624 : i32
      %scan3A_69 = arith.addi %scan3A_64, %scan3A_68 : i32
      %mul3A_70 = arith.constant 1 : i32
      %mul3A_71 = arith.muli %scan3A_69, %mul3A_70 : i32
      %add3A_72 = arith.constant 0 : i32
      %add3A_73 = arith.addi %add3A_72, %mul3A_71 : i32
      %mul3A_74 = arith.constant 16 : i32
      %mul3A_75 = arith.muli %add3A_73, %mul3A_74 : i32
      %get3A = arith.index_cast %mul3A_75 : i32 to index
      %get3A_76 = tpu.vector_load %arg5[%get3A] {strides = array<i32>} : memref<10000xi32, #tpu.memory_space<vmem>>, vector<16xi32>,
      %broadcast_in_dim3A = arith.constant 1.000000e+00 : f32
      %broadcast_in_dim3A_77 = vector.broadcast %broadcast_in_dim3A : f32 to vector<16xf32>
      tpu.vector_store_idx %arg4[%get3A_76], %broadcast_in_dim3A_77 {add = true} : memref<50176xf32, #tpu.memory_space<vmem>>[vector<16xi32>], vector<16xf32>,
      %scan3A_78 = arith.constant 625 : i32
    }
    %scan3A_11 = arith.constant 5 : i32
    %mul3A_12 = arith.constant 50176 : i32
    %mul3A_13 = arith.muli %arg1, %mul3A_12 : i32
    "tpu.region"() ({
      %run_scoped3A = tpu.sem_alloc : memref<!tpu.dma_semaphore, #tpu.memory_space<semaphore_mem>>
      %dma_start3A = tpu.memref_slice %arg7[%mul3A_13] : memref<802816xf32, #tpu.memory_space<vmem_shared>> -> memref<50176xf32, #tpu.memory_space<vmem_shared>>
      %dma_start3A_56 = tpu.memref_slice %arg7[%mul3A_13] : memref<802816xf32, #tpu.memory_space<vmem_shared>> -> memref<50176xf32, #tpu.memory_space<vmem_shared>>
      tpu.enqueue_dma source(%arg4 : memref<50176xf32, #tpu.memory_space<vmem>>) target(%dma_start3A_56 : memref<50176xf32, #tpu.memory_space<vmem_shared>>) target_semaphore(%run_scoped3A : memref<!tpu.dma_semaphore, #tpu.memory_space<semaphore_mem>>)
      %dma_wait3A = tpu.memref_slice %arg7[%mul3A_13] : memref<802816xf32, #tpu.memory_space<vmem_shared>> -> memref<50176xf32, #tpu.memory_space<vmem_shared>>
      %dma_wait3A_57 = tpu.memref_slice %arg7[%mul3A_13] : memref<802816xf32, #tpu.memory_space<vmem_shared>> -> memref<50176xf32, #tpu.memory_space<vmem_shared>>
      tpu.wait_dma2 semaphore(%run_scoped3A : memref<!tpu.dma_semaphore, #tpu.memory_space<semaphore_mem>>) src(%arg4 : memref<50176xf32, #tpu.memory_space<vmem>>) dst(%dma_wait3A_57 : memref<50176xf32, #tpu.memory_space<vmem_shared>>)
      tpu.yield
    }) : () -> ()
    %barrier3A = arith.constant 0 : index
    tpu.barrier barrier_id(%barrier3A)
    %mul3A_14 = arith.constant 3136 : i32
    %mul3A_15 = arith.muli %arg1, %mul3A_14 : i32
    %add3A_16 = arith.constant 0 : i32
    %add3A_17 = arith.addi %add3A_16, %mul3A_15 : i32
    "tpu.region"() ({
      %run_scoped3A = tpu.sem_alloc : memref<!tpu.dma_semaphore, #tpu.memory_space<semaphore_mem>>
      %dma_start3A = arith.constant 0 : i32
      %dma_start3A_56 = tpu.memref_slice %arg4[%dma_start3A] : memref<50176xf32, #tpu.memory_space<vmem>> -> memref<3136xf32, #tpu.memory_space<vmem>>
      %dma_start3A_57 = tpu.memref_slice %arg7[%add3A_17] : memref<802816xf32, #tpu.memory_space<vmem_shared>> -> memref<3136xf32, #tpu.memory_space<vmem_shared>>
      %dma_start3A_58 = arith.constant 0 : i32
      %dma_start3A_59 = tpu.memref_slice %arg4[%dma_start3A_58] : memref<50176xf32, #tpu.memory_space<vmem>> -> memref<3136xf32, #tpu.memory_space<vmem>>
      %dma_start3A_60 = tpu.memref_slice %arg7[%add3A_17] : memref<802816xf32, #tpu.memory_space<vmem_shared>> -> memref<3136xf32, #tpu.memory_space<vmem_shared>>
      tpu.enqueue_dma source(%dma_start3A_60 : memref<3136xf32, #tpu.memory_space<vmem_shared>>) target(%dma_start3A_59 : memref<3136xf32, #tpu.memory_space<vmem>>) target_semaphore(%run_scoped3A : memref<!tpu.dma_semaphore, #tpu.memory_space<semaphore_mem>>)
      %dma_wait3A = arith.constant 0 : i32
      %dma_wait3A_61 = tpu.memref_slice %arg4[%dma_wait3A] : memref<50176xf32, #tpu.memory_space<vmem>> -> memref<3136xf32, #tpu.memory_space<vmem>>
      %dma_wait3A_62 = tpu.memref_slice %arg7[%add3A_17] : memref<802816xf32, #tpu.memory_space<vmem_shared>> -> memref<3136xf32, #tpu.memory_space<vmem_shared>>
      %dma_wait3A_63 = arith.constant 0 : i32
      %dma_wait3A_64 = tpu.memref_slice %arg4[%dma_wait3A_63] : memref<50176xf32, #tpu.memory_space<vmem>> -> memref<3136xf32, #tpu.memory_space<vmem>>
      %dma_wait3A_65 = tpu.memref_slice %arg7[%add3A_17] : memref<802816xf32, #tpu.memory_space<vmem_shared>> -> memref<3136xf32, #tpu.memory_space<vmem_shared>>
      tpu.wait_dma2 semaphore(%run_scoped3A : memref<!tpu.dma_semaphore, #tpu.memory_space<semaphore_mem>>) src(%dma_wait3A_65 : memref<3136xf32, #tpu.memory_space<vmem_shared>>) dst(%dma_wait3A_64 : memref<3136xf32, #tpu.memory_space<vmem>>)
      tpu.yield
    }) : () -> ()
    %add3A_18 = arith.constant 50176 : i32
    %add3A_19 = arith.addi %add3A_18, %mul3A_15 : i32
    "tpu.region"() ({
      %run_scoped3A = tpu.sem_alloc : memref<!tpu.dma_semaphore, #tpu.memory_space<semaphore_mem>>
      %dma_start3A = arith.constant 3136 : i32
      %dma_start3A_56 = tpu.memref_slice %arg4[%dma_start3A] : memref<50176xf32, #tpu.memory_space<vmem>> -> memref<3136xf32, #tpu.memory_space<vmem>>
      %dma_start3A_57 = tpu.memref_slice %arg7[%add3A_19] : memref<802816xf32, #tpu.memory_space<vmem_shared>> -> memref<3136xf32, #tpu.memory_space<vmem_shared>>
      %dma_start3A_58 = arith.constant 3136 : i32
      %dma_start3A_59 = tpu.memref_slice %arg4[%dma_start3A_58] : memref<50176xf32, #tpu.memory_space<vmem>> -> memref<3136xf32, #tpu.memory_space<vmem>>
      %dma_start3A_60 = tpu.memref_slice %arg7[%add3A_19] : memref<802816xf32, #tpu.memory_space<vmem_shared>> -> memref<3136xf32, #tpu.memory_space<vmem_shared>>
      tpu.enqueue_dma source(%dma_start3A_60 : memref<3136xf32, #tpu.memory_space<vmem_shared>>) target(%dma_start3A_59 : memref<3136xf32, #tpu.memory_space<vmem>>) target_semaphore(%run_scoped3A : memref<!tpu.dma_semaphore, #tpu.memory_space<semaphore_mem>>)
      %dma_wait3A = arith.constant 3136 : i32
      %dma_wait3A_61 = tpu.memref_slice %arg4[%dma_wait3A] : memref<50176xf32, #tpu.memory_space<vmem>> -> memref<3136xf32, #tpu.memory_space<vmem>>
      %dma_wait3A_62 = tpu.memref_slice %arg7[%add3A_19] : memref<802816xf32, #tpu.memory_space<vmem_shared>> -> memref<3136xf32, #tpu.memory_space<vmem_shared>>
      %dma_wait3A_63 = arith.constant 3136 : i32
      %dma_wait3A_64 = tpu.memref_slice %arg4[%dma_wait3A_63] : memref<50176xf32, #tpu.memory_space<vmem>> -> memref<3136xf32, #tpu.memory_space<vmem>>
      %dma_wait3A_65 = tpu.memref_slice %arg7[%add3A_19] : memref<802816xf32, #tpu.memory_space<vmem_shared>> -> memref<3136xf32, #tpu.memory_space<vmem_shared>>
      tpu.wait_dma2 semaphore(%run_scoped3A : memref<!tpu.dma_semaphore, #tpu.memory_space<semaphore_mem>>) src(%dma_wait3A_65 : memref<3136xf32, #tpu.memory_space<vmem_shared>>) dst(%dma_wait3A_64 : memref<3136xf32, #tpu.memory_space<vmem>>)
      tpu.yield
    }) : () -> ()
    %add3A_20 = arith.constant 100352 : i32
    %add3A_21 = arith.addi %add3A_20, %mul3A_15 : i32
    "tpu.region"() ({
      %run_scoped3A = tpu.sem_alloc : memref<!tpu.dma_semaphore, #tpu.memory_space<semaphore_mem>>
      %dma_start3A = arith.constant 6272 : i32
      %dma_start3A_56 = tpu.memref_slice %arg4[%dma_start3A] : memref<50176xf32, #tpu.memory_space<vmem>> -> memref<3136xf32, #tpu.memory_space<vmem>>
      %dma_start3A_57 = tpu.memref_slice %arg7[%add3A_21] : memref<802816xf32, #tpu.memory_space<vmem_shared>> -> memref<3136xf32, #tpu.memory_space<vmem_shared>>
      %dma_start3A_58 = arith.constant 6272 : i32
      %dma_start3A_59 = tpu.memref_slice %arg4[%dma_start3A_58] : memref<50176xf32, #tpu.memory_space<vmem>> -> memref<3136xf32, #tpu.memory_space<vmem>>
      %dma_start3A_60 = tpu.memref_slice %arg7[%add3A_21] : memref<802816xf32, #tpu.memory_space<vmem_shared>> -> memref<3136xf32, #tpu.memory_space<vmem_shared>>
      tpu.enqueue_dma source(%dma_start3A_60 : memref<3136xf32, #tpu.memory_space<vmem_shared>>) target(%dma_start3A_59 : memref<3136xf32, #tpu.memory_space<vmem>>) target_semaphore(%run_scoped3A : memref<!tpu.dma_semaphore, #tpu.memory_space<semaphore_mem>>)
      %dma_wait3A = arith.constant 6272 : i32
      %dma_wait3A_61 = tpu.memref_slice %arg4[%dma_wait3A] : memref<50176xf32, #tpu.memory_space<vmem>> -> memref<3136xf32, #tpu.memory_space<vmem>>
      %dma_wait3A_62 = tpu.memref_slice %arg7[%add3A_21] : memref<802816xf32, #tpu.memory_space<vmem_shared>> -> memref<3136xf32, #tpu.memory_space<vmem_shared>>
      %dma_wait3A_63 = arith.constant 6272 : i32
      %dma_wait3A_64 = tpu.memref_slice %arg4[%dma_wait3A_63] : memref<50176xf32, #tpu.memory_space<vmem>> -> memref<3136xf32, #tpu.memory_space<vmem>>
      %dma_wait3A_65 = tpu.memref_slice %arg7[%add3A_21] : memref<802816xf32, #tpu.memory_space<vmem_shared>> -> memref<3136xf32, #tpu.memory_space<vmem_shared>>
      tpu.wait_dma2 semaphore(%run_scoped3A : memref<!tpu.dma_semaphore, #tpu.memory_space<semaphore_mem>>) src(%dma_wait3A_65 : memref<3136xf32, #tpu.memory_space<vmem_shared>>) dst(%dma_wait3A_64 : memref<3136xf32, #tpu.memory_space<vmem>>)
      tpu.yield
    }) : () -> ()
    %add3A_22 = arith.constant 150528 : i32
    %add3A_23 = arith.addi %add3A_22, %mul3A_15 : i32
    "tpu.region"() ({
      %run_scoped3A = tpu.sem_alloc : memref<!tpu.dma_semaphore, #tpu.memory_space<semaphore_mem>>
      %dma_start3A = arith.constant 9408 : i32
      %dma_start3A_56 = tpu.memref_slice %arg4[%dma_start3A] : memref<50176xf32, #tpu.memory_space<vmem>> -> memref<3136xf32, #tpu.memory_space<vmem>>
      %dma_start3A_57 = tpu.memref_slice %arg7[%add3A_23] : memref<802816xf32, #tpu.memory_space<vmem_shared>> -> memref<3136xf32, #tpu.memory_space<vmem_shared>>
      %dma_start3A_58 = arith.constant 9408 : i32
      %dma_start3A_59 = tpu.memref_slice %arg4[%dma_start3A_58] : memref<50176xf32, #tpu.memory_space<vmem>> -> memref<3136xf32, #tpu.memory_space<vmem>>
      %dma_start3A_60 = tpu.memref_slice %arg7[%add3A_23] : memref<802816xf32, #tpu.memory_space<vmem_shared>> -> memref<3136xf32, #tpu.memory_space<vmem_shared>>
      tpu.enqueue_dma source(%dma_start3A_60 : memref<3136xf32, #tpu.memory_space<vmem_shared>>) target(%dma_start3A_59 : memref<3136xf32, #tpu.memory_space<vmem>>) target_semaphore(%run_scoped3A : memref<!tpu.dma_semaphore, #tpu.memory_space<semaphore_mem>>)
      %dma_wait3A = arith.constant 9408 : i32
      %dma_wait3A_61 = tpu.memref_slice %arg4[%dma_wait3A] : memref<50176xf32, #tpu.memory_space<vmem>> -> memref<3136xf32, #tpu.memory_space<vmem>>
      %dma_wait3A_62 = tpu.memref_slice %arg7[%add3A_23] : memref<802816xf32, #tpu.memory_space<vmem_shared>> -> memref<3136xf32, #tpu.memory_space<vmem_shared>>
      %dma_wait3A_63 = arith.constant 9408 : i32
      %dma_wait3A_64 = tpu.memref_slice %arg4[%dma_wait3A_63] : memref<50176xf32, #tpu.memory_space<vmem>> -> memref<3136xf32, #tpu.memory_space<vmem>>
      %dma_wait3A_65 = tpu.memref_slice %arg7[%add3A_23] : memref<802816xf32, #tpu.memory_space<vmem_shared>> -> memref<3136xf32, #tpu.memory_space<vmem_shared>>
      tpu.wait_dma2 semaphore(%run_scoped3A : memref<!tpu.dma_semaphore, #tpu.memory_space<semaphore_mem>>) src(%dma_wait3A_65 : memref<3136xf32, #tpu.memory_space<vmem_shared>>) dst(%dma_wait3A_64 : memref<3136xf32, #tpu.memory_space<vmem>>)
      tpu.yield
    }) : () -> ()
    %add3A_24 = arith.constant 200704 : i32
    %add3A_25 = arith.addi %add3A_24, %mul3A_15 : i32
    "tpu.region"() ({
      %run_scoped3A = tpu.sem_alloc : memref<!tpu.dma_semaphore, #tpu.memory_space<semaphore_mem>>
      %dma_start3A = arith.constant 12544 : i32
      %dma_start3A_56 = tpu.memref_slice %arg4[%dma_start3A] : memref<50176xf32, #tpu.memory_space<vmem>> -> memref<3136xf32, #tpu.memory_space<vmem>>
      %dma_start3A_57 = tpu.memref_slice %arg7[%add3A_25] : memref<802816xf32, #tpu.memory_space<vmem_shared>> -> memref<3136xf32, #tpu.memory_space<vmem_shared>>
      %dma_start3A_58 = arith.constant 12544 : i32
      %dma_start3A_59 = tpu.memref_slice %arg4[%dma_start3A_58] : memref<50176xf32, #tpu.memory_space<vmem>> -> memref<3136xf32, #tpu.memory_space<vmem>>
      %dma_start3A_60 = tpu.memref_slice %arg7[%add3A_25] : memref<802816xf32, #tpu.memory_space<vmem_shared>> -> memref<3136xf32, #tpu.memory_space<vmem_shared>>
      tpu.enqueue_dma source(%dma_start3A_60 : memref<3136xf32, #tpu.memory_space<vmem_shared>>) target(%dma_start3A_59 : memref<3136xf32, #tpu.memory_space<vmem>>) target_semaphore(%run_scoped3A : memref<!tpu.dma_semaphore, #tpu.memory_space<semaphore_mem>>)
      %dma_wait3A = arith.constant 12544 : i32
      %dma_wait3A_61 = tpu.memref_slice %arg4[%dma_wait3A] : memref<50176xf32, #tpu.memory_space<vmem>> -> memref<3136xf32, #tpu.memory_space<vmem>>
      %dma_wait3A_62 = tpu.memref_slice %arg7[%add3A_25] : memref<802816xf32, #tpu.memory_space<vmem_shared>> -> memref<3136xf32, #tpu.memory_space<vmem_shared>>
      %dma_wait3A_63 = arith.constant 12544 : i32
      %dma_wait3A_64 = tpu.memref_slice %arg4[%dma_wait3A_63] : memref<50176xf32, #tpu.memory_space<vmem>> -> memref<3136xf32, #tpu.memory_space<vmem>>
      %dma_wait3A_65 = tpu.memref_slice %arg7[%add3A_25] : memref<802816xf32, #tpu.memory_space<vmem_shared>> -> memref<3136xf32, #tpu.memory_space<vmem_shared>>
      tpu.wait_dma2 semaphore(%run_scoped3A : memref<!tpu.dma_semaphore, #tpu.memory_space<semaphore_mem>>) src(%dma_wait3A_65 : memref<3136xf32, #tpu.memory_space<vmem_shared>>) dst(%dma_wait3A_64 : memref<3136xf32, #tpu.memory_space<vmem>>)
      tpu.yield
    }) : () -> ()
    %add3A_26 = arith.constant 250880 : i32
    %add3A_27 = arith.addi %add3A_26, %mul3A_15 : i32
    "tpu.region"() ({
      %run_scoped3A = tpu.sem_alloc : memref<!tpu.dma_semaphore, #tpu.memory_space<semaphore_mem>>
      %dma_start3A = arith.constant 15680 : i32
      %dma_start3A_56 = tpu.memref_slice %arg4[%dma_start3A] : memref<50176xf32, #tpu.memory_space<vmem>> -> memref<3136xf32, #tpu.memory_space<vmem>>
      %dma_start3A_57 = tpu.memref_slice %arg7[%add3A_27] : memref<802816xf32, #tpu.memory_space<vmem_shared>> -> memref<3136xf32, #tpu.memory_space<vmem_shared>>
      %dma_start3A_58 = arith.constant 15680 : i32
      %dma_start3A_59 = tpu.memref_slice %arg4[%dma_start3A_58] : memref<50176xf32, #tpu.memory_space<vmem>> -> memref<3136xf32, #tpu.memory_space<vmem>>
      %dma_start3A_60 = tpu.memref_slice %arg7[%add3A_27] : memref<802816xf32, #tpu.memory_space<vmem_shared>> -> memref<3136xf32, #tpu.memory_space<vmem_shared>>
      tpu.enqueue_dma source(%dma_start3A_60 : memref<3136xf32, #tpu.memory_space<vmem_shared>>) target(%dma_start3A_59 : memref<3136xf32, #tpu.memory_space<vmem>>) target_semaphore(%run_scoped3A : memref<!tpu.dma_semaphore, #tpu.memory_space<semaphore_mem>>)
      %dma_wait3A = arith.constant 15680 : i32
      %dma_wait3A_61 = tpu.memref_slice %arg4[%dma_wait3A] : memref<50176xf32, #tpu.memory_space<vmem>> -> memref<3136xf32, #tpu.memory_space<vmem>>
      %dma_wait3A_62 = tpu.memref_slice %arg7[%add3A_27] : memref<802816xf32, #tpu.memory_space<vmem_shared>> -> memref<3136xf32, #tpu.memory_space<vmem_shared>>
      %dma_wait3A_63 = arith.constant 15680 : i32
      %dma_wait3A_64 = tpu.memref_slice %arg4[%dma_wait3A_63] : memref<50176xf32, #tpu.memory_space<vmem>> -> memref<3136xf32, #tpu.memory_space<vmem>>
      %dma_wait3A_65 = tpu.memref_slice %arg7[%add3A_27] : memref<802816xf32, #tpu.memory_space<vmem_shared>> -> memref<3136xf32, #tpu.memory_space<vmem_shared>>
      tpu.wait_dma2 semaphore(%run_scoped3A : memref<!tpu.dma_semaphore, #tpu.memory_space<semaphore_mem>>) src(%dma_wait3A_65 : memref<3136xf32, #tpu.memory_space<vmem_shared>>) dst(%dma_wait3A_64 : memref<3136xf32, #tpu.memory_space<vmem>>)
      tpu.yield
    }) : () -> ()
    %add3A_28 = arith.constant 301056 : i32
    %add3A_29 = arith.addi %add3A_28, %mul3A_15 : i32
    "tpu.region"() ({
      %run_scoped3A = tpu.sem_alloc : memref<!tpu.dma_semaphore, #tpu.memory_space<semaphore_mem>>
      %dma_start3A = arith.constant 18816 : i32
      %dma_start3A_56 = tpu.memref_slice %arg4[%dma_start3A] : memref<50176xf32, #tpu.memory_space<vmem>> -> memref<3136xf32, #tpu.memory_space<vmem>>
      %dma_start3A_57 = tpu.memref_slice %arg7[%add3A_29] : memref<802816xf32, #tpu.memory_space<vmem_shared>> -> memref<3136xf32, #tpu.memory_space<vmem_shared>>
      %dma_start3A_58 = arith.constant 18816 : i32
      %dma_start3A_59 = tpu.memref_slice %arg4[%dma_start3A_58] : memref<50176xf32, #tpu.memory_space<vmem>> -> memref<3136xf32, #tpu.memory_space<vmem>>
      %dma_start3A_60 = tpu.memref_slice %arg7[%add3A_29] : memref<802816xf32, #tpu.memory_space<vmem_shared>> -> memref<3136xf32, #tpu.memory_space<vmem_shared>>
      tpu.enqueue_dma source(%dma_start3A_60 : memref<3136xf32, #tpu.memory_space<vmem_shared>>) target(%dma_start3A_59 : memref<3136xf32, #tpu.memory_space<vmem>>) target_semaphore(%run_scoped3A : memref<!tpu.dma_semaphore, #tpu.memory_space<semaphore_mem>>)
      %dma_wait3A = arith.constant 18816 : i32
      %dma_wait3A_61 = tpu.memref_slice %arg4[%dma_wait3A] : memref<50176xf32, #tpu.memory_space<vmem>> -> memref<3136xf32, #tpu.memory_space<vmem>>
      %dma_wait3A_62 = tpu.memref_slice %arg7[%add3A_29] : memref<802816xf32, #tpu.memory_space<vmem_shared>> -> memref<3136xf32, #tpu.memory_space<vmem_shared>>
      %dma_wait3A_63 = arith.constant 18816 : i32
      %dma_wait3A_64 = tpu.memref_slice %arg4[%dma_wait3A_63] : memref<50176xf32, #tpu.memory_space<vmem>> -> memref<3136xf32, #tpu.memory_space<vmem>>
      %dma_wait3A_65 = tpu.memref_slice %arg7[%add3A_29] : memref<802816xf32, #tpu.memory_space<vmem_shared>> -> memref<3136xf32, #tpu.memory_space<vmem_shared>>
      tpu.wait_dma2 semaphore(%run_scoped3A : memref<!tpu.dma_semaphore, #tpu.memory_space<semaphore_mem>>) src(%dma_wait3A_65 : memref<3136xf32, #tpu.memory_space<vmem_shared>>) dst(%dma_wait3A_64 : memref<3136xf32, #tpu.memory_space<vmem>>)
      tpu.yield
    }) : () -> ()
    %add3A_30 = arith.constant 351232 : i32
    %add3A_31 = arith.addi %add3A_30, %mul3A_15 : i32
    "tpu.region"() ({
      %run_scoped3A = tpu.sem_alloc : memref<!tpu.dma_semaphore, #tpu.memory_space<semaphore_mem>>
      %dma_start3A = arith.constant 21952 : i32
      %dma_start3A_56 = tpu.memref_slice %arg4[%dma_start3A] : memref<50176xf32, #tpu.memory_space<vmem>> -> memref<3136xf32, #tpu.memory_space<vmem>>
      %dma_start3A_57 = tpu.memref_slice %arg7[%add3A_31] : memref<802816xf32, #tpu.memory_space<vmem_shared>> -> memref<3136xf32, #tpu.memory_space<vmem_shared>>
      %dma_start3A_58 = arith.constant 21952 : i32
      %dma_start3A_59 = tpu.memref_slice %arg4[%dma_start3A_58] : memref<50176xf32, #tpu.memory_space<vmem>> -> memref<3136xf32, #tpu.memory_space<vmem>>
      %dma_start3A_60 = tpu.memref_slice %arg7[%add3A_31] : memref<802816xf32, #tpu.memory_space<vmem_shared>> -> memref<3136xf32, #tpu.memory_space<vmem_shared>>
      tpu.enqueue_dma source(%dma_start3A_60 : memref<3136xf32, #tpu.memory_space<vmem_shared>>) target(%dma_start3A_59 : memref<3136xf32, #tpu.memory_space<vmem>>) target_semaphore(%run_scoped3A : memref<!tpu.dma_semaphore, #tpu.memory_space<semaphore_mem>>)
      %dma_wait3A = arith.constant 21952 : i32
      %dma_wait3A_61 = tpu.memref_slice %arg4[%dma_wait3A] : memref<50176xf32, #tpu.memory_space<vmem>> -> memref<3136xf32, #tpu.memory_space<vmem>>
      %dma_wait3A_62 = tpu.memref_slice %arg7[%add3A_31] : memref<802816xf32, #tpu.memory_space<vmem_shared>> -> memref<3136xf32, #tpu.memory_space<vmem_shared>>
      %dma_wait3A_63 = arith.constant 21952 : i32
      %dma_wait3A_64 = tpu.memref_slice %arg4[%dma_wait3A_63] : memref<50176xf32, #tpu.memory_space<vmem>> -> memref<3136xf32, #tpu.memory_space<vmem>>
      %dma_wait3A_65 = tpu.memref_slice %arg7[%add3A_31] : memref<802816xf32, #tpu.memory_space<vmem_shared>> -> memref<3136xf32, #tpu.memory_space<vmem_shared>>
      tpu.wait_dma2 semaphore(%run_scoped3A : memref<!tpu.dma_semaphore, #tpu.memory_space<semaphore_mem>>) src(%dma_wait3A_65 : memref<3136xf32, #tpu.memory_space<vmem_shared>>) dst(%dma_wait3A_64 : memref<3136xf32, #tpu.memory_space<vmem>>)
      tpu.yield
    }) : () -> ()
    %add3A_32 = arith.constant 401408 : i32
    %add3A_33 = arith.addi %add3A_32, %mul3A_15 : i32
    "tpu.region"() ({
      %run_scoped3A = tpu.sem_alloc : memref<!tpu.dma_semaphore, #tpu.memory_space<semaphore_mem>>
      %dma_start3A = arith.constant 25088 : i32
      %dma_start3A_56 = tpu.memref_slice %arg4[%dma_start3A] : memref<50176xf32, #tpu.memory_space<vmem>> -> memref<3136xf32, #tpu.memory_space<vmem>>
      %dma_start3A_57 = tpu.memref_slice %arg7[%add3A_33] : memref<802816xf32, #tpu.memory_space<vmem_shared>> -> memref<3136xf32, #tpu.memory_space<vmem_shared>>
      %dma_start3A_58 = arith.constant 25088 : i32
      %dma_start3A_59 = tpu.memref_slice %arg4[%dma_start3A_58] : memref<50176xf32, #tpu.memory_space<vmem>> -> memref<3136xf32, #tpu.memory_space<vmem>>
      %dma_start3A_60 = tpu.memref_slice %arg7[%add3A_33] : memref<802816xf32, #tpu.memory_space<vmem_shared>> -> memref<3136xf32, #tpu.memory_space<vmem_shared>>
      tpu.enqueue_dma source(%dma_start3A_60 : memref<3136xf32, #tpu.memory_space<vmem_shared>>) target(%dma_start3A_59 : memref<3136xf32, #tpu.memory_space<vmem>>) target_semaphore(%run_scoped3A : memref<!tpu.dma_semaphore, #tpu.memory_space<semaphore_mem>>)
      %dma_wait3A = arith.constant 25088 : i32
      %dma_wait3A_61 = tpu.memref_slice %arg4[%dma_wait3A] : memref<50176xf32, #tpu.memory_space<vmem>> -> memref<3136xf32, #tpu.memory_space<vmem>>
      %dma_wait3A_62 = tpu.memref_slice %arg7[%add3A_33] : memref<802816xf32, #tpu.memory_space<vmem_shared>> -> memref<3136xf32, #tpu.memory_space<vmem_shared>>
      %dma_wait3A_63 = arith.constant 25088 : i32
      %dma_wait3A_64 = tpu.memref_slice %arg4[%dma_wait3A_63] : memref<50176xf32, #tpu.memory_space<vmem>> -> memref<3136xf32, #tpu.memory_space<vmem>>
      %dma_wait3A_65 = tpu.memref_slice %arg7[%add3A_33] : memref<802816xf32, #tpu.memory_space<vmem_shared>> -> memref<3136xf32, #tpu.memory_space<vmem_shared>>
      tpu.wait_dma2 semaphore(%run_scoped3A : memref<!tpu.dma_semaphore, #tpu.memory_space<semaphore_mem>>) src(%dma_wait3A_65 : memref<3136xf32, #tpu.memory_space<vmem_shared>>) dst(%dma_wait3A_64 : memref<3136xf32, #tpu.memory_space<vmem>>)
      tpu.yield
    }) : () -> ()
    %add3A_34 = arith.constant 451584 : i32
    %add3A_35 = arith.addi %add3A_34, %mul3A_15 : i32
    "tpu.region"() ({
      %run_scoped3A = tpu.sem_alloc : memref<!tpu.dma_semaphore, #tpu.memory_space<semaphore_mem>>
      %dma_start3A = arith.constant 28224 : i32
      %dma_start3A_56 = tpu.memref_slice %arg4[%dma_start3A] : memref<50176xf32, #tpu.memory_space<vmem>> -> memref<3136xf32, #tpu.memory_space<vmem>>
      %dma_start3A_57 = tpu.memref_slice %arg7[%add3A_35] : memref<802816xf32, #tpu.memory_space<vmem_shared>> -> memref<3136xf32, #tpu.memory_space<vmem_shared>>
      %dma_start3A_58 = arith.constant 28224 : i32
      %dma_start3A_59 = tpu.memref_slice %arg4[%dma_start3A_58] : memref<50176xf32, #tpu.memory_space<vmem>> -> memref<3136xf32, #tpu.memory_space<vmem>>
      %dma_start3A_60 = tpu.memref_slice %arg7[%add3A_35] : memref<802816xf32, #tpu.memory_space<vmem_shared>> -> memref<3136xf32, #tpu.memory_space<vmem_shared>>
      tpu.enqueue_dma source(%dma_start3A_60 : memref<3136xf32, #tpu.memory_space<vmem_shared>>) target(%dma_start3A_59 : memref<3136xf32, #tpu.memory_space<vmem>>) target_semaphore(%run_scoped3A : memref<!tpu.dma_semaphore, #tpu.memory_space<semaphore_mem>>)
      %dma_wait3A = arith.constant 28224 : i32
      %dma_wait3A_61 = tpu.memref_slice %arg4[%dma_wait3A] : memref<50176xf32, #tpu.memory_space<vmem>> -> memref<3136xf32, #tpu.memory_space<vmem>>
      %dma_wait3A_62 = tpu.memref_slice %arg7[%add3A_35] : memref<802816xf32, #tpu.memory_space<vmem_shared>> -> memref<3136xf32, #tpu.memory_space<vmem_shared>>
      %dma_wait3A_63 = arith.constant 28224 : i32
      %dma_wait3A_64 = tpu.memref_slice %arg4[%dma_wait3A_63] : memref<50176xf32, #tpu.memory_space<vmem>> -> memref<3136xf32, #tpu.memory_space<vmem>>
      %dma_wait3A_65 = tpu.memref_slice %arg7[%add3A_35] : memref<802816xf32, #tpu.memory_space<vmem_shared>> -> memref<3136xf32, #tpu.memory_space<vmem_shared>>
      tpu.wait_dma2 semaphore(%run_scoped3A : memref<!tpu.dma_semaphore, #tpu.memory_space<semaphore_mem>>) src(%dma_wait3A_65 : memref<3136xf32, #tpu.memory_space<vmem_shared>>) dst(%dma_wait3A_64 : memref<3136xf32, #tpu.memory_space<vmem>>)
      tpu.yield
    }) : () -> ()
    %add3A_36 = arith.constant 501760 : i32
    %add3A_37 = arith.addi %add3A_36, %mul3A_15 : i32
    "tpu.region"() ({
      %run_scoped3A = tpu.sem_alloc : memref<!tpu.dma_semaphore, #tpu.memory_space<semaphore_mem>>
      %dma_start3A = arith.constant 31360 : i32
      %dma_start3A_56 = tpu.memref_slice %arg4[%dma_start3A] : memref<50176xf32, #tpu.memory_space<vmem>> -> memref<3136xf32, #tpu.memory_space<vmem>>
      %dma_start3A_57 = tpu.memref_slice %arg7[%add3A_37] : memref<802816xf32, #tpu.memory_space<vmem_shared>> -> memref<3136xf32, #tpu.memory_space<vmem_shared>>
      %dma_start3A_58 = arith.constant 31360 : i32
      %dma_start3A_59 = tpu.memref_slice %arg4[%dma_start3A_58] : memref<50176xf32, #tpu.memory_space<vmem>> -> memref<3136xf32, #tpu.memory_space<vmem>>
      %dma_start3A_60 = tpu.memref_slice %arg7[%add3A_37] : memref<802816xf32, #tpu.memory_space<vmem_shared>> -> memref<3136xf32, #tpu.memory_space<vmem_shared>>
      tpu.enqueue_dma source(%dma_start3A_60 : memref<3136xf32, #tpu.memory_space<vmem_shared>>) target(%dma_start3A_59 : memref<3136xf32, #tpu.memory_space<vmem>>) target_semaphore(%run_scoped3A : memref<!tpu.dma_semaphore, #tpu.memory_space<semaphore_mem>>)
      %dma_wait3A = arith.constant 31360 : i32
      %dma_wait3A_61 = tpu.memref_slice %arg4[%dma_wait3A] : memref<50176xf32, #tpu.memory_space<vmem>> -> memref<3136xf32, #tpu.memory_space<vmem>>
      %dma_wait3A_62 = tpu.memref_slice %arg7[%add3A_37] : memref<802816xf32, #tpu.memory_space<vmem_shared>> -> memref<3136xf32, #tpu.memory_space<vmem_shared>>
      %dma_wait3A_63 = arith.constant 31360 : i32
      %dma_wait3A_64 = tpu.memref_slice %arg4[%dma_wait3A_63] : memref<50176xf32, #tpu.memory_space<vmem>> -> memref<3136xf32, #tpu.memory_space<vmem>>
      %dma_wait3A_65 = tpu.memref_slice %arg7[%add3A_37] : memref<802816xf32, #tpu.memory_space<vmem_shared>> -> memref<3136xf32, #tpu.memory_space<vmem_shared>>
      tpu.wait_dma2 semaphore(%run_scoped3A : memref<!tpu.dma_semaphore, #tpu.memory_space<semaphore_mem>>) src(%dma_wait3A_65 : memref<3136xf32, #tpu.memory_space<vmem_shared>>) dst(%dma_wait3A_64 : memref<3136xf32, #tpu.memory_space<vmem>>)
      tpu.yield
    }) : () -> ()
    %add3A_38 = arith.constant 551936 : i32
    %add3A_39 = arith.addi %add3A_38, %mul3A_15 : i32
    "tpu.region"() ({
      %run_scoped3A = tpu.sem_alloc : memref<!tpu.dma_semaphore, #tpu.memory_space<semaphore_mem>>
      %dma_start3A = arith.constant 34496 : i32
      %dma_start3A_56 = tpu.memref_slice %arg4[%dma_start3A] : memref<50176xf32, #tpu.memory_space<vmem>> -> memref<3136xf32, #tpu.memory_space<vmem>>
      %dma_start3A_57 = tpu.memref_slice %arg7[%add3A_39] : memref<802816xf32, #tpu.memory_space<vmem_shared>> -> memref<3136xf32, #tpu.memory_space<vmem_shared>>
      %dma_start3A_58 = arith.constant 34496 : i32
      %dma_start3A_59 = tpu.memref_slice %arg4[%dma_start3A_58] : memref<50176xf32, #tpu.memory_space<vmem>> -> memref<3136xf32, #tpu.memory_space<vmem>>
      %dma_start3A_60 = tpu.memref_slice %arg7[%add3A_39] : memref<802816xf32, #tpu.memory_space<vmem_shared>> -> memref<3136xf32, #tpu.memory_space<vmem_shared>>
      tpu.enqueue_dma source(%dma_start3A_60 : memref<3136xf32, #tpu.memory_space<vmem_shared>>) target(%dma_start3A_59 : memref<3136xf32, #tpu.memory_space<vmem>>) target_semaphore(%run_scoped3A : memref<!tpu.dma_semaphore, #tpu.memory_space<semaphore_mem>>)
      %dma_wait3A = arith.constant 34496 : i32
      %dma_wait3A_61 = tpu.memref_slice %arg4[%dma_wait3A] : memref<50176xf32, #tpu.memory_space<vmem>> -> memref<3136xf32, #tpu.memory_space<vmem>>
      %dma_wait3A_62 = tpu.memref_slice %arg7[%add3A_39] : memref<802816xf32, #tpu.memory_space<vmem_shared>> -> memref<3136xf32, #tpu.memory_space<vmem_shared>>
      %dma_wait3A_63 = arith.constant 34496 : i32
      %dma_wait3A_64 = tpu.memref_slice %arg4[%dma_wait3A_63] : memref<50176xf32, #tpu.memory_space<vmem>> -> memref<3136xf32, #tpu.memory_space<vmem>>
      %dma_wait3A_65 = tpu.memref_slice %arg7[%add3A_39] : memref<802816xf32, #tpu.memory_space<vmem_shared>> -> memref<3136xf32, #tpu.memory_space<vmem_shared>>
      tpu.wait_dma2 semaphore(%run_scoped3A : memref<!tpu.dma_semaphore, #tpu.memory_space<semaphore_mem>>) src(%dma_wait3A_65 : memref<3136xf32, #tpu.memory_space<vmem_shared>>) dst(%dma_wait3A_64 : memref<3136xf32, #tpu.memory_space<vmem>>)
      tpu.yield
    }) : () -> ()
    %add3A_40 = arith.constant 602112 : i32
    %add3A_41 = arith.addi %add3A_40, %mul3A_15 : i32
    "tpu.region"() ({
      %run_scoped3A = tpu.sem_alloc : memref<!tpu.dma_semaphore, #tpu.memory_space<semaphore_mem>>
      %dma_start3A = arith.constant 37632 : i32
      %dma_start3A_56 = tpu.memref_slice %arg4[%dma_start3A] : memref<50176xf32, #tpu.memory_space<vmem>> -> memref<3136xf32, #tpu.memory_space<vmem>>
      %dma_start3A_57 = tpu.memref_slice %arg7[%add3A_41] : memref<802816xf32, #tpu.memory_space<vmem_shared>> -> memref<3136xf32, #tpu.memory_space<vmem_shared>>
      %dma_start3A_58 = arith.constant 37632 : i32
      %dma_start3A_59 = tpu.memref_slice %arg4[%dma_start3A_58] : memref<50176xf32, #tpu.memory_space<vmem>> -> memref<3136xf32, #tpu.memory_space<vmem>>
      %dma_start3A_60 = tpu.memref_slice %arg7[%add3A_41] : memref<802816xf32, #tpu.memory_space<vmem_shared>> -> memref<3136xf32, #tpu.memory_space<vmem_shared>>
      tpu.enqueue_dma source(%dma_start3A_60 : memref<3136xf32, #tpu.memory_space<vmem_shared>>) target(%dma_start3A_59 : memref<3136xf32, #tpu.memory_space<vmem>>) target_semaphore(%run_scoped3A : memref<!tpu.dma_semaphore, #tpu.memory_space<semaphore_mem>>)
      %dma_wait3A = arith.constant 37632 : i32
      %dma_wait3A_61 = tpu.memref_slice %arg4[%dma_wait3A] : memref<50176xf32, #tpu.memory_space<vmem>> -> memref<3136xf32, #tpu.memory_space<vmem>>
      %dma_wait3A_62 = tpu.memref_slice %arg7[%add3A_41] : memref<802816xf32, #tpu.memory_space<vmem_shared>> -> memref<3136xf32, #tpu.memory_space<vmem_shared>>
      %dma_wait3A_63 = arith.constant 37632 : i32
      %dma_wait3A_64 = tpu.memref_slice %arg4[%dma_wait3A_63] : memref<50176xf32, #tpu.memory_space<vmem>> -> memref<3136xf32, #tpu.memory_space<vmem>>
      %dma_wait3A_65 = tpu.memref_slice %arg7[%add3A_41] : memref<802816xf32, #tpu.memory_space<vmem_shared>> -> memref<3136xf32, #tpu.memory_space<vmem_shared>>
      tpu.wait_dma2 semaphore(%run_scoped3A : memref<!tpu.dma_semaphore, #tpu.memory_space<semaphore_mem>>) src(%dma_wait3A_65 : memref<3136xf32, #tpu.memory_space<vmem_shared>>) dst(%dma_wait3A_64 : memref<3136xf32, #tpu.memory_space<vmem>>)
      tpu.yield
    }) : () -> ()
    %add3A_42 = arith.constant 652288 : i32
    %add3A_43 = arith.addi %add3A_42, %mul3A_15 : i32
    "tpu.region"() ({
      %run_scoped3A = tpu.sem_alloc : memref<!tpu.dma_semaphore, #tpu.memory_space<semaphore_mem>>
      %dma_start3A = arith.constant 40768 : i32
      %dma_start3A_56 = tpu.memref_slice %arg4[%dma_start3A] : memref<50176xf32, #tpu.memory_space<vmem>> -> memref<3136xf32, #tpu.memory_space<vmem>>
      %dma_start3A_57 = tpu.memref_slice %arg7[%add3A_43] : memref<802816xf32, #tpu.memory_space<vmem_shared>> -> memref<3136xf32, #tpu.memory_space<vmem_shared>>
      %dma_start3A_58 = arith.constant 40768 : i32
      %dma_start3A_59 = tpu.memref_slice %arg4[%dma_start3A_58] : memref<50176xf32, #tpu.memory_space<vmem>> -> memref<3136xf32, #tpu.memory_space<vmem>>
      %dma_start3A_60 = tpu.memref_slice %arg7[%add3A_43] : memref<802816xf32, #tpu.memory_space<vmem_shared>> -> memref<3136xf32, #tpu.memory_space<vmem_shared>>
      tpu.enqueue_dma source(%dma_start3A_60 : memref<3136xf32, #tpu.memory_space<vmem_shared>>) target(%dma_start3A_59 : memref<3136xf32, #tpu.memory_space<vmem>>) target_semaphore(%run_scoped3A : memref<!tpu.dma_semaphore, #tpu.memory_space<semaphore_mem>>)
      %dma_wait3A = arith.constant 40768 : i32
      %dma_wait3A_61 = tpu.memref_slice %arg4[%dma_wait3A] : memref<50176xf32, #tpu.memory_space<vmem>> -> memref<3136xf32, #tpu.memory_space<vmem>>
      %dma_wait3A_62 = tpu.memref_slice %arg7[%add3A_43] : memref<802816xf32, #tpu.memory_space<vmem_shared>> -> memref<3136xf32, #tpu.memory_space<vmem_shared>>
      %dma_wait3A_63 = arith.constant 40768 : i32
      %dma_wait3A_64 = tpu.memref_slice %arg4[%dma_wait3A_63] : memref<50176xf32, #tpu.memory_space<vmem>> -> memref<3136xf32, #tpu.memory_space<vmem>>
      %dma_wait3A_65 = tpu.memref_slice %arg7[%add3A_43] : memref<802816xf32, #tpu.memory_space<vmem_shared>> -> memref<3136xf32, #tpu.memory_space<vmem_shared>>
      tpu.wait_dma2 semaphore(%run_scoped3A : memref<!tpu.dma_semaphore, #tpu.memory_space<semaphore_mem>>) src(%dma_wait3A_65 : memref<3136xf32, #tpu.memory_space<vmem_shared>>) dst(%dma_wait3A_64 : memref<3136xf32, #tpu.memory_space<vmem>>)
      tpu.yield
    }) : () -> ()
    %add3A_44 = arith.constant 702464 : i32
    %add3A_45 = arith.addi %add3A_44, %mul3A_15 : i32
    "tpu.region"() ({
      %run_scoped3A = tpu.sem_alloc : memref<!tpu.dma_semaphore, #tpu.memory_space<semaphore_mem>>
      %dma_start3A = arith.constant 43904 : i32
      %dma_start3A_56 = tpu.memref_slice %arg4[%dma_start3A] : memref<50176xf32, #tpu.memory_space<vmem>> -> memref<3136xf32, #tpu.memory_space<vmem>>
      %dma_start3A_57 = tpu.memref_slice %arg7[%add3A_45] : memref<802816xf32, #tpu.memory_space<vmem_shared>> -> memref<3136xf32, #tpu.memory_space<vmem_shared>>
      %dma_start3A_58 = arith.constant 43904 : i32
      %dma_start3A_59 = tpu.memref_slice %arg4[%dma_start3A_58] : memref<50176xf32, #tpu.memory_space<vmem>> -> memref<3136xf32, #tpu.memory_space<vmem>>
      %dma_start3A_60 = tpu.memref_slice %arg7[%add3A_45] : memref<802816xf32, #tpu.memory_space<vmem_shared>> -> memref<3136xf32, #tpu.memory_space<vmem_shared>>
      tpu.enqueue_dma source(%dma_start3A_60 : memref<3136xf32, #tpu.memory_space<vmem_shared>>) target(%dma_start3A_59 : memref<3136xf32, #tpu.memory_space<vmem>>) target_semaphore(%run_scoped3A : memref<!tpu.dma_semaphore, #tpu.memory_space<semaphore_mem>>)
      %dma_wait3A = arith.constant 43904 : i32
      %dma_wait3A_61 = tpu.memref_slice %arg4[%dma_wait3A] : memref<50176xf32, #tpu.memory_space<vmem>> -> memref<3136xf32, #tpu.memory_space<vmem>>
      %dma_wait3A_62 = tpu.memref_slice %arg7[%add3A_45] : memref<802816xf32, #tpu.memory_space<vmem_shared>> -> memref<3136xf32, #tpu.memory_space<vmem_shared>>
      %dma_wait3A_63 = arith.constant 43904 : i32
      %dma_wait3A_64 = tpu.memref_slice %arg4[%dma_wait3A_63] : memref<50176xf32, #tpu.memory_space<vmem>> -> memref<3136xf32, #tpu.memory_space<vmem>>
      %dma_wait3A_65 = tpu.memref_slice %arg7[%add3A_45] : memref<802816xf32, #tpu.memory_space<vmem_shared>> -> memref<3136xf32, #tpu.memory_space<vmem_shared>>
      tpu.wait_dma2 semaphore(%run_scoped3A : memref<!tpu.dma_semaphore, #tpu.memory_space<semaphore_mem>>) src(%dma_wait3A_65 : memref<3136xf32, #tpu.memory_space<vmem_shared>>) dst(%dma_wait3A_64 : memref<3136xf32, #tpu.memory_space<vmem>>)
      tpu.yield
    }) : () -> ()
    %add3A_46 = arith.constant 752640 : i32
    %add3A_47 = arith.addi %add3A_46, %mul3A_15 : i32
    "tpu.region"() ({
      %run_scoped3A = tpu.sem_alloc : memref<!tpu.dma_semaphore, #tpu.memory_space<semaphore_mem>>
      %dma_start3A = arith.constant 47040 : i32
      %dma_start3A_56 = tpu.memref_slice %arg4[%dma_start3A] : memref<50176xf32, #tpu.memory_space<vmem>> -> memref<3136xf32, #tpu.memory_space<vmem>>
      %dma_start3A_57 = tpu.memref_slice %arg7[%add3A_47] : memref<802816xf32, #tpu.memory_space<vmem_shared>> -> memref<3136xf32, #tpu.memory_space<vmem_shared>>
      %dma_start3A_58 = arith.constant 47040 : i32
      %dma_start3A_59 = tpu.memref_slice %arg4[%dma_start3A_58] : memref<50176xf32, #tpu.memory_space<vmem>> -> memref<3136xf32, #tpu.memory_space<vmem>>
      %dma_start3A_60 = tpu.memref_slice %arg7[%add3A_47] : memref<802816xf32, #tpu.memory_space<vmem_shared>> -> memref<3136xf32, #tpu.memory_space<vmem_shared>>
      tpu.enqueue_dma source(%dma_start3A_60 : memref<3136xf32, #tpu.memory_space<vmem_shared>>) target(%dma_start3A_59 : memref<3136xf32, #tpu.memory_space<vmem>>) target_semaphore(%run_scoped3A : memref<!tpu.dma_semaphore, #tpu.memory_space<semaphore_mem>>)
      %dma_wait3A = arith.constant 47040 : i32
      %dma_wait3A_61 = tpu.memref_slice %arg4[%dma_wait3A] : memref<50176xf32, #tpu.memory_space<vmem>> -> memref<3136xf32, #tpu.memory_space<vmem>>
      %dma_wait3A_62 = tpu.memref_slice %arg7[%add3A_47] : memref<802816xf32, #tpu.memory_space<vmem_shared>> -> memref<3136xf32, #tpu.memory_space<vmem_shared>>
      %dma_wait3A_63 = arith.constant 47040 : i32
      %dma_wait3A_64 = tpu.memref_slice %arg4[%dma_wait3A_63] : memref<50176xf32, #tpu.memory_space<vmem>> -> memref<3136xf32, #tpu.memory_space<vmem>>
      %dma_wait3A_65 = tpu.memref_slice %arg7[%add3A_47] : memref<802816xf32, #tpu.memory_space<vmem_shared>> -> memref<3136xf32, #tpu.memory_space<vmem_shared>>
      tpu.wait_dma2 semaphore(%run_scoped3A : memref<!tpu.dma_semaphore, #tpu.memory_space<semaphore_mem>>) src(%dma_wait3A_65 : memref<3136xf32, #tpu.memory_space<vmem_shared>>) dst(%dma_wait3A_64 : memref<3136xf32, #tpu.memory_space<vmem>>)
      tpu.yield
    }) : () -> ()
    %scan3A_48 = arith.constant 0 : i32
    %scan3A_49 = arith.constant 196 : i32
    %scan3A_50 = arith.addi %scan3A_48, %scan3A_49 : i32
    %scan3A_51 = arith.constant 2 : i32
    scf.for %scan3A_56 = %scan3A_48 to %scan3A_50 step %scan3A_51  : i32 {
      %mul3A_57 = arith.constant 1 : i32
      %mul3A_58 = arith.muli %scan3A_56, %mul3A_57 : i32
      %add3A_59 = arith.constant 0 : i32
      %add3A_60 = arith.addi %add3A_59, %mul3A_58 : i32
      %mul3A_61 = arith.constant 16 : i32
      %mul3A_62 = arith.muli %add3A_60, %mul3A_61 : i32
      %get3A = arith.index_cast %mul3A_62 : i32 to index
      %get3A_63 = tpu.vector_load %arg4[%get3A] {strides = array<i32>} : memref<50176xf32, #tpu.memory_space<vmem>>, vector<16xf32>,
      %mul3A_64 = arith.constant 16 : i32
      %mul3A_65 = arith.muli %add3A_60, %mul3A_64 : i32
      %add3A_66 = arith.constant 3136 : i32
      %add3A_67 = arith.addi %add3A_66, %mul3A_65 : i32
      %get3A_68 = arith.index_cast %add3A_67 : i32 to index
      %get3A_69 = tpu.vector_load %arg4[%get3A_68] {strides = array<i32>} : memref<50176xf32, #tpu.memory_space<vmem>>, vector<16xf32>,
      %add3A_70 = arith.addf %get3A_63, %get3A_69 : vector<16xf32>
      %mul3A_71 = arith.constant 16 : i32
      %mul3A_72 = arith.muli %add3A_60, %mul3A_71 : i32
      %add3A_73 = arith.constant 6272 : i32
      %add3A_74 = arith.addi %add3A_73, %mul3A_72 : i32
      %get3A_75 = arith.index_cast %add3A_74 : i32 to index
      %get3A_76 = tpu.vector_load %arg4[%get3A_75] {strides = array<i32>} : memref<50176xf32, #tpu.memory_space<vmem>>, vector<16xf32>,
      %add3A_77 = arith.addf %add3A_70, %get3A_76 : vector<16xf32>
      %mul3A_78 = arith.constant 16 : i32
      %mul3A_79 = arith.muli %add3A_60, %mul3A_78 : i32
      %add3A_80 = arith.constant 9408 : i32
      %add3A_81 = arith.addi %add3A_80, %mul3A_79 : i32
      %get3A_82 = arith.index_cast %add3A_81 : i32 to index
      %get3A_83 = tpu.vector_load %arg4[%get3A_82] {strides = array<i32>} : memref<50176xf32, #tpu.memory_space<vmem>>, vector<16xf32>,
      %add3A_84 = arith.addf %add3A_77, %get3A_83 : vector<16xf32>
      %mul3A_85 = arith.constant 16 : i32
      %mul3A_86 = arith.muli %add3A_60, %mul3A_85 : i32
      %add3A_87 = arith.constant 12544 : i32
      %add3A_88 = arith.addi %add3A_87, %mul3A_86 : i32
      %get3A_89 = arith.index_cast %add3A_88 : i32 to index
      %get3A_90 = tpu.vector_load %arg4[%get3A_89] {strides = array<i32>} : memref<50176xf32, #tpu.memory_space<vmem>>, vector<16xf32>,
      %add3A_91 = arith.addf %add3A_84, %get3A_90 : vector<16xf32>
      %mul3A_92 = arith.constant 16 : i32
      %mul3A_93 = arith.muli %add3A_60, %mul3A_92 : i32
      %add3A_94 = arith.constant 15680 : i32
      %add3A_95 = arith.addi %add3A_94, %mul3A_93 : i32
      %get3A_96 = arith.index_cast %add3A_95 : i32 to index
      %get3A_97 = tpu.vector_load %arg4[%get3A_96] {strides = array<i32>} : memref<50176xf32, #tpu.memory_space<vmem>>, vector<16xf32>,
      %add3A_98 = arith.addf %add3A_91, %get3A_97 : vector<16xf32>
      %mul3A_99 = arith.constant 16 : i32
      %mul3A_100 = arith.muli %add3A_60, %mul3A_99 : i32
      %add3A_101 = arith.constant 18816 : i32
      %add3A_102 = arith.addi %add3A_101, %mul3A_100 : i32
      %get3A_103 = arith.index_cast %add3A_102 : i32 to index
      %get3A_104 = tpu.vector_load %arg4[%get3A_103] {strides = array<i32>} : memref<50176xf32, #tpu.memory_space<vmem>>, vector<16xf32>,
      %add3A_105 = arith.addf %add3A_98, %get3A_104 : vector<16xf32>
      %mul3A_106 = arith.constant 16 : i32
      %mul3A_107 = arith.muli %add3A_60, %mul3A_106 : i32
      %add3A_108 = arith.constant 21952 : i32
      %add3A_109 = arith.addi %add3A_108, %mul3A_107 : i32
      %get3A_110 = arith.index_cast %add3A_109 : i32 to index
      %get3A_111 = tpu.vector_load %arg4[%get3A_110] {strides = array<i32>} : memref<50176xf32, #tpu.memory_space<vmem>>, vector<16xf32>,
      %add3A_112 = arith.addf %add3A_105, %get3A_111 : vector<16xf32>
      %mul3A_113 = arith.constant 16 : i32
      %mul3A_114 = arith.muli %add3A_60, %mul3A_113 : i32
      %add3A_115 = arith.constant 25088 : i32
      %add3A_116 = arith.addi %add3A_115, %mul3A_114 : i32
      %get3A_117 = arith.index_cast %add3A_116 : i32 to index
      %get3A_118 = tpu.vector_load %arg4[%get3A_117] {strides = array<i32>} : memref<50176xf32, #tpu.memory_space<vmem>>, vector<16xf32>,
      %add3A_119 = arith.addf %add3A_112, %get3A_118 : vector<16xf32>
      %mul3A_120 = arith.constant 16 : i32
      %mul3A_121 = arith.muli %add3A_60, %mul3A_120 : i32
      %add3A_122 = arith.constant 28224 : i32
      %add3A_123 = arith.addi %add3A_122, %mul3A_121 : i32
      %get3A_124 = arith.index_cast %add3A_123 : i32 to index
      %get3A_125 = tpu.vector_load %arg4[%get3A_124] {strides = array<i32>} : memref<50176xf32, #tpu.memory_space<vmem>>, vector<16xf32>,
      %add3A_126 = arith.addf %add3A_119, %get3A_125 : vector<16xf32>
      %mul3A_127 = arith.constant 16 : i32
      %mul3A_128 = arith.muli %add3A_60, %mul3A_127 : i32
      %add3A_129 = arith.constant 31360 : i32
      %add3A_130 = arith.addi %add3A_129, %mul3A_128 : i32
      %get3A_131 = arith.index_cast %add3A_130 : i32 to index
      %get3A_132 = tpu.vector_load %arg4[%get3A_131] {strides = array<i32>} : memref<50176xf32, #tpu.memory_space<vmem>>, vector<16xf32>,
      %add3A_133 = arith.addf %add3A_126, %get3A_132 : vector<16xf32>
      %mul3A_134 = arith.constant 16 : i32
      %mul3A_135 = arith.muli %add3A_60, %mul3A_134 : i32
      %add3A_136 = arith.constant 34496 : i32
      %add3A_137 = arith.addi %add3A_136, %mul3A_135 : i32
      %get3A_138 = arith.index_cast %add3A_137 : i32 to index
      %get3A_139 = tpu.vector_load %arg4[%get3A_138] {strides = array<i32>} : memref<50176xf32, #tpu.memory_space<vmem>>, vector<16xf32>,
      %add3A_140 = arith.addf %add3A_133, %get3A_139 : vector<16xf32>
      %mul3A_141 = arith.constant 16 : i32
      %mul3A_142 = arith.muli %add3A_60, %mul3A_141 : i32
      %add3A_143 = arith.constant 37632 : i32
      %add3A_144 = arith.addi %add3A_143, %mul3A_142 : i32
      %get3A_145 = arith.index_cast %add3A_144 : i32 to index
      %get3A_146 = tpu.vector_load %arg4[%get3A_145] {strides = array<i32>} : memref<50176xf32, #tpu.memory_space<vmem>>, vector<16xf32>,
      %add3A_147 = arith.addf %add3A_140, %get3A_146 : vector<16xf32>
      %mul3A_148 = arith.constant 16 : i32
      %mul3A_149 = arith.muli %add3A_60, %mul3A_148 : i32
      %add3A_150 = arith.constant 40768 : i32
      %add3A_151 = arith.addi %add3A_150, %mul3A_149 : i32
      %get3A_152 = arith.index_cast %add3A_151 : i32 to index
      %get3A_153 = tpu.vector_load %arg4[%get3A_152] {strides = array<i32>} : memref<50176xf32, #tpu.memory_space<vmem>>, vector<16xf32>,
      %add3A_154 = arith.addf %add3A_147, %get3A_153 : vector<16xf32>
      %mul3A_155 = arith.constant 16 : i32
      %mul3A_156 = arith.muli %add3A_60, %mul3A_155 : i32
      %add3A_157 = arith.constant 43904 : i32
      %add3A_158 = arith.addi %add3A_157, %mul3A_156 : i32
      %get3A_159 = arith.index_cast %add3A_158 : i32 to index
      %get3A_160 = tpu.vector_load %arg4[%get3A_159] {strides = array<i32>} : memref<50176xf32, #tpu.memory_space<vmem>>, vector<16xf32>,
      %add3A_161 = arith.addf %add3A_154, %get3A_160 : vector<16xf32>
      %mul3A_162 = arith.constant 16 : i32
      %mul3A_163 = arith.muli %add3A_60, %mul3A_162 : i32
      %add3A_164 = arith.constant 47040 : i32
      %add3A_165 = arith.addi %add3A_164, %mul3A_163 : i32
      %get3A_166 = arith.index_cast %add3A_165 : i32 to index
      %get3A_167 = tpu.vector_load %arg4[%get3A_166] {strides = array<i32>} : memref<50176xf32, #tpu.memory_space<vmem>>, vector<16xf32>,
      %add3A_168 = arith.addf %add3A_161, %get3A_167 : vector<16xf32>
      %mul3A_169 = arith.constant 16 : i32
      %mul3A_170 = arith.muli %add3A_60, %mul3A_169 : i32
      %swap3A = arith.index_cast %mul3A_170 : i32 to index
      %swap3A_171 = tpu.vector_load %arg4[%swap3A] {strides = array<i32>} : memref<50176xf32, #tpu.memory_space<vmem>>, vector<16xf32>,
      tpu.vector_store %arg4[%swap3A], %add3A_168 {strides = array<i32>} : memref<50176xf32, #tpu.memory_space<vmem>>, vector<16xf32>,
      %scan3A_172 = arith.constant 1 : i32
      %scan3A_173 = arith.addi %scan3A_56, %scan3A_172 : i32
      %mul3A_174 = arith.constant 1 : i32
      %mul3A_175 = arith.muli %scan3A_173, %mul3A_174 : i32
      %add3A_176 = arith.constant 0 : i32
      %add3A_177 = arith.addi %add3A_176, %mul3A_175 : i32
      %mul3A_178 = arith.constant 16 : i32
      %mul3A_179 = arith.muli %add3A_177, %mul3A_178 : i32
      %get3A_180 = arith.index_cast %mul3A_179 : i32 to index
      %get3A_181 = tpu.vector_load %arg4[%get3A_180] {strides = array<i32>} : memref<50176xf32, #tpu.memory_space<vmem>>, vector<16xf32>,
      %mul3A_182 = arith.constant 16 : i32
      %mul3A_183 = arith.muli %add3A_177, %mul3A_182 : i32
      %add3A_184 = arith.constant 3136 : i32
      %add3A_185 = arith.addi %add3A_184, %mul3A_183 : i32
      %get3A_186 = arith.index_cast %add3A_185 : i32 to index
      %get3A_187 = tpu.vector_load %arg4[%get3A_186] {strides = array<i32>} : memref<50176xf32, #tpu.memory_space<vmem>>, vector<16xf32>,
      %add3A_188 = arith.addf %get3A_181, %get3A_187 : vector<16xf32>
      %mul3A_189 = arith.constant 16 : i32
      %mul3A_190 = arith.muli %add3A_177, %mul3A_189 : i32
      %add3A_191 = arith.constant 6272 : i32
      %add3A_192 = arith.addi %add3A_191, %mul3A_190 : i32
      %get3A_193 = arith.index_cast %add3A_192 : i32 to index
      %get3A_194 = tpu.vector_load %arg4[%get3A_193] {strides = array<i32>} : memref<50176xf32, #tpu.memory_space<vmem>>, vector<16xf32>,
      %add3A_195 = arith.addf %add3A_188, %get3A_194 : vector<16xf32>
      %mul3A_196 = arith.constant 16 : i32
      %mul3A_197 = arith.muli %add3A_177, %mul3A_196 : i32
      %add3A_198 = arith.constant 9408 : i32
      %add3A_199 = arith.addi %add3A_198, %mul3A_197 : i32
      %get3A_200 = arith.index_cast %add3A_199 : i32 to index
      %get3A_201 = tpu.vector_load %arg4[%get3A_200] {strides = array<i32>} : memref<50176xf32, #tpu.memory_space<vmem>>, vector<16xf32>,
      %add3A_202 = arith.addf %add3A_195, %get3A_201 : vector<16xf32>
      %mul3A_203 = arith.constant 16 : i32
      %mul3A_204 = arith.muli %add3A_177, %mul3A_203 : i32
      %add3A_205 = arith.constant 12544 : i32
      %add3A_206 = arith.addi %add3A_205, %mul3A_204 : i32
      %get3A_207 = arith.index_cast %add3A_206 : i32 to index
      %get3A_208 = tpu.vector_load %arg4[%get3A_207] {strides = array<i32>} : memref<50176xf32, #tpu.memory_space<vmem>>, vector<16xf32>,
      %add3A_209 = arith.addf %add3A_202, %get3A_208 : vector<16xf32>
      %mul3A_210 = arith.constant 16 : i32
      %mul3A_211 = arith.muli %add3A_177, %mul3A_210 : i32
      %add3A_212 = arith.constant 15680 : i32
      %add3A_213 = arith.addi %add3A_212, %mul3A_211 : i32
      %get3A_214 = arith.index_cast %add3A_213 : i32 to index
      %get3A_215 = tpu.vector_load %arg4[%get3A_214] {strides = array<i32>} : memref<50176xf32, #tpu.memory_space<vmem>>, vector<16xf32>,
      %add3A_216 = arith.addf %add3A_209, %get3A_215 : vector<16xf32>
      %mul3A_217 = arith.constant 16 : i32
      %mul3A_218 = arith.muli %add3A_177, %mul3A_217 : i32
      %add3A_219 = arith.constant 18816 : i32
      %add3A_220 = arith.addi %add3A_219, %mul3A_218 : i32
      %get3A_221 = arith.index_cast %add3A_220 : i32 to index
      %get3A_222 = tpu.vector_load %arg4[%get3A_221] {strides = array<i32>} : memref<50176xf32, #tpu.memory_space<vmem>>, vector<16xf32>,
      %add3A_223 = arith.addf %add3A_216, %get3A_222 : vector<16xf32>
      %mul3A_224 = arith.constant 16 : i32
      %mul3A_225 = arith.muli %add3A_177, %mul3A_224 : i32
      %add3A_226 = arith.constant 21952 : i32
      %add3A_227 = arith.addi %add3A_226, %mul3A_225 : i32
      %get3A_228 = arith.index_cast %add3A_227 : i32 to index
      %get3A_229 = tpu.vector_load %arg4[%get3A_228] {strides = array<i32>} : memref<50176xf32, #tpu.memory_space<vmem>>, vector<16xf32>,
      %add3A_230 = arith.addf %add3A_223, %get3A_229 : vector<16xf32>
      %mul3A_231 = arith.constant 16 : i32
      %mul3A_232 = arith.muli %add3A_177, %mul3A_231 : i32
      %add3A_233 = arith.constant 25088 : i32
      %add3A_234 = arith.addi %add3A_233, %mul3A_232 : i32
      %get3A_235 = arith.index_cast %add3A_234 : i32 to index
      %get3A_236 = tpu.vector_load %arg4[%get3A_235] {strides = array<i32>} : memref<50176xf32, #tpu.memory_space<vmem>>, vector<16xf32>,
      %add3A_237 = arith.addf %add3A_230, %get3A_236 : vector<16xf32>
      %mul3A_238 = arith.constant 16 : i32
      %mul3A_239 = arith.muli %add3A_177, %mul3A_238 : i32
      %add3A_240 = arith.constant 28224 : i32
      %add3A_241 = arith.addi %add3A_240, %mul3A_239 : i32
      %get3A_242 = arith.index_cast %add3A_241 : i32 to index
      %get3A_243 = tpu.vector_load %arg4[%get3A_242] {strides = array<i32>} : memref<50176xf32, #tpu.memory_space<vmem>>, vector<16xf32>,
      %add3A_244 = arith.addf %add3A_237, %get3A_243 : vector<16xf32>
      %mul3A_245 = arith.constant 16 : i32
      %mul3A_246 = arith.muli %add3A_177, %mul3A_245 : i32
      %add3A_247 = arith.constant 31360 : i32
      %add3A_248 = arith.addi %add3A_247, %mul3A_246 : i32
      %get3A_249 = arith.index_cast %add3A_248 : i32 to index
      %get3A_250 = tpu.vector_load %arg4[%get3A_249] {strides = array<i32>} : memref<50176xf32, #tpu.memory_space<vmem>>, vector<16xf32>,
      %add3A_251 = arith.addf %add3A_244, %get3A_250 : vector<16xf32>
      %mul3A_252 = arith.constant 16 : i32
      %mul3A_253 = arith.muli %add3A_177, %mul3A_252 : i32
      %add3A_254 = arith.constant 34496 : i32
      %add3A_255 = arith.addi %add3A_254, %mul3A_253 : i32
      %get3A_256 = arith.index_cast %add3A_255 : i32 to index
      %get3A_257 = tpu.vector_load %arg4[%get3A_256] {strides = array<i32>} : memref<50176xf32, #tpu.memory_space<vmem>>, vector<16xf32>,
      %add3A_258 = arith.addf %add3A_251, %get3A_257 : vector<16xf32>
      %mul3A_259 = arith.constant 16 : i32
      %mul3A_260 = arith.muli %add3A_177, %mul3A_259 : i32
      %add3A_261 = arith.constant 37632 : i32
      %add3A_262 = arith.addi %add3A_261, %mul3A_260 : i32
      %get3A_263 = arith.index_cast %add3A_262 : i32 to index
      %get3A_264 = tpu.vector_load %arg4[%get3A_263] {strides = array<i32>} : memref<50176xf32, #tpu.memory_space<vmem>>, vector<16xf32>,
      %add3A_265 = arith.addf %add3A_258, %get3A_264 : vector<16xf32>
      %mul3A_266 = arith.constant 16 : i32
      %mul3A_267 = arith.muli %add3A_177, %mul3A_266 : i32
      %add3A_268 = arith.constant 40768 : i32
      %add3A_269 = arith.addi %add3A_268, %mul3A_267 : i32
      %get3A_270 = arith.index_cast %add3A_269 : i32 to index
      %get3A_271 = tpu.vector_load %arg4[%get3A_270] {strides = array<i32>} : memref<50176xf32, #tpu.memory_space<vmem>>, vector<16xf32>,
      %add3A_272 = arith.addf %add3A_265, %get3A_271 : vector<16xf32>
      %mul3A_273 = arith.constant 16 : i32
      %mul3A_274 = arith.muli %add3A_177, %mul3A_273 : i32
      %add3A_275 = arith.constant 43904 : i32
      %add3A_276 = arith.addi %add3A_275, %mul3A_274 : i32
      %get3A_277 = arith.index_cast %add3A_276 : i32 to index
      %get3A_278 = tpu.vector_load %arg4[%get3A_277] {strides = array<i32>} : memref<50176xf32, #tpu.memory_space<vmem>>, vector<16xf32>,
      %add3A_279 = arith.addf %add3A_272, %get3A_278 : vector<16xf32>
      %mul3A_280 = arith.constant 16 : i32
      %mul3A_281 = arith.muli %add3A_177, %mul3A_280 : i32
      %add3A_282 = arith.constant 47040 : i32
      %add3A_283 = arith.addi %add3A_282, %mul3A_281 : i32
      %get3A_284 = arith.index_cast %add3A_283 : i32 to index
      %get3A_285 = tpu.vector_load %arg4[%get3A_284] {strides = array<i32>} : memref<50176xf32, #tpu.memory_space<vmem>>, vector<16xf32>,
      %add3A_286 = arith.addf %add3A_279, %get3A_285 : vector<16xf32>
      %mul3A_287 = arith.constant 16 : i32
      %mul3A_288 = arith.muli %add3A_177, %mul3A_287 : i32
      %swap3A_289 = arith.index_cast %mul3A_288 : i32 to index
      %swap3A_290 = tpu.vector_load %arg4[%swap3A_289] {strides = array<i32>} : memref<50176xf32, #tpu.memory_space<vmem>>, vector<16xf32>,
      tpu.vector_store %arg4[%swap3A_289], %add3A_286 {strides = array<i32>} : memref<50176xf32, #tpu.memory_space<vmem>>, vector<16xf32>,
    }
    %scan3A_52 = arith.constant 196 : i32
    %mul3A_53 = arith.constant 50176 : i32
    %mul3A_54 = arith.muli %arg0, %mul3A_53 : i32
    %add3A_55 = arith.addi %mul3A_54, %mul3A_15 : i32
    "tpu.region"() ({
      %run_scoped3A = tpu.sem_alloc : memref<!tpu.dma_semaphore, #tpu.memory_space<semaphore_mem>>
      %dma_start3A = arith.constant 0 : i32
      %dma_start3A_56 = tpu.memref_slice %arg4[%dma_start3A] : memref<50176xf32, #tpu.memory_space<vmem>> -> memref<3136xf32, #tpu.memory_space<vmem>>
      %dma_start3A_57 = tpu.memref_slice %arg3[%add3A_55] : memref<100352xf32, #tpu.memory_space<hbm>> -> memref<3136xf32, #tpu.memory_space<hbm>>
      %dma_start3A_58 = tpu.memref_slice %arg3[%add3A_55] : memref<100352xf32, #tpu.memory_space<hbm>> -> memref<3136xf32, #tpu.memory_space<hbm>>
      %dma_start3A_59 = arith.constant 0 : i32
      %dma_start3A_60 = tpu.memref_slice %arg4[%dma_start3A_59] : memref<50176xf32, #tpu.memory_space<vmem>> -> memref<3136xf32, #tpu.memory_space<vmem>>
      tpu.enqueue_dma source(%dma_start3A_60 : memref<3136xf32, #tpu.memory_space<vmem>>) target(%dma_start3A_58 : memref<3136xf32, #tpu.memory_space<hbm>>) target_semaphore(%run_scoped3A : memref<!tpu.dma_semaphore, #tpu.memory_space<semaphore_mem>>)
      %dma_wait3A = arith.constant 0 : i32
      %dma_wait3A_61 = tpu.memref_slice %arg4[%dma_wait3A] : memref<50176xf32, #tpu.memory_space<vmem>> -> memref<3136xf32, #tpu.memory_space<vmem>>
      %dma_wait3A_62 = tpu.memref_slice %arg3[%add3A_55] : memref<100352xf32, #tpu.memory_space<hbm>> -> memref<3136xf32, #tpu.memory_space<hbm>>
      %dma_wait3A_63 = tpu.memref_slice %arg3[%add3A_55] : memref<100352xf32, #tpu.memory_space<hbm>> -> memref<3136xf32, #tpu.memory_space<hbm>>
      %dma_wait3A_64 = arith.constant 0 : i32
      %dma_wait3A_65 = tpu.memref_slice %arg4[%dma_wait3A_64] : memref<50176xf32, #tpu.memory_space<vmem>> -> memref<3136xf32, #tpu.memory_space<vmem>>
      tpu.wait_dma2 semaphore(%run_scoped3A : memref<!tpu.dma_semaphore, #tpu.memory_space<semaphore_mem>>) src(%dma_wait3A_65 : memref<3136xf32, #tpu.memory_space<vmem>>) dst(%dma_wait3A_63 : memref<3136xf32, #tpu.memory_space<hbm>>)
      tpu.yield
    }) : () -> ()
    return
  }
}

#map = affine_map<(d0, d1) -> (0)>
module attributes {stable_mosaic.version = 14 : i64} {
  func.func @k(%arg0: i32, %arg1: i32, %arg2: memref<6406144xf32, #tpu.memory_space<hbm>>, %arg3: memref<1600000xi32, #tpu.memory_space<hbm>>, %arg4: memref<401408xf32, #tpu.memory_space<hbm>>, %arg5: memref<50176xf32, #tpu.memory_space<vmem>>, %arg6: memref<10000xf32, #tpu.memory_space<vmem>>, %arg7: memref<10000xi32, #tpu.memory_space<vmem>>, %arg8: memref<802816xf32, #tpu.memory_space<vmem_shared>>) attributes {dimension_semantics = [#tpu.dimension_semantics<core_parallel>, #tpu.dimension_semantics<subcore_parallel>], iteration_bounds = array<i64: 2, 16>, scalar_prefetch = 0 : i64, scratch_operands = 4 : i64, tpu.core_type = #tpu.core_type<sc_vector_subcore>, window_params = [{transform_indices = #map}, {transform_indices = #map}, {transform_indices = #map}]} {
    %jit3A = arith.constant 4 : i32
    %eq3A = arith.constant 0 : i32
    %eq3A_0 = arith.cmpi eq, %jit3A, %eq3A : i32
    %jit3A_1 = arith.constant 1 : i32
    %select_n3A = arith.select %eq3A_0, %jit3A_1, %jit3A : i32
    %rem3A = arith.remsi %arg1, %select_n3A : i32
    %ne3A = arith.constant 0 : i32
    %ne3A_2 = arith.cmpi ne, %rem3A, %ne3A : i32
    %lt3A = arith.constant 0 : i32
    %lt3A_3 = arith.cmpi slt, %rem3A, %lt3A : i32
    %lt3A_4 = arith.constant 0 : i32
    %lt3A_5 = arith.cmpi slt, %select_n3A, %lt3A_4 : i32
    %ne3A_6 = arith.xori %lt3A_3, %lt3A_5 : i1
    %and3A = arith.andi %ne3A_6, %ne3A_2 : i1
    %add3A = arith.addi %rem3A, %select_n3A : i32
    %select_n3A_7 = arith.select %and3A, %add3A, %rem3A : i32
    %jit3A_8 = arith.constant 4 : i32
    %div3A = arith.divsi %arg1, %jit3A_8 : i32
    %sign3A = arith.constant 0 : i32
    %sign3A_9 = arith.cmpi sgt, %arg1, %sign3A : i32
    %sign3A_10 = arith.extui %sign3A_9 : i1 to i32
    %sign3A_11 = arith.constant 0 : i32
    %sign3A_12 = arith.cmpi slt, %arg1, %sign3A_11 : i32
    %sign3A_13 = arith.extui %sign3A_12 : i1 to i32
    %sign3A_14 = arith.subi %sign3A_10, %sign3A_13 : i32
    %sign3A_15 = arith.constant 0 : i32
    %sign3A_16 = arith.cmpi sgt, %jit3A_8, %sign3A_15 : i32
    %sign3A_17 = arith.extui %sign3A_16 : i1 to i32
    %sign3A_18 = arith.constant 0 : i32
    %sign3A_19 = arith.cmpi slt, %jit3A_8, %sign3A_18 : i32
    %sign3A_20 = arith.extui %sign3A_19 : i1 to i32
    %sign3A_21 = arith.subi %sign3A_17, %sign3A_20 : i32
    %ne3A_22 = arith.cmpi ne, %sign3A_14, %sign3A_21 : i32
    %rem3A_23 = arith.remsi %arg1, %jit3A_8 : i32
    %ne3A_24 = arith.constant 0 : i32
    %ne3A_25 = arith.cmpi ne, %rem3A_23, %ne3A_24 : i32
    %and3A_26 = arith.andi %ne3A_22, %ne3A_25 : i1
    %sub3A = arith.constant 1 : i32
    %sub3A_27 = arith.subi %div3A, %sub3A : i32
    %select_n3A_28 = arith.select %and3A_26, %sub3A_27, %div3A : i32
    %mul3A = arith.constant 4 : i32
    %mul3A_29 = arith.muli %arg0, %mul3A : i32
    %add3A_30 = arith.addi %mul3A_29, %select_n3A_28 : i32
    %mul3A_31 = arith.constant 200000 : i32
    %mul3A_32 = arith.muli %add3A_30, %mul3A_31 : i32
    %scan3A = arith.constant 0 : i32
    %scan3A_33 = arith.constant 3136 : i32
    %scan3A_34 = arith.addi %scan3A, %scan3A_33 : i32
    %scan3A_35 = arith.constant 1 : i32
    scf.for %scan3A_119 = %scan3A to %scan3A_34 step %scan3A_35  : i32 {
      %mul3A_120 = arith.constant 1 : i32
      %mul3A_121 = arith.muli %scan3A_119, %mul3A_120 : i32
      %add3A_122 = arith.constant 0 : i32
      %add3A_123 = arith.addi %add3A_122, %mul3A_121 : i32
      %broadcast_in_dim3A = arith.constant 0.000000e+00 : f32
      %broadcast_in_dim3A_124 = vector.broadcast %broadcast_in_dim3A : f32 to vector<16xf32>
      %mul3A_125 = arith.constant 16 : i32
      %mul3A_126 = arith.muli %add3A_123, %mul3A_125 : i32
      %swap3A = arith.index_cast %mul3A_126 : i32 to index
      %swap3A_127 = tpu.vector_load %arg5[%swap3A] {strides = array<i32>} : memref<50176xf32, #tpu.memory_space<vmem>>, vector<16xf32>,
      tpu.vector_store %arg5[%swap3A], %broadcast_in_dim3A_124 {strides = array<i32>} : memref<50176xf32, #tpu.memory_space<vmem>>, vector<16xf32>,
    }
    %scan3A_36 = arith.constant 3136 : i32
    %scan3A_37 = arith.constant 0 : i32
    %scan3A_38 = arith.constant 20 : i32
    %scan3A_39 = arith.addi %scan3A_37, %scan3A_38 : i32
    %scan3A_40 = arith.constant 1 : i32
    scf.for %scan3A_119 = %scan3A_37 to %scan3A_39 step %scan3A_40  : i32 {
      %mul3A_120 = arith.constant 1 : i32
      %mul3A_121 = arith.muli %scan3A_119, %mul3A_120 : i32
      %add3A_122 = arith.constant 0 : i32
      %add3A_123 = arith.addi %add3A_122, %mul3A_121 : i32
      %mul3A_124 = arith.constant 10000 : i32
      %mul3A_125 = arith.muli %add3A_123, %mul3A_124 : i32
      %add3A_126 = arith.addi %mul3A_32, %mul3A_125 : i32
      %mul3A_127 = arith.constant 1601536 : i32
      %mul3A_128 = arith.muli %select_n3A_7, %mul3A_127 : i32
      %add3A_129 = arith.addi %mul3A_128, %add3A_126 : i32
      "tpu.region"() ({
        %run_scoped3A = tpu.sem_alloc : memref<!tpu.dma_semaphore, #tpu.memory_space<semaphore_mem>>
        %dma_start3A = tpu.memref_slice %arg2[%add3A_129] : memref<6406144xf32, #tpu.memory_space<hbm>> -> memref<10000xf32, #tpu.memory_space<hbm>>
        %dma_start3A_148 = tpu.memref_slice %arg2[%add3A_129] : memref<6406144xf32, #tpu.memory_space<hbm>> -> memref<10000xf32, #tpu.memory_space<hbm>>
        tpu.enqueue_dma source(%dma_start3A_148 : memref<10000xf32, #tpu.memory_space<hbm>>) target(%arg6 : memref<10000xf32, #tpu.memory_space<vmem>>) target_semaphore(%run_scoped3A : memref<!tpu.dma_semaphore, #tpu.memory_space<semaphore_mem>>)
        %dma_wait3A = tpu.memref_slice %arg2[%add3A_129] : memref<6406144xf32, #tpu.memory_space<hbm>> -> memref<10000xf32, #tpu.memory_space<hbm>>
        %dma_wait3A_149 = tpu.memref_slice %arg2[%add3A_129] : memref<6406144xf32, #tpu.memory_space<hbm>> -> memref<10000xf32, #tpu.memory_space<hbm>>
        tpu.wait_dma2 semaphore(%run_scoped3A : memref<!tpu.dma_semaphore, #tpu.memory_space<semaphore_mem>>) src(%dma_wait3A_149 : memref<10000xf32, #tpu.memory_space<hbm>>) dst(%arg6 : memref<10000xf32, #tpu.memory_space<vmem>>)
        tpu.yield
      }) : () -> ()
      "tpu.region"() ({
        %run_scoped3A = tpu.sem_alloc : memref<!tpu.dma_semaphore, #tpu.memory_space<semaphore_mem>>
        %dma_start3A = tpu.memref_slice %arg3[%add3A_126] : memref<1600000xi32, #tpu.memory_space<hbm>> -> memref<10000xi32, #tpu.memory_space<hbm>>
        %dma_start3A_148 = tpu.memref_slice %arg3[%add3A_126] : memref<1600000xi32, #tpu.memory_space<hbm>> -> memref<10000xi32, #tpu.memory_space<hbm>>
        tpu.enqueue_dma source(%dma_start3A_148 : memref<10000xi32, #tpu.memory_space<hbm>>) target(%arg7 : memref<10000xi32, #tpu.memory_space<vmem>>) target_semaphore(%run_scoped3A : memref<!tpu.dma_semaphore, #tpu.memory_space<semaphore_mem>>)
        %dma_wait3A = tpu.memref_slice %arg3[%add3A_126] : memref<1600000xi32, #tpu.memory_space<hbm>> -> memref<10000xi32, #tpu.memory_space<hbm>>
        %dma_wait3A_149 = tpu.memref_slice %arg3[%add3A_126] : memref<1600000xi32, #tpu.memory_space<hbm>> -> memref<10000xi32, #tpu.memory_space<hbm>>
        tpu.wait_dma2 semaphore(%run_scoped3A : memref<!tpu.dma_semaphore, #tpu.memory_space<semaphore_mem>>) src(%dma_wait3A_149 : memref<10000xi32, #tpu.memory_space<hbm>>) dst(%arg7 : memref<10000xi32, #tpu.memory_space<vmem>>)
        tpu.yield
      }) : () -> ()
      %scan3A_130 = arith.constant 0 : i32
      %scan3A_131 = arith.constant 624 : i32
      %scan3A_132 = arith.addi %scan3A_130, %scan3A_131 : i32
      %scan3A_133 = arith.constant 4 : i32
      scf.for %scan3A_148 = %scan3A_130 to %scan3A_132 step %scan3A_133  : i32 {
        %mul3A_149 = arith.constant 1 : i32
        %mul3A_150 = arith.muli %scan3A_148, %mul3A_149 : i32
        %add3A_151 = arith.constant 0 : i32
        %add3A_152 = arith.addi %add3A_151, %mul3A_150 : i32
        %mul3A_153 = arith.constant 16 : i32
        %mul3A_154 = arith.muli %add3A_152, %mul3A_153 : i32
        %get3A_155 = arith.index_cast %mul3A_154 : i32 to index
        %get3A_156 = tpu.vector_load %arg7[%get3A_155] {strides = array<i32>} : memref<10000xi32, #tpu.memory_space<vmem>>, vector<16xi32>,
        %mul3A_157 = arith.constant 16 : i32
        %mul3A_158 = arith.muli %add3A_152, %mul3A_157 : i32
        %get3A_159 = arith.index_cast %mul3A_158 : i32 to index
        %get3A_160 = tpu.vector_load %arg6[%get3A_159] {strides = array<i32>} : memref<10000xf32, #tpu.memory_space<vmem>>, vector<16xf32>,
        tpu.vector_store_idx %arg5[%get3A_156], %get3A_160 {add = true} : memref<50176xf32, #tpu.memory_space<vmem>>[vector<16xi32>], vector<16xf32>,
        %scan3A_161 = arith.constant 1 : i32
        %scan3A_162 = arith.addi %scan3A_148, %scan3A_161 : i32
        %mul3A_163 = arith.constant 1 : i32
        %mul3A_164 = arith.muli %scan3A_162, %mul3A_163 : i32
        %add3A_165 = arith.constant 0 : i32
        %add3A_166 = arith.addi %add3A_165, %mul3A_164 : i32
        %mul3A_167 = arith.constant 16 : i32
        %mul3A_168 = arith.muli %add3A_166, %mul3A_167 : i32
        %get3A_169 = arith.index_cast %mul3A_168 : i32 to index
        %get3A_170 = tpu.vector_load %arg7[%get3A_169] {strides = array<i32>} : memref<10000xi32, #tpu.memory_space<vmem>>, vector<16xi32>,
        %mul3A_171 = arith.constant 16 : i32
        %mul3A_172 = arith.muli %add3A_166, %mul3A_171 : i32
        %get3A_173 = arith.index_cast %mul3A_172 : i32 to index
        %get3A_174 = tpu.vector_load %arg6[%get3A_173] {strides = array<i32>} : memref<10000xf32, #tpu.memory_space<vmem>>, vector<16xf32>,
        tpu.vector_store_idx %arg5[%get3A_170], %get3A_174 {add = true} : memref<50176xf32, #tpu.memory_space<vmem>>[vector<16xi32>], vector<16xf32>,
        %scan3A_175 = arith.constant 2 : i32
        %scan3A_176 = arith.addi %scan3A_148, %scan3A_175 : i32
        %mul3A_177 = arith.constant 1 : i32
        %mul3A_178 = arith.muli %scan3A_176, %mul3A_177 : i32
        %add3A_179 = arith.constant 0 : i32
        %add3A_180 = arith.addi %add3A_179, %mul3A_178 : i32
        %mul3A_181 = arith.constant 16 : i32
        %mul3A_182 = arith.muli %add3A_180, %mul3A_181 : i32
        %get3A_183 = arith.index_cast %mul3A_182 : i32 to index
        %get3A_184 = tpu.vector_load %arg7[%get3A_183] {strides = array<i32>} : memref<10000xi32, #tpu.memory_space<vmem>>, vector<16xi32>,
        %mul3A_185 = arith.constant 16 : i32
        %mul3A_186 = arith.muli %add3A_180, %mul3A_185 : i32
        %get3A_187 = arith.index_cast %mul3A_186 : i32 to index
        %get3A_188 = tpu.vector_load %arg6[%get3A_187] {strides = array<i32>} : memref<10000xf32, #tpu.memory_space<vmem>>, vector<16xf32>,
        tpu.vector_store_idx %arg5[%get3A_184], %get3A_188 {add = true} : memref<50176xf32, #tpu.memory_space<vmem>>[vector<16xi32>], vector<16xf32>,
        %scan3A_189 = arith.constant 3 : i32
        %scan3A_190 = arith.addi %scan3A_148, %scan3A_189 : i32
        %mul3A_191 = arith.constant 1 : i32
        %mul3A_192 = arith.muli %scan3A_190, %mul3A_191 : i32
        %add3A_193 = arith.constant 0 : i32
        %add3A_194 = arith.addi %add3A_193, %mul3A_192 : i32
        %mul3A_195 = arith.constant 16 : i32
        %mul3A_196 = arith.muli %add3A_194, %mul3A_195 : i32
        %get3A_197 = arith.index_cast %mul3A_196 : i32 to index
        %get3A_198 = tpu.vector_load %arg7[%get3A_197] {strides = array<i32>} : memref<10000xi32, #tpu.memory_space<vmem>>, vector<16xi32>,
        %mul3A_199 = arith.constant 16 : i32
        %mul3A_200 = arith.muli %add3A_194, %mul3A_199 : i32
        %get3A_201 = arith.index_cast %mul3A_200 : i32 to index
        %get3A_202 = tpu.vector_load %arg6[%get3A_201] {strides = array<i32>} : memref<10000xf32, #tpu.memory_space<vmem>>, vector<16xf32>,
        tpu.vector_store_idx %arg5[%get3A_198], %get3A_202 {add = true} : memref<50176xf32, #tpu.memory_space<vmem>>[vector<16xi32>], vector<16xf32>,
      }
      %scan3A_134 = arith.constant 624 : i32
      %scan3A_135 = arith.addi %scan3A_130, %scan3A_134 : i32
      %mul3A_136 = arith.constant 1 : i32
      %mul3A_137 = arith.muli %scan3A_135, %mul3A_136 : i32
      %add3A_138 = arith.constant 0 : i32
      %add3A_139 = arith.addi %add3A_138, %mul3A_137 : i32
      %mul3A_140 = arith.constant 16 : i32
      %mul3A_141 = arith.muli %add3A_139, %mul3A_140 : i32
      %get3A = arith.index_cast %mul3A_141 : i32 to index
      %get3A_142 = tpu.vector_load %arg7[%get3A] {strides = array<i32>} : memref<10000xi32, #tpu.memory_space<vmem>>, vector<16xi32>,
      %mul3A_143 = arith.constant 16 : i32
      %mul3A_144 = arith.muli %add3A_139, %mul3A_143 : i32
      %get3A_145 = arith.index_cast %mul3A_144 : i32 to index
      %get3A_146 = tpu.vector_load %arg6[%get3A_145] {strides = array<i32>} : memref<10000xf32, #tpu.memory_space<vmem>>, vector<16xf32>,
      tpu.vector_store_idx %arg5[%get3A_142], %get3A_146 {add = true} : memref<50176xf32, #tpu.memory_space<vmem>>[vector<16xi32>], vector<16xf32>,
      %scan3A_147 = arith.constant 625 : i32
    }
    %scan3A_41 = arith.constant 20 : i32
    %mul3A_42 = arith.constant 50176 : i32
    %mul3A_43 = arith.muli %arg1, %mul3A_42 : i32
    "tpu.region"() ({
      %run_scoped3A = tpu.sem_alloc : memref<!tpu.dma_semaphore, #tpu.memory_space<semaphore_mem>>
      %dma_start3A = tpu.memref_slice %arg8[%mul3A_43] : memref<802816xf32, #tpu.memory_space<vmem_shared>> -> memref<50176xf32, #tpu.memory_space<vmem_shared>>
      %dma_start3A_119 = tpu.memref_slice %arg8[%mul3A_43] : memref<802816xf32, #tpu.memory_space<vmem_shared>> -> memref<50176xf32, #tpu.memory_space<vmem_shared>>
      tpu.enqueue_dma source(%arg5 : memref<50176xf32, #tpu.memory_space<vmem>>) target(%dma_start3A_119 : memref<50176xf32, #tpu.memory_space<vmem_shared>>) target_semaphore(%run_scoped3A : memref<!tpu.dma_semaphore, #tpu.memory_space<semaphore_mem>>)
      %dma_wait3A = tpu.memref_slice %arg8[%mul3A_43] : memref<802816xf32, #tpu.memory_space<vmem_shared>> -> memref<50176xf32, #tpu.memory_space<vmem_shared>>
      %dma_wait3A_120 = tpu.memref_slice %arg8[%mul3A_43] : memref<802816xf32, #tpu.memory_space<vmem_shared>> -> memref<50176xf32, #tpu.memory_space<vmem_shared>>
      tpu.wait_dma2 semaphore(%run_scoped3A : memref<!tpu.dma_semaphore, #tpu.memory_space<semaphore_mem>>) src(%arg5 : memref<50176xf32, #tpu.memory_space<vmem>>) dst(%dma_wait3A_120 : memref<50176xf32, #tpu.memory_space<vmem_shared>>)
      tpu.yield
    }) : () -> ()
    %barrier3A = arith.constant 0 : index
    tpu.barrier barrier_id(%barrier3A)
    %jit3A_44 = arith.constant 4 : i32
    %eq3A_45 = arith.constant 0 : i32
    %eq3A_46 = arith.cmpi eq, %jit3A_44, %eq3A_45 : i32
    %jit3A_47 = arith.constant 1 : i32
    %select_n3A_48 = arith.select %eq3A_46, %jit3A_47, %jit3A_44 : i32
    %rem3A_49 = arith.remsi %arg1, %select_n3A_48 : i32
    %ne3A_50 = arith.constant 0 : i32
    %ne3A_51 = arith.cmpi ne, %rem3A_49, %ne3A_50 : i32
    %lt3A_52 = arith.constant 0 : i32
    %lt3A_53 = arith.cmpi slt, %rem3A_49, %lt3A_52 : i32
    %lt3A_54 = arith.constant 0 : i32
    %lt3A_55 = arith.cmpi slt, %select_n3A_48, %lt3A_54 : i32
    %ne3A_56 = arith.xori %lt3A_53, %lt3A_55 : i1
    %and3A_57 = arith.andi %ne3A_56, %ne3A_51 : i1
    %add3A_58 = arith.addi %rem3A_49, %select_n3A_48 : i32
    %select_n3A_59 = arith.select %and3A_57, %add3A_58, %rem3A_49 : i32
    %jit3A_60 = arith.constant 4 : i32
    %div3A_61 = arith.divsi %arg1, %jit3A_60 : i32
    %sign3A_62 = arith.constant 0 : i32
    %sign3A_63 = arith.cmpi sgt, %arg1, %sign3A_62 : i32
    %sign3A_64 = arith.extui %sign3A_63 : i1 to i32
    %sign3A_65 = arith.constant 0 : i32
    %sign3A_66 = arith.cmpi slt, %arg1, %sign3A_65 : i32
    %sign3A_67 = arith.extui %sign3A_66 : i1 to i32
    %sign3A_68 = arith.subi %sign3A_64, %sign3A_67 : i32
    %sign3A_69 = arith.constant 0 : i32
    %sign3A_70 = arith.cmpi sgt, %jit3A_60, %sign3A_69 : i32
    %sign3A_71 = arith.extui %sign3A_70 : i1 to i32
    %sign3A_72 = arith.constant 0 : i32
    %sign3A_73 = arith.cmpi slt, %jit3A_60, %sign3A_72 : i32
    %sign3A_74 = arith.extui %sign3A_73 : i1 to i32
    %sign3A_75 = arith.subi %sign3A_71, %sign3A_74 : i32
    %ne3A_76 = arith.cmpi ne, %sign3A_68, %sign3A_75 : i32
    %rem3A_77 = arith.remsi %arg1, %jit3A_60 : i32
    %ne3A_78 = arith.constant 0 : i32
    %ne3A_79 = arith.cmpi ne, %rem3A_77, %ne3A_78 : i32
    %and3A_80 = arith.andi %ne3A_76, %ne3A_79 : i1
    %sub3A_81 = arith.constant 1 : i32
    %sub3A_82 = arith.subi %div3A_61, %sub3A_81 : i32
    %select_n3A_83 = arith.select %and3A_80, %sub3A_82, %div3A_61 : i32
    %mul3A_84 = arith.constant 12544 : i32
    %mul3A_85 = arith.muli %select_n3A_83, %mul3A_84 : i32
    %add3A_86 = arith.constant 0 : i32
    %add3A_87 = arith.addi %select_n3A_59, %add3A_86 : i32
    %mul3A_88 = arith.constant 50176 : i32
    %mul3A_89 = arith.muli %add3A_87, %mul3A_88 : i32
    %add3A_90 = arith.addi %mul3A_89, %mul3A_85 : i32
    "tpu.region"() ({
      %run_scoped3A = tpu.sem_alloc : memref<!tpu.dma_semaphore, #tpu.memory_space<semaphore_mem>>
      %dma_start3A = arith.constant 0 : i32
      %dma_start3A_119 = tpu.memref_slice %arg5[%dma_start3A] : memref<50176xf32, #tpu.memory_space<vmem>> -> memref<12544xf32, #tpu.memory_space<vmem>>
      %dma_start3A_120 = tpu.memref_slice %arg8[%add3A_90] : memref<802816xf32, #tpu.memory_space<vmem_shared>> -> memref<12544xf32, #tpu.memory_space<vmem_shared>>
      %dma_start3A_121 = arith.constant 0 : i32
      %dma_start3A_122 = tpu.memref_slice %arg5[%dma_start3A_121] : memref<50176xf32, #tpu.memory_space<vmem>> -> memref<12544xf32, #tpu.memory_space<vmem>>
      %dma_start3A_123 = tpu.memref_slice %arg8[%add3A_90] : memref<802816xf32, #tpu.memory_space<vmem_shared>> -> memref<12544xf32, #tpu.memory_space<vmem_shared>>
      tpu.enqueue_dma source(%dma_start3A_123 : memref<12544xf32, #tpu.memory_space<vmem_shared>>) target(%dma_start3A_122 : memref<12544xf32, #tpu.memory_space<vmem>>) target_semaphore(%run_scoped3A : memref<!tpu.dma_semaphore, #tpu.memory_space<semaphore_mem>>)
      %dma_wait3A = arith.constant 0 : i32
      %dma_wait3A_124 = tpu.memref_slice %arg5[%dma_wait3A] : memref<50176xf32, #tpu.memory_space<vmem>> -> memref<12544xf32, #tpu.memory_space<vmem>>
      %dma_wait3A_125 = tpu.memref_slice %arg8[%add3A_90] : memref<802816xf32, #tpu.memory_space<vmem_shared>> -> memref<12544xf32, #tpu.memory_space<vmem_shared>>
      %dma_wait3A_126 = arith.constant 0 : i32
      %dma_wait3A_127 = tpu.memref_slice %arg5[%dma_wait3A_126] : memref<50176xf32, #tpu.memory_space<vmem>> -> memref<12544xf32, #tpu.memory_space<vmem>>
      %dma_wait3A_128 = tpu.memref_slice %arg8[%add3A_90] : memref<802816xf32, #tpu.memory_space<vmem_shared>> -> memref<12544xf32, #tpu.memory_space<vmem_shared>>
      tpu.wait_dma2 semaphore(%run_scoped3A : memref<!tpu.dma_semaphore, #tpu.memory_space<semaphore_mem>>) src(%dma_wait3A_128 : memref<12544xf32, #tpu.memory_space<vmem_shared>>) dst(%dma_wait3A_127 : memref<12544xf32, #tpu.memory_space<vmem>>)
      tpu.yield
    }) : () -> ()
    %add3A_91 = arith.constant 4 : i32
    %add3A_92 = arith.addi %select_n3A_59, %add3A_91 : i32
    %mul3A_93 = arith.constant 50176 : i32
    %mul3A_94 = arith.muli %add3A_92, %mul3A_93 : i32
    %add3A_95 = arith.addi %mul3A_94, %mul3A_85 : i32
    "tpu.region"() ({
      %run_scoped3A = tpu.sem_alloc : memref<!tpu.dma_semaphore, #tpu.memory_space<semaphore_mem>>
      %dma_start3A = arith.constant 12544 : i32
      %dma_start3A_119 = tpu.memref_slice %arg5[%dma_start3A] : memref<50176xf32, #tpu.memory_space<vmem>> -> memref<12544xf32, #tpu.memory_space<vmem>>
      %dma_start3A_120 = tpu.memref_slice %arg8[%add3A_95] : memref<802816xf32, #tpu.memory_space<vmem_shared>> -> memref<12544xf32, #tpu.memory_space<vmem_shared>>
      %dma_start3A_121 = arith.constant 12544 : i32
      %dma_start3A_122 = tpu.memref_slice %arg5[%dma_start3A_121] : memref<50176xf32, #tpu.memory_space<vmem>> -> memref<12544xf32, #tpu.memory_space<vmem>>
      %dma_start3A_123 = tpu.memref_slice %arg8[%add3A_95] : memref<802816xf32, #tpu.memory_space<vmem_shared>> -> memref<12544xf32, #tpu.memory_space<vmem_shared>>
      tpu.enqueue_dma source(%dma_start3A_123 : memref<12544xf32, #tpu.memory_space<vmem_shared>>) target(%dma_start3A_122 : memref<12544xf32, #tpu.memory_space<vmem>>) target_semaphore(%run_scoped3A : memref<!tpu.dma_semaphore, #tpu.memory_space<semaphore_mem>>)
      %dma_wait3A = arith.constant 12544 : i32
      %dma_wait3A_124 = tpu.memref_slice %arg5[%dma_wait3A] : memref<50176xf32, #tpu.memory_space<vmem>> -> memref<12544xf32, #tpu.memory_space<vmem>>
      %dma_wait3A_125 = tpu.memref_slice %arg8[%add3A_95] : memref<802816xf32, #tpu.memory_space<vmem_shared>> -> memref<12544xf32, #tpu.memory_space<vmem_shared>>
      %dma_wait3A_126 = arith.constant 12544 : i32
      %dma_wait3A_127 = tpu.memref_slice %arg5[%dma_wait3A_126] : memref<50176xf32, #tpu.memory_space<vmem>> -> memref<12544xf32, #tpu.memory_space<vmem>>
      %dma_wait3A_128 = tpu.memref_slice %arg8[%add3A_95] : memref<802816xf32, #tpu.memory_space<vmem_shared>> -> memref<12544xf32, #tpu.memory_space<vmem_shared>>
      tpu.wait_dma2 semaphore(%run_scoped3A : memref<!tpu.dma_semaphore, #tpu.memory_space<semaphore_mem>>) src(%dma_wait3A_128 : memref<12544xf32, #tpu.memory_space<vmem_shared>>) dst(%dma_wait3A_127 : memref<12544xf32, #tpu.memory_space<vmem>>)
      tpu.yield
    }) : () -> ()
    %add3A_96 = arith.constant 8 : i32
    %add3A_97 = arith.addi %select_n3A_59, %add3A_96 : i32
    %mul3A_98 = arith.constant 50176 : i32
    %mul3A_99 = arith.muli %add3A_97, %mul3A_98 : i32
    %add3A_100 = arith.addi %mul3A_99, %mul3A_85 : i32
    "tpu.region"() ({
      %run_scoped3A = tpu.sem_alloc : memref<!tpu.dma_semaphore, #tpu.memory_space<semaphore_mem>>
      %dma_start3A = arith.constant 25088 : i32
      %dma_start3A_119 = tpu.memref_slice %arg5[%dma_start3A] : memref<50176xf32, #tpu.memory_space<vmem>> -> memref<12544xf32, #tpu.memory_space<vmem>>
      %dma_start3A_120 = tpu.memref_slice %arg8[%add3A_100] : memref<802816xf32, #tpu.memory_space<vmem_shared>> -> memref<12544xf32, #tpu.memory_space<vmem_shared>>
      %dma_start3A_121 = arith.constant 25088 : i32
      %dma_start3A_122 = tpu.memref_slice %arg5[%dma_start3A_121] : memref<50176xf32, #tpu.memory_space<vmem>> -> memref<12544xf32, #tpu.memory_space<vmem>>
      %dma_start3A_123 = tpu.memref_slice %arg8[%add3A_100] : memref<802816xf32, #tpu.memory_space<vmem_shared>> -> memref<12544xf32, #tpu.memory_space<vmem_shared>>
      tpu.enqueue_dma source(%dma_start3A_123 : memref<12544xf32, #tpu.memory_space<vmem_shared>>) target(%dma_start3A_122 : memref<12544xf32, #tpu.memory_space<vmem>>) target_semaphore(%run_scoped3A : memref<!tpu.dma_semaphore, #tpu.memory_space<semaphore_mem>>)
      %dma_wait3A = arith.constant 25088 : i32
      %dma_wait3A_124 = tpu.memref_slice %arg5[%dma_wait3A] : memref<50176xf32, #tpu.memory_space<vmem>> -> memref<12544xf32, #tpu.memory_space<vmem>>
      %dma_wait3A_125 = tpu.memref_slice %arg8[%add3A_100] : memref<802816xf32, #tpu.memory_space<vmem_shared>> -> memref<12544xf32, #tpu.memory_space<vmem_shared>>
      %dma_wait3A_126 = arith.constant 25088 : i32
      %dma_wait3A_127 = tpu.memref_slice %arg5[%dma_wait3A_126] : memref<50176xf32, #tpu.memory_space<vmem>> -> memref<12544xf32, #tpu.memory_space<vmem>>
      %dma_wait3A_128 = tpu.memref_slice %arg8[%add3A_100] : memref<802816xf32, #tpu.memory_space<vmem_shared>> -> memref<12544xf32, #tpu.memory_space<vmem_shared>>
      tpu.wait_dma2 semaphore(%run_scoped3A : memref<!tpu.dma_semaphore, #tpu.memory_space<semaphore_mem>>) src(%dma_wait3A_128 : memref<12544xf32, #tpu.memory_space<vmem_shared>>) dst(%dma_wait3A_127 : memref<12544xf32, #tpu.memory_space<vmem>>)
      tpu.yield
    }) : () -> ()
    %add3A_101 = arith.constant 12 : i32
    %add3A_102 = arith.addi %select_n3A_59, %add3A_101 : i32
    %mul3A_103 = arith.constant 50176 : i32
    %mul3A_104 = arith.muli %add3A_102, %mul3A_103 : i32
    %add3A_105 = arith.addi %mul3A_104, %mul3A_85 : i32
    "tpu.region"() ({
      %run_scoped3A = tpu.sem_alloc : memref<!tpu.dma_semaphore, #tpu.memory_space<semaphore_mem>>
      %dma_start3A = arith.constant 37632 : i32
      %dma_start3A_119 = tpu.memref_slice %arg5[%dma_start3A] : memref<50176xf32, #tpu.memory_space<vmem>> -> memref<12544xf32, #tpu.memory_space<vmem>>
      %dma_start3A_120 = tpu.memref_slice %arg8[%add3A_105] : memref<802816xf32, #tpu.memory_space<vmem_shared>> -> memref<12544xf32, #tpu.memory_space<vmem_shared>>
      %dma_start3A_121 = arith.constant 37632 : i32
      %dma_start3A_122 = tpu.memref_slice %arg5[%dma_start3A_121] : memref<50176xf32, #tpu.memory_space<vmem>> -> memref<12544xf32, #tpu.memory_space<vmem>>
      %dma_start3A_123 = tpu.memref_slice %arg8[%add3A_105] : memref<802816xf32, #tpu.memory_space<vmem_shared>> -> memref<12544xf32, #tpu.memory_space<vmem_shared>>
      tpu.enqueue_dma source(%dma_start3A_123 : memref<12544xf32, #tpu.memory_space<vmem_shared>>) target(%dma_start3A_122 : memref<12544xf32, #tpu.memory_space<vmem>>) target_semaphore(%run_scoped3A : memref<!tpu.dma_semaphore, #tpu.memory_space<semaphore_mem>>)
      %dma_wait3A = arith.constant 37632 : i32
      %dma_wait3A_124 = tpu.memref_slice %arg5[%dma_wait3A] : memref<50176xf32, #tpu.memory_space<vmem>> -> memref<12544xf32, #tpu.memory_space<vmem>>
      %dma_wait3A_125 = tpu.memref_slice %arg8[%add3A_105] : memref<802816xf32, #tpu.memory_space<vmem_shared>> -> memref<12544xf32, #tpu.memory_space<vmem_shared>>
      %dma_wait3A_126 = arith.constant 37632 : i32
      %dma_wait3A_127 = tpu.memref_slice %arg5[%dma_wait3A_126] : memref<50176xf32, #tpu.memory_space<vmem>> -> memref<12544xf32, #tpu.memory_space<vmem>>
      %dma_wait3A_128 = tpu.memref_slice %arg8[%add3A_105] : memref<802816xf32, #tpu.memory_space<vmem_shared>> -> memref<12544xf32, #tpu.memory_space<vmem_shared>>
      tpu.wait_dma2 semaphore(%run_scoped3A : memref<!tpu.dma_semaphore, #tpu.memory_space<semaphore_mem>>) src(%dma_wait3A_128 : memref<12544xf32, #tpu.memory_space<vmem_shared>>) dst(%dma_wait3A_127 : memref<12544xf32, #tpu.memory_space<vmem>>)
      tpu.yield
    }) : () -> ()
    %scan3A_106 = arith.constant 0 : i32
    %scan3A_107 = arith.constant 784 : i32
    %scan3A_108 = arith.addi %scan3A_106, %scan3A_107 : i32
    %scan3A_109 = arith.constant 4 : i32
    scf.for %scan3A_119 = %scan3A_106 to %scan3A_108 step %scan3A_109  : i32 {
      %mul3A_120 = arith.constant 1 : i32
      %mul3A_121 = arith.muli %scan3A_119, %mul3A_120 : i32
      %add3A_122 = arith.constant 0 : i32
      %add3A_123 = arith.addi %add3A_122, %mul3A_121 : i32
      %mul3A_124 = arith.constant 16 : i32
      %mul3A_125 = arith.muli %add3A_123, %mul3A_124 : i32
      %get3A = arith.index_cast %mul3A_125 : i32 to index
      %get3A_126 = tpu.vector_load %arg5[%get3A] {strides = array<i32>} : memref<50176xf32, #tpu.memory_space<vmem>>, vector<16xf32>,
      %mul3A_127 = arith.constant 16 : i32
      %mul3A_128 = arith.muli %add3A_123, %mul3A_127 : i32
      %add3A_129 = arith.constant 12544 : i32
      %add3A_130 = arith.addi %add3A_129, %mul3A_128 : i32
      %get3A_131 = arith.index_cast %add3A_130 : i32 to index
      %get3A_132 = tpu.vector_load %arg5[%get3A_131] {strides = array<i32>} : memref<50176xf32, #tpu.memory_space<vmem>>, vector<16xf32>,
      %add3A_133 = arith.addf %get3A_126, %get3A_132 : vector<16xf32>
      %mul3A_134 = arith.constant 16 : i32
      %mul3A_135 = arith.muli %add3A_123, %mul3A_134 : i32
      %add3A_136 = arith.constant 25088 : i32
      %add3A_137 = arith.addi %add3A_136, %mul3A_135 : i32
      %get3A_138 = arith.index_cast %add3A_137 : i32 to index
      %get3A_139 = tpu.vector_load %arg5[%get3A_138] {strides = array<i32>} : memref<50176xf32, #tpu.memory_space<vmem>>, vector<16xf32>,
      %add3A_140 = arith.addf %add3A_133, %get3A_139 : vector<16xf32>
      %mul3A_141 = arith.constant 16 : i32
      %mul3A_142 = arith.muli %add3A_123, %mul3A_141 : i32
      %add3A_143 = arith.constant 37632 : i32
      %add3A_144 = arith.addi %add3A_143, %mul3A_142 : i32
      %get3A_145 = arith.index_cast %add3A_144 : i32 to index
      %get3A_146 = tpu.vector_load %arg5[%get3A_145] {strides = array<i32>} : memref<50176xf32, #tpu.memory_space<vmem>>, vector<16xf32>,
      %add3A_147 = arith.addf %add3A_140, %get3A_146 : vector<16xf32>
      %mul3A_148 = arith.constant 16 : i32
      %mul3A_149 = arith.muli %add3A_123, %mul3A_148 : i32
      %swap3A = arith.index_cast %mul3A_149 : i32 to index
      %swap3A_150 = tpu.vector_load %arg5[%swap3A] {strides = array<i32>} : memref<50176xf32, #tpu.memory_space<vmem>>, vector<16xf32>,
      tpu.vector_store %arg5[%swap3A], %add3A_147 {strides = array<i32>} : memref<50176xf32, #tpu.memory_space<vmem>>, vector<16xf32>,
      %scan3A_151 = arith.constant 1 : i32
      %scan3A_152 = arith.addi %scan3A_119, %scan3A_151 : i32
      %mul3A_153 = arith.constant 1 : i32
      %mul3A_154 = arith.muli %scan3A_152, %mul3A_153 : i32
      %add3A_155 = arith.constant 0 : i32
      %add3A_156 = arith.addi %add3A_155, %mul3A_154 : i32
      %mul3A_157 = arith.constant 16 : i32
      %mul3A_158 = arith.muli %add3A_156, %mul3A_157 : i32
      %get3A_159 = arith.index_cast %mul3A_158 : i32 to index
      %get3A_160 = tpu.vector_load %arg5[%get3A_159] {strides = array<i32>} : memref<50176xf32, #tpu.memory_space<vmem>>, vector<16xf32>,
      %mul3A_161 = arith.constant 16 : i32
      %mul3A_162 = arith.muli %add3A_156, %mul3A_161 : i32
      %add3A_163 = arith.constant 12544 : i32
      %add3A_164 = arith.addi %add3A_163, %mul3A_162 : i32
      %get3A_165 = arith.index_cast %add3A_164 : i32 to index
      %get3A_166 = tpu.vector_load %arg5[%get3A_165] {strides = array<i32>} : memref<50176xf32, #tpu.memory_space<vmem>>, vector<16xf32>,
      %add3A_167 = arith.addf %get3A_160, %get3A_166 : vector<16xf32>
      %mul3A_168 = arith.constant 16 : i32
      %mul3A_169 = arith.muli %add3A_156, %mul3A_168 : i32
      %add3A_170 = arith.constant 25088 : i32
      %add3A_171 = arith.addi %add3A_170, %mul3A_169 : i32
      %get3A_172 = arith.index_cast %add3A_171 : i32 to index
      %get3A_173 = tpu.vector_load %arg5[%get3A_172] {strides = array<i32>} : memref<50176xf32, #tpu.memory_space<vmem>>, vector<16xf32>,
      %add3A_174 = arith.addf %add3A_167, %get3A_173 : vector<16xf32>
      %mul3A_175 = arith.constant 16 : i32
      %mul3A_176 = arith.muli %add3A_156, %mul3A_175 : i32
      %add3A_177 = arith.constant 37632 : i32
      %add3A_178 = arith.addi %add3A_177, %mul3A_176 : i32
      %get3A_179 = arith.index_cast %add3A_178 : i32 to index
      %get3A_180 = tpu.vector_load %arg5[%get3A_179] {strides = array<i32>} : memref<50176xf32, #tpu.memory_space<vmem>>, vector<16xf32>,
      %add3A_181 = arith.addf %add3A_174, %get3A_180 : vector<16xf32>
      %mul3A_182 = arith.constant 16 : i32
      %mul3A_183 = arith.muli %add3A_156, %mul3A_182 : i32
      %swap3A_184 = arith.index_cast %mul3A_183 : i32 to index
      %swap3A_185 = tpu.vector_load %arg5[%swap3A_184] {strides = array<i32>} : memref<50176xf32, #tpu.memory_space<vmem>>, vector<16xf32>,
      tpu.vector_store %arg5[%swap3A_184], %add3A_181 {strides = array<i32>} : memref<50176xf32, #tpu.memory_space<vmem>>, vector<16xf32>,
      %scan3A_186 = arith.constant 2 : i32
      %scan3A_187 = arith.addi %scan3A_119, %scan3A_186 : i32
      %mul3A_188 = arith.constant 1 : i32
      %mul3A_189 = arith.muli %scan3A_187, %mul3A_188 : i32
      %add3A_190 = arith.constant 0 : i32
      %add3A_191 = arith.addi %add3A_190, %mul3A_189 : i32
      %mul3A_192 = arith.constant 16 : i32
      %mul3A_193 = arith.muli %add3A_191, %mul3A_192 : i32
      %get3A_194 = arith.index_cast %mul3A_193 : i32 to index
      %get3A_195 = tpu.vector_load %arg5[%get3A_194] {strides = array<i32>} : memref<50176xf32, #tpu.memory_space<vmem>>, vector<16xf32>,
      %mul3A_196 = arith.constant 16 : i32
      %mul3A_197 = arith.muli %add3A_191, %mul3A_196 : i32
      %add3A_198 = arith.constant 12544 : i32
      %add3A_199 = arith.addi %add3A_198, %mul3A_197 : i32
      %get3A_200 = arith.index_cast %add3A_199 : i32 to index
      %get3A_201 = tpu.vector_load %arg5[%get3A_200] {strides = array<i32>} : memref<50176xf32, #tpu.memory_space<vmem>>, vector<16xf32>,
      %add3A_202 = arith.addf %get3A_195, %get3A_201 : vector<16xf32>
      %mul3A_203 = arith.constant 16 : i32
      %mul3A_204 = arith.muli %add3A_191, %mul3A_203 : i32
      %add3A_205 = arith.constant 25088 : i32
      %add3A_206 = arith.addi %add3A_205, %mul3A_204 : i32
      %get3A_207 = arith.index_cast %add3A_206 : i32 to index
      %get3A_208 = tpu.vector_load %arg5[%get3A_207] {strides = array<i32>} : memref<50176xf32, #tpu.memory_space<vmem>>, vector<16xf32>,
      %add3A_209 = arith.addf %add3A_202, %get3A_208 : vector<16xf32>
      %mul3A_210 = arith.constant 16 : i32
      %mul3A_211 = arith.muli %add3A_191, %mul3A_210 : i32
      %add3A_212 = arith.constant 37632 : i32
      %add3A_213 = arith.addi %add3A_212, %mul3A_211 : i32
      %get3A_214 = arith.index_cast %add3A_213 : i32 to index
      %get3A_215 = tpu.vector_load %arg5[%get3A_214] {strides = array<i32>} : memref<50176xf32, #tpu.memory_space<vmem>>, vector<16xf32>,
      %add3A_216 = arith.addf %add3A_209, %get3A_215 : vector<16xf32>
      %mul3A_217 = arith.constant 16 : i32
      %mul3A_218 = arith.muli %add3A_191, %mul3A_217 : i32
      %swap3A_219 = arith.index_cast %mul3A_218 : i32 to index
      %swap3A_220 = tpu.vector_load %arg5[%swap3A_219] {strides = array<i32>} : memref<50176xf32, #tpu.memory_space<vmem>>, vector<16xf32>,
      tpu.vector_store %arg5[%swap3A_219], %add3A_216 {strides = array<i32>} : memref<50176xf32, #tpu.memory_space<vmem>>, vector<16xf32>,
      %scan3A_221 = arith.constant 3 : i32
      %scan3A_222 = arith.addi %scan3A_119, %scan3A_221 : i32
      %mul3A_223 = arith.constant 1 : i32
      %mul3A_224 = arith.muli %scan3A_222, %mul3A_223 : i32
      %add3A_225 = arith.constant 0 : i32
      %add3A_226 = arith.addi %add3A_225, %mul3A_224 : i32
      %mul3A_227 = arith.constant 16 : i32
      %mul3A_228 = arith.muli %add3A_226, %mul3A_227 : i32
      %get3A_229 = arith.index_cast %mul3A_228 : i32 to index
      %get3A_230 = tpu.vector_load %arg5[%get3A_229] {strides = array<i32>} : memref<50176xf32, #tpu.memory_space<vmem>>, vector<16xf32>,
      %mul3A_231 = arith.constant 16 : i32
      %mul3A_232 = arith.muli %add3A_226, %mul3A_231 : i32
      %add3A_233 = arith.constant 12544 : i32
      %add3A_234 = arith.addi %add3A_233, %mul3A_232 : i32
      %get3A_235 = arith.index_cast %add3A_234 : i32 to index
      %get3A_236 = tpu.vector_load %arg5[%get3A_235] {strides = array<i32>} : memref<50176xf32, #tpu.memory_space<vmem>>, vector<16xf32>,
      %add3A_237 = arith.addf %get3A_230, %get3A_236 : vector<16xf32>
      %mul3A_238 = arith.constant 16 : i32
      %mul3A_239 = arith.muli %add3A_226, %mul3A_238 : i32
      %add3A_240 = arith.constant 25088 : i32
      %add3A_241 = arith.addi %add3A_240, %mul3A_239 : i32
      %get3A_242 = arith.index_cast %add3A_241 : i32 to index
      %get3A_243 = tpu.vector_load %arg5[%get3A_242] {strides = array<i32>} : memref<50176xf32, #tpu.memory_space<vmem>>, vector<16xf32>,
      %add3A_244 = arith.addf %add3A_237, %get3A_243 : vector<16xf32>
      %mul3A_245 = arith.constant 16 : i32
      %mul3A_246 = arith.muli %add3A_226, %mul3A_245 : i32
      %add3A_247 = arith.constant 37632 : i32
      %add3A_248 = arith.addi %add3A_247, %mul3A_246 : i32
      %get3A_249 = arith.index_cast %add3A_248 : i32 to index
      %get3A_250 = tpu.vector_load %arg5[%get3A_249] {strides = array<i32>} : memref<50176xf32, #tpu.memory_space<vmem>>, vector<16xf32>,
      %add3A_251 = arith.addf %add3A_244, %get3A_250 : vector<16xf32>
      %mul3A_252 = arith.constant 16 : i32
      %mul3A_253 = arith.muli %add3A_226, %mul3A_252 : i32
      %swap3A_254 = arith.index_cast %mul3A_253 : i32 to index
      %swap3A_255 = tpu.vector_load %arg5[%swap3A_254] {strides = array<i32>} : memref<50176xf32, #tpu.memory_space<vmem>>, vector<16xf32>,
      tpu.vector_store %arg5[%swap3A_254], %add3A_251 {strides = array<i32>} : memref<50176xf32, #tpu.memory_space<vmem>>, vector<16xf32>,
    }
    %scan3A_110 = arith.constant 784 : i32
    %mul3A_111 = arith.constant 4 : i32
    %mul3A_112 = arith.muli %arg0, %mul3A_111 : i32
    %mul3A_113 = arith.constant 50176 : i32
    %mul3A_114 = arith.muli %mul3A_112, %mul3A_113 : i32
    %mul3A_115 = arith.constant 50176 : i32
    %mul3A_116 = arith.muli %select_n3A_59, %mul3A_115 : i32
    %add3A_117 = arith.addi %mul3A_114, %mul3A_116 : i32
    %add3A_118 = arith.addi %add3A_117, %mul3A_85 : i32
    "tpu.region"() ({
      %run_scoped3A = tpu.sem_alloc : memref<!tpu.dma_semaphore, #tpu.memory_space<semaphore_mem>>
      %dma_start3A = arith.constant 0 : i32
      %dma_start3A_119 = tpu.memref_slice %arg5[%dma_start3A] : memref<50176xf32, #tpu.memory_space<vmem>> -> memref<12544xf32, #tpu.memory_space<vmem>>
      %dma_start3A_120 = tpu.memref_slice %arg4[%add3A_118] : memref<401408xf32, #tpu.memory_space<hbm>> -> memref<12544xf32, #tpu.memory_space<hbm>>
      %dma_start3A_121 = tpu.memref_slice %arg4[%add3A_118] : memref<401408xf32, #tpu.memory_space<hbm>> -> memref<12544xf32, #tpu.memory_space<hbm>>
      %dma_start3A_122 = arith.constant 0 : i32
      %dma_start3A_123 = tpu.memref_slice %arg5[%dma_start3A_122] : memref<50176xf32, #tpu.memory_space<vmem>> -> memref<12544xf32, #tpu.memory_space<vmem>>
      tpu.enqueue_dma source(%dma_start3A_123 : memref<12544xf32, #tpu.memory_space<vmem>>) target(%dma_start3A_121 : memref<12544xf32, #tpu.memory_space<hbm>>) target_semaphore(%run_scoped3A : memref<!tpu.dma_semaphore, #tpu.memory_space<semaphore_mem>>)
      %dma_wait3A = arith.constant 0 : i32
      %dma_wait3A_124 = tpu.memref_slice %arg5[%dma_wait3A] : memref<50176xf32, #tpu.memory_space<vmem>> -> memref<12544xf32, #tpu.memory_space<vmem>>
      %dma_wait3A_125 = tpu.memref_slice %arg4[%add3A_118] : memref<401408xf32, #tpu.memory_space<hbm>> -> memref<12544xf32, #tpu.memory_space<hbm>>
      %dma_wait3A_126 = tpu.memref_slice %arg4[%add3A_118] : memref<401408xf32, #tpu.memory_space<hbm>> -> memref<12544xf32, #tpu.memory_space<hbm>>
      %dma_wait3A_127 = arith.constant 0 : i32
      %dma_wait3A_128 = tpu.memref_slice %arg5[%dma_wait3A_127] : memref<50176xf32, #tpu.memory_space<vmem>> -> memref<12544xf32, #tpu.memory_space<vmem>>
      tpu.wait_dma2 semaphore(%run_scoped3A : memref<!tpu.dma_semaphore, #tpu.memory_space<semaphore_mem>>) src(%dma_wait3A_128 : memref<12544xf32, #tpu.memory_space<vmem>>) dst(%dma_wait3A_126 : memref<12544xf32, #tpu.memory_space<hbm>>)
      tpu.yield
    }) : () -> ()
    return
  }
}

#map = affine_map<(d0, d1) -> (0)>
module attributes {stable_mosaic.version = 14 : i64} {
  func.func @k(%arg0: i32, %arg1: i32, %arg2: memref<401408xf32, #tpu.memory_space<hbm>>, %arg3: memref<1600000xi32, #tpu.memory_space<hbm>>, %arg4: memref<1600000xi32, #tpu.memory_space<hbm>>, %arg5: memref<22421504xf32, #tpu.memory_space<hbm>>, %arg6: memref<50176xf32, #tpu.memory_space<vmem>>, %arg7: memref<32000xi32, #tpu.memory_space<vmem>>, %arg8: memref<32000xf32, #tpu.memory_space<vmem>>) attributes {dimension_semantics = [#tpu.dimension_semantics<core_parallel>, #tpu.dimension_semantics<subcore_parallel>], iteration_bounds = array<i64: 2, 16>, scalar_prefetch = 0 : i64, scratch_operands = 3 : i64, tpu.core_type = #tpu.core_type<sc_vector_subcore>, window_params = [{transform_indices = #map}, {transform_indices = #map}, {transform_indices = #map}, {transform_indices = #map}]} {
    %mul3A = arith.constant 2 : i32
    %mul3A_0 = arith.muli %arg1, %mul3A : i32
    %add3A = arith.addi %mul3A_0, %arg0 : i32
    %jit3A = arith.constant 7 : i32
    %eq3A = arith.constant 0 : i32
    %eq3A_1 = arith.cmpi eq, %jit3A, %eq3A : i32
    %jit3A_2 = arith.constant 1 : i32
    %select_n3A = arith.select %eq3A_1, %jit3A_2, %jit3A : i32
    %rem3A = arith.remsi %add3A, %select_n3A : i32
    %ne3A = arith.constant 0 : i32
    %ne3A_3 = arith.cmpi ne, %rem3A, %ne3A : i32
    %lt3A = arith.constant 0 : i32
    %lt3A_4 = arith.cmpi slt, %rem3A, %lt3A : i32
    %lt3A_5 = arith.constant 0 : i32
    %lt3A_6 = arith.cmpi slt, %select_n3A, %lt3A_5 : i32
    %ne3A_7 = arith.xori %lt3A_4, %lt3A_6 : i1
    %and3A = arith.andi %ne3A_7, %ne3A_3 : i1
    %add3A_8 = arith.addi %rem3A, %select_n3A : i32
    %select_n3A_9 = arith.select %and3A, %add3A_8, %rem3A : i32
    %jit3A_10 = arith.constant 7 : i32
    %div3A = arith.divsi %add3A, %jit3A_10 : i32
    %sign3A = arith.constant 0 : i32
    %sign3A_11 = arith.cmpi sgt, %add3A, %sign3A : i32
    %sign3A_12 = arith.extui %sign3A_11 : i1 to i32
    %sign3A_13 = arith.constant 0 : i32
    %sign3A_14 = arith.cmpi slt, %add3A, %sign3A_13 : i32
    %sign3A_15 = arith.extui %sign3A_14 : i1 to i32
    %sign3A_16 = arith.subi %sign3A_12, %sign3A_15 : i32
    %sign3A_17 = arith.constant 0 : i32
    %sign3A_18 = arith.cmpi sgt, %jit3A_10, %sign3A_17 : i32
    %sign3A_19 = arith.extui %sign3A_18 : i1 to i32
    %sign3A_20 = arith.constant 0 : i32
    %sign3A_21 = arith.cmpi slt, %jit3A_10, %sign3A_20 : i32
    %sign3A_22 = arith.extui %sign3A_21 : i1 to i32
    %sign3A_23 = arith.subi %sign3A_19, %sign3A_22 : i32
    %ne3A_24 = arith.cmpi ne, %sign3A_16, %sign3A_23 : i32
    %rem3A_25 = arith.remsi %add3A, %jit3A_10 : i32
    %ne3A_26 = arith.constant 0 : i32
    %ne3A_27 = arith.cmpi ne, %rem3A_25, %ne3A_26 : i32
    %and3A_28 = arith.andi %ne3A_24, %ne3A_27 : i1
    %sub3A = arith.constant 1 : i32
    %sub3A_29 = arith.subi %div3A, %sub3A : i32
    %select_n3A_30 = arith.select %and3A_28, %sub3A_29, %div3A : i32
    %jit3A_31 = arith.constant 2 : i32
    %eq3A_32 = arith.constant 0 : i32
    %eq3A_33 = arith.cmpi eq, %jit3A_31, %eq3A_32 : i32
    %jit3A_34 = arith.constant 1 : i32
    %select_n3A_35 = arith.select %eq3A_33, %jit3A_34, %jit3A_31 : i32
    %rem3A_36 = arith.remsi %select_n3A_30, %select_n3A_35 : i32
    %ne3A_37 = arith.constant 0 : i32
    %ne3A_38 = arith.cmpi ne, %rem3A_36, %ne3A_37 : i32
    %lt3A_39 = arith.constant 0 : i32
    %lt3A_40 = arith.cmpi slt, %rem3A_36, %lt3A_39 : i32
    %lt3A_41 = arith.constant 0 : i32
    %lt3A_42 = arith.cmpi slt, %select_n3A_35, %lt3A_41 : i32
    %ne3A_43 = arith.xori %lt3A_40, %lt3A_42 : i1
    %and3A_44 = arith.andi %ne3A_43, %ne3A_38 : i1
    %add3A_45 = arith.addi %rem3A_36, %select_n3A_35 : i32
    %select_n3A_46 = arith.select %and3A_44, %add3A_45, %rem3A_36 : i32
    %jit3A_47 = arith.constant 14 : i32
    %div3A_48 = arith.divsi %add3A, %jit3A_47 : i32
    %sign3A_49 = arith.constant 0 : i32
    %sign3A_50 = arith.cmpi sgt, %add3A, %sign3A_49 : i32
    %sign3A_51 = arith.extui %sign3A_50 : i1 to i32
    %sign3A_52 = arith.constant 0 : i32
    %sign3A_53 = arith.cmpi slt, %add3A, %sign3A_52 : i32
    %sign3A_54 = arith.extui %sign3A_53 : i1 to i32
    %sign3A_55 = arith.subi %sign3A_51, %sign3A_54 : i32
    %sign3A_56 = arith.constant 0 : i32
    %sign3A_57 = arith.cmpi sgt, %jit3A_47, %sign3A_56 : i32
    %sign3A_58 = arith.extui %sign3A_57 : i1 to i32
    %sign3A_59 = arith.constant 0 : i32
    %sign3A_60 = arith.cmpi slt, %jit3A_47, %sign3A_59 : i32
    %sign3A_61 = arith.extui %sign3A_60 : i1 to i32
    %sign3A_62 = arith.subi %sign3A_58, %sign3A_61 : i32
    %ne3A_63 = arith.cmpi ne, %sign3A_55, %sign3A_62 : i32
    %rem3A_64 = arith.remsi %add3A, %jit3A_47 : i32
    %ne3A_65 = arith.constant 0 : i32
    %ne3A_66 = arith.cmpi ne, %rem3A_64, %ne3A_65 : i32
    %and3A_67 = arith.andi %ne3A_63, %ne3A_66 : i1
    %sub3A_68 = arith.constant 1 : i32
    %sub3A_69 = arith.subi %div3A_48, %sub3A_68 : i32
    %select_n3A_70 = arith.select %and3A_67, %sub3A_69, %div3A_48 : i32
    %lt3A_71 = arith.constant 28 : i32
    %lt3A_72 = arith.cmpi slt, %add3A, %lt3A_71 : i32
    %convert_element_type3A = arith.extui %lt3A_72 : i1 to i32
    %cond3A = arith.constant 0 : i32
    %cond3A_73 = arith.cmpi ne, %convert_element_type3A, %cond3A : i32
    scf.if %cond3A_73 {
      %mul3A_74 = arith.constant 50176 : i32
      %mul3A_75 = arith.muli %select_n3A_9, %mul3A_74 : i32
      "tpu.region"() ({
        %run_scoped3A = tpu.sem_alloc : memref<!tpu.dma_semaphore, #tpu.memory_space<semaphore_mem>>
        %dma_start3A = tpu.memref_slice %arg2[%mul3A_75] : memref<401408xf32, #tpu.memory_space<hbm>> -> memref<50176xf32, #tpu.memory_space<hbm>>
        %dma_start3A_85 = tpu.memref_slice %arg2[%mul3A_75] : memref<401408xf32, #tpu.memory_space<hbm>> -> memref<50176xf32, #tpu.memory_space<hbm>>
        tpu.enqueue_dma source(%dma_start3A_85 : memref<50176xf32, #tpu.memory_space<hbm>>) target(%arg6 : memref<50176xf32, #tpu.memory_space<vmem>>) target_semaphore(%run_scoped3A : memref<!tpu.dma_semaphore, #tpu.memory_space<semaphore_mem>>)
        %dma_wait3A = tpu.memref_slice %arg2[%mul3A_75] : memref<401408xf32, #tpu.memory_space<hbm>> -> memref<50176xf32, #tpu.memory_space<hbm>>
        %dma_wait3A_86 = tpu.memref_slice %arg2[%mul3A_75] : memref<401408xf32, #tpu.memory_space<hbm>> -> memref<50176xf32, #tpu.memory_space<hbm>>
        tpu.wait_dma2 semaphore(%run_scoped3A : memref<!tpu.dma_semaphore, #tpu.memory_space<semaphore_mem>>) src(%dma_wait3A_86 : memref<50176xf32, #tpu.memory_space<hbm>>) dst(%arg6 : memref<50176xf32, #tpu.memory_space<vmem>>)
        tpu.yield
      }) : () -> ()
      %mul3A_76 = arith.constant 7 : i32
      %mul3A_77 = arith.muli %mul3A_76, %select_n3A_46 : i32
      %add3A_78 = arith.addi %select_n3A_9, %mul3A_77 : i32
      %mul3A_79 = arith.constant 800000 : i32
      %mul3A_80 = arith.muli %select_n3A_70, %mul3A_79 : i32
      %scan3A = arith.constant 0 : i32
      %scan3A_81 = arith.constant 25 : i32
      %scan3A_82 = arith.addi %scan3A, %scan3A_81 : i32
      %scan3A_83 = arith.constant 1 : i32
      scf.for %scan3A_85 = %scan3A to %scan3A_82 step %scan3A_83  : i32 {
        %mul3A_86 = arith.constant 1 : i32
        %mul3A_87 = arith.muli %scan3A_85, %mul3A_86 : i32
        %add3A_88 = arith.constant 0 : i32
        %add3A_89 = arith.addi %add3A_88, %mul3A_87 : i32
        %mul3A_90 = arith.constant 32000 : i32
        %mul3A_91 = arith.muli %add3A_89, %mul3A_90 : i32
        %add3A_92 = arith.addi %mul3A_80, %mul3A_91 : i32
        %eq3A_93 = arith.constant 0 : i32
        %eq3A_94 = arith.cmpi eq, %select_n3A_46, %eq3A_93 : i32
        %convert_element_type3A_95 = arith.extui %eq3A_94 : i1 to i32
        %cond3A_96 = arith.constant 0 : i32
        %cond3A_97 = arith.cmpi ne, %convert_element_type3A_95, %cond3A_96 : i32
        scf.if %cond3A_97 {
          "tpu.region"() ({
            %run_scoped3A = tpu.sem_alloc : memref<!tpu.dma_semaphore, #tpu.memory_space<semaphore_mem>>
            %dma_start3A = tpu.memref_slice %arg3[%add3A_92] : memref<1600000xi32, #tpu.memory_space<hbm>> -> memref<32000xi32, #tpu.memory_space<hbm>>
            %dma_start3A_108 = tpu.memref_slice %arg3[%add3A_92] : memref<1600000xi32, #tpu.memory_space<hbm>> -> memref<32000xi32, #tpu.memory_space<hbm>>
            tpu.enqueue_dma source(%dma_start3A_108 : memref<32000xi32, #tpu.memory_space<hbm>>) target(%arg7 : memref<32000xi32, #tpu.memory_space<vmem>>) target_semaphore(%run_scoped3A : memref<!tpu.dma_semaphore, #tpu.memory_space<semaphore_mem>>)
            %dma_wait3A = tpu.memref_slice %arg3[%add3A_92] : memref<1600000xi32, #tpu.memory_space<hbm>> -> memref<32000xi32, #tpu.memory_space<hbm>>
            %dma_wait3A_109 = tpu.memref_slice %arg3[%add3A_92] : memref<1600000xi32, #tpu.memory_space<hbm>> -> memref<32000xi32, #tpu.memory_space<hbm>>
            tpu.wait_dma2 semaphore(%run_scoped3A : memref<!tpu.dma_semaphore, #tpu.memory_space<semaphore_mem>>) src(%dma_wait3A_109 : memref<32000xi32, #tpu.memory_space<hbm>>) dst(%arg7 : memref<32000xi32, #tpu.memory_space<vmem>>)
            tpu.yield
          }) : () -> ()
        } else {
        }
        %eq3A_98 = arith.constant 1 : i32
        %eq3A_99 = arith.cmpi eq, %select_n3A_46, %eq3A_98 : i32
        %convert_element_type3A_100 = arith.extui %eq3A_99 : i1 to i32
        %cond3A_101 = arith.constant 0 : i32
        %cond3A_102 = arith.cmpi ne, %convert_element_type3A_100, %cond3A_101 : i32
        scf.if %cond3A_102 {
          "tpu.region"() ({
            %run_scoped3A = tpu.sem_alloc : memref<!tpu.dma_semaphore, #tpu.memory_space<semaphore_mem>>
            %dma_start3A = tpu.memref_slice %arg4[%add3A_92] : memref<1600000xi32, #tpu.memory_space<hbm>> -> memref<32000xi32, #tpu.memory_space<hbm>>
            %dma_start3A_108 = tpu.memref_slice %arg4[%add3A_92] : memref<1600000xi32, #tpu.memory_space<hbm>> -> memref<32000xi32, #tpu.memory_space<hbm>>
            tpu.enqueue_dma source(%dma_start3A_108 : memref<32000xi32, #tpu.memory_space<hbm>>) target(%arg7 : memref<32000xi32, #tpu.memory_space<vmem>>) target_semaphore(%run_scoped3A : memref<!tpu.dma_semaphore, #tpu.memory_space<semaphore_mem>>)
            %dma_wait3A = tpu.memref_slice %arg4[%add3A_92] : memref<1600000xi32, #tpu.memory_space<hbm>> -> memref<32000xi32, #tpu.memory_space<hbm>>
            %dma_wait3A_109 = tpu.memref_slice %arg4[%add3A_92] : memref<1600000xi32, #tpu.memory_space<hbm>> -> memref<32000xi32, #tpu.memory_space<hbm>>
            tpu.wait_dma2 semaphore(%run_scoped3A : memref<!tpu.dma_semaphore, #tpu.memory_space<semaphore_mem>>) src(%dma_wait3A_109 : memref<32000xi32, #tpu.memory_space<hbm>>) dst(%arg7 : memref<32000xi32, #tpu.memory_space<vmem>>)
            tpu.yield
          }) : () -> ()
        } else {
        }
        %parallel_loop3A = arith.constant 0 : i32
        %parallel_loop3A_103 = arith.constant 2000 : i32
        %parallel_loop3A_104 = arith.constant 1 : i32
        scf.for %parallel_loop3A_108 = %parallel_loop3A to %parallel_loop3A_103 step %parallel_loop3A_104  : i32 {
          %parallel_loop3A_109 = arith.constant 16 : i32
          %parallel_loop3A_110 = arith.muli %parallel_loop3A_108, %parallel_loop3A_109 : i32
          %parallel_loop3A_111 = arith.index_cast %parallel_loop3A_110 : i32 to index
          %parallel_loop3A_112 = tpu.vector_load %arg7[%parallel_loop3A_111] {strides = array<i32>} : memref<32000xi32, #tpu.memory_space<vmem>>, vector<16xi32>,
          %parallel_loop3A_113 = tpu.vector_load_idx %arg6[%parallel_loop3A_112] : memref<50176xf32, #tpu.memory_space<vmem>>[vector<16xi32>], vector<16xf32>,
          %parallel_loop3A_114 = arith.constant 16 : i32
          %parallel_loop3A_115 = arith.muli %parallel_loop3A_108, %parallel_loop3A_114 : i32
          %parallel_loop3A_116 = arith.index_cast %parallel_loop3A_115 : i32 to index
          %parallel_loop3A_117 = tpu.vector_load %arg8[%parallel_loop3A_116] {strides = array<i32>} : memref<32000xf32, #tpu.memory_space<vmem>>, vector<16xf32>,
          tpu.vector_store %arg8[%parallel_loop3A_116], %parallel_loop3A_113 {strides = array<i32>} : memref<32000xf32, #tpu.memory_space<vmem>>, vector<16xf32>,
        } {sc.loop_unroll_factor = 8 : i64, sc.parallel_access}
        %mul3A_105 = arith.constant 1601536 : i32
        %mul3A_106 = arith.muli %add3A_78, %mul3A_105 : i32
        %add3A_107 = arith.addi %mul3A_106, %add3A_92 : i32
        "tpu.region"() ({
          %run_scoped3A = tpu.sem_alloc : memref<!tpu.dma_semaphore, #tpu.memory_space<semaphore_mem>>
          %dma_start3A = tpu.memref_slice %arg5[%add3A_107] : memref<22421504xf32, #tpu.memory_space<hbm>> -> memref<32000xf32, #tpu.memory_space<hbm>>
          %dma_start3A_108 = tpu.memref_slice %arg5[%add3A_107] : memref<22421504xf32, #tpu.memory_space<hbm>> -> memref<32000xf32, #tpu.memory_space<hbm>>
          tpu.enqueue_dma source(%arg8 : memref<32000xf32, #tpu.memory_space<vmem>>) target(%dma_start3A_108 : memref<32000xf32, #tpu.memory_space<hbm>>) target_semaphore(%run_scoped3A : memref<!tpu.dma_semaphore, #tpu.memory_space<semaphore_mem>>)
          %dma_wait3A = tpu.memref_slice %arg5[%add3A_107] : memref<22421504xf32, #tpu.memory_space<hbm>> -> memref<32000xf32, #tpu.memory_space<hbm>>
          %dma_wait3A_109 = tpu.memref_slice %arg5[%add3A_107] : memref<22421504xf32, #tpu.memory_space<hbm>> -> memref<32000xf32, #tpu.memory_space<hbm>>
          tpu.wait_dma2 semaphore(%run_scoped3A : memref<!tpu.dma_semaphore, #tpu.memory_space<semaphore_mem>>) src(%arg8 : memref<32000xf32, #tpu.memory_space<vmem>>) dst(%dma_wait3A_109 : memref<32000xf32, #tpu.memory_space<hbm>>)
          tpu.yield
        }) : () -> ()
      }
      %scan3A_84 = arith.constant 25 : i32
    } else {
    }
    return
  }
}

#map = affine_map<(d0, d1) -> (0)>
module attributes {stable_mosaic.version = 14 : i64} {
  func.func @k(%arg0: i32, %arg1: i32, %arg2: memref<401408xf32, #tpu.memory_space<hbm>>, %arg3: memref<1600000xi32, #tpu.memory_space<hbm>>, %arg4: memref<1600000xi32, #tpu.memory_space<hbm>>, %arg5: memref<1600000xf32, #tpu.memory_space<hbm>>, %arg6: memref<50176xf32, #tpu.memory_space<vmem>>, %arg7: memref<50176xf32, #tpu.memory_space<vmem>>, %arg8: memref<10000xi32, #tpu.memory_space<vmem>>, %arg9: memref<10000xi32, #tpu.memory_space<vmem>>, %arg10: memref<10000xf32, #tpu.memory_space<vmem>>) attributes {dimension_semantics = [#tpu.dimension_semantics<core_parallel>, #tpu.dimension_semantics<subcore_parallel>], iteration_bounds = array<i64: 2, 16>, scalar_prefetch = 0 : i64, scratch_operands = 5 : i64, tpu.core_type = #tpu.core_type<sc_vector_subcore>, window_params = [{transform_indices = #map}, {transform_indices = #map}, {transform_indices = #map}, {transform_indices = #map}]} {
    %mul3A = arith.constant 16 : i32
    %mul3A_0 = arith.muli %arg0, %mul3A : i32
    %add3A = arith.addi %mul3A_0, %arg1 : i32
    %mul3A_1 = arith.constant 50000 : i32
    %mul3A_2 = arith.muli %add3A, %mul3A_1 : i32
    "tpu.region"() ({
      %run_scoped3A = tpu.sem_alloc : memref<!tpu.dma_semaphore, #tpu.memory_space<semaphore_mem>>
      %dma_start3A = arith.constant 0 : i32
      %dma_start3A_7 = tpu.memref_slice %arg2[%dma_start3A] : memref<401408xf32, #tpu.memory_space<hbm>> -> memref<50176xf32, #tpu.memory_space<hbm>>
      %dma_start3A_8 = arith.constant 0 : i32
      %dma_start3A_9 = tpu.memref_slice %arg2[%dma_start3A_8] : memref<401408xf32, #tpu.memory_space<hbm>> -> memref<50176xf32, #tpu.memory_space<hbm>>
      tpu.enqueue_dma source(%dma_start3A_9 : memref<50176xf32, #tpu.memory_space<hbm>>) target(%arg6 : memref<50176xf32, #tpu.memory_space<vmem>>) target_semaphore(%run_scoped3A : memref<!tpu.dma_semaphore, #tpu.memory_space<semaphore_mem>>)
      %dma_wait3A = arith.constant 0 : i32
      %dma_wait3A_10 = tpu.memref_slice %arg2[%dma_wait3A] : memref<401408xf32, #tpu.memory_space<hbm>> -> memref<50176xf32, #tpu.memory_space<hbm>>
      %dma_wait3A_11 = arith.constant 0 : i32
      %dma_wait3A_12 = tpu.memref_slice %arg2[%dma_wait3A_11] : memref<401408xf32, #tpu.memory_space<hbm>> -> memref<50176xf32, #tpu.memory_space<hbm>>
      tpu.wait_dma2 semaphore(%run_scoped3A : memref<!tpu.dma_semaphore, #tpu.memory_space<semaphore_mem>>) src(%dma_wait3A_12 : memref<50176xf32, #tpu.memory_space<hbm>>) dst(%arg6 : memref<50176xf32, #tpu.memory_space<vmem>>)
      tpu.yield
    }) : () -> ()
    "tpu.region"() ({
      %run_scoped3A = tpu.sem_alloc : memref<!tpu.dma_semaphore, #tpu.memory_space<semaphore_mem>>
      %dma_start3A = arith.constant 50176 : i32
      %dma_start3A_7 = tpu.memref_slice %arg2[%dma_start3A] : memref<401408xf32, #tpu.memory_space<hbm>> -> memref<50176xf32, #tpu.memory_space<hbm>>
      %dma_start3A_8 = arith.constant 50176 : i32
      %dma_start3A_9 = tpu.memref_slice %arg2[%dma_start3A_8] : memref<401408xf32, #tpu.memory_space<hbm>> -> memref<50176xf32, #tpu.memory_space<hbm>>
      tpu.enqueue_dma source(%dma_start3A_9 : memref<50176xf32, #tpu.memory_space<hbm>>) target(%arg7 : memref<50176xf32, #tpu.memory_space<vmem>>) target_semaphore(%run_scoped3A : memref<!tpu.dma_semaphore, #tpu.memory_space<semaphore_mem>>)
      %dma_wait3A = arith.constant 50176 : i32
      %dma_wait3A_10 = tpu.memref_slice %arg2[%dma_wait3A] : memref<401408xf32, #tpu.memory_space<hbm>> -> memref<50176xf32, #tpu.memory_space<hbm>>
      %dma_wait3A_11 = arith.constant 50176 : i32
      %dma_wait3A_12 = tpu.memref_slice %arg2[%dma_wait3A_11] : memref<401408xf32, #tpu.memory_space<hbm>> -> memref<50176xf32, #tpu.memory_space<hbm>>
      tpu.wait_dma2 semaphore(%run_scoped3A : memref<!tpu.dma_semaphore, #tpu.memory_space<semaphore_mem>>) src(%dma_wait3A_12 : memref<50176xf32, #tpu.memory_space<hbm>>) dst(%arg7 : memref<50176xf32, #tpu.memory_space<vmem>>)
      tpu.yield
    }) : () -> ()
    %scan3A = arith.constant 0 : i32
    %scan3A_3 = arith.constant 5 : i32
    %scan3A_4 = arith.addi %scan3A, %scan3A_3 : i32
    %scan3A_5 = arith.constant 1 : i32
    scf.for %scan3A_7 = %scan3A to %scan3A_4 step %scan3A_5  : i32 {
      %mul3A_8 = arith.constant 1 : i32
      %mul3A_9 = arith.muli %scan3A_7, %mul3A_8 : i32
      %add3A_10 = arith.constant 0 : i32
      %add3A_11 = arith.addi %add3A_10, %mul3A_9 : i32
      %mul3A_12 = arith.constant 10000 : i32
      %mul3A_13 = arith.muli %add3A_11, %mul3A_12 : i32
      %add3A_14 = arith.addi %mul3A_2, %mul3A_13 : i32
      "tpu.region"() ({
        %run_scoped3A = tpu.sem_alloc : memref<!tpu.dma_semaphore, #tpu.memory_space<semaphore_mem>>
        %dma_start3A = tpu.memref_slice %arg3[%add3A_14] : memref<1600000xi32, #tpu.memory_space<hbm>> -> memref<10000xi32, #tpu.memory_space<hbm>>
        %dma_start3A_17 = tpu.memref_slice %arg3[%add3A_14] : memref<1600000xi32, #tpu.memory_space<hbm>> -> memref<10000xi32, #tpu.memory_space<hbm>>
        tpu.enqueue_dma source(%dma_start3A_17 : memref<10000xi32, #tpu.memory_space<hbm>>) target(%arg8 : memref<10000xi32, #tpu.memory_space<vmem>>) target_semaphore(%run_scoped3A : memref<!tpu.dma_semaphore, #tpu.memory_space<semaphore_mem>>)
        %dma_wait3A = tpu.memref_slice %arg3[%add3A_14] : memref<1600000xi32, #tpu.memory_space<hbm>> -> memref<10000xi32, #tpu.memory_space<hbm>>
        %dma_wait3A_18 = tpu.memref_slice %arg3[%add3A_14] : memref<1600000xi32, #tpu.memory_space<hbm>> -> memref<10000xi32, #tpu.memory_space<hbm>>
        tpu.wait_dma2 semaphore(%run_scoped3A : memref<!tpu.dma_semaphore, #tpu.memory_space<semaphore_mem>>) src(%dma_wait3A_18 : memref<10000xi32, #tpu.memory_space<hbm>>) dst(%arg8 : memref<10000xi32, #tpu.memory_space<vmem>>)
        tpu.yield
      }) : () -> ()
      "tpu.region"() ({
        %run_scoped3A = tpu.sem_alloc : memref<!tpu.dma_semaphore, #tpu.memory_space<semaphore_mem>>
        %dma_start3A = tpu.memref_slice %arg4[%add3A_14] : memref<1600000xi32, #tpu.memory_space<hbm>> -> memref<10000xi32, #tpu.memory_space<hbm>>
        %dma_start3A_17 = tpu.memref_slice %arg4[%add3A_14] : memref<1600000xi32, #tpu.memory_space<hbm>> -> memref<10000xi32, #tpu.memory_space<hbm>>
        tpu.enqueue_dma source(%dma_start3A_17 : memref<10000xi32, #tpu.memory_space<hbm>>) target(%arg9 : memref<10000xi32, #tpu.memory_space<vmem>>) target_semaphore(%run_scoped3A : memref<!tpu.dma_semaphore, #tpu.memory_space<semaphore_mem>>)
        %dma_wait3A = tpu.memref_slice %arg4[%add3A_14] : memref<1600000xi32, #tpu.memory_space<hbm>> -> memref<10000xi32, #tpu.memory_space<hbm>>
        %dma_wait3A_18 = tpu.memref_slice %arg4[%add3A_14] : memref<1600000xi32, #tpu.memory_space<hbm>> -> memref<10000xi32, #tpu.memory_space<hbm>>
        tpu.wait_dma2 semaphore(%run_scoped3A : memref<!tpu.dma_semaphore, #tpu.memory_space<semaphore_mem>>) src(%dma_wait3A_18 : memref<10000xi32, #tpu.memory_space<hbm>>) dst(%arg9 : memref<10000xi32, #tpu.memory_space<vmem>>)
        tpu.yield
      }) : () -> ()
      %parallel_loop3A = arith.constant 0 : i32
      %parallel_loop3A_15 = arith.constant 625 : i32
      %parallel_loop3A_16 = arith.constant 1 : i32
      scf.for %parallel_loop3A_17 = %parallel_loop3A to %parallel_loop3A_15 step %parallel_loop3A_16  : i32 {
        %parallel_loop3A_18 = arith.constant 16 : i32
        %parallel_loop3A_19 = arith.muli %parallel_loop3A_17, %parallel_loop3A_18 : i32
        %parallel_loop3A_20 = arith.index_cast %parallel_loop3A_19 : i32 to index
        %parallel_loop3A_21 = tpu.vector_load %arg8[%parallel_loop3A_20] {strides = array<i32>} : memref<10000xi32, #tpu.memory_space<vmem>>, vector<16xi32>,
        %parallel_loop3A_22 = arith.constant 16 : i32
        %parallel_loop3A_23 = arith.muli %parallel_loop3A_17, %parallel_loop3A_22 : i32
        %parallel_loop3A_24 = arith.index_cast %parallel_loop3A_23 : i32 to index
        %parallel_loop3A_25 = tpu.vector_load %arg9[%parallel_loop3A_24] {strides = array<i32>} : memref<10000xi32, #tpu.memory_space<vmem>>, vector<16xi32>,
        %parallel_loop3A_26 = tpu.vector_load_idx %arg6[%parallel_loop3A_21] : memref<50176xf32, #tpu.memory_space<vmem>>[vector<16xi32>], vector<16xf32>,
        %parallel_loop3A_27 = tpu.vector_load_idx %arg7[%parallel_loop3A_21] : memref<50176xf32, #tpu.memory_space<vmem>>[vector<16xi32>], vector<16xf32>,
        %parallel_loop3A_28 = tpu.vector_load_idx %arg6[%parallel_loop3A_25] : memref<50176xf32, #tpu.memory_space<vmem>>[vector<16xi32>], vector<16xf32>,
        %parallel_loop3A_29 = tpu.vector_load_idx %arg7[%parallel_loop3A_25] : memref<50176xf32, #tpu.memory_space<vmem>>[vector<16xi32>], vector<16xf32>,
        %parallel_loop3A_30 = arith.subf %parallel_loop3A_26, %parallel_loop3A_28 : vector<16xf32>
        %parallel_loop3A_31 = arith.subf %parallel_loop3A_27, %parallel_loop3A_29 : vector<16xf32>
        %parallel_loop3A_32 = arith.mulf %parallel_loop3A_30, %parallel_loop3A_30 : vector<16xf32>
        %parallel_loop3A_33 = arith.mulf %parallel_loop3A_31, %parallel_loop3A_31 : vector<16xf32>
        %parallel_loop3A_34 = arith.addf %parallel_loop3A_32, %parallel_loop3A_33 : vector<16xf32>
        %parallel_loop3A_35 = arith.constant 9.99999997E-7 : f32
        %parallel_loop3A_36 = vector.broadcast %parallel_loop3A_35 : f32 to vector<16xf32>
        %parallel_loop3A_37 = arith.addf %parallel_loop3A_34, %parallel_loop3A_36 : vector<16xf32>
        %parallel_loop3A_38 = arith.constant 0.00999999977 : f32
        %parallel_loop3A_39 = vector.broadcast %parallel_loop3A_38 : f32 to vector<16xf32>
        %parallel_loop3A_40 = arith.cmpf olt, %parallel_loop3A_37, %parallel_loop3A_39 : vector<16xf32>
        %parallel_loop3A_41 = arith.constant 1.000000e+00 : f32
        %parallel_loop3A_42 = arith.constant 0.000000e+00 : f32
        %parallel_loop3A_43 = vector.broadcast %parallel_loop3A_41 : f32 to vector<16xf32>
        %parallel_loop3A_44 = vector.broadcast %parallel_loop3A_42 : f32 to vector<16xf32>
        %parallel_loop3A_45 = arith.select %parallel_loop3A_40, %parallel_loop3A_43, %parallel_loop3A_44 : vector<16xi1>, vector<16xf32>
        %parallel_loop3A_46 = arith.constant 16 : i32
        %parallel_loop3A_47 = arith.muli %parallel_loop3A_17, %parallel_loop3A_46 : i32
        %parallel_loop3A_48 = arith.index_cast %parallel_loop3A_47 : i32 to index
        %parallel_loop3A_49 = tpu.vector_load %arg10[%parallel_loop3A_48] {strides = array<i32>} : memref<10000xf32, #tpu.memory_space<vmem>>, vector<16xf32>,
        tpu.vector_store %arg10[%parallel_loop3A_48], %parallel_loop3A_45 {strides = array<i32>} : memref<10000xf32, #tpu.memory_space<vmem>>, vector<16xf32>,
      } {sc.loop_unroll_factor = 4 : i64, sc.parallel_access}
      "tpu.region"() ({
        %run_scoped3A = tpu.sem_alloc : memref<!tpu.dma_semaphore, #tpu.memory_space<semaphore_mem>>
        %dma_start3A = tpu.memref_slice %arg5[%add3A_14] : memref<1600000xf32, #tpu.memory_space<hbm>> -> memref<10000xf32, #tpu.memory_space<hbm>>
        %dma_start3A_17 = tpu.memref_slice %arg5[%add3A_14] : memref<1600000xf32, #tpu.memory_space<hbm>> -> memref<10000xf32, #tpu.memory_space<hbm>>
        tpu.enqueue_dma source(%arg10 : memref<10000xf32, #tpu.memory_space<vmem>>) target(%dma_start3A_17 : memref<10000xf32, #tpu.memory_space<hbm>>) target_semaphore(%run_scoped3A : memref<!tpu.dma_semaphore, #tpu.memory_space<semaphore_mem>>)
        %dma_wait3A = tpu.memref_slice %arg5[%add3A_14] : memref<1600000xf32, #tpu.memory_space<hbm>> -> memref<10000xf32, #tpu.memory_space<hbm>>
        %dma_wait3A_18 = tpu.memref_slice %arg5[%add3A_14] : memref<1600000xf32, #tpu.memory_space<hbm>> -> memref<10000xf32, #tpu.memory_space<hbm>>
        tpu.wait_dma2 semaphore(%run_scoped3A : memref<!tpu.dma_semaphore, #tpu.memory_space<semaphore_mem>>) src(%arg10 : memref<10000xf32, #tpu.memory_space<vmem>>) dst(%dma_wait3A_18 : memref<10000xf32, #tpu.memory_space<hbm>>)
        tpu.yield
      }) : () -> ()
    }
    %scan3A_6 = arith.constant 5 : i32
    return
  }
}

#map = affine_map<(d0, d1) -> (0)>
module attributes {stable_mosaic.version = 14 : i64} {
  func.func @body(%arg0: i32, %arg1: i32, %arg2: memref<1600000xf32, #tpu.memory_space<hbm>>, %arg3: memref<1600000xi32, #tpu.memory_space<hbm>>, %arg4: memref<100352xf32, #tpu.memory_space<hbm>>, %arg5: memref<50176xf32, #tpu.memory_space<vmem>>, %arg6: memref<10000xi32, #tpu.memory_space<vmem>>, %arg7: memref<10000xf32, #tpu.memory_space<vmem>>, %arg8: memref<802816xf32, #tpu.memory_space<vmem_shared>>) attributes {dimension_semantics = [#tpu.dimension_semantics<core_parallel>, #tpu.dimension_semantics<subcore_parallel>], iteration_bounds = array<i64: 2, 16>, scalar_prefetch = 0 : i64, scratch_operands = 4 : i64, tpu.core_type = #tpu.core_type<sc_vector_subcore>, window_params = [{transform_indices = #map}, {transform_indices = #map}, {transform_indices = #map}]} {
    %mul3A = arith.constant 16 : i32
    %mul3A_0 = arith.muli %arg0, %mul3A : i32
    %add3A = arith.addi %mul3A_0, %arg1 : i32
    %mul3A_1 = arith.constant 50000 : i32
    %mul3A_2 = arith.muli %add3A, %mul3A_1 : i32
    %scan3A = arith.constant 0 : i32
    %scan3A_3 = arith.constant 3136 : i32
    %scan3A_4 = arith.addi %scan3A, %scan3A_3 : i32
    %scan3A_5 = arith.constant 1 : i32
    scf.for %scan3A_56 = %scan3A to %scan3A_4 step %scan3A_5  : i32 {
      %mul3A_57 = arith.constant 1 : i32
      %mul3A_58 = arith.muli %scan3A_56, %mul3A_57 : i32
      %add3A_59 = arith.constant 0 : i32
      %add3A_60 = arith.addi %add3A_59, %mul3A_58 : i32
      %broadcast_in_dim3A = arith.constant 0.000000e+00 : f32
      %broadcast_in_dim3A_61 = vector.broadcast %broadcast_in_dim3A : f32 to vector<16xf32>
      %mul3A_62 = arith.constant 16 : i32
      %mul3A_63 = arith.muli %add3A_60, %mul3A_62 : i32
      %swap3A = arith.index_cast %mul3A_63 : i32 to index
      %swap3A_64 = tpu.vector_load %arg5[%swap3A] {strides = array<i32>} : memref<50176xf32, #tpu.memory_space<vmem>>, vector<16xf32>,
      tpu.vector_store %arg5[%swap3A], %broadcast_in_dim3A_61 {strides = array<i32>} : memref<50176xf32, #tpu.memory_space<vmem>>, vector<16xf32>,
    }
    %scan3A_6 = arith.constant 3136 : i32
    %scan3A_7 = arith.constant 0 : i32
    %scan3A_8 = arith.constant 5 : i32
    %scan3A_9 = arith.addi %scan3A_7, %scan3A_8 : i32
    %scan3A_10 = arith.constant 1 : i32
    scf.for %scan3A_56 = %scan3A_7 to %scan3A_9 step %scan3A_10  : i32 {
      %mul3A_57 = arith.constant 1 : i32
      %mul3A_58 = arith.muli %scan3A_56, %mul3A_57 : i32
      %add3A_59 = arith.constant 0 : i32
      %add3A_60 = arith.addi %add3A_59, %mul3A_58 : i32
      %mul3A_61 = arith.constant 10000 : i32
      %mul3A_62 = arith.muli %add3A_60, %mul3A_61 : i32
      %add3A_63 = arith.addi %mul3A_2, %mul3A_62 : i32
      "tpu.region"() ({
        %run_scoped3A = tpu.sem_alloc : memref<!tpu.dma_semaphore, #tpu.memory_space<semaphore_mem>>
        %dma_start3A = tpu.memref_slice %arg3[%add3A_63] : memref<1600000xi32, #tpu.memory_space<hbm>> -> memref<10000xi32, #tpu.memory_space<hbm>>
        %dma_start3A_82 = tpu.memref_slice %arg3[%add3A_63] : memref<1600000xi32, #tpu.memory_space<hbm>> -> memref<10000xi32, #tpu.memory_space<hbm>>
        tpu.enqueue_dma source(%dma_start3A_82 : memref<10000xi32, #tpu.memory_space<hbm>>) target(%arg6 : memref<10000xi32, #tpu.memory_space<vmem>>) target_semaphore(%run_scoped3A : memref<!tpu.dma_semaphore, #tpu.memory_space<semaphore_mem>>)
        %dma_wait3A = tpu.memref_slice %arg3[%add3A_63] : memref<1600000xi32, #tpu.memory_space<hbm>> -> memref<10000xi32, #tpu.memory_space<hbm>>
        %dma_wait3A_83 = tpu.memref_slice %arg3[%add3A_63] : memref<1600000xi32, #tpu.memory_space<hbm>> -> memref<10000xi32, #tpu.memory_space<hbm>>
        tpu.wait_dma2 semaphore(%run_scoped3A : memref<!tpu.dma_semaphore, #tpu.memory_space<semaphore_mem>>) src(%dma_wait3A_83 : memref<10000xi32, #tpu.memory_space<hbm>>) dst(%arg6 : memref<10000xi32, #tpu.memory_space<vmem>>)
        tpu.yield
      }) : () -> ()
      "tpu.region"() ({
        %run_scoped3A = tpu.sem_alloc : memref<!tpu.dma_semaphore, #tpu.memory_space<semaphore_mem>>
        %dma_start3A = tpu.memref_slice %arg2[%add3A_63] : memref<1600000xf32, #tpu.memory_space<hbm>> -> memref<10000xf32, #tpu.memory_space<hbm>>
        %dma_start3A_82 = tpu.memref_slice %arg2[%add3A_63] : memref<1600000xf32, #tpu.memory_space<hbm>> -> memref<10000xf32, #tpu.memory_space<hbm>>
        tpu.enqueue_dma source(%dma_start3A_82 : memref<10000xf32, #tpu.memory_space<hbm>>) target(%arg7 : memref<10000xf32, #tpu.memory_space<vmem>>) target_semaphore(%run_scoped3A : memref<!tpu.dma_semaphore, #tpu.memory_space<semaphore_mem>>)
        %dma_wait3A = tpu.memref_slice %arg2[%add3A_63] : memref<1600000xf32, #tpu.memory_space<hbm>> -> memref<10000xf32, #tpu.memory_space<hbm>>
        %dma_wait3A_83 = tpu.memref_slice %arg2[%add3A_63] : memref<1600000xf32, #tpu.memory_space<hbm>> -> memref<10000xf32, #tpu.memory_space<hbm>>
        tpu.wait_dma2 semaphore(%run_scoped3A : memref<!tpu.dma_semaphore, #tpu.memory_space<semaphore_mem>>) src(%dma_wait3A_83 : memref<10000xf32, #tpu.memory_space<hbm>>) dst(%arg7 : memref<10000xf32, #tpu.memory_space<vmem>>)
        tpu.yield
      }) : () -> ()
      %scan3A_64 = arith.constant 0 : i32
      %scan3A_65 = arith.constant 624 : i32
      %scan3A_66 = arith.addi %scan3A_64, %scan3A_65 : i32
      %scan3A_67 = arith.constant 4 : i32
      scf.for %scan3A_82 = %scan3A_64 to %scan3A_66 step %scan3A_67  : i32 {
        %mul3A_83 = arith.constant 1 : i32
        %mul3A_84 = arith.muli %scan3A_82, %mul3A_83 : i32
        %add3A_85 = arith.constant 0 : i32
        %add3A_86 = arith.addi %add3A_85, %mul3A_84 : i32
        %mul3A_87 = arith.constant 16 : i32
        %mul3A_88 = arith.muli %add3A_86, %mul3A_87 : i32
        %get3A_89 = arith.index_cast %mul3A_88 : i32 to index
        %get3A_90 = tpu.vector_load %arg6[%get3A_89] {strides = array<i32>} : memref<10000xi32, #tpu.memory_space<vmem>>, vector<16xi32>,
        %mul3A_91 = arith.constant 16 : i32
        %mul3A_92 = arith.muli %add3A_86, %mul3A_91 : i32
        %get3A_93 = arith.index_cast %mul3A_92 : i32 to index
        %get3A_94 = tpu.vector_load %arg7[%get3A_93] {strides = array<i32>} : memref<10000xf32, #tpu.memory_space<vmem>>, vector<16xf32>,
        tpu.vector_store_idx %arg5[%get3A_90], %get3A_94 {add = true} : memref<50176xf32, #tpu.memory_space<vmem>>[vector<16xi32>], vector<16xf32>,
        %scan3A_95 = arith.constant 1 : i32
        %scan3A_96 = arith.addi %scan3A_82, %scan3A_95 : i32
        %mul3A_97 = arith.constant 1 : i32
        %mul3A_98 = arith.muli %scan3A_96, %mul3A_97 : i32
        %add3A_99 = arith.constant 0 : i32
        %add3A_100 = arith.addi %add3A_99, %mul3A_98 : i32
        %mul3A_101 = arith.constant 16 : i32
        %mul3A_102 = arith.muli %add3A_100, %mul3A_101 : i32
        %get3A_103 = arith.index_cast %mul3A_102 : i32 to index
        %get3A_104 = tpu.vector_load %arg6[%get3A_103] {strides = array<i32>} : memref<10000xi32, #tpu.memory_space<vmem>>, vector<16xi32>,
        %mul3A_105 = arith.constant 16 : i32
        %mul3A_106 = arith.muli %add3A_100, %mul3A_105 : i32
        %get3A_107 = arith.index_cast %mul3A_106 : i32 to index
        %get3A_108 = tpu.vector_load %arg7[%get3A_107] {strides = array<i32>} : memref<10000xf32, #tpu.memory_space<vmem>>, vector<16xf32>,
        tpu.vector_store_idx %arg5[%get3A_104], %get3A_108 {add = true} : memref<50176xf32, #tpu.memory_space<vmem>>[vector<16xi32>], vector<16xf32>,
        %scan3A_109 = arith.constant 2 : i32
        %scan3A_110 = arith.addi %scan3A_82, %scan3A_109 : i32
        %mul3A_111 = arith.constant 1 : i32
        %mul3A_112 = arith.muli %scan3A_110, %mul3A_111 : i32
        %add3A_113 = arith.constant 0 : i32
        %add3A_114 = arith.addi %add3A_113, %mul3A_112 : i32
        %mul3A_115 = arith.constant 16 : i32
        %mul3A_116 = arith.muli %add3A_114, %mul3A_115 : i32
        %get3A_117 = arith.index_cast %mul3A_116 : i32 to index
        %get3A_118 = tpu.vector_load %arg6[%get3A_117] {strides = array<i32>} : memref<10000xi32, #tpu.memory_space<vmem>>, vector<16xi32>,
        %mul3A_119 = arith.constant 16 : i32
        %mul3A_120 = arith.muli %add3A_114, %mul3A_119 : i32
        %get3A_121 = arith.index_cast %mul3A_120 : i32 to index
        %get3A_122 = tpu.vector_load %arg7[%get3A_121] {strides = array<i32>} : memref<10000xf32, #tpu.memory_space<vmem>>, vector<16xf32>,
        tpu.vector_store_idx %arg5[%get3A_118], %get3A_122 {add = true} : memref<50176xf32, #tpu.memory_space<vmem>>[vector<16xi32>], vector<16xf32>,
        %scan3A_123 = arith.constant 3 : i32
        %scan3A_124 = arith.addi %scan3A_82, %scan3A_123 : i32
        %mul3A_125 = arith.constant 1 : i32
        %mul3A_126 = arith.muli %scan3A_124, %mul3A_125 : i32
        %add3A_127 = arith.constant 0 : i32
        %add3A_128 = arith.addi %add3A_127, %mul3A_126 : i32
        %mul3A_129 = arith.constant 16 : i32
        %mul3A_130 = arith.muli %add3A_128, %mul3A_129 : i32
        %get3A_131 = arith.index_cast %mul3A_130 : i32 to index
        %get3A_132 = tpu.vector_load %arg6[%get3A_131] {strides = array<i32>} : memref<10000xi32, #tpu.memory_space<vmem>>, vector<16xi32>,
        %mul3A_133 = arith.constant 16 : i32
        %mul3A_134 = arith.muli %add3A_128, %mul3A_133 : i32
        %get3A_135 = arith.index_cast %mul3A_134 : i32 to index
        %get3A_136 = tpu.vector_load %arg7[%get3A_135] {strides = array<i32>} : memref<10000xf32, #tpu.memory_space<vmem>>, vector<16xf32>,
        tpu.vector_store_idx %arg5[%get3A_132], %get3A_136 {add = true} : memref<50176xf32, #tpu.memory_space<vmem>>[vector<16xi32>], vector<16xf32>,
      }
      %scan3A_68 = arith.constant 624 : i32
      %scan3A_69 = arith.addi %scan3A_64, %scan3A_68 : i32
      %mul3A_70 = arith.constant 1 : i32
      %mul3A_71 = arith.muli %scan3A_69, %mul3A_70 : i32
      %add3A_72 = arith.constant 0 : i32
      %add3A_73 = arith.addi %add3A_72, %mul3A_71 : i32
      %mul3A_74 = arith.constant 16 : i32
      %mul3A_75 = arith.muli %add3A_73, %mul3A_74 : i32
      %get3A = arith.index_cast %mul3A_75 : i32 to index
      %get3A_76 = tpu.vector_load %arg6[%get3A] {strides = array<i32>} : memref<10000xi32, #tpu.memory_space<vmem>>, vector<16xi32>,
      %mul3A_77 = arith.constant 16 : i32
      %mul3A_78 = arith.muli %add3A_73, %mul3A_77 : i32
      %get3A_79 = arith.index_cast %mul3A_78 : i32 to index
      %get3A_80 = tpu.vector_load %arg7[%get3A_79] {strides = array<i32>} : memref<10000xf32, #tpu.memory_space<vmem>>, vector<16xf32>,
      tpu.vector_store_idx %arg5[%get3A_76], %get3A_80 {add = true} : memref<50176xf32, #tpu.memory_space<vmem>>[vector<16xi32>], vector<16xf32>,
      %scan3A_81 = arith.constant 625 : i32
    }
    %scan3A_11 = arith.constant 5 : i32
    %mul3A_12 = arith.constant 50176 : i32
    %mul3A_13 = arith.muli %arg1, %mul3A_12 : i32
    "tpu.region"() ({
      %run_scoped3A = tpu.sem_alloc : memref<!tpu.dma_semaphore, #tpu.memory_space<semaphore_mem>>
      %dma_start3A = tpu.memref_slice %arg8[%mul3A_13] : memref<802816xf32, #tpu.memory_space<vmem_shared>> -> memref<50176xf32, #tpu.memory_space<vmem_shared>>
      %dma_start3A_56 = tpu.memref_slice %arg8[%mul3A_13] : memref<802816xf32, #tpu.memory_space<vmem_shared>> -> memref<50176xf32, #tpu.memory_space<vmem_shared>>
      tpu.enqueue_dma source(%arg5 : memref<50176xf32, #tpu.memory_space<vmem>>) target(%dma_start3A_56 : memref<50176xf32, #tpu.memory_space<vmem_shared>>) target_semaphore(%run_scoped3A : memref<!tpu.dma_semaphore, #tpu.memory_space<semaphore_mem>>)
      %dma_wait3A = tpu.memref_slice %arg8[%mul3A_13] : memref<802816xf32, #tpu.memory_space<vmem_shared>> -> memref<50176xf32, #tpu.memory_space<vmem_shared>>
      %dma_wait3A_57 = tpu.memref_slice %arg8[%mul3A_13] : memref<802816xf32, #tpu.memory_space<vmem_shared>> -> memref<50176xf32, #tpu.memory_space<vmem_shared>>
      tpu.wait_dma2 semaphore(%run_scoped3A : memref<!tpu.dma_semaphore, #tpu.memory_space<semaphore_mem>>) src(%arg5 : memref<50176xf32, #tpu.memory_space<vmem>>) dst(%dma_wait3A_57 : memref<50176xf32, #tpu.memory_space<vmem_shared>>)
      tpu.yield
    }) : () -> ()
    %barrier3A = arith.constant 0 : index
    tpu.barrier barrier_id(%barrier3A)
    %mul3A_14 = arith.constant 3136 : i32
    %mul3A_15 = arith.muli %arg1, %mul3A_14 : i32
    %add3A_16 = arith.constant 0 : i32
    %add3A_17 = arith.addi %add3A_16, %mul3A_15 : i32
    "tpu.region"() ({
      %run_scoped3A = tpu.sem_alloc : memref<!tpu.dma_semaphore, #tpu.memory_space<semaphore_mem>>
      %dma_start3A = arith.constant 0 : i32
      %dma_start3A_56 = tpu.memref_slice %arg5[%dma_start3A] : memref<50176xf32, #tpu.memory_space<vmem>> -> memref<3136xf32, #tpu.memory_space<vmem>>
      %dma_start3A_57 = tpu.memref_slice %arg8[%add3A_17] : memref<802816xf32, #tpu.memory_space<vmem_shared>> -> memref<3136xf32, #tpu.memory_space<vmem_shared>>
      %dma_start3A_58 = arith.constant 0 : i32
      %dma_start3A_59 = tpu.memref_slice %arg5[%dma_start3A_58] : memref<50176xf32, #tpu.memory_space<vmem>> -> memref<3136xf32, #tpu.memory_space<vmem>>
      %dma_start3A_60 = tpu.memref_slice %arg8[%add3A_17] : memref<802816xf32, #tpu.memory_space<vmem_shared>> -> memref<3136xf32, #tpu.memory_space<vmem_shared>>
      tpu.enqueue_dma source(%dma_start3A_60 : memref<3136xf32, #tpu.memory_space<vmem_shared>>) target(%dma_start3A_59 : memref<3136xf32, #tpu.memory_space<vmem>>) target_semaphore(%run_scoped3A : memref<!tpu.dma_semaphore, #tpu.memory_space<semaphore_mem>>)
      %dma_wait3A = arith.constant 0 : i32
      %dma_wait3A_61 = tpu.memref_slice %arg5[%dma_wait3A] : memref<50176xf32, #tpu.memory_space<vmem>> -> memref<3136xf32, #tpu.memory_space<vmem>>
      %dma_wait3A_62 = tpu.memref_slice %arg8[%add3A_17] : memref<802816xf32, #tpu.memory_space<vmem_shared>> -> memref<3136xf32, #tpu.memory_space<vmem_shared>>
      %dma_wait3A_63 = arith.constant 0 : i32
      %dma_wait3A_64 = tpu.memref_slice %arg5[%dma_wait3A_63] : memref<50176xf32, #tpu.memory_space<vmem>> -> memref<3136xf32, #tpu.memory_space<vmem>>
      %dma_wait3A_65 = tpu.memref_slice %arg8[%add3A_17] : memref<802816xf32, #tpu.memory_space<vmem_shared>> -> memref<3136xf32, #tpu.memory_space<vmem_shared>>
      tpu.wait_dma2 semaphore(%run_scoped3A : memref<!tpu.dma_semaphore, #tpu.memory_space<semaphore_mem>>) src(%dma_wait3A_65 : memref<3136xf32, #tpu.memory_space<vmem_shared>>) dst(%dma_wait3A_64 : memref<3136xf32, #tpu.memory_space<vmem>>)
      tpu.yield
    }) : () -> ()
    %add3A_18 = arith.constant 50176 : i32
    %add3A_19 = arith.addi %add3A_18, %mul3A_15 : i32
    "tpu.region"() ({
      %run_scoped3A = tpu.sem_alloc : memref<!tpu.dma_semaphore, #tpu.memory_space<semaphore_mem>>
      %dma_start3A = arith.constant 3136 : i32
      %dma_start3A_56 = tpu.memref_slice %arg5[%dma_start3A] : memref<50176xf32, #tpu.memory_space<vmem>> -> memref<3136xf32, #tpu.memory_space<vmem>>
      %dma_start3A_57 = tpu.memref_slice %arg8[%add3A_19] : memref<802816xf32, #tpu.memory_space<vmem_shared>> -> memref<3136xf32, #tpu.memory_space<vmem_shared>>
      %dma_start3A_58 = arith.constant 3136 : i32
      %dma_start3A_59 = tpu.memref_slice %arg5[%dma_start3A_58] : memref<50176xf32, #tpu.memory_space<vmem>> -> memref<3136xf32, #tpu.memory_space<vmem>>
      %dma_start3A_60 = tpu.memref_slice %arg8[%add3A_19] : memref<802816xf32, #tpu.memory_space<vmem_shared>> -> memref<3136xf32, #tpu.memory_space<vmem_shared>>
      tpu.enqueue_dma source(%dma_start3A_60 : memref<3136xf32, #tpu.memory_space<vmem_shared>>) target(%dma_start3A_59 : memref<3136xf32, #tpu.memory_space<vmem>>) target_semaphore(%run_scoped3A : memref<!tpu.dma_semaphore, #tpu.memory_space<semaphore_mem>>)
      %dma_wait3A = arith.constant 3136 : i32
      %dma_wait3A_61 = tpu.memref_slice %arg5[%dma_wait3A] : memref<50176xf32, #tpu.memory_space<vmem>> -> memref<3136xf32, #tpu.memory_space<vmem>>
      %dma_wait3A_62 = tpu.memref_slice %arg8[%add3A_19] : memref<802816xf32, #tpu.memory_space<vmem_shared>> -> memref<3136xf32, #tpu.memory_space<vmem_shared>>
      %dma_wait3A_63 = arith.constant 3136 : i32
      %dma_wait3A_64 = tpu.memref_slice %arg5[%dma_wait3A_63] : memref<50176xf32, #tpu.memory_space<vmem>> -> memref<3136xf32, #tpu.memory_space<vmem>>
      %dma_wait3A_65 = tpu.memref_slice %arg8[%add3A_19] : memref<802816xf32, #tpu.memory_space<vmem_shared>> -> memref<3136xf32, #tpu.memory_space<vmem_shared>>
      tpu.wait_dma2 semaphore(%run_scoped3A : memref<!tpu.dma_semaphore, #tpu.memory_space<semaphore_mem>>) src(%dma_wait3A_65 : memref<3136xf32, #tpu.memory_space<vmem_shared>>) dst(%dma_wait3A_64 : memref<3136xf32, #tpu.memory_space<vmem>>)
      tpu.yield
    }) : () -> ()
    %add3A_20 = arith.constant 100352 : i32
    %add3A_21 = arith.addi %add3A_20, %mul3A_15 : i32
    "tpu.region"() ({
      %run_scoped3A = tpu.sem_alloc : memref<!tpu.dma_semaphore, #tpu.memory_space<semaphore_mem>>
      %dma_start3A = arith.constant 6272 : i32
      %dma_start3A_56 = tpu.memref_slice %arg5[%dma_start3A] : memref<50176xf32, #tpu.memory_space<vmem>> -> memref<3136xf32, #tpu.memory_space<vmem>>
      %dma_start3A_57 = tpu.memref_slice %arg8[%add3A_21] : memref<802816xf32, #tpu.memory_space<vmem_shared>> -> memref<3136xf32, #tpu.memory_space<vmem_shared>>
      %dma_start3A_58 = arith.constant 6272 : i32
      %dma_start3A_59 = tpu.memref_slice %arg5[%dma_start3A_58] : memref<50176xf32, #tpu.memory_space<vmem>> -> memref<3136xf32, #tpu.memory_space<vmem>>
      %dma_start3A_60 = tpu.memref_slice %arg8[%add3A_21] : memref<802816xf32, #tpu.memory_space<vmem_shared>> -> memref<3136xf32, #tpu.memory_space<vmem_shared>>
      tpu.enqueue_dma source(%dma_start3A_60 : memref<3136xf32, #tpu.memory_space<vmem_shared>>) target(%dma_start3A_59 : memref<3136xf32, #tpu.memory_space<vmem>>) target_semaphore(%run_scoped3A : memref<!tpu.dma_semaphore, #tpu.memory_space<semaphore_mem>>)
      %dma_wait3A = arith.constant 6272 : i32
      %dma_wait3A_61 = tpu.memref_slice %arg5[%dma_wait3A] : memref<50176xf32, #tpu.memory_space<vmem>> -> memref<3136xf32, #tpu.memory_space<vmem>>
      %dma_wait3A_62 = tpu.memref_slice %arg8[%add3A_21] : memref<802816xf32, #tpu.memory_space<vmem_shared>> -> memref<3136xf32, #tpu.memory_space<vmem_shared>>
      %dma_wait3A_63 = arith.constant 6272 : i32
      %dma_wait3A_64 = tpu.memref_slice %arg5[%dma_wait3A_63] : memref<50176xf32, #tpu.memory_space<vmem>> -> memref<3136xf32, #tpu.memory_space<vmem>>
      %dma_wait3A_65 = tpu.memref_slice %arg8[%add3A_21] : memref<802816xf32, #tpu.memory_space<vmem_shared>> -> memref<3136xf32, #tpu.memory_space<vmem_shared>>
      tpu.wait_dma2 semaphore(%run_scoped3A : memref<!tpu.dma_semaphore, #tpu.memory_space<semaphore_mem>>) src(%dma_wait3A_65 : memref<3136xf32, #tpu.memory_space<vmem_shared>>) dst(%dma_wait3A_64 : memref<3136xf32, #tpu.memory_space<vmem>>)
      tpu.yield
    }) : () -> ()
    %add3A_22 = arith.constant 150528 : i32
    %add3A_23 = arith.addi %add3A_22, %mul3A_15 : i32
    "tpu.region"() ({
      %run_scoped3A = tpu.sem_alloc : memref<!tpu.dma_semaphore, #tpu.memory_space<semaphore_mem>>
      %dma_start3A = arith.constant 9408 : i32
      %dma_start3A_56 = tpu.memref_slice %arg5[%dma_start3A] : memref<50176xf32, #tpu.memory_space<vmem>> -> memref<3136xf32, #tpu.memory_space<vmem>>
      %dma_start3A_57 = tpu.memref_slice %arg8[%add3A_23] : memref<802816xf32, #tpu.memory_space<vmem_shared>> -> memref<3136xf32, #tpu.memory_space<vmem_shared>>
      %dma_start3A_58 = arith.constant 9408 : i32
      %dma_start3A_59 = tpu.memref_slice %arg5[%dma_start3A_58] : memref<50176xf32, #tpu.memory_space<vmem>> -> memref<3136xf32, #tpu.memory_space<vmem>>
      %dma_start3A_60 = tpu.memref_slice %arg8[%add3A_23] : memref<802816xf32, #tpu.memory_space<vmem_shared>> -> memref<3136xf32, #tpu.memory_space<vmem_shared>>
      tpu.enqueue_dma source(%dma_start3A_60 : memref<3136xf32, #tpu.memory_space<vmem_shared>>) target(%dma_start3A_59 : memref<3136xf32, #tpu.memory_space<vmem>>) target_semaphore(%run_scoped3A : memref<!tpu.dma_semaphore, #tpu.memory_space<semaphore_mem>>)
      %dma_wait3A = arith.constant 9408 : i32
      %dma_wait3A_61 = tpu.memref_slice %arg5[%dma_wait3A] : memref<50176xf32, #tpu.memory_space<vmem>> -> memref<3136xf32, #tpu.memory_space<vmem>>
      %dma_wait3A_62 = tpu.memref_slice %arg8[%add3A_23] : memref<802816xf32, #tpu.memory_space<vmem_shared>> -> memref<3136xf32, #tpu.memory_space<vmem_shared>>
      %dma_wait3A_63 = arith.constant 9408 : i32
      %dma_wait3A_64 = tpu.memref_slice %arg5[%dma_wait3A_63] : memref<50176xf32, #tpu.memory_space<vmem>> -> memref<3136xf32, #tpu.memory_space<vmem>>
      %dma_wait3A_65 = tpu.memref_slice %arg8[%add3A_23] : memref<802816xf32, #tpu.memory_space<vmem_shared>> -> memref<3136xf32, #tpu.memory_space<vmem_shared>>
      tpu.wait_dma2 semaphore(%run_scoped3A : memref<!tpu.dma_semaphore, #tpu.memory_space<semaphore_mem>>) src(%dma_wait3A_65 : memref<3136xf32, #tpu.memory_space<vmem_shared>>) dst(%dma_wait3A_64 : memref<3136xf32, #tpu.memory_space<vmem>>)
      tpu.yield
    }) : () -> ()
    %add3A_24 = arith.constant 200704 : i32
    %add3A_25 = arith.addi %add3A_24, %mul3A_15 : i32
    "tpu.region"() ({
      %run_scoped3A = tpu.sem_alloc : memref<!tpu.dma_semaphore, #tpu.memory_space<semaphore_mem>>
      %dma_start3A = arith.constant 12544 : i32
      %dma_start3A_56 = tpu.memref_slice %arg5[%dma_start3A] : memref<50176xf32, #tpu.memory_space<vmem>> -> memref<3136xf32, #tpu.memory_space<vmem>>
      %dma_start3A_57 = tpu.memref_slice %arg8[%add3A_25] : memref<802816xf32, #tpu.memory_space<vmem_shared>> -> memref<3136xf32, #tpu.memory_space<vmem_shared>>
      %dma_start3A_58 = arith.constant 12544 : i32
      %dma_start3A_59 = tpu.memref_slice %arg5[%dma_start3A_58] : memref<50176xf32, #tpu.memory_space<vmem>> -> memref<3136xf32, #tpu.memory_space<vmem>>
      %dma_start3A_60 = tpu.memref_slice %arg8[%add3A_25] : memref<802816xf32, #tpu.memory_space<vmem_shared>> -> memref<3136xf32, #tpu.memory_space<vmem_shared>>
      tpu.enqueue_dma source(%dma_start3A_60 : memref<3136xf32, #tpu.memory_space<vmem_shared>>) target(%dma_start3A_59 : memref<3136xf32, #tpu.memory_space<vmem>>) target_semaphore(%run_scoped3A : memref<!tpu.dma_semaphore, #tpu.memory_space<semaphore_mem>>)
      %dma_wait3A = arith.constant 12544 : i32
      %dma_wait3A_61 = tpu.memref_slice %arg5[%dma_wait3A] : memref<50176xf32, #tpu.memory_space<vmem>> -> memref<3136xf32, #tpu.memory_space<vmem>>
      %dma_wait3A_62 = tpu.memref_slice %arg8[%add3A_25] : memref<802816xf32, #tpu.memory_space<vmem_shared>> -> memref<3136xf32, #tpu.memory_space<vmem_shared>>
      %dma_wait3A_63 = arith.constant 12544 : i32
      %dma_wait3A_64 = tpu.memref_slice %arg5[%dma_wait3A_63] : memref<50176xf32, #tpu.memory_space<vmem>> -> memref<3136xf32, #tpu.memory_space<vmem>>
      %dma_wait3A_65 = tpu.memref_slice %arg8[%add3A_25] : memref<802816xf32, #tpu.memory_space<vmem_shared>> -> memref<3136xf32, #tpu.memory_space<vmem_shared>>
      tpu.wait_dma2 semaphore(%run_scoped3A : memref<!tpu.dma_semaphore, #tpu.memory_space<semaphore_mem>>) src(%dma_wait3A_65 : memref<3136xf32, #tpu.memory_space<vmem_shared>>) dst(%dma_wait3A_64 : memref<3136xf32, #tpu.memory_space<vmem>>)
      tpu.yield
    }) : () -> ()
    %add3A_26 = arith.constant 250880 : i32
    %add3A_27 = arith.addi %add3A_26, %mul3A_15 : i32
    "tpu.region"() ({
      %run_scoped3A = tpu.sem_alloc : memref<!tpu.dma_semaphore, #tpu.memory_space<semaphore_mem>>
      %dma_start3A = arith.constant 15680 : i32
      %dma_start3A_56 = tpu.memref_slice %arg5[%dma_start3A] : memref<50176xf32, #tpu.memory_space<vmem>> -> memref<3136xf32, #tpu.memory_space<vmem>>
      %dma_start3A_57 = tpu.memref_slice %arg8[%add3A_27] : memref<802816xf32, #tpu.memory_space<vmem_shared>> -> memref<3136xf32, #tpu.memory_space<vmem_shared>>
      %dma_start3A_58 = arith.constant 15680 : i32
      %dma_start3A_59 = tpu.memref_slice %arg5[%dma_start3A_58] : memref<50176xf32, #tpu.memory_space<vmem>> -> memref<3136xf32, #tpu.memory_space<vmem>>
      %dma_start3A_60 = tpu.memref_slice %arg8[%add3A_27] : memref<802816xf32, #tpu.memory_space<vmem_shared>> -> memref<3136xf32, #tpu.memory_space<vmem_shared>>
      tpu.enqueue_dma source(%dma_start3A_60 : memref<3136xf32, #tpu.memory_space<vmem_shared>>) target(%dma_start3A_59 : memref<3136xf32, #tpu.memory_space<vmem>>) target_semaphore(%run_scoped3A : memref<!tpu.dma_semaphore, #tpu.memory_space<semaphore_mem>>)
      %dma_wait3A = arith.constant 15680 : i32
      %dma_wait3A_61 = tpu.memref_slice %arg5[%dma_wait3A] : memref<50176xf32, #tpu.memory_space<vmem>> -> memref<3136xf32, #tpu.memory_space<vmem>>
      %dma_wait3A_62 = tpu.memref_slice %arg8[%add3A_27] : memref<802816xf32, #tpu.memory_space<vmem_shared>> -> memref<3136xf32, #tpu.memory_space<vmem_shared>>
      %dma_wait3A_63 = arith.constant 15680 : i32
      %dma_wait3A_64 = tpu.memref_slice %arg5[%dma_wait3A_63] : memref<50176xf32, #tpu.memory_space<vmem>> -> memref<3136xf32, #tpu.memory_space<vmem>>
      %dma_wait3A_65 = tpu.memref_slice %arg8[%add3A_27] : memref<802816xf32, #tpu.memory_space<vmem_shared>> -> memref<3136xf32, #tpu.memory_space<vmem_shared>>
      tpu.wait_dma2 semaphore(%run_scoped3A : memref<!tpu.dma_semaphore, #tpu.memory_space<semaphore_mem>>) src(%dma_wait3A_65 : memref<3136xf32, #tpu.memory_space<vmem_shared>>) dst(%dma_wait3A_64 : memref<3136xf32, #tpu.memory_space<vmem>>)
      tpu.yield
    }) : () -> ()
    %add3A_28 = arith.constant 301056 : i32
    %add3A_29 = arith.addi %add3A_28, %mul3A_15 : i32
    "tpu.region"() ({
      %run_scoped3A = tpu.sem_alloc : memref<!tpu.dma_semaphore, #tpu.memory_space<semaphore_mem>>
      %dma_start3A = arith.constant 18816 : i32
      %dma_start3A_56 = tpu.memref_slice %arg5[%dma_start3A] : memref<50176xf32, #tpu.memory_space<vmem>> -> memref<3136xf32, #tpu.memory_space<vmem>>
      %dma_start3A_57 = tpu.memref_slice %arg8[%add3A_29] : memref<802816xf32, #tpu.memory_space<vmem_shared>> -> memref<3136xf32, #tpu.memory_space<vmem_shared>>
      %dma_start3A_58 = arith.constant 18816 : i32
      %dma_start3A_59 = tpu.memref_slice %arg5[%dma_start3A_58] : memref<50176xf32, #tpu.memory_space<vmem>> -> memref<3136xf32, #tpu.memory_space<vmem>>
      %dma_start3A_60 = tpu.memref_slice %arg8[%add3A_29] : memref<802816xf32, #tpu.memory_space<vmem_shared>> -> memref<3136xf32, #tpu.memory_space<vmem_shared>>
      tpu.enqueue_dma source(%dma_start3A_60 : memref<3136xf32, #tpu.memory_space<vmem_shared>>) target(%dma_start3A_59 : memref<3136xf32, #tpu.memory_space<vmem>>) target_semaphore(%run_scoped3A : memref<!tpu.dma_semaphore, #tpu.memory_space<semaphore_mem>>)
      %dma_wait3A = arith.constant 18816 : i32
      %dma_wait3A_61 = tpu.memref_slice %arg5[%dma_wait3A] : memref<50176xf32, #tpu.memory_space<vmem>> -> memref<3136xf32, #tpu.memory_space<vmem>>
      %dma_wait3A_62 = tpu.memref_slice %arg8[%add3A_29] : memref<802816xf32, #tpu.memory_space<vmem_shared>> -> memref<3136xf32, #tpu.memory_space<vmem_shared>>
      %dma_wait3A_63 = arith.constant 18816 : i32
      %dma_wait3A_64 = tpu.memref_slice %arg5[%dma_wait3A_63] : memref<50176xf32, #tpu.memory_space<vmem>> -> memref<3136xf32, #tpu.memory_space<vmem>>
      %dma_wait3A_65 = tpu.memref_slice %arg8[%add3A_29] : memref<802816xf32, #tpu.memory_space<vmem_shared>> -> memref<3136xf32, #tpu.memory_space<vmem_shared>>
      tpu.wait_dma2 semaphore(%run_scoped3A : memref<!tpu.dma_semaphore, #tpu.memory_space<semaphore_mem>>) src(%dma_wait3A_65 : memref<3136xf32, #tpu.memory_space<vmem_shared>>) dst(%dma_wait3A_64 : memref<3136xf32, #tpu.memory_space<vmem>>)
      tpu.yield
    }) : () -> ()
    %add3A_30 = arith.constant 351232 : i32
    %add3A_31 = arith.addi %add3A_30, %mul3A_15 : i32
    "tpu.region"() ({
      %run_scoped3A = tpu.sem_alloc : memref<!tpu.dma_semaphore, #tpu.memory_space<semaphore_mem>>
      %dma_start3A = arith.constant 21952 : i32
      %dma_start3A_56 = tpu.memref_slice %arg5[%dma_start3A] : memref<50176xf32, #tpu.memory_space<vmem>> -> memref<3136xf32, #tpu.memory_space<vmem>>
      %dma_start3A_57 = tpu.memref_slice %arg8[%add3A_31] : memref<802816xf32, #tpu.memory_space<vmem_shared>> -> memref<3136xf32, #tpu.memory_space<vmem_shared>>
      %dma_start3A_58 = arith.constant 21952 : i32
      %dma_start3A_59 = tpu.memref_slice %arg5[%dma_start3A_58] : memref<50176xf32, #tpu.memory_space<vmem>> -> memref<3136xf32, #tpu.memory_space<vmem>>
      %dma_start3A_60 = tpu.memref_slice %arg8[%add3A_31] : memref<802816xf32, #tpu.memory_space<vmem_shared>> -> memref<3136xf32, #tpu.memory_space<vmem_shared>>
      tpu.enqueue_dma source(%dma_start3A_60 : memref<3136xf32, #tpu.memory_space<vmem_shared>>) target(%dma_start3A_59 : memref<3136xf32, #tpu.memory_space<vmem>>) target_semaphore(%run_scoped3A : memref<!tpu.dma_semaphore, #tpu.memory_space<semaphore_mem>>)
      %dma_wait3A = arith.constant 21952 : i32
      %dma_wait3A_61 = tpu.memref_slice %arg5[%dma_wait3A] : memref<50176xf32, #tpu.memory_space<vmem>> -> memref<3136xf32, #tpu.memory_space<vmem>>
      %dma_wait3A_62 = tpu.memref_slice %arg8[%add3A_31] : memref<802816xf32, #tpu.memory_space<vmem_shared>> -> memref<3136xf32, #tpu.memory_space<vmem_shared>>
      %dma_wait3A_63 = arith.constant 21952 : i32
      %dma_wait3A_64 = tpu.memref_slice %arg5[%dma_wait3A_63] : memref<50176xf32, #tpu.memory_space<vmem>> -> memref<3136xf32, #tpu.memory_space<vmem>>
      %dma_wait3A_65 = tpu.memref_slice %arg8[%add3A_31] : memref<802816xf32, #tpu.memory_space<vmem_shared>> -> memref<3136xf32, #tpu.memory_space<vmem_shared>>
      tpu.wait_dma2 semaphore(%run_scoped3A : memref<!tpu.dma_semaphore, #tpu.memory_space<semaphore_mem>>) src(%dma_wait3A_65 : memref<3136xf32, #tpu.memory_space<vmem_shared>>) dst(%dma_wait3A_64 : memref<3136xf32, #tpu.memory_space<vmem>>)
      tpu.yield
    }) : () -> ()
    %add3A_32 = arith.constant 401408 : i32
    %add3A_33 = arith.addi %add3A_32, %mul3A_15 : i32
    "tpu.region"() ({
      %run_scoped3A = tpu.sem_alloc : memref<!tpu.dma_semaphore, #tpu.memory_space<semaphore_mem>>
      %dma_start3A = arith.constant 25088 : i32
      %dma_start3A_56 = tpu.memref_slice %arg5[%dma_start3A] : memref<50176xf32, #tpu.memory_space<vmem>> -> memref<3136xf32, #tpu.memory_space<vmem>>
      %dma_start3A_57 = tpu.memref_slice %arg8[%add3A_33] : memref<802816xf32, #tpu.memory_space<vmem_shared>> -> memref<3136xf32, #tpu.memory_space<vmem_shared>>
      %dma_start3A_58 = arith.constant 25088 : i32
      %dma_start3A_59 = tpu.memref_slice %arg5[%dma_start3A_58] : memref<50176xf32, #tpu.memory_space<vmem>> -> memref<3136xf32, #tpu.memory_space<vmem>>
      %dma_start3A_60 = tpu.memref_slice %arg8[%add3A_33] : memref<802816xf32, #tpu.memory_space<vmem_shared>> -> memref<3136xf32, #tpu.memory_space<vmem_shared>>
      tpu.enqueue_dma source(%dma_start3A_60 : memref<3136xf32, #tpu.memory_space<vmem_shared>>) target(%dma_start3A_59 : memref<3136xf32, #tpu.memory_space<vmem>>) target_semaphore(%run_scoped3A : memref<!tpu.dma_semaphore, #tpu.memory_space<semaphore_mem>>)
      %dma_wait3A = arith.constant 25088 : i32
      %dma_wait3A_61 = tpu.memref_slice %arg5[%dma_wait3A] : memref<50176xf32, #tpu.memory_space<vmem>> -> memref<3136xf32, #tpu.memory_space<vmem>>
      %dma_wait3A_62 = tpu.memref_slice %arg8[%add3A_33] : memref<802816xf32, #tpu.memory_space<vmem_shared>> -> memref<3136xf32, #tpu.memory_space<vmem_shared>>
      %dma_wait3A_63 = arith.constant 25088 : i32
      %dma_wait3A_64 = tpu.memref_slice %arg5[%dma_wait3A_63] : memref<50176xf32, #tpu.memory_space<vmem>> -> memref<3136xf32, #tpu.memory_space<vmem>>
      %dma_wait3A_65 = tpu.memref_slice %arg8[%add3A_33] : memref<802816xf32, #tpu.memory_space<vmem_shared>> -> memref<3136xf32, #tpu.memory_space<vmem_shared>>
      tpu.wait_dma2 semaphore(%run_scoped3A : memref<!tpu.dma_semaphore, #tpu.memory_space<semaphore_mem>>) src(%dma_wait3A_65 : memref<3136xf32, #tpu.memory_space<vmem_shared>>) dst(%dma_wait3A_64 : memref<3136xf32, #tpu.memory_space<vmem>>)
      tpu.yield
    }) : () -> ()
    %add3A_34 = arith.constant 451584 : i32
    %add3A_35 = arith.addi %add3A_34, %mul3A_15 : i32
    "tpu.region"() ({
      %run_scoped3A = tpu.sem_alloc : memref<!tpu.dma_semaphore, #tpu.memory_space<semaphore_mem>>
      %dma_start3A = arith.constant 28224 : i32
      %dma_start3A_56 = tpu.memref_slice %arg5[%dma_start3A] : memref<50176xf32, #tpu.memory_space<vmem>> -> memref<3136xf32, #tpu.memory_space<vmem>>
      %dma_start3A_57 = tpu.memref_slice %arg8[%add3A_35] : memref<802816xf32, #tpu.memory_space<vmem_shared>> -> memref<3136xf32, #tpu.memory_space<vmem_shared>>
      %dma_start3A_58 = arith.constant 28224 : i32
      %dma_start3A_59 = tpu.memref_slice %arg5[%dma_start3A_58] : memref<50176xf32, #tpu.memory_space<vmem>> -> memref<3136xf32, #tpu.memory_space<vmem>>
      %dma_start3A_60 = tpu.memref_slice %arg8[%add3A_35] : memref<802816xf32, #tpu.memory_space<vmem_shared>> -> memref<3136xf32, #tpu.memory_space<vmem_shared>>
      tpu.enqueue_dma source(%dma_start3A_60 : memref<3136xf32, #tpu.memory_space<vmem_shared>>) target(%dma_start3A_59 : memref<3136xf32, #tpu.memory_space<vmem>>) target_semaphore(%run_scoped3A : memref<!tpu.dma_semaphore, #tpu.memory_space<semaphore_mem>>)
      %dma_wait3A = arith.constant 28224 : i32
      %dma_wait3A_61 = tpu.memref_slice %arg5[%dma_wait3A] : memref<50176xf32, #tpu.memory_space<vmem>> -> memref<3136xf32, #tpu.memory_space<vmem>>
      %dma_wait3A_62 = tpu.memref_slice %arg8[%add3A_35] : memref<802816xf32, #tpu.memory_space<vmem_shared>> -> memref<3136xf32, #tpu.memory_space<vmem_shared>>
      %dma_wait3A_63 = arith.constant 28224 : i32
      %dma_wait3A_64 = tpu.memref_slice %arg5[%dma_wait3A_63] : memref<50176xf32, #tpu.memory_space<vmem>> -> memref<3136xf32, #tpu.memory_space<vmem>>
      %dma_wait3A_65 = tpu.memref_slice %arg8[%add3A_35] : memref<802816xf32, #tpu.memory_space<vmem_shared>> -> memref<3136xf32, #tpu.memory_space<vmem_shared>>
      tpu.wait_dma2 semaphore(%run_scoped3A : memref<!tpu.dma_semaphore, #tpu.memory_space<semaphore_mem>>) src(%dma_wait3A_65 : memref<3136xf32, #tpu.memory_space<vmem_shared>>) dst(%dma_wait3A_64 : memref<3136xf32, #tpu.memory_space<vmem>>)
      tpu.yield
    }) : () -> ()
    %add3A_36 = arith.constant 501760 : i32
    %add3A_37 = arith.addi %add3A_36, %mul3A_15 : i32
    "tpu.region"() ({
      %run_scoped3A = tpu.sem_alloc : memref<!tpu.dma_semaphore, #tpu.memory_space<semaphore_mem>>
      %dma_start3A = arith.constant 31360 : i32
      %dma_start3A_56 = tpu.memref_slice %arg5[%dma_start3A] : memref<50176xf32, #tpu.memory_space<vmem>> -> memref<3136xf32, #tpu.memory_space<vmem>>
      %dma_start3A_57 = tpu.memref_slice %arg8[%add3A_37] : memref<802816xf32, #tpu.memory_space<vmem_shared>> -> memref<3136xf32, #tpu.memory_space<vmem_shared>>
      %dma_start3A_58 = arith.constant 31360 : i32
      %dma_start3A_59 = tpu.memref_slice %arg5[%dma_start3A_58] : memref<50176xf32, #tpu.memory_space<vmem>> -> memref<3136xf32, #tpu.memory_space<vmem>>
      %dma_start3A_60 = tpu.memref_slice %arg8[%add3A_37] : memref<802816xf32, #tpu.memory_space<vmem_shared>> -> memref<3136xf32, #tpu.memory_space<vmem_shared>>
      tpu.enqueue_dma source(%dma_start3A_60 : memref<3136xf32, #tpu.memory_space<vmem_shared>>) target(%dma_start3A_59 : memref<3136xf32, #tpu.memory_space<vmem>>) target_semaphore(%run_scoped3A : memref<!tpu.dma_semaphore, #tpu.memory_space<semaphore_mem>>)
      %dma_wait3A = arith.constant 31360 : i32
      %dma_wait3A_61 = tpu.memref_slice %arg5[%dma_wait3A] : memref<50176xf32, #tpu.memory_space<vmem>> -> memref<3136xf32, #tpu.memory_space<vmem>>
      %dma_wait3A_62 = tpu.memref_slice %arg8[%add3A_37] : memref<802816xf32, #tpu.memory_space<vmem_shared>> -> memref<3136xf32, #tpu.memory_space<vmem_shared>>
      %dma_wait3A_63 = arith.constant 31360 : i32
      %dma_wait3A_64 = tpu.memref_slice %arg5[%dma_wait3A_63] : memref<50176xf32, #tpu.memory_space<vmem>> -> memref<3136xf32, #tpu.memory_space<vmem>>
      %dma_wait3A_65 = tpu.memref_slice %arg8[%add3A_37] : memref<802816xf32, #tpu.memory_space<vmem_shared>> -> memref<3136xf32, #tpu.memory_space<vmem_shared>>
      tpu.wait_dma2 semaphore(%run_scoped3A : memref<!tpu.dma_semaphore, #tpu.memory_space<semaphore_mem>>) src(%dma_wait3A_65 : memref<3136xf32, #tpu.memory_space<vmem_shared>>) dst(%dma_wait3A_64 : memref<3136xf32, #tpu.memory_space<vmem>>)
      tpu.yield
    }) : () -> ()
    %add3A_38 = arith.constant 551936 : i32
    %add3A_39 = arith.addi %add3A_38, %mul3A_15 : i32
    "tpu.region"() ({
      %run_scoped3A = tpu.sem_alloc : memref<!tpu.dma_semaphore, #tpu.memory_space<semaphore_mem>>
      %dma_start3A = arith.constant 34496 : i32
      %dma_start3A_56 = tpu.memref_slice %arg5[%dma_start3A] : memref<50176xf32, #tpu.memory_space<vmem>> -> memref<3136xf32, #tpu.memory_space<vmem>>
      %dma_start3A_57 = tpu.memref_slice %arg8[%add3A_39] : memref<802816xf32, #tpu.memory_space<vmem_shared>> -> memref<3136xf32, #tpu.memory_space<vmem_shared>>
      %dma_start3A_58 = arith.constant 34496 : i32
      %dma_start3A_59 = tpu.memref_slice %arg5[%dma_start3A_58] : memref<50176xf32, #tpu.memory_space<vmem>> -> memref<3136xf32, #tpu.memory_space<vmem>>
      %dma_start3A_60 = tpu.memref_slice %arg8[%add3A_39] : memref<802816xf32, #tpu.memory_space<vmem_shared>> -> memref<3136xf32, #tpu.memory_space<vmem_shared>>
      tpu.enqueue_dma source(%dma_start3A_60 : memref<3136xf32, #tpu.memory_space<vmem_shared>>) target(%dma_start3A_59 : memref<3136xf32, #tpu.memory_space<vmem>>) target_semaphore(%run_scoped3A : memref<!tpu.dma_semaphore, #tpu.memory_space<semaphore_mem>>)
      %dma_wait3A = arith.constant 34496 : i32
      %dma_wait3A_61 = tpu.memref_slice %arg5[%dma_wait3A] : memref<50176xf32, #tpu.memory_space<vmem>> -> memref<3136xf32, #tpu.memory_space<vmem>>
      %dma_wait3A_62 = tpu.memref_slice %arg8[%add3A_39] : memref<802816xf32, #tpu.memory_space<vmem_shared>> -> memref<3136xf32, #tpu.memory_space<vmem_shared>>
      %dma_wait3A_63 = arith.constant 34496 : i32
      %dma_wait3A_64 = tpu.memref_slice %arg5[%dma_wait3A_63] : memref<50176xf32, #tpu.memory_space<vmem>> -> memref<3136xf32, #tpu.memory_space<vmem>>
      %dma_wait3A_65 = tpu.memref_slice %arg8[%add3A_39] : memref<802816xf32, #tpu.memory_space<vmem_shared>> -> memref<3136xf32, #tpu.memory_space<vmem_shared>>
      tpu.wait_dma2 semaphore(%run_scoped3A : memref<!tpu.dma_semaphore, #tpu.memory_space<semaphore_mem>>) src(%dma_wait3A_65 : memref<3136xf32, #tpu.memory_space<vmem_shared>>) dst(%dma_wait3A_64 : memref<3136xf32, #tpu.memory_space<vmem>>)
      tpu.yield
    }) : () -> ()
    %add3A_40 = arith.constant 602112 : i32
    %add3A_41 = arith.addi %add3A_40, %mul3A_15 : i32
    "tpu.region"() ({
      %run_scoped3A = tpu.sem_alloc : memref<!tpu.dma_semaphore, #tpu.memory_space<semaphore_mem>>
      %dma_start3A = arith.constant 37632 : i32
      %dma_start3A_56 = tpu.memref_slice %arg5[%dma_start3A] : memref<50176xf32, #tpu.memory_space<vmem>> -> memref<3136xf32, #tpu.memory_space<vmem>>
      %dma_start3A_57 = tpu.memref_slice %arg8[%add3A_41] : memref<802816xf32, #tpu.memory_space<vmem_shared>> -> memref<3136xf32, #tpu.memory_space<vmem_shared>>
      %dma_start3A_58 = arith.constant 37632 : i32
      %dma_start3A_59 = tpu.memref_slice %arg5[%dma_start3A_58] : memref<50176xf32, #tpu.memory_space<vmem>> -> memref<3136xf32, #tpu.memory_space<vmem>>
      %dma_start3A_60 = tpu.memref_slice %arg8[%add3A_41] : memref<802816xf32, #tpu.memory_space<vmem_shared>> -> memref<3136xf32, #tpu.memory_space<vmem_shared>>
      tpu.enqueue_dma source(%dma_start3A_60 : memref<3136xf32, #tpu.memory_space<vmem_shared>>) target(%dma_start3A_59 : memref<3136xf32, #tpu.memory_space<vmem>>) target_semaphore(%run_scoped3A : memref<!tpu.dma_semaphore, #tpu.memory_space<semaphore_mem>>)
      %dma_wait3A = arith.constant 37632 : i32
      %dma_wait3A_61 = tpu.memref_slice %arg5[%dma_wait3A] : memref<50176xf32, #tpu.memory_space<vmem>> -> memref<3136xf32, #tpu.memory_space<vmem>>
      %dma_wait3A_62 = tpu.memref_slice %arg8[%add3A_41] : memref<802816xf32, #tpu.memory_space<vmem_shared>> -> memref<3136xf32, #tpu.memory_space<vmem_shared>>
      %dma_wait3A_63 = arith.constant 37632 : i32
      %dma_wait3A_64 = tpu.memref_slice %arg5[%dma_wait3A_63] : memref<50176xf32, #tpu.memory_space<vmem>> -> memref<3136xf32, #tpu.memory_space<vmem>>
      %dma_wait3A_65 = tpu.memref_slice %arg8[%add3A_41] : memref<802816xf32, #tpu.memory_space<vmem_shared>> -> memref<3136xf32, #tpu.memory_space<vmem_shared>>
      tpu.wait_dma2 semaphore(%run_scoped3A : memref<!tpu.dma_semaphore, #tpu.memory_space<semaphore_mem>>) src(%dma_wait3A_65 : memref<3136xf32, #tpu.memory_space<vmem_shared>>) dst(%dma_wait3A_64 : memref<3136xf32, #tpu.memory_space<vmem>>)
      tpu.yield
    }) : () -> ()
    %add3A_42 = arith.constant 652288 : i32
    %add3A_43 = arith.addi %add3A_42, %mul3A_15 : i32
    "tpu.region"() ({
      %run_scoped3A = tpu.sem_alloc : memref<!tpu.dma_semaphore, #tpu.memory_space<semaphore_mem>>
      %dma_start3A = arith.constant 40768 : i32
      %dma_start3A_56 = tpu.memref_slice %arg5[%dma_start3A] : memref<50176xf32, #tpu.memory_space<vmem>> -> memref<3136xf32, #tpu.memory_space<vmem>>
      %dma_start3A_57 = tpu.memref_slice %arg8[%add3A_43] : memref<802816xf32, #tpu.memory_space<vmem_shared>> -> memref<3136xf32, #tpu.memory_space<vmem_shared>>
      %dma_start3A_58 = arith.constant 40768 : i32
      %dma_start3A_59 = tpu.memref_slice %arg5[%dma_start3A_58] : memref<50176xf32, #tpu.memory_space<vmem>> -> memref<3136xf32, #tpu.memory_space<vmem>>
      %dma_start3A_60 = tpu.memref_slice %arg8[%add3A_43] : memref<802816xf32, #tpu.memory_space<vmem_shared>> -> memref<3136xf32, #tpu.memory_space<vmem_shared>>
      tpu.enqueue_dma source(%dma_start3A_60 : memref<3136xf32, #tpu.memory_space<vmem_shared>>) target(%dma_start3A_59 : memref<3136xf32, #tpu.memory_space<vmem>>) target_semaphore(%run_scoped3A : memref<!tpu.dma_semaphore, #tpu.memory_space<semaphore_mem>>)
      %dma_wait3A = arith.constant 40768 : i32
      %dma_wait3A_61 = tpu.memref_slice %arg5[%dma_wait3A] : memref<50176xf32, #tpu.memory_space<vmem>> -> memref<3136xf32, #tpu.memory_space<vmem>>
      %dma_wait3A_62 = tpu.memref_slice %arg8[%add3A_43] : memref<802816xf32, #tpu.memory_space<vmem_shared>> -> memref<3136xf32, #tpu.memory_space<vmem_shared>>
      %dma_wait3A_63 = arith.constant 40768 : i32
      %dma_wait3A_64 = tpu.memref_slice %arg5[%dma_wait3A_63] : memref<50176xf32, #tpu.memory_space<vmem>> -> memref<3136xf32, #tpu.memory_space<vmem>>
      %dma_wait3A_65 = tpu.memref_slice %arg8[%add3A_43] : memref<802816xf32, #tpu.memory_space<vmem_shared>> -> memref<3136xf32, #tpu.memory_space<vmem_shared>>
      tpu.wait_dma2 semaphore(%run_scoped3A : memref<!tpu.dma_semaphore, #tpu.memory_space<semaphore_mem>>) src(%dma_wait3A_65 : memref<3136xf32, #tpu.memory_space<vmem_shared>>) dst(%dma_wait3A_64 : memref<3136xf32, #tpu.memory_space<vmem>>)
      tpu.yield
    }) : () -> ()
    %add3A_44 = arith.constant 702464 : i32
    %add3A_45 = arith.addi %add3A_44, %mul3A_15 : i32
    "tpu.region"() ({
      %run_scoped3A = tpu.sem_alloc : memref<!tpu.dma_semaphore, #tpu.memory_space<semaphore_mem>>
      %dma_start3A = arith.constant 43904 : i32
      %dma_start3A_56 = tpu.memref_slice %arg5[%dma_start3A] : memref<50176xf32, #tpu.memory_space<vmem>> -> memref<3136xf32, #tpu.memory_space<vmem>>
      %dma_start3A_57 = tpu.memref_slice %arg8[%add3A_45] : memref<802816xf32, #tpu.memory_space<vmem_shared>> -> memref<3136xf32, #tpu.memory_space<vmem_shared>>
      %dma_start3A_58 = arith.constant 43904 : i32
      %dma_start3A_59 = tpu.memref_slice %arg5[%dma_start3A_58] : memref<50176xf32, #tpu.memory_space<vmem>> -> memref<3136xf32, #tpu.memory_space<vmem>>
      %dma_start3A_60 = tpu.memref_slice %arg8[%add3A_45] : memref<802816xf32, #tpu.memory_space<vmem_shared>> -> memref<3136xf32, #tpu.memory_space<vmem_shared>>
      tpu.enqueue_dma source(%dma_start3A_60 : memref<3136xf32, #tpu.memory_space<vmem_shared>>) target(%dma_start3A_59 : memref<3136xf32, #tpu.memory_space<vmem>>) target_semaphore(%run_scoped3A : memref<!tpu.dma_semaphore, #tpu.memory_space<semaphore_mem>>)
      %dma_wait3A = arith.constant 43904 : i32
      %dma_wait3A_61 = tpu.memref_slice %arg5[%dma_wait3A] : memref<50176xf32, #tpu.memory_space<vmem>> -> memref<3136xf32, #tpu.memory_space<vmem>>
      %dma_wait3A_62 = tpu.memref_slice %arg8[%add3A_45] : memref<802816xf32, #tpu.memory_space<vmem_shared>> -> memref<3136xf32, #tpu.memory_space<vmem_shared>>
      %dma_wait3A_63 = arith.constant 43904 : i32
      %dma_wait3A_64 = tpu.memref_slice %arg5[%dma_wait3A_63] : memref<50176xf32, #tpu.memory_space<vmem>> -> memref<3136xf32, #tpu.memory_space<vmem>>
      %dma_wait3A_65 = tpu.memref_slice %arg8[%add3A_45] : memref<802816xf32, #tpu.memory_space<vmem_shared>> -> memref<3136xf32, #tpu.memory_space<vmem_shared>>
      tpu.wait_dma2 semaphore(%run_scoped3A : memref<!tpu.dma_semaphore, #tpu.memory_space<semaphore_mem>>) src(%dma_wait3A_65 : memref<3136xf32, #tpu.memory_space<vmem_shared>>) dst(%dma_wait3A_64 : memref<3136xf32, #tpu.memory_space<vmem>>)
      tpu.yield
    }) : () -> ()
    %add3A_46 = arith.constant 752640 : i32
    %add3A_47 = arith.addi %add3A_46, %mul3A_15 : i32
    "tpu.region"() ({
      %run_scoped3A = tpu.sem_alloc : memref<!tpu.dma_semaphore, #tpu.memory_space<semaphore_mem>>
      %dma_start3A = arith.constant 47040 : i32
      %dma_start3A_56 = tpu.memref_slice %arg5[%dma_start3A] : memref<50176xf32, #tpu.memory_space<vmem>> -> memref<3136xf32, #tpu.memory_space<vmem>>
      %dma_start3A_57 = tpu.memref_slice %arg8[%add3A_47] : memref<802816xf32, #tpu.memory_space<vmem_shared>> -> memref<3136xf32, #tpu.memory_space<vmem_shared>>
      %dma_start3A_58 = arith.constant 47040 : i32
      %dma_start3A_59 = tpu.memref_slice %arg5[%dma_start3A_58] : memref<50176xf32, #tpu.memory_space<vmem>> -> memref<3136xf32, #tpu.memory_space<vmem>>
      %dma_start3A_60 = tpu.memref_slice %arg8[%add3A_47] : memref<802816xf32, #tpu.memory_space<vmem_shared>> -> memref<3136xf32, #tpu.memory_space<vmem_shared>>
      tpu.enqueue_dma source(%dma_start3A_60 : memref<3136xf32, #tpu.memory_space<vmem_shared>>) target(%dma_start3A_59 : memref<3136xf32, #tpu.memory_space<vmem>>) target_semaphore(%run_scoped3A : memref<!tpu.dma_semaphore, #tpu.memory_space<semaphore_mem>>)
      %dma_wait3A = arith.constant 47040 : i32
      %dma_wait3A_61 = tpu.memref_slice %arg5[%dma_wait3A] : memref<50176xf32, #tpu.memory_space<vmem>> -> memref<3136xf32, #tpu.memory_space<vmem>>
      %dma_wait3A_62 = tpu.memref_slice %arg8[%add3A_47] : memref<802816xf32, #tpu.memory_space<vmem_shared>> -> memref<3136xf32, #tpu.memory_space<vmem_shared>>
      %dma_wait3A_63 = arith.constant 47040 : i32
      %dma_wait3A_64 = tpu.memref_slice %arg5[%dma_wait3A_63] : memref<50176xf32, #tpu.memory_space<vmem>> -> memref<3136xf32, #tpu.memory_space<vmem>>
      %dma_wait3A_65 = tpu.memref_slice %arg8[%add3A_47] : memref<802816xf32, #tpu.memory_space<vmem_shared>> -> memref<3136xf32, #tpu.memory_space<vmem_shared>>
      tpu.wait_dma2 semaphore(%run_scoped3A : memref<!tpu.dma_semaphore, #tpu.memory_space<semaphore_mem>>) src(%dma_wait3A_65 : memref<3136xf32, #tpu.memory_space<vmem_shared>>) dst(%dma_wait3A_64 : memref<3136xf32, #tpu.memory_space<vmem>>)
      tpu.yield
    }) : () -> ()
    %scan3A_48 = arith.constant 0 : i32
    %scan3A_49 = arith.constant 196 : i32
    %scan3A_50 = arith.addi %scan3A_48, %scan3A_49 : i32
    %scan3A_51 = arith.constant 2 : i32
    scf.for %scan3A_56 = %scan3A_48 to %scan3A_50 step %scan3A_51  : i32 {
      %mul3A_57 = arith.constant 1 : i32
      %mul3A_58 = arith.muli %scan3A_56, %mul3A_57 : i32
      %add3A_59 = arith.constant 0 : i32
      %add3A_60 = arith.addi %add3A_59, %mul3A_58 : i32
      %mul3A_61 = arith.constant 16 : i32
      %mul3A_62 = arith.muli %add3A_60, %mul3A_61 : i32
      %get3A = arith.index_cast %mul3A_62 : i32 to index
      %get3A_63 = tpu.vector_load %arg5[%get3A] {strides = array<i32>} : memref<50176xf32, #tpu.memory_space<vmem>>, vector<16xf32>,
      %mul3A_64 = arith.constant 16 : i32
      %mul3A_65 = arith.muli %add3A_60, %mul3A_64 : i32
      %add3A_66 = arith.constant 3136 : i32
      %add3A_67 = arith.addi %add3A_66, %mul3A_65 : i32
      %get3A_68 = arith.index_cast %add3A_67 : i32 to index
      %get3A_69 = tpu.vector_load %arg5[%get3A_68] {strides = array<i32>} : memref<50176xf32, #tpu.memory_space<vmem>>, vector<16xf32>,
      %add3A_70 = arith.addf %get3A_63, %get3A_69 : vector<16xf32>
      %mul3A_71 = arith.constant 16 : i32
      %mul3A_72 = arith.muli %add3A_60, %mul3A_71 : i32
      %add3A_73 = arith.constant 6272 : i32
      %add3A_74 = arith.addi %add3A_73, %mul3A_72 : i32
      %get3A_75 = arith.index_cast %add3A_74 : i32 to index
      %get3A_76 = tpu.vector_load %arg5[%get3A_75] {strides = array<i32>} : memref<50176xf32, #tpu.memory_space<vmem>>, vector<16xf32>,
      %add3A_77 = arith.addf %add3A_70, %get3A_76 : vector<16xf32>
      %mul3A_78 = arith.constant 16 : i32
      %mul3A_79 = arith.muli %add3A_60, %mul3A_78 : i32
      %add3A_80 = arith.constant 9408 : i32
      %add3A_81 = arith.addi %add3A_80, %mul3A_79 : i32
      %get3A_82 = arith.index_cast %add3A_81 : i32 to index
      %get3A_83 = tpu.vector_load %arg5[%get3A_82] {strides = array<i32>} : memref<50176xf32, #tpu.memory_space<vmem>>, vector<16xf32>,
      %add3A_84 = arith.addf %add3A_77, %get3A_83 : vector<16xf32>
      %mul3A_85 = arith.constant 16 : i32
      %mul3A_86 = arith.muli %add3A_60, %mul3A_85 : i32
      %add3A_87 = arith.constant 12544 : i32
      %add3A_88 = arith.addi %add3A_87, %mul3A_86 : i32
      %get3A_89 = arith.index_cast %add3A_88 : i32 to index
      %get3A_90 = tpu.vector_load %arg5[%get3A_89] {strides = array<i32>} : memref<50176xf32, #tpu.memory_space<vmem>>, vector<16xf32>,
      %add3A_91 = arith.addf %add3A_84, %get3A_90 : vector<16xf32>
      %mul3A_92 = arith.constant 16 : i32
      %mul3A_93 = arith.muli %add3A_60, %mul3A_92 : i32
      %add3A_94 = arith.constant 15680 : i32
      %add3A_95 = arith.addi %add3A_94, %mul3A_93 : i32
      %get3A_96 = arith.index_cast %add3A_95 : i32 to index
      %get3A_97 = tpu.vector_load %arg5[%get3A_96] {strides = array<i32>} : memref<50176xf32, #tpu.memory_space<vmem>>, vector<16xf32>,
      %add3A_98 = arith.addf %add3A_91, %get3A_97 : vector<16xf32>
      %mul3A_99 = arith.constant 16 : i32
      %mul3A_100 = arith.muli %add3A_60, %mul3A_99 : i32
      %add3A_101 = arith.constant 18816 : i32
      %add3A_102 = arith.addi %add3A_101, %mul3A_100 : i32
      %get3A_103 = arith.index_cast %add3A_102 : i32 to index
      %get3A_104 = tpu.vector_load %arg5[%get3A_103] {strides = array<i32>} : memref<50176xf32, #tpu.memory_space<vmem>>, vector<16xf32>,
      %add3A_105 = arith.addf %add3A_98, %get3A_104 : vector<16xf32>
      %mul3A_106 = arith.constant 16 : i32
      %mul3A_107 = arith.muli %add3A_60, %mul3A_106 : i32
      %add3A_108 = arith.constant 21952 : i32
      %add3A_109 = arith.addi %add3A_108, %mul3A_107 : i32
      %get3A_110 = arith.index_cast %add3A_109 : i32 to index
      %get3A_111 = tpu.vector_load %arg5[%get3A_110] {strides = array<i32>} : memref<50176xf32, #tpu.memory_space<vmem>>, vector<16xf32>,
      %add3A_112 = arith.addf %add3A_105, %get3A_111 : vector<16xf32>
      %mul3A_113 = arith.constant 16 : i32
      %mul3A_114 = arith.muli %add3A_60, %mul3A_113 : i32
      %add3A_115 = arith.constant 25088 : i32
      %add3A_116 = arith.addi %add3A_115, %mul3A_114 : i32
      %get3A_117 = arith.index_cast %add3A_116 : i32 to index
      %get3A_118 = tpu.vector_load %arg5[%get3A_117] {strides = array<i32>} : memref<50176xf32, #tpu.memory_space<vmem>>, vector<16xf32>,
      %add3A_119 = arith.addf %add3A_112, %get3A_118 : vector<16xf32>
      %mul3A_120 = arith.constant 16 : i32
      %mul3A_121 = arith.muli %add3A_60, %mul3A_120 : i32
      %add3A_122 = arith.constant 28224 : i32
      %add3A_123 = arith.addi %add3A_122, %mul3A_121 : i32
      %get3A_124 = arith.index_cast %add3A_123 : i32 to index
      %get3A_125 = tpu.vector_load %arg5[%get3A_124] {strides = array<i32>} : memref<50176xf32, #tpu.memory_space<vmem>>, vector<16xf32>,
      %add3A_126 = arith.addf %add3A_119, %get3A_125 : vector<16xf32>
      %mul3A_127 = arith.constant 16 : i32
      %mul3A_128 = arith.muli %add3A_60, %mul3A_127 : i32
      %add3A_129 = arith.constant 31360 : i32
      %add3A_130 = arith.addi %add3A_129, %mul3A_128 : i32
      %get3A_131 = arith.index_cast %add3A_130 : i32 to index
      %get3A_132 = tpu.vector_load %arg5[%get3A_131] {strides = array<i32>} : memref<50176xf32, #tpu.memory_space<vmem>>, vector<16xf32>,
      %add3A_133 = arith.addf %add3A_126, %get3A_132 : vector<16xf32>
      %mul3A_134 = arith.constant 16 : i32
      %mul3A_135 = arith.muli %add3A_60, %mul3A_134 : i32
      %add3A_136 = arith.constant 34496 : i32
      %add3A_137 = arith.addi %add3A_136, %mul3A_135 : i32
      %get3A_138 = arith.index_cast %add3A_137 : i32 to index
      %get3A_139 = tpu.vector_load %arg5[%get3A_138] {strides = array<i32>} : memref<50176xf32, #tpu.memory_space<vmem>>, vector<16xf32>,
      %add3A_140 = arith.addf %add3A_133, %get3A_139 : vector<16xf32>
      %mul3A_141 = arith.constant 16 : i32
      %mul3A_142 = arith.muli %add3A_60, %mul3A_141 : i32
      %add3A_143 = arith.constant 37632 : i32
      %add3A_144 = arith.addi %add3A_143, %mul3A_142 : i32
      %get3A_145 = arith.index_cast %add3A_144 : i32 to index
      %get3A_146 = tpu.vector_load %arg5[%get3A_145] {strides = array<i32>} : memref<50176xf32, #tpu.memory_space<vmem>>, vector<16xf32>,
      %add3A_147 = arith.addf %add3A_140, %get3A_146 : vector<16xf32>
      %mul3A_148 = arith.constant 16 : i32
      %mul3A_149 = arith.muli %add3A_60, %mul3A_148 : i32
      %add3A_150 = arith.constant 40768 : i32
      %add3A_151 = arith.addi %add3A_150, %mul3A_149 : i32
      %get3A_152 = arith.index_cast %add3A_151 : i32 to index
      %get3A_153 = tpu.vector_load %arg5[%get3A_152] {strides = array<i32>} : memref<50176xf32, #tpu.memory_space<vmem>>, vector<16xf32>,
      %add3A_154 = arith.addf %add3A_147, %get3A_153 : vector<16xf32>
      %mul3A_155 = arith.constant 16 : i32
      %mul3A_156 = arith.muli %add3A_60, %mul3A_155 : i32
      %add3A_157 = arith.constant 43904 : i32
      %add3A_158 = arith.addi %add3A_157, %mul3A_156 : i32
      %get3A_159 = arith.index_cast %add3A_158 : i32 to index
      %get3A_160 = tpu.vector_load %arg5[%get3A_159] {strides = array<i32>} : memref<50176xf32, #tpu.memory_space<vmem>>, vector<16xf32>,
      %add3A_161 = arith.addf %add3A_154, %get3A_160 : vector<16xf32>
      %mul3A_162 = arith.constant 16 : i32
      %mul3A_163 = arith.muli %add3A_60, %mul3A_162 : i32
      %add3A_164 = arith.constant 47040 : i32
      %add3A_165 = arith.addi %add3A_164, %mul3A_163 : i32
      %get3A_166 = arith.index_cast %add3A_165 : i32 to index
      %get3A_167 = tpu.vector_load %arg5[%get3A_166] {strides = array<i32>} : memref<50176xf32, #tpu.memory_space<vmem>>, vector<16xf32>,
      %add3A_168 = arith.addf %add3A_161, %get3A_167 : vector<16xf32>
      %mul3A_169 = arith.constant 16 : i32
      %mul3A_170 = arith.muli %add3A_60, %mul3A_169 : i32
      %swap3A = arith.index_cast %mul3A_170 : i32 to index
      %swap3A_171 = tpu.vector_load %arg5[%swap3A] {strides = array<i32>} : memref<50176xf32, #tpu.memory_space<vmem>>, vector<16xf32>,
      tpu.vector_store %arg5[%swap3A], %add3A_168 {strides = array<i32>} : memref<50176xf32, #tpu.memory_space<vmem>>, vector<16xf32>,
      %scan3A_172 = arith.constant 1 : i32
      %scan3A_173 = arith.addi %scan3A_56, %scan3A_172 : i32
      %mul3A_174 = arith.constant 1 : i32
      %mul3A_175 = arith.muli %scan3A_173, %mul3A_174 : i32
      %add3A_176 = arith.constant 0 : i32
      %add3A_177 = arith.addi %add3A_176, %mul3A_175 : i32
      %mul3A_178 = arith.constant 16 : i32
      %mul3A_179 = arith.muli %add3A_177, %mul3A_178 : i32
      %get3A_180 = arith.index_cast %mul3A_179 : i32 to index
      %get3A_181 = tpu.vector_load %arg5[%get3A_180] {strides = array<i32>} : memref<50176xf32, #tpu.memory_space<vmem>>, vector<16xf32>,
      %mul3A_182 = arith.constant 16 : i32
      %mul3A_183 = arith.muli %add3A_177, %mul3A_182 : i32
      %add3A_184 = arith.constant 3136 : i32
      %add3A_185 = arith.addi %add3A_184, %mul3A_183 : i32
      %get3A_186 = arith.index_cast %add3A_185 : i32 to index
      %get3A_187 = tpu.vector_load %arg5[%get3A_186] {strides = array<i32>} : memref<50176xf32, #tpu.memory_space<vmem>>, vector<16xf32>,
      %add3A_188 = arith.addf %get3A_181, %get3A_187 : vector<16xf32>
      %mul3A_189 = arith.constant 16 : i32
      %mul3A_190 = arith.muli %add3A_177, %mul3A_189 : i32
      %add3A_191 = arith.constant 6272 : i32
      %add3A_192 = arith.addi %add3A_191, %mul3A_190 : i32
      %get3A_193 = arith.index_cast %add3A_192 : i32 to index
      %get3A_194 = tpu.vector_load %arg5[%get3A_193] {strides = array<i32>} : memref<50176xf32, #tpu.memory_space<vmem>>, vector<16xf32>,
      %add3A_195 = arith.addf %add3A_188, %get3A_194 : vector<16xf32>
      %mul3A_196 = arith.constant 16 : i32
      %mul3A_197 = arith.muli %add3A_177, %mul3A_196 : i32
      %add3A_198 = arith.constant 9408 : i32
      %add3A_199 = arith.addi %add3A_198, %mul3A_197 : i32
      %get3A_200 = arith.index_cast %add3A_199 : i32 to index
      %get3A_201 = tpu.vector_load %arg5[%get3A_200] {strides = array<i32>} : memref<50176xf32, #tpu.memory_space<vmem>>, vector<16xf32>,
      %add3A_202 = arith.addf %add3A_195, %get3A_201 : vector<16xf32>
      %mul3A_203 = arith.constant 16 : i32
      %mul3A_204 = arith.muli %add3A_177, %mul3A_203 : i32
      %add3A_205 = arith.constant 12544 : i32
      %add3A_206 = arith.addi %add3A_205, %mul3A_204 : i32
      %get3A_207 = arith.index_cast %add3A_206 : i32 to index
      %get3A_208 = tpu.vector_load %arg5[%get3A_207] {strides = array<i32>} : memref<50176xf32, #tpu.memory_space<vmem>>, vector<16xf32>,
      %add3A_209 = arith.addf %add3A_202, %get3A_208 : vector<16xf32>
      %mul3A_210 = arith.constant 16 : i32
      %mul3A_211 = arith.muli %add3A_177, %mul3A_210 : i32
      %add3A_212 = arith.constant 15680 : i32
      %add3A_213 = arith.addi %add3A_212, %mul3A_211 : i32
      %get3A_214 = arith.index_cast %add3A_213 : i32 to index
      %get3A_215 = tpu.vector_load %arg5[%get3A_214] {strides = array<i32>} : memref<50176xf32, #tpu.memory_space<vmem>>, vector<16xf32>,
      %add3A_216 = arith.addf %add3A_209, %get3A_215 : vector<16xf32>
      %mul3A_217 = arith.constant 16 : i32
      %mul3A_218 = arith.muli %add3A_177, %mul3A_217 : i32
      %add3A_219 = arith.constant 18816 : i32
      %add3A_220 = arith.addi %add3A_219, %mul3A_218 : i32
      %get3A_221 = arith.index_cast %add3A_220 : i32 to index
      %get3A_222 = tpu.vector_load %arg5[%get3A_221] {strides = array<i32>} : memref<50176xf32, #tpu.memory_space<vmem>>, vector<16xf32>,
      %add3A_223 = arith.addf %add3A_216, %get3A_222 : vector<16xf32>
      %mul3A_224 = arith.constant 16 : i32
      %mul3A_225 = arith.muli %add3A_177, %mul3A_224 : i32
      %add3A_226 = arith.constant 21952 : i32
      %add3A_227 = arith.addi %add3A_226, %mul3A_225 : i32
      %get3A_228 = arith.index_cast %add3A_227 : i32 to index
      %get3A_229 = tpu.vector_load %arg5[%get3A_228] {strides = array<i32>} : memref<50176xf32, #tpu.memory_space<vmem>>, vector<16xf32>,
      %add3A_230 = arith.addf %add3A_223, %get3A_229 : vector<16xf32>
      %mul3A_231 = arith.constant 16 : i32
      %mul3A_232 = arith.muli %add3A_177, %mul3A_231 : i32
      %add3A_233 = arith.constant 25088 : i32
      %add3A_234 = arith.addi %add3A_233, %mul3A_232 : i32
      %get3A_235 = arith.index_cast %add3A_234 : i32 to index
      %get3A_236 = tpu.vector_load %arg5[%get3A_235] {strides = array<i32>} : memref<50176xf32, #tpu.memory_space<vmem>>, vector<16xf32>,
      %add3A_237 = arith.addf %add3A_230, %get3A_236 : vector<16xf32>
      %mul3A_238 = arith.constant 16 : i32
      %mul3A_239 = arith.muli %add3A_177, %mul3A_238 : i32
      %add3A_240 = arith.constant 28224 : i32
      %add3A_241 = arith.addi %add3A_240, %mul3A_239 : i32
      %get3A_242 = arith.index_cast %add3A_241 : i32 to index
      %get3A_243 = tpu.vector_load %arg5[%get3A_242] {strides = array<i32>} : memref<50176xf32, #tpu.memory_space<vmem>>, vector<16xf32>,
      %add3A_244 = arith.addf %add3A_237, %get3A_243 : vector<16xf32>
      %mul3A_245 = arith.constant 16 : i32
      %mul3A_246 = arith.muli %add3A_177, %mul3A_245 : i32
      %add3A_247 = arith.constant 31360 : i32
      %add3A_248 = arith.addi %add3A_247, %mul3A_246 : i32
      %get3A_249 = arith.index_cast %add3A_248 : i32 to index
      %get3A_250 = tpu.vector_load %arg5[%get3A_249] {strides = array<i32>} : memref<50176xf32, #tpu.memory_space<vmem>>, vector<16xf32>,
      %add3A_251 = arith.addf %add3A_244, %get3A_250 : vector<16xf32>
      %mul3A_252 = arith.constant 16 : i32
      %mul3A_253 = arith.muli %add3A_177, %mul3A_252 : i32
      %add3A_254 = arith.constant 34496 : i32
      %add3A_255 = arith.addi %add3A_254, %mul3A_253 : i32
      %get3A_256 = arith.index_cast %add3A_255 : i32 to index
      %get3A_257 = tpu.vector_load %arg5[%get3A_256] {strides = array<i32>} : memref<50176xf32, #tpu.memory_space<vmem>>, vector<16xf32>,
      %add3A_258 = arith.addf %add3A_251, %get3A_257 : vector<16xf32>
      %mul3A_259 = arith.constant 16 : i32
      %mul3A_260 = arith.muli %add3A_177, %mul3A_259 : i32
      %add3A_261 = arith.constant 37632 : i32
      %add3A_262 = arith.addi %add3A_261, %mul3A_260 : i32
      %get3A_263 = arith.index_cast %add3A_262 : i32 to index
      %get3A_264 = tpu.vector_load %arg5[%get3A_263] {strides = array<i32>} : memref<50176xf32, #tpu.memory_space<vmem>>, vector<16xf32>,
      %add3A_265 = arith.addf %add3A_258, %get3A_264 : vector<16xf32>
      %mul3A_266 = arith.constant 16 : i32
      %mul3A_267 = arith.muli %add3A_177, %mul3A_266 : i32
      %add3A_268 = arith.constant 40768 : i32
      %add3A_269 = arith.addi %add3A_268, %mul3A_267 : i32
      %get3A_270 = arith.index_cast %add3A_269 : i32 to index
      %get3A_271 = tpu.vector_load %arg5[%get3A_270] {strides = array<i32>} : memref<50176xf32, #tpu.memory_space<vmem>>, vector<16xf32>,
      %add3A_272 = arith.addf %add3A_265, %get3A_271 : vector<16xf32>
      %mul3A_273 = arith.constant 16 : i32
      %mul3A_274 = arith.muli %add3A_177, %mul3A_273 : i32
      %add3A_275 = arith.constant 43904 : i32
      %add3A_276 = arith.addi %add3A_275, %mul3A_274 : i32
      %get3A_277 = arith.index_cast %add3A_276 : i32 to index
      %get3A_278 = tpu.vector_load %arg5[%get3A_277] {strides = array<i32>} : memref<50176xf32, #tpu.memory_space<vmem>>, vector<16xf32>,
      %add3A_279 = arith.addf %add3A_272, %get3A_278 : vector<16xf32>
      %mul3A_280 = arith.constant 16 : i32
      %mul3A_281 = arith.muli %add3A_177, %mul3A_280 : i32
      %add3A_282 = arith.constant 47040 : i32
      %add3A_283 = arith.addi %add3A_282, %mul3A_281 : i32
      %get3A_284 = arith.index_cast %add3A_283 : i32 to index
      %get3A_285 = tpu.vector_load %arg5[%get3A_284] {strides = array<i32>} : memref<50176xf32, #tpu.memory_space<vmem>>, vector<16xf32>,
      %add3A_286 = arith.addf %add3A_279, %get3A_285 : vector<16xf32>
      %mul3A_287 = arith.constant 16 : i32
      %mul3A_288 = arith.muli %add3A_177, %mul3A_287 : i32
      %swap3A_289 = arith.index_cast %mul3A_288 : i32 to index
      %swap3A_290 = tpu.vector_load %arg5[%swap3A_289] {strides = array<i32>} : memref<50176xf32, #tpu.memory_space<vmem>>, vector<16xf32>,
      tpu.vector_store %arg5[%swap3A_289], %add3A_286 {strides = array<i32>} : memref<50176xf32, #tpu.memory_space<vmem>>, vector<16xf32>,
    }
    %scan3A_52 = arith.constant 196 : i32
    %mul3A_53 = arith.constant 50176 : i32
    %mul3A_54 = arith.muli %arg0, %mul3A_53 : i32
    %add3A_55 = arith.addi %mul3A_54, %mul3A_15 : i32
    "tpu.region"() ({
      %run_scoped3A = tpu.sem_alloc : memref<!tpu.dma_semaphore, #tpu.memory_space<semaphore_mem>>
      %dma_start3A = arith.constant 0 : i32
      %dma_start3A_56 = tpu.memref_slice %arg5[%dma_start3A] : memref<50176xf32, #tpu.memory_space<vmem>> -> memref<3136xf32, #tpu.memory_space<vmem>>
      %dma_start3A_57 = tpu.memref_slice %arg4[%add3A_55] : memref<100352xf32, #tpu.memory_space<hbm>> -> memref<3136xf32, #tpu.memory_space<hbm>>
      %dma_start3A_58 = tpu.memref_slice %arg4[%add3A_55] : memref<100352xf32, #tpu.memory_space<hbm>> -> memref<3136xf32, #tpu.memory_space<hbm>>
      %dma_start3A_59 = arith.constant 0 : i32
      %dma_start3A_60 = tpu.memref_slice %arg5[%dma_start3A_59] : memref<50176xf32, #tpu.memory_space<vmem>> -> memref<3136xf32, #tpu.memory_space<vmem>>
      tpu.enqueue_dma source(%dma_start3A_60 : memref<3136xf32, #tpu.memory_space<vmem>>) target(%dma_start3A_58 : memref<3136xf32, #tpu.memory_space<hbm>>) target_semaphore(%run_scoped3A : memref<!tpu.dma_semaphore, #tpu.memory_space<semaphore_mem>>)
      %dma_wait3A = arith.constant 0 : i32
      %dma_wait3A_61 = tpu.memref_slice %arg5[%dma_wait3A] : memref<50176xf32, #tpu.memory_space<vmem>> -> memref<3136xf32, #tpu.memory_space<vmem>>
      %dma_wait3A_62 = tpu.memref_slice %arg4[%add3A_55] : memref<100352xf32, #tpu.memory_space<hbm>> -> memref<3136xf32, #tpu.memory_space<hbm>>
      %dma_wait3A_63 = tpu.memref_slice %arg4[%add3A_55] : memref<100352xf32, #tpu.memory_space<hbm>> -> memref<3136xf32, #tpu.memory_space<hbm>>
      %dma_wait3A_64 = arith.constant 0 : i32
      %dma_wait3A_65 = tpu.memref_slice %arg5[%dma_wait3A_64] : memref<50176xf32, #tpu.memory_space<vmem>> -> memref<3136xf32, #tpu.memory_space<vmem>>
      tpu.wait_dma2 semaphore(%run_scoped3A : memref<!tpu.dma_semaphore, #tpu.memory_space<semaphore_mem>>) src(%dma_wait3A_65 : memref<3136xf32, #tpu.memory_space<vmem>>) dst(%dma_wait3A_63 : memref<3136xf32, #tpu.memory_space<hbm>>)
      tpu.yield
    }) : () -> ()
    return
  }
}

module attributes {stable_mosaic.version = 14 : i64} {
  func.func @body(%arg0: i32, %arg1: memref<4x64x128xf32, #tpu.memory_space<vmem>>, %arg2: memref<1x128xf32, #tpu.memory_space<vmem>>) attributes {dimension_semantics = [#tpu.dimension_semantics<arbitrary>], iteration_bounds = array<i64: 195>, scalar_prefetch = 0 : i64, scratch_operands = 0 : i64, tpu.core_type = #tpu.core_type<tc>, window_params = [{transform_indices = @transform_0, window_bounds = array<i64: 4, 64, 128>}, {pipeline_mode = #tpu.pipeline_mode<synchronous>, transform_indices = @transform_1, window_bounds = array<i64: 1, 128>}]} {
    %eq3A = arith.constant 0 : i32
    %eq3A_0 = arith.cmpi eq, %arg0, %eq3A : i32
    %convert_element_type3A = arith.extui %eq3A_0 : i1 to i32
    %cond3A = arith.constant 0 : i32
    %cond3A_1 = arith.cmpi ne, %convert_element_type3A, %cond3A : i32
    scf.if %cond3A_1 {
      %broadcast_in_dim3A_17 = arith.constant 0.000000e+00 : f32
      %broadcast_in_dim3A_18 = vector.broadcast %broadcast_in_dim3A_17 : f32 to vector<1x128xf32>
      %swap3A_19 = arith.constant 0 : index
      %swap3A_20 = arith.constant 0 : index
      %swap3A_21 = vector.load %arg2[%swap3A_19, %swap3A_20] : memref<1x128xf32, #tpu.memory_space<vmem>>, vector<1x128xf32>
      tpu.vector_store %arg2[%swap3A_19, %swap3A_20], %broadcast_in_dim3A_18 {strides = array<i32>} : memref<1x128xf32, #tpu.memory_space<vmem>>, vector<1x128xf32>,
    } else {
    }
    %get3A = arith.constant 0 : index
    %get3A_2 = arith.constant 0 : index
    %get3A_3 = vector.load %arg2[%get3A, %get3A_2] : memref<1x128xf32, #tpu.memory_space<vmem>>, vector<1x128xf32>
    %get3A_4 = arith.constant 3 : index
    %get3A_5 = arith.constant 0 : index
    %get3A_6 = arith.constant 0 : index
    %get3A_7 = vector.load %arg1[%get3A_4, %get3A_5, %get3A_6] : memref<4x64x128xf32, #tpu.memory_space<vmem>>, vector<1x64x128xf32>
    %get3A_8 = vector.shape_cast %get3A_7 : vector<1x64x128xf32> to vector<64x128xf32>
    %eq3A_9 = arith.constant 0.000000e+00 : f32
    %eq3A_10 = vector.broadcast %eq3A_9 : f32 to vector<64x128xf32>
    %eq3A_11 = arith.cmpf oeq, %get3A_8, %eq3A_10 : vector<64x128xf32>
    %convert_element_type3A_12 = arith.extui %eq3A_11 : vector<64x128xi1> to vector<64x128xi32>
    %convert_element_type3A_13 = arith.sitofp %convert_element_type3A_12 : vector<64x128xi32> to vector<64x128xf32>
    %reduce_sum3A = arith.constant dense<0.000000e+00> : vector<128xf32>
    %reduce_sum3A_14 = vector.multi_reduction <add>, %convert_element_type3A_13, %reduce_sum3A [0] : vector<64x128xf32> to vector<128xf32>
    %broadcast_in_dim3A = vector.shape_cast %reduce_sum3A_14 : vector<128xf32> to vector<1x128xf32>
    %add3A = arith.addf %get3A_3, %broadcast_in_dim3A : vector<1x128xf32>
    %swap3A = arith.constant 0 : index
    %swap3A_15 = arith.constant 0 : index
    %swap3A_16 = vector.load %arg2[%swap3A, %swap3A_15] : memref<1x128xf32, #tpu.memory_space<vmem>>, vector<1x128xf32>
    tpu.vector_store %arg2[%swap3A, %swap3A_15], %add3A {strides = array<i32>} : memref<1x128xf32, #tpu.memory_space<vmem>>, vector<1x128xf32>,
    return
  }
  func.func @transform_0(%arg0: i32) -> (i32, i32, i32) {
    %c0_i32 = arith.constant 0 : i32
    %c0_i32_0 = arith.constant 0 : i32
    %c0_i32_1 = arith.constant 0 : i32
    return %c0_i32, %arg0, %c0_i32_0 : i32, i32, i32
  }
  func.func @transform_1(%arg0: i32) -> (i32, i32) {
    %c0_i32 = arith.constant 0 : i32
    %c0_i32_0 = arith.constant 0 : i32
    %c0_i32_1 = arith.constant 0 : i32
    return %c0_i32, %c0_i32_0 : i32, i32
  }
}

module attributes {stable_mosaic.version = 14 : i64} {
  func.func @body(%arg0: i32, %arg1: memref<14x32x128xf32, #tpu.memory_space<vmem>>, %arg2: memref<4x32x128xf32, #tpu.memory_space<vmem>>, %arg3: memref<32x14xf32, #tpu.memory_space<vmem>>, %arg4: memref<32x4xf32, #tpu.memory_space<vmem>>, %arg5: memref<32x1xf32, #tpu.memory_space<vmem>>, %arg6: memref<4x32xf32, #tpu.memory_space<vmem>>, %arg7: memref<4x1xf32, #tpu.memory_space<vmem>>, %arg8: memref<4x32x128xf32, #tpu.memory_space<vmem>>) attributes {dimension_semantics = [#tpu.dimension_semantics<arbitrary>], iteration_bounds = array<i64: 391>, scalar_prefetch = 0 : i64, scratch_operands = 0 : i64, tpu.core_type = #tpu.core_type<tc>, window_params = [{transform_indices = @transform_0, window_bounds = array<i64: 14, 32, 128>}, {transform_indices = @transform_1, window_bounds = array<i64: 4, 32, 128>}, {pipeline_mode = #tpu.pipeline_mode<synchronous>, transform_indices = @transform_2, window_bounds = array<i64: 32, 14>}, {pipeline_mode = #tpu.pipeline_mode<synchronous>, transform_indices = @transform_3, window_bounds = array<i64: 32, 4>}, {pipeline_mode = #tpu.pipeline_mode<synchronous>, transform_indices = @transform_4, window_bounds = array<i64: 32, 1>}, {pipeline_mode = #tpu.pipeline_mode<synchronous>, transform_indices = @transform_5, window_bounds = array<i64: 4, 32>}, {pipeline_mode = #tpu.pipeline_mode<synchronous>, transform_indices = @transform_6, window_bounds = array<i64: 4, 1>}, {transform_indices = @transform_7, window_bounds = array<i64: 4, 32, 128>}]} {
    %get3A = arith.constant 0 : index
    %get3A_0 = arith.constant 0 : index
    %get3A_1 = arith.constant 0 : index
    %get3A_2 = vector.load %arg1[%get3A, %get3A_0, %get3A_1] : memref<14x32x128xf32, #tpu.memory_space<vmem>>, vector<4x32x128xf32>
    %get3A_3 = arith.constant 0 : index
    %get3A_4 = arith.constant 0 : index
    %get3A_5 = arith.constant 0 : index
    %get3A_6 = vector.load %arg2[%get3A_3, %get3A_4, %get3A_5] : memref<4x32x128xf32, #tpu.memory_space<vmem>>, vector<4x32x128xf32>
    %add3A = arith.addf %get3A_2, %get3A_6 : vector<4x32x128xf32>
    %swap3A = arith.constant 0 : index
    %swap3A_7 = arith.constant 0 : index
    %swap3A_8 = arith.constant 0 : index
    %swap3A_9 = vector.load %arg8[%swap3A, %swap3A_7, %swap3A_8] : memref<4x32x128xf32, #tpu.memory_space<vmem>>, vector<4x32x128xf32>
    tpu.vector_store %arg8[%swap3A, %swap3A_7, %swap3A_8], %add3A {strides = array<i32>} : memref<4x32x128xf32, #tpu.memory_space<vmem>>, vector<4x32x128xf32>,
    return
  }
  func.func @transform_0(%arg0: i32) -> (i32, i32, i32) {
    %c0_i32 = arith.constant 0 : i32
    %c0_i32_0 = arith.constant 0 : i32
    %c0_i32_1 = arith.constant 0 : i32
    return %c0_i32, %arg0, %c0_i32_0 : i32, i32, i32
  }
  func.func @transform_1(%arg0: i32) -> (i32, i32, i32) {
    %c0_i32 = arith.constant 0 : i32
    %c0_i32_0 = arith.constant 0 : i32
    %c0_i32_1 = arith.constant 0 : i32
    return %c0_i32, %arg0, %c0_i32_0 : i32, i32, i32
  }
  func.func @transform_2(%arg0: i32) -> (i32, i32) {
    %c0_i32 = arith.constant 0 : i32
    %c0_i32_0 = arith.constant 0 : i32
    %c0_i32_1 = arith.constant 0 : i32
    return %c0_i32, %c0_i32_0 : i32, i32
  }
  func.func @transform_3(%arg0: i32) -> (i32, i32) {
    %c0_i32 = arith.constant 0 : i32
    %c0_i32_0 = arith.constant 0 : i32
    %c0_i32_1 = arith.constant 0 : i32
    return %c0_i32, %c0_i32_0 : i32, i32
  }
  func.func @transform_4(%arg0: i32) -> (i32, i32) {
    %c0_i32 = arith.constant 0 : i32
    %c0_i32_0 = arith.constant 0 : i32
    %c0_i32_1 = arith.constant 0 : i32
    return %c0_i32, %c0_i32_0 : i32, i32
  }
  func.func @transform_5(%arg0: i32) -> (i32, i32) {
    %c0_i32 = arith.constant 0 : i32
    %c0_i32_0 = arith.constant 0 : i32
    %c0_i32_1 = arith.constant 0 : i32
    return %c0_i32, %c0_i32_0 : i32, i32
  }
  func.func @transform_6(%arg0: i32) -> (i32, i32) {
    %c0_i32 = arith.constant 0 : i32
    %c0_i32_0 = arith.constant 0 : i32
    %c0_i32_1 = arith.constant 0 : i32
    return %c0_i32, %c0_i32_0 : i32, i32
  }
  func.func @transform_7(%arg0: i32) -> (i32, i32, i32) {
    %c0_i32 = arith.constant 0 : i32
    %c0_i32_0 = arith.constant 0 : i32
    %c0_i32_1 = arith.constant 0 : i32
    return %c0_i32, %arg0, %c0_i32_0 : i32, i32, i32
  }
}

module attributes {stable_mosaic.version = 14 : i64} {
  func.func @body(%arg0: memref<8x392x128xf32, #tpu.memory_space<vmem>>, %arg1: memref<2x4x392x128xf32, #tpu.memory_space<vmem>>, %arg2: memref<2x392x128xf32, #tpu.memory_space<vmem>>, %arg3: memref<8x392x128xf32, #tpu.memory_space<vmem>>, %arg4: memref<8x128xf32, #tpu.memory_space<vmem>>) attributes {dimension_semantics = [], scalar_prefetch = 0 : i64, scratch_operands = 0 : i64, tpu.core_type = #tpu.core_type<tc>} {
    %get3A = arith.constant 0 : index
    %get3A_0 = arith.constant 0 : index
    %get3A_1 = arith.constant 0 : index
    %get3A_2 = vector.load %arg0[%get3A, %get3A_0, %get3A_1] : memref<8x392x128xf32, #tpu.memory_space<vmem>>, vector<1x392x128xf32>
    %get3A_3 = vector.shape_cast %get3A_2 : vector<1x392x128xf32> to vector<392x128xf32>
    %get3A_4 = arith.constant 1 : index
    %get3A_5 = arith.constant 0 : index
    %get3A_6 = arith.constant 0 : index
    %get3A_7 = vector.load %arg0[%get3A_4, %get3A_5, %get3A_6] : memref<8x392x128xf32, #tpu.memory_space<vmem>>, vector<1x392x128xf32>
    %get3A_8 = vector.shape_cast %get3A_7 : vector<1x392x128xf32> to vector<392x128xf32>
    %get3A_9 = arith.constant 2 : index
    %get3A_10 = arith.constant 0 : index
    %get3A_11 = arith.constant 0 : index
    %get3A_12 = vector.load %arg0[%get3A_9, %get3A_10, %get3A_11] : memref<8x392x128xf32, #tpu.memory_space<vmem>>, vector<1x392x128xf32>
    %get3A_13 = vector.shape_cast %get3A_12 : vector<1x392x128xf32> to vector<392x128xf32>
    %get3A_14 = arith.constant 3 : index
    %get3A_15 = arith.constant 0 : index
    %get3A_16 = arith.constant 0 : index
    %get3A_17 = vector.load %arg0[%get3A_14, %get3A_15, %get3A_16] : memref<8x392x128xf32, #tpu.memory_space<vmem>>, vector<1x392x128xf32>
    %get3A_18 = vector.shape_cast %get3A_17 : vector<1x392x128xf32> to vector<392x128xf32>
    %get3A_19 = arith.constant 4 : index
    %get3A_20 = arith.constant 0 : index
    %get3A_21 = arith.constant 0 : index
    %get3A_22 = vector.load %arg0[%get3A_19, %get3A_20, %get3A_21] : memref<8x392x128xf32, #tpu.memory_space<vmem>>, vector<1x392x128xf32>
    %get3A_23 = vector.shape_cast %get3A_22 : vector<1x392x128xf32> to vector<392x128xf32>
    %get3A_24 = arith.constant 0 : index
    %get3A_25 = arith.constant 0 : index
    %get3A_26 = arith.constant 0 : index
    %get3A_27 = vector.load %arg2[%get3A_24, %get3A_25, %get3A_26] : memref<2x392x128xf32, #tpu.memory_space<vmem>>, vector<1x392x128xf32>
    %get3A_28 = vector.shape_cast %get3A_27 : vector<1x392x128xf32> to vector<392x128xf32>
    %get3A_29 = arith.constant 1 : index
    %get3A_30 = arith.constant 0 : index
    %get3A_31 = arith.constant 0 : index
    %get3A_32 = vector.load %arg2[%get3A_29, %get3A_30, %get3A_31] : memref<2x392x128xf32, #tpu.memory_space<vmem>>, vector<1x392x128xf32>
    %get3A_33 = vector.shape_cast %get3A_32 : vector<1x392x128xf32> to vector<392x128xf32>
    %add3A = arith.addf %get3A_28, %get3A_33 : vector<392x128xf32>
    %max3A = arith.constant 1.000000e+00 : f32
    %max3A_34 = vector.broadcast %max3A : f32 to vector<392x128xf32>
    %max3A_35 = arith.maximumf %add3A, %max3A_34 : vector<392x128xf32>
    %gt3A = arith.constant 5.000000e-01 : f32
    %gt3A_36 = vector.broadcast %gt3A : f32 to vector<392x128xf32>
    %gt3A_37 = arith.cmpf ogt, %get3A_23, %gt3A_36 : vector<392x128xf32>
    %convert_element_type3A = arith.extui %gt3A_37 : vector<392x128xi1> to vector<392x128xi32>
    %convert_element_type3A_38 = arith.sitofp %convert_element_type3A : vector<392x128xi32> to vector<392x128xf32>
    %get3A_39 = arith.constant 0 : index
    %get3A_40 = arith.constant 0 : index
    %get3A_41 = arith.constant 0 : index
    %get3A_42 = arith.constant 0 : index
    %get3A_43 = vector.load %arg1[%get3A_39, %get3A_40, %get3A_41, %get3A_42] : memref<2x4x392x128xf32, #tpu.memory_space<vmem>>, vector<1x1x392x128xf32>
    %get3A_44 = vector.shape_cast %get3A_43 : vector<1x1x392x128xf32> to vector<392x128xf32>
    %get3A_45 = arith.constant 1 : index
    %get3A_46 = arith.constant 0 : index
    %get3A_47 = arith.constant 0 : index
    %get3A_48 = arith.constant 0 : index
    %get3A_49 = vector.load %arg1[%get3A_45, %get3A_46, %get3A_47, %get3A_48] : memref<2x4x392x128xf32, #tpu.memory_space<vmem>>, vector<1x1x392x128xf32>
    %get3A_50 = vector.shape_cast %get3A_49 : vector<1x1x392x128xf32> to vector<392x128xf32>
    %add3A_51 = arith.addf %get3A_44, %get3A_50 : vector<392x128xf32>
    %div3A = arith.divf %add3A_51, %max3A_35 : vector<392x128xf32>
    %mul3A = arith.constant 5.000000e-03 : f32
    %mul3A_52 = vector.broadcast %mul3A : f32 to vector<392x128xf32>
    %mul3A_53 = arith.mulf %div3A, %mul3A_52 : vector<392x128xf32>
    %mul3A_54 = arith.mulf %mul3A_53, %convert_element_type3A_38 : vector<392x128xf32>
    %get3A_55 = arith.constant 0 : index
    %get3A_56 = arith.constant 1 : index
    %get3A_57 = arith.constant 0 : index
    %get3A_58 = arith.constant 0 : index
    %get3A_59 = vector.load %arg1[%get3A_55, %get3A_56, %get3A_57, %get3A_58] : memref<2x4x392x128xf32, #tpu.memory_space<vmem>>, vector<1x1x392x128xf32>
    %get3A_60 = vector.shape_cast %get3A_59 : vector<1x1x392x128xf32> to vector<392x128xf32>
    %get3A_61 = arith.constant 1 : index
    %get3A_62 = arith.constant 1 : index
    %get3A_63 = arith.constant 0 : index
    %get3A_64 = arith.constant 0 : index
    %get3A_65 = vector.load %arg1[%get3A_61, %get3A_62, %get3A_63, %get3A_64] : memref<2x4x392x128xf32, #tpu.memory_space<vmem>>, vector<1x1x392x128xf32>
    %get3A_66 = vector.shape_cast %get3A_65 : vector<1x1x392x128xf32> to vector<392x128xf32>
    %add3A_67 = arith.addf %get3A_60, %get3A_66 : vector<392x128xf32>
    %div3A_68 = arith.divf %add3A_67, %max3A_35 : vector<392x128xf32>
    %mul3A_69 = arith.constant 5.000000e-03 : f32
    %mul3A_70 = vector.broadcast %mul3A_69 : f32 to vector<392x128xf32>
    %mul3A_71 = arith.mulf %div3A_68, %mul3A_70 : vector<392x128xf32>
    %mul3A_72 = arith.mulf %mul3A_71, %convert_element_type3A_38 : vector<392x128xf32>
    %get3A_73 = arith.constant 0 : index
    %get3A_74 = arith.constant 2 : index
    %get3A_75 = arith.constant 0 : index
    %get3A_76 = arith.constant 0 : index
    %get3A_77 = vector.load %arg1[%get3A_73, %get3A_74, %get3A_75, %get3A_76] : memref<2x4x392x128xf32, #tpu.memory_space<vmem>>, vector<1x1x392x128xf32>
    %get3A_78 = vector.shape_cast %get3A_77 : vector<1x1x392x128xf32> to vector<392x128xf32>
    %get3A_79 = arith.constant 1 : index
    %get3A_80 = arith.constant 2 : index
    %get3A_81 = arith.constant 0 : index
    %get3A_82 = arith.constant 0 : index
    %get3A_83 = vector.load %arg1[%get3A_79, %get3A_80, %get3A_81, %get3A_82] : memref<2x4x392x128xf32, #tpu.memory_space<vmem>>, vector<1x1x392x128xf32>
    %get3A_84 = vector.shape_cast %get3A_83 : vector<1x1x392x128xf32> to vector<392x128xf32>
    %add3A_85 = arith.addf %get3A_78, %get3A_84 : vector<392x128xf32>
    %div3A_86 = arith.divf %add3A_85, %max3A_35 : vector<392x128xf32>
    %mul3A_87 = arith.constant 5.000000e-03 : f32
    %mul3A_88 = vector.broadcast %mul3A_87 : f32 to vector<392x128xf32>
    %mul3A_89 = arith.mulf %div3A_86, %mul3A_88 : vector<392x128xf32>
    %mul3A_90 = arith.mulf %mul3A_89, %convert_element_type3A_38 : vector<392x128xf32>
    %get3A_91 = arith.constant 0 : index
    %get3A_92 = arith.constant 3 : index
    %get3A_93 = arith.constant 0 : index
    %get3A_94 = arith.constant 0 : index
    %get3A_95 = vector.load %arg1[%get3A_91, %get3A_92, %get3A_93, %get3A_94] : memref<2x4x392x128xf32, #tpu.memory_space<vmem>>, vector<1x1x392x128xf32>
    %get3A_96 = vector.shape_cast %get3A_95 : vector<1x1x392x128xf32> to vector<392x128xf32>
    %get3A_97 = arith.constant 1 : index
    %get3A_98 = arith.constant 3 : index
    %get3A_99 = arith.constant 0 : index
    %get3A_100 = arith.constant 0 : index
    %get3A_101 = vector.load %arg1[%get3A_97, %get3A_98, %get3A_99, %get3A_100] : memref<2x4x392x128xf32, #tpu.memory_space<vmem>>, vector<1x1x392x128xf32>
    %get3A_102 = vector.shape_cast %get3A_101 : vector<1x1x392x128xf32> to vector<392x128xf32>
    %add3A_103 = arith.addf %get3A_96, %get3A_102 : vector<392x128xf32>
    %div3A_104 = arith.divf %add3A_103, %max3A_35 : vector<392x128xf32>
    %mul3A_105 = arith.constant 5.000000e-03 : f32
    %mul3A_106 = vector.broadcast %mul3A_105 : f32 to vector<392x128xf32>
    %mul3A_107 = arith.mulf %div3A_104, %mul3A_106 : vector<392x128xf32>
    %mul3A_108 = arith.mulf %mul3A_107, %convert_element_type3A_38 : vector<392x128xf32>
    %add3A_109 = arith.addf %get3A_13, %mul3A_54 : vector<392x128xf32>
    %jit3A = arith.constant -5.000000e-02 : f32
    %jit3A_110 = arith.constant 5.000000e-02 : f32
    %max3A_111 = vector.broadcast %jit3A : f32 to vector<392x128xf32>
    %max3A_112 = arith.maximumf %max3A_111, %add3A_109 : vector<392x128xf32>
    %min3A = vector.broadcast %jit3A_110 : f32 to vector<392x128xf32>
    %min3A_113 = arith.minimumf %min3A, %max3A_112 : vector<392x128xf32>
    %add3A_114 = arith.addf %get3A_18, %mul3A_72 : vector<392x128xf32>
    %jit3A_115 = arith.constant -5.000000e-02 : f32
    %jit3A_116 = arith.constant 5.000000e-02 : f32
    %max3A_117 = vector.broadcast %jit3A_115 : f32 to vector<392x128xf32>
    %max3A_118 = arith.maximumf %max3A_117, %add3A_114 : vector<392x128xf32>
    %min3A_119 = vector.broadcast %jit3A_116 : f32 to vector<392x128xf32>
    %min3A_120 = arith.minimumf %min3A_119, %max3A_118 : vector<392x128xf32>
    %add3A_121 = arith.addf %get3A_3, %min3A_113 : vector<392x128xf32>
    %add3A_122 = arith.addf %get3A_8, %min3A_120 : vector<392x128xf32>
    %abs3A = math.absf %add3A_121 : vector<392x128xf32>
    %add3A_123 = arith.constant 9.99999997E-7 : f32
    %add3A_124 = vector.broadcast %add3A_123 : f32 to vector<392x128xf32>
    %add3A_125 = arith.addf %abs3A, %add3A_124 : vector<392x128xf32>
    %log3A = math.log %add3A_125 : vector<392x128xf32>
    %abs3A_126 = math.absf %add3A_121 : vector<392x128xf32>
    %gt3A_127 = arith.constant 1.000000e+00 : f32
    %gt3A_128 = vector.broadcast %gt3A_127 : f32 to vector<392x128xf32>
    %gt3A_129 = arith.cmpf ogt, %abs3A_126, %gt3A_128 : vector<392x128xf32>
    %convert_element_type3A_130 = arith.extui %gt3A_129 : vector<392x128xi1> to vector<392x128xi32>
    %convert_element_type3A_131 = arith.sitofp %convert_element_type3A_130 : vector<392x128xi32> to vector<392x128xf32>
    %mul3A_132 = arith.mulf %log3A, %convert_element_type3A_131 : vector<392x128xf32>
    %abs3A_133 = math.absf %add3A_122 : vector<392x128xf32>
    %add3A_134 = arith.constant 9.99999997E-7 : f32
    %add3A_135 = vector.broadcast %add3A_134 : f32 to vector<392x128xf32>
    %add3A_136 = arith.addf %abs3A_133, %add3A_135 : vector<392x128xf32>
    %log3A_137 = math.log %add3A_136 : vector<392x128xf32>
    %abs3A_138 = math.absf %add3A_122 : vector<392x128xf32>
    %gt3A_139 = arith.constant 1.000000e+00 : f32
    %gt3A_140 = vector.broadcast %gt3A_139 : f32 to vector<392x128xf32>
    %gt3A_141 = arith.cmpf ogt, %abs3A_138, %gt3A_140 : vector<392x128xf32>
    %convert_element_type3A_142 = arith.extui %gt3A_141 : vector<392x128xi1> to vector<392x128xi32>
    %convert_element_type3A_143 = arith.sitofp %convert_element_type3A_142 : vector<392x128xi32> to vector<392x128xf32>
    %mul3A_144 = arith.mulf %log3A_137, %convert_element_type3A_143 : vector<392x128xf32>
    %reduce_sum3A = vector.shape_cast %mul3A_132 : vector<392x128xf32> to vector<1x392x128xf32>
    %reduce_sum3A_145 = arith.constant dense<0.000000e+00> : vector<1xf32>
    %reduce_sum3A_146 = vector.multi_reduction <add>, %reduce_sum3A, %reduce_sum3A_145 [1, 2] : vector<1x392x128xf32> to vector<1xf32>
    %reduce_sum3A_147 = vector.shape_cast %reduce_sum3A_146 : vector<1xf32> to vector<1x1x1xf32>
    %reduce_sum3A_148 = vector.extract %reduce_sum3A_147[0, 0, 0] : f32 from vector<1x1x1xf32>
    %reduce_sum3A_149 = vector.shape_cast %mul3A_144 : vector<392x128xf32> to vector<1x392x128xf32>
    %reduce_sum3A_150 = arith.constant dense<0.000000e+00> : vector<1xf32>
    %reduce_sum3A_151 = vector.multi_reduction <add>, %reduce_sum3A_149, %reduce_sum3A_150 [1, 2] : vector<1x392x128xf32> to vector<1xf32>
    %reduce_sum3A_152 = vector.shape_cast %reduce_sum3A_151 : vector<1xf32> to vector<1x1x1xf32>
    %reduce_sum3A_153 = vector.extract %reduce_sum3A_152[0, 0, 0] : f32 from vector<1x1x1xf32>
    %add3A_154 = arith.addf %reduce_sum3A_148, %reduce_sum3A_153 : f32
    %abs3A_155 = math.absf %min3A_113 : vector<392x128xf32>
    %reduce_sum3A_156 = vector.shape_cast %abs3A_155 : vector<392x128xf32> to vector<1x392x128xf32>
    %reduce_sum3A_157 = arith.constant dense<0.000000e+00> : vector<1xf32>
    %reduce_sum3A_158 = vector.multi_reduction <add>, %reduce_sum3A_156, %reduce_sum3A_157 [1, 2] : vector<1x392x128xf32> to vector<1xf32>
    %reduce_sum3A_159 = vector.shape_cast %reduce_sum3A_158 : vector<1xf32> to vector<1x1x1xf32>
    %reduce_sum3A_160 = vector.extract %reduce_sum3A_159[0, 0, 0] : f32 from vector<1x1x1xf32>
    %mul3A_161 = arith.constant 2.000000e-05 : f32
    %mul3A_162 = arith.mulf %reduce_sum3A_160, %mul3A_161 : f32
    %abs3A_163 = math.absf %min3A_120 : vector<392x128xf32>
    %reduce_sum3A_164 = vector.shape_cast %abs3A_163 : vector<392x128xf32> to vector<1x392x128xf32>
    %reduce_sum3A_165 = arith.constant dense<0.000000e+00> : vector<1xf32>
    %reduce_sum3A_166 = vector.multi_reduction <add>, %reduce_sum3A_164, %reduce_sum3A_165 [1, 2] : vector<1x392x128xf32> to vector<1xf32>
    %reduce_sum3A_167 = vector.shape_cast %reduce_sum3A_166 : vector<1xf32> to vector<1x1x1xf32>
    %reduce_sum3A_168 = vector.extract %reduce_sum3A_167[0, 0, 0] : f32 from vector<1x1x1xf32>
    %mul3A_169 = arith.constant 2.000000e-05 : f32
    %mul3A_170 = arith.mulf %reduce_sum3A_168, %mul3A_169 : f32
    %swap3A = arith.constant 0 : index
    %swap3A_171 = arith.constant 0 : index
    %swap3A_172 = arith.constant 0 : index
    %swap3A_173 = vector.load %arg3[%swap3A, %swap3A_171, %swap3A_172] : memref<8x392x128xf32, #tpu.memory_space<vmem>>, vector<1x392x128xf32>
    %swap3A_174 = vector.shape_cast %swap3A_173 : vector<1x392x128xf32> to vector<392x128xf32>
    %swap3A_175 = vector.shape_cast %add3A_121 : vector<392x128xf32> to vector<1x392x128xf32>
    tpu.vector_store %arg3[%swap3A, %swap3A_171, %swap3A_172], %swap3A_175 {strides = array<i32>} : memref<8x392x128xf32, #tpu.memory_space<vmem>>, vector<1x392x128xf32>,
    %swap3A_176 = arith.constant 1 : index
    %swap3A_177 = arith.constant 0 : index
    %swap3A_178 = arith.constant 0 : index
    %swap3A_179 = vector.load %arg3[%swap3A_176, %swap3A_177, %swap3A_178] : memref<8x392x128xf32, #tpu.memory_space<vmem>>, vector<1x392x128xf32>
    %swap3A_180 = vector.shape_cast %swap3A_179 : vector<1x392x128xf32> to vector<392x128xf32>
    %swap3A_181 = vector.shape_cast %add3A_122 : vector<392x128xf32> to vector<1x392x128xf32>
    tpu.vector_store %arg3[%swap3A_176, %swap3A_177, %swap3A_178], %swap3A_181 {strides = array<i32>} : memref<8x392x128xf32, #tpu.memory_space<vmem>>, vector<1x392x128xf32>,
    %swap3A_182 = arith.constant 2 : index
    %swap3A_183 = arith.constant 0 : index
    %swap3A_184 = arith.constant 0 : index
    %swap3A_185 = vector.load %arg3[%swap3A_182, %swap3A_183, %swap3A_184] : memref<8x392x128xf32, #tpu.memory_space<vmem>>, vector<1x392x128xf32>
    %swap3A_186 = vector.shape_cast %swap3A_185 : vector<1x392x128xf32> to vector<392x128xf32>
    %swap3A_187 = vector.shape_cast %min3A_113 : vector<392x128xf32> to vector<1x392x128xf32>
    tpu.vector_store %arg3[%swap3A_182, %swap3A_183, %swap3A_184], %swap3A_187 {strides = array<i32>} : memref<8x392x128xf32, #tpu.memory_space<vmem>>, vector<1x392x128xf32>,
    %swap3A_188 = arith.constant 3 : index
    %swap3A_189 = arith.constant 0 : index
    %swap3A_190 = arith.constant 0 : index
    %swap3A_191 = vector.load %arg3[%swap3A_188, %swap3A_189, %swap3A_190] : memref<8x392x128xf32, #tpu.memory_space<vmem>>, vector<1x392x128xf32>
    %swap3A_192 = vector.shape_cast %swap3A_191 : vector<1x392x128xf32> to vector<392x128xf32>
    %swap3A_193 = vector.shape_cast %min3A_120 : vector<392x128xf32> to vector<1x392x128xf32>
    tpu.vector_store %arg3[%swap3A_188, %swap3A_189, %swap3A_190], %swap3A_193 {strides = array<i32>} : memref<8x392x128xf32, #tpu.memory_space<vmem>>, vector<1x392x128xf32>,
    %swap3A_194 = arith.constant 4 : index
    %swap3A_195 = arith.constant 0 : index
    %swap3A_196 = arith.constant 0 : index
    %swap3A_197 = vector.load %arg3[%swap3A_194, %swap3A_195, %swap3A_196] : memref<8x392x128xf32, #tpu.memory_space<vmem>>, vector<1x392x128xf32>
    %swap3A_198 = vector.shape_cast %swap3A_197 : vector<1x392x128xf32> to vector<392x128xf32>
    %swap3A_199 = vector.shape_cast %get3A_23 : vector<392x128xf32> to vector<1x392x128xf32>
    tpu.vector_store %arg3[%swap3A_194, %swap3A_195, %swap3A_196], %swap3A_199 {strides = array<i32>} : memref<8x392x128xf32, #tpu.memory_space<vmem>>, vector<1x392x128xf32>,
    %swap3A_200 = arith.constant 5 : index
    %swap3A_201 = arith.constant 0 : index
    %swap3A_202 = arith.constant 0 : index
    %swap3A_203 = vector.load %arg3[%swap3A_200, %swap3A_201, %swap3A_202] : memref<8x392x128xf32, #tpu.memory_space<vmem>>, vector<1x392x128xf32>
    %swap3A_204 = vector.shape_cast %swap3A_203 : vector<1x392x128xf32> to vector<392x128xf32>
    %swap3A_205 = vector.shape_cast %mul3A_90 : vector<392x128xf32> to vector<1x392x128xf32>
    tpu.vector_store %arg3[%swap3A_200, %swap3A_201, %swap3A_202], %swap3A_205 {strides = array<i32>} : memref<8x392x128xf32, #tpu.memory_space<vmem>>, vector<1x392x128xf32>,
    %swap3A_206 = arith.constant 6 : index
    %swap3A_207 = arith.constant 0 : index
    %swap3A_208 = arith.constant 0 : index
    %swap3A_209 = vector.load %arg3[%swap3A_206, %swap3A_207, %swap3A_208] : memref<8x392x128xf32, #tpu.memory_space<vmem>>, vector<1x392x128xf32>
    %swap3A_210 = vector.shape_cast %swap3A_209 : vector<1x392x128xf32> to vector<392x128xf32>
    %swap3A_211 = vector.shape_cast %mul3A_108 : vector<392x128xf32> to vector<1x392x128xf32>
    tpu.vector_store %arg3[%swap3A_206, %swap3A_207, %swap3A_208], %swap3A_211 {strides = array<i32>} : memref<8x392x128xf32, #tpu.memory_space<vmem>>, vector<1x392x128xf32>,
    %broadcast_in_dim3A = arith.constant 0.000000e+00 : f32
    %broadcast_in_dim3A_212 = vector.broadcast %broadcast_in_dim3A : f32 to vector<392x128xf32>
    %swap3A_213 = arith.constant 7 : index
    %swap3A_214 = arith.constant 0 : index
    %swap3A_215 = arith.constant 0 : index
    %swap3A_216 = vector.load %arg3[%swap3A_213, %swap3A_214, %swap3A_215] : memref<8x392x128xf32, #tpu.memory_space<vmem>>, vector<1x392x128xf32>
    %swap3A_217 = vector.shape_cast %swap3A_216 : vector<1x392x128xf32> to vector<392x128xf32>
    %swap3A_218 = vector.shape_cast %broadcast_in_dim3A_212 : vector<392x128xf32> to vector<1x392x128xf32>
    tpu.vector_store %arg3[%swap3A_213, %swap3A_214, %swap3A_215], %swap3A_218 {strides = array<i32>} : memref<8x392x128xf32, #tpu.memory_space<vmem>>, vector<1x392x128xf32>,
    %broadcast_in_dim3A_219 = vector.broadcast %add3A_154 : f32 to vector<1x128xf32>
    %swap3A_220 = arith.constant 0 : index
    %swap3A_221 = arith.constant 0 : index
    %swap3A_222 = vector.load %arg4[%swap3A_220, %swap3A_221] : memref<8x128xf32, #tpu.memory_space<vmem>>, vector<1x128xf32>
    tpu.vector_store %arg4[%swap3A_220, %swap3A_221], %broadcast_in_dim3A_219 {strides = array<i32>} : memref<8x128xf32, #tpu.memory_space<vmem>>, vector<1x128xf32>,
    %broadcast_in_dim3A_223 = vector.broadcast %mul3A_162 : f32 to vector<1x128xf32>
    %swap3A_224 = arith.constant 1 : index
    %swap3A_225 = arith.constant 0 : index
    %swap3A_226 = vector.load %arg4[%swap3A_224, %swap3A_225] : memref<8x128xf32, #tpu.memory_space<vmem>>, vector<1x128xf32>
    tpu.vector_store %arg4[%swap3A_224, %swap3A_225], %broadcast_in_dim3A_223 {strides = array<i32>} : memref<8x128xf32, #tpu.memory_space<vmem>>, vector<1x128xf32>,
    %broadcast_in_dim3A_227 = vector.broadcast %mul3A_170 : f32 to vector<1x128xf32>
    %swap3A_228 = arith.constant 2 : index
    %swap3A_229 = arith.constant 0 : index
    %swap3A_230 = vector.load %arg4[%swap3A_228, %swap3A_229] : memref<8x128xf32, #tpu.memory_space<vmem>>, vector<1x128xf32>
    tpu.vector_store %arg4[%swap3A_228, %swap3A_229], %broadcast_in_dim3A_227 {strides = array<i32>} : memref<8x128xf32, #tpu.memory_space<vmem>>, vector<1x128xf32>,
    %broadcast_in_dim3A_231 = arith.constant 0.000000e+00 : f32
    %broadcast_in_dim3A_232 = vector.broadcast %broadcast_in_dim3A_231 : f32 to vector<5x128xf32>
    %swap3A_233 = arith.constant 3 : index
    %swap3A_234 = arith.constant 0 : index
    %swap3A_235 = vector.load %arg4[%swap3A_233, %swap3A_234] : memref<8x128xf32, #tpu.memory_space<vmem>>, vector<5x128xf32>
    tpu.vector_store %arg4[%swap3A_233, %swap3A_234], %broadcast_in_dim3A_232 {strides = array<i32>} : memref<8x128xf32, #tpu.memory_space<vmem>>, vector<5x128xf32>,
    return
  }
}

module attributes {stable_mosaic.version = 14 : i64} {
  func.func @body(%arg0: memref<8x392x128xf32, #tpu.memory_space<vmem>>, %arg1: memref<2x392x128xf32, #tpu.memory_space<vmem>>, %arg2: memref<2x392x128xf32, #tpu.memory_space<vmem>>, %arg3: memref<8x392x128xf32, #tpu.memory_space<vmem>>, %arg4: memref<8x128xf32, #tpu.memory_space<vmem>>) attributes {dimension_semantics = [], scalar_prefetch = 0 : i64, scratch_operands = 0 : i64, tpu.core_type = #tpu.core_type<tc>} {
    %get3A = arith.constant 4 : index
    %get3A_0 = arith.constant 0 : index
    %get3A_1 = arith.constant 0 : index
    %get3A_2 = vector.load %arg0[%get3A, %get3A_0, %get3A_1] : memref<8x392x128xf32, #tpu.memory_space<vmem>>, vector<1x392x128xf32>
    %get3A_3 = vector.shape_cast %get3A_2 : vector<1x392x128xf32> to vector<392x128xf32>
    %get3A_4 = arith.constant 0 : index
    %get3A_5 = arith.constant 0 : index
    %get3A_6 = arith.constant 0 : index
    %get3A_7 = vector.load %arg2[%get3A_4, %get3A_5, %get3A_6] : memref<2x392x128xf32, #tpu.memory_space<vmem>>, vector<1x392x128xf32>
    %get3A_8 = vector.shape_cast %get3A_7 : vector<1x392x128xf32> to vector<392x128xf32>
    %get3A_9 = arith.constant 1 : index
    %get3A_10 = arith.constant 0 : index
    %get3A_11 = arith.constant 0 : index
    %get3A_12 = vector.load %arg2[%get3A_9, %get3A_10, %get3A_11] : memref<2x392x128xf32, #tpu.memory_space<vmem>>, vector<1x392x128xf32>
    %get3A_13 = vector.shape_cast %get3A_12 : vector<1x392x128xf32> to vector<392x128xf32>
    %add3A = arith.addf %get3A_8, %get3A_13 : vector<392x128xf32>
    %get3A_14 = arith.constant 0 : index
    %get3A_15 = arith.constant 0 : index
    %get3A_16 = arith.constant 0 : index
    %get3A_17 = vector.load %arg1[%get3A_14, %get3A_15, %get3A_16] : memref<2x392x128xf32, #tpu.memory_space<vmem>>, vector<1x392x128xf32>
    %get3A_18 = vector.shape_cast %get3A_17 : vector<1x392x128xf32> to vector<392x128xf32>
    %get3A_19 = arith.constant 1 : index
    %get3A_20 = arith.constant 0 : index
    %get3A_21 = arith.constant 0 : index
    %get3A_22 = vector.load %arg1[%get3A_19, %get3A_20, %get3A_21] : memref<2x392x128xf32, #tpu.memory_space<vmem>>, vector<1x392x128xf32>
    %get3A_23 = vector.shape_cast %get3A_22 : vector<1x392x128xf32> to vector<392x128xf32>
    %add3A_24 = arith.addf %get3A_18, %get3A_23 : vector<392x128xf32>
    %lt3A = arith.constant 3.000000e+00 : f32
    %lt3A_25 = vector.broadcast %lt3A : f32 to vector<392x128xf32>
    %lt3A_26 = arith.cmpf olt, %add3A, %lt3A_25 : vector<392x128xf32>
    %gt3A = arith.constant 5.000000e-01 : f32
    %gt3A_27 = vector.broadcast %gt3A : f32 to vector<392x128xf32>
    %gt3A_28 = arith.cmpf ogt, %get3A_3, %gt3A_27 : vector<392x128xf32>
    %and3A = arith.andi %lt3A_26, %gt3A_28 : vector<392x128xi1>
    %le3A = arith.constant 5.000000e-01 : f32
    %le3A_29 = vector.broadcast %le3A : f32 to vector<392x128xf32>
    %le3A_30 = arith.cmpf ole, %get3A_3, %le3A_29 : vector<392x128xf32>
    %ge3A = arith.constant 5.000000e+00 : f32
    %ge3A_31 = vector.broadcast %ge3A : f32 to vector<392x128xf32>
    %ge3A_32 = arith.cmpf oge, %add3A_24, %ge3A_31 : vector<392x128xf32>
    %and3A_33 = arith.andi %le3A_30, %ge3A_32 : vector<392x128xi1>
    %or3A = arith.ori %and3A, %and3A_33 : vector<392x128xi1>
    %not3A = arith.constant dense<true> : vector<392x128xi1>
    %not3A_34 = arith.xori %or3A, %not3A : vector<392x128xi1>
    %convert_element_type3A = arith.extui %not3A_34 : vector<392x128xi1> to vector<392x128xi32>
    %convert_element_type3A_35 = arith.sitofp %convert_element_type3A : vector<392x128xi32> to vector<392x128xf32>
    %get3A_36 = arith.constant 0 : index
    %get3A_37 = arith.constant 0 : index
    %get3A_38 = arith.constant 0 : index
    %get3A_39 = vector.load %arg0[%get3A_36, %get3A_37, %get3A_38] : memref<8x392x128xf32, #tpu.memory_space<vmem>>, vector<1x392x128xf32>
    %get3A_40 = vector.shape_cast %get3A_39 : vector<1x392x128xf32> to vector<392x128xf32>
    %mul3A = arith.mulf %get3A_40, %convert_element_type3A_35 : vector<392x128xf32>
    %swap3A = arith.constant 0 : index
    %swap3A_41 = arith.constant 0 : index
    %swap3A_42 = arith.constant 0 : index
    %swap3A_43 = vector.load %arg3[%swap3A, %swap3A_41, %swap3A_42] : memref<8x392x128xf32, #tpu.memory_space<vmem>>, vector<1x392x128xf32>
    %swap3A_44 = vector.shape_cast %swap3A_43 : vector<1x392x128xf32> to vector<392x128xf32>
    %swap3A_45 = vector.shape_cast %mul3A : vector<392x128xf32> to vector<1x392x128xf32>
    tpu.vector_store %arg3[%swap3A, %swap3A_41, %swap3A_42], %swap3A_45 {strides = array<i32>} : memref<8x392x128xf32, #tpu.memory_space<vmem>>, vector<1x392x128xf32>,
    %get3A_46 = arith.constant 1 : index
    %get3A_47 = arith.constant 0 : index
    %get3A_48 = arith.constant 0 : index
    %get3A_49 = vector.load %arg0[%get3A_46, %get3A_47, %get3A_48] : memref<8x392x128xf32, #tpu.memory_space<vmem>>, vector<1x392x128xf32>
    %get3A_50 = vector.shape_cast %get3A_49 : vector<1x392x128xf32> to vector<392x128xf32>
    %mul3A_51 = arith.mulf %get3A_50, %convert_element_type3A_35 : vector<392x128xf32>
    %swap3A_52 = arith.constant 1 : index
    %swap3A_53 = arith.constant 0 : index
    %swap3A_54 = arith.constant 0 : index
    %swap3A_55 = vector.load %arg3[%swap3A_52, %swap3A_53, %swap3A_54] : memref<8x392x128xf32, #tpu.memory_space<vmem>>, vector<1x392x128xf32>
    %swap3A_56 = vector.shape_cast %swap3A_55 : vector<1x392x128xf32> to vector<392x128xf32>
    %swap3A_57 = vector.shape_cast %mul3A_51 : vector<392x128xf32> to vector<1x392x128xf32>
    tpu.vector_store %arg3[%swap3A_52, %swap3A_53, %swap3A_54], %swap3A_57 {strides = array<i32>} : memref<8x392x128xf32, #tpu.memory_space<vmem>>, vector<1x392x128xf32>,
    %get3A_58 = arith.constant 2 : index
    %get3A_59 = arith.constant 0 : index
    %get3A_60 = arith.constant 0 : index
    %get3A_61 = vector.load %arg0[%get3A_58, %get3A_59, %get3A_60] : memref<8x392x128xf32, #tpu.memory_space<vmem>>, vector<1x392x128xf32>
    %get3A_62 = vector.shape_cast %get3A_61 : vector<1x392x128xf32> to vector<392x128xf32>
    %mul3A_63 = arith.mulf %get3A_62, %convert_element_type3A_35 : vector<392x128xf32>
    %swap3A_64 = arith.constant 2 : index
    %swap3A_65 = arith.constant 0 : index
    %swap3A_66 = arith.constant 0 : index
    %swap3A_67 = vector.load %arg3[%swap3A_64, %swap3A_65, %swap3A_66] : memref<8x392x128xf32, #tpu.memory_space<vmem>>, vector<1x392x128xf32>
    %swap3A_68 = vector.shape_cast %swap3A_67 : vector<1x392x128xf32> to vector<392x128xf32>
    %swap3A_69 = vector.shape_cast %mul3A_63 : vector<392x128xf32> to vector<1x392x128xf32>
    tpu.vector_store %arg3[%swap3A_64, %swap3A_65, %swap3A_66], %swap3A_69 {strides = array<i32>} : memref<8x392x128xf32, #tpu.memory_space<vmem>>, vector<1x392x128xf32>,
    %get3A_70 = arith.constant 3 : index
    %get3A_71 = arith.constant 0 : index
    %get3A_72 = arith.constant 0 : index
    %get3A_73 = vector.load %arg0[%get3A_70, %get3A_71, %get3A_72] : memref<8x392x128xf32, #tpu.memory_space<vmem>>, vector<1x392x128xf32>
    %get3A_74 = vector.shape_cast %get3A_73 : vector<1x392x128xf32> to vector<392x128xf32>
    %mul3A_75 = arith.mulf %get3A_74, %convert_element_type3A_35 : vector<392x128xf32>
    %swap3A_76 = arith.constant 3 : index
    %swap3A_77 = arith.constant 0 : index
    %swap3A_78 = arith.constant 0 : index
    %swap3A_79 = vector.load %arg3[%swap3A_76, %swap3A_77, %swap3A_78] : memref<8x392x128xf32, #tpu.memory_space<vmem>>, vector<1x392x128xf32>
    %swap3A_80 = vector.shape_cast %swap3A_79 : vector<1x392x128xf32> to vector<392x128xf32>
    %swap3A_81 = vector.shape_cast %mul3A_75 : vector<392x128xf32> to vector<1x392x128xf32>
    tpu.vector_store %arg3[%swap3A_76, %swap3A_77, %swap3A_78], %swap3A_81 {strides = array<i32>} : memref<8x392x128xf32, #tpu.memory_space<vmem>>, vector<1x392x128xf32>,
    %get3A_82 = arith.constant 4 : index
    %get3A_83 = arith.constant 0 : index
    %get3A_84 = arith.constant 0 : index
    %get3A_85 = vector.load %arg0[%get3A_82, %get3A_83, %get3A_84] : memref<8x392x128xf32, #tpu.memory_space<vmem>>, vector<1x392x128xf32>
    %get3A_86 = vector.shape_cast %get3A_85 : vector<1x392x128xf32> to vector<392x128xf32>
    %mul3A_87 = arith.mulf %get3A_86, %convert_element_type3A_35 : vector<392x128xf32>
    %swap3A_88 = arith.constant 4 : index
    %swap3A_89 = arith.constant 0 : index
    %swap3A_90 = arith.constant 0 : index
    %swap3A_91 = vector.load %arg3[%swap3A_88, %swap3A_89, %swap3A_90] : memref<8x392x128xf32, #tpu.memory_space<vmem>>, vector<1x392x128xf32>
    %swap3A_92 = vector.shape_cast %swap3A_91 : vector<1x392x128xf32> to vector<392x128xf32>
    %swap3A_93 = vector.shape_cast %mul3A_87 : vector<392x128xf32> to vector<1x392x128xf32>
    tpu.vector_store %arg3[%swap3A_88, %swap3A_89, %swap3A_90], %swap3A_93 {strides = array<i32>} : memref<8x392x128xf32, #tpu.memory_space<vmem>>, vector<1x392x128xf32>,
    %get3A_94 = arith.constant 5 : index
    %get3A_95 = arith.constant 0 : index
    %get3A_96 = arith.constant 0 : index
    %get3A_97 = vector.load %arg0[%get3A_94, %get3A_95, %get3A_96] : memref<8x392x128xf32, #tpu.memory_space<vmem>>, vector<1x392x128xf32>
    %get3A_98 = vector.shape_cast %get3A_97 : vector<1x392x128xf32> to vector<392x128xf32>
    %mul3A_99 = arith.mulf %get3A_98, %convert_element_type3A_35 : vector<392x128xf32>
    %swap3A_100 = arith.constant 5 : index
    %swap3A_101 = arith.constant 0 : index
    %swap3A_102 = arith.constant 0 : index
    %swap3A_103 = vector.load %arg3[%swap3A_100, %swap3A_101, %swap3A_102] : memref<8x392x128xf32, #tpu.memory_space<vmem>>, vector<1x392x128xf32>
    %swap3A_104 = vector.shape_cast %swap3A_103 : vector<1x392x128xf32> to vector<392x128xf32>
    %swap3A_105 = vector.shape_cast %mul3A_99 : vector<392x128xf32> to vector<1x392x128xf32>
    tpu.vector_store %arg3[%swap3A_100, %swap3A_101, %swap3A_102], %swap3A_105 {strides = array<i32>} : memref<8x392x128xf32, #tpu.memory_space<vmem>>, vector<1x392x128xf32>,
    %get3A_106 = arith.constant 6 : index
    %get3A_107 = arith.constant 0 : index
    %get3A_108 = arith.constant 0 : index
    %get3A_109 = vector.load %arg0[%get3A_106, %get3A_107, %get3A_108] : memref<8x392x128xf32, #tpu.memory_space<vmem>>, vector<1x392x128xf32>
    %get3A_110 = vector.shape_cast %get3A_109 : vector<1x392x128xf32> to vector<392x128xf32>
    %mul3A_111 = arith.mulf %get3A_110, %convert_element_type3A_35 : vector<392x128xf32>
    %swap3A_112 = arith.constant 6 : index
    %swap3A_113 = arith.constant 0 : index
    %swap3A_114 = arith.constant 0 : index
    %swap3A_115 = vector.load %arg3[%swap3A_112, %swap3A_113, %swap3A_114] : memref<8x392x128xf32, #tpu.memory_space<vmem>>, vector<1x392x128xf32>
    %swap3A_116 = vector.shape_cast %swap3A_115 : vector<1x392x128xf32> to vector<392x128xf32>
    %swap3A_117 = vector.shape_cast %mul3A_111 : vector<392x128xf32> to vector<1x392x128xf32>
    tpu.vector_store %arg3[%swap3A_112, %swap3A_113, %swap3A_114], %swap3A_117 {strides = array<i32>} : memref<8x392x128xf32, #tpu.memory_space<vmem>>, vector<1x392x128xf32>,
    %get3A_118 = arith.constant 7 : index
    %get3A_119 = arith.constant 0 : index
    %get3A_120 = arith.constant 0 : index
    %get3A_121 = vector.load %arg0[%get3A_118, %get3A_119, %get3A_120] : memref<8x392x128xf32, #tpu.memory_space<vmem>>, vector<1x392x128xf32>
    %get3A_122 = vector.shape_cast %get3A_121 : vector<1x392x128xf32> to vector<392x128xf32>
    %mul3A_123 = arith.mulf %get3A_122, %convert_element_type3A_35 : vector<392x128xf32>
    %swap3A_124 = arith.constant 7 : index
    %swap3A_125 = arith.constant 0 : index
    %swap3A_126 = arith.constant 0 : index
    %swap3A_127 = vector.load %arg3[%swap3A_124, %swap3A_125, %swap3A_126] : memref<8x392x128xf32, #tpu.memory_space<vmem>>, vector<1x392x128xf32>
    %swap3A_128 = vector.shape_cast %swap3A_127 : vector<1x392x128xf32> to vector<392x128xf32>
    %swap3A_129 = vector.shape_cast %mul3A_123 : vector<392x128xf32> to vector<1x392x128xf32>
    tpu.vector_store %arg3[%swap3A_124, %swap3A_125, %swap3A_126], %swap3A_129 {strides = array<i32>} : memref<8x392x128xf32, #tpu.memory_space<vmem>>, vector<1x392x128xf32>,
    %convert_element_type3A_130 = arith.extui %and3A : vector<392x128xi1> to vector<392x128xi32>
    %convert_element_type3A_131 = arith.sitofp %convert_element_type3A_130 : vector<392x128xi32> to vector<392x128xf32>
    %convert_element_type3A_132 = arith.extui %and3A_33 : vector<392x128xi1> to vector<392x128xi32>
    %convert_element_type3A_133 = arith.sitofp %convert_element_type3A_132 : vector<392x128xi32> to vector<392x128xf32>
    %reduce_sum3A = vector.shape_cast %convert_element_type3A_131 : vector<392x128xf32> to vector<1x392x128xf32>
    %reduce_sum3A_134 = arith.constant dense<0.000000e+00> : vector<1xf32>
    %reduce_sum3A_135 = vector.multi_reduction <add>, %reduce_sum3A, %reduce_sum3A_134 [1, 2] : vector<1x392x128xf32> to vector<1xf32>
    %reduce_sum3A_136 = vector.shape_cast %reduce_sum3A_135 : vector<1xf32> to vector<1x1x1xf32>
    %reduce_sum3A_137 = vector.extract %reduce_sum3A_136[0, 0, 0] : f32 from vector<1x1x1xf32>
    %broadcast_in_dim3A = vector.broadcast %reduce_sum3A_137 : f32 to vector<1x128xf32>
    %swap3A_138 = arith.constant 0 : index
    %swap3A_139 = arith.constant 0 : index
    %swap3A_140 = vector.load %arg4[%swap3A_138, %swap3A_139] : memref<8x128xf32, #tpu.memory_space<vmem>>, vector<1x128xf32>
    tpu.vector_store %arg4[%swap3A_138, %swap3A_139], %broadcast_in_dim3A {strides = array<i32>} : memref<8x128xf32, #tpu.memory_space<vmem>>, vector<1x128xf32>,
    %reduce_sum3A_141 = vector.shape_cast %convert_element_type3A_133 : vector<392x128xf32> to vector<1x392x128xf32>
    %reduce_sum3A_142 = arith.constant dense<0.000000e+00> : vector<1xf32>
    %reduce_sum3A_143 = vector.multi_reduction <add>, %reduce_sum3A_141, %reduce_sum3A_142 [1, 2] : vector<1x392x128xf32> to vector<1xf32>
    %reduce_sum3A_144 = vector.shape_cast %reduce_sum3A_143 : vector<1xf32> to vector<1x1x1xf32>
    %reduce_sum3A_145 = vector.extract %reduce_sum3A_144[0, 0, 0] : f32 from vector<1x1x1xf32>
    %broadcast_in_dim3A_146 = vector.broadcast %reduce_sum3A_145 : f32 to vector<1x128xf32>
    %swap3A_147 = arith.constant 1 : index
    %swap3A_148 = arith.constant 0 : index
    %swap3A_149 = vector.load %arg4[%swap3A_147, %swap3A_148] : memref<8x128xf32, #tpu.memory_space<vmem>>, vector<1x128xf32>
    tpu.vector_store %arg4[%swap3A_147, %swap3A_148], %broadcast_in_dim3A_146 {strides = array<i32>} : memref<8x128xf32, #tpu.memory_space<vmem>>, vector<1x128xf32>,
    %broadcast_in_dim3A_150 = arith.constant 0.000000e+00 : f32
    %broadcast_in_dim3A_151 = vector.broadcast %broadcast_in_dim3A_150 : f32 to vector<6x128xf32>
    %swap3A_152 = arith.constant 2 : index
    %swap3A_153 = arith.constant 0 : index
    %swap3A_154 = vector.load %arg4[%swap3A_152, %swap3A_153] : memref<8x128xf32, #tpu.memory_space<vmem>>, vector<6x128xf32>
    tpu.vector_store %arg4[%swap3A_152, %swap3A_153], %broadcast_in_dim3A_151 {strides = array<i32>} : memref<8x128xf32, #tpu.memory_space<vmem>>, vector<6x128xf32>,
    return
  }
}

</mosaic_0001>

<sc_bundles>
// kernel: body.23.cloned.1.call-start
scs
__scs_entry_jumppad:
0x0: {  	(pc) =	sbr.rel $0x88, $3  }
0x1: {  	(tag) =	ssettag $0x0;
	lr =	simm.s32 $0x1  }
0x2: {  	[smem:$0x3F99] =	sst lr;
	_ =	strace $0xD0000000  }
0x3: {  	_ = 	snop  }
0x4: {  	_ = 	snop  }
0x5: {  	_ = 	snop  }
0x6: {  	_ = 	snop  }
0x7: {  	_ = 	snop  }
__scs_overlays_trampoline_lowered:
0x8: {  	[smem:$0x3FA8] =	sst s0  }
0x9: {  	[smem:$0x3FA9] =	sst s1  }
0xa: {  	[smem:$0x3FAA] =	sst s2  }
0xb: {  	[smem:$0x3FAB] =	sst s3  }
0xc: {  	[smem:$0x3FAC] =	sst s4  }
0xd: {  	[smem:$0x3FAD] =	sst s5  }
0xe: {  	[smem:$0x3FAE] =	sst s6  }
0xf: {  	[smem:$0x3FAF] =	sst s7  }
0x10: {  	[smem:$0x3FB0] =	sst s8  }
0x11: {  	[smem:$0x3FB1] =	sst s9;
	s0 =	simm.s32 @!p0 $0x0  }
0x12: {  	s1 =	sld [smem:$0x3F97];
	s0 =	simm.s32 @p0 $0x1  }
0x13: {  	[smem:$0x3FB2] =	sst s0;
	s0 =	simm.s32 @!p1 $0x0  }
0x14: {  	s2 =	sld [smem:$0x3F96];
	s0 =	simm.s32 @p1 $0x1  }
0x15: {  	[smem:$0x3FB3] =	sst s0;
	s0 =	simm.s32 @!p2 $0x0  }
0x16: {  	s3 =	sld [smem:$0x3FDB];
	s0 =	simm.s32 @p2 $0x1  }
0x17: {  	s4 =	simm.s32 $0x1BF5;
	[smem:$0x3FB5] =	sst s0  }
0x18: {  	s0 =	sld [smem:$0x3F98];
	_ =	swait.ge [sflag:s4], $0x0  }
0x19: {  	s7 =	sld [smem:$0x3F99]  }
0x1a: {  	s8 =	sadd.s32 $0xFFFFE003, lr  }
0x1b: {  	s9 =	sadd.s32 $0xFFFFFEF7, lr;
	s5 =	simm.s32 $0xFFFFFFFF;
	p2 =	slt.u32 s8, $0xFFFFF086  }
0x1c: {  	p1 =	slt.u32 s9, $0xF7A;
	s5 =	simm.s32 @!p2 $0x0  }
0x1d: {  	s5 =	simm.s32 @p1 $0x1;
	p0 =	seq.s32 s7, s2  }
0x1e: {  	s7 =	smul.u32 @!p0 $0xF7A, s2;
	p2 =	seq.s32 @!p0 s5, $0x0  }
0x1f: {  	s9 =	smul.u32 $0xF7A, s1;
	s8 =	simm.s32 @!p0 $0x1BF5;
	p2 =	por !p2, p0  }
0x20: {  	[sflag:s8] =	ssyncset.s32 @!p0 $0xFFFFF086;
	s6 =	sadd.s32 @!p0 s3, s7;
	s7 =	simm.s32 @!p0 $0x108  }
0x21: {  	s3 =	sadd.s32 s3, s9;
	s6 =	sadd.s32 @!p0 $0x88, s6;
	s7 =	simm.s32 @p2 $0x1082  }
0x22: {  	[simem:s7], [sflag:s8] =	dma.local @!p0 [hbm:s6], $0xF7A  }
0x23: {  	s9 =	sor.u32 $0xD0000000, s2;
	s6 =	simm.s32 $0x108;
	_ =	swait.ge @!p0 [sflag:s8], $0x0  }
0x24: {  	s3 =	sadd.s32 $0x88, s3;
	s6 =	simm.s32 @!p1 $0x1082;
	[sflag:s4] =	ssyncset.s32 $0xFFFFF086  }
0x25: {  	[simem:s6], [sflag:s4] =	dma.local [hbm:s3], $0xF7A  }
0x26: {  	[smem:$0x3F99] =	sst s1;
	(tag) =	ssettag s2;
	_ =	strace s9  }
0x27: {  	s1 =	sld [smem:$0x3FA9]  }
0x28: {  	s2 =	sld [smem:$0x3FAA]  }
0x29: {  	s4 =	sld [smem:$0x3FAC]  }
0x2a: {  	p0 =	seq.s32 s5, $0x0;
	s5 =	sld [smem:$0x3FAD]  }
0x2b: {  	s6 =	sld [smem:$0x3FAE]  }
0x2c: {  	s7 =	sld [smem:$0x3FAF]  }
0x2d: {  	s3 =	simm.s32 $0x108;
	s8 =	sld [smem:$0x3FB0]  }
0x2e: {  	s3 =	simm.s32 @!p0 $0x1082;
	s9 =	sld [smem:$0x3FB1]  }
0x2f: {  	lr =	sadd.s32 s0, s3;
	s0 =	sld [smem:$0x3FA8]  }
0x30: {  	s3 =	sld [smem:$0x3FAB]  }
0x31: {  	[smem:$0x3FB4] =	sst s10  }
0x32: {  	s10 =	sld [smem:$0x3FB2];
	_ =	sdelay $0x3  }
0x33: {  	p0 =	seq.s32 s10, $0x1;
	s10 =	sld [smem:$0x3FB4];
	_ =	sdelay $0x3  }
0x34: {  	[smem:$0x3FB4] =	sst s10  }
0x35: {  	s10 =	sld [smem:$0x3FB3];
	_ =	sdelay $0x3  }
0x36: {  	p1 =	seq.s32 s10, $0x1;
	s10 =	sld [smem:$0x3FB4];
	_ =	sdelay $0x3  }
0x37: {  	[smem:$0x3FB4] =	sst s10  }
0x38: {  	s10 =	sld [smem:$0x3FB5]  }
0x39: {  	_ = 	snop;
	(pc) =	sbr.ind lr, $3  }
0x3a: {  	_ = 	snop  }
0x3b: {  	_ = 	snop  }
0x3c: {  	p2 =	seq.s32 s10, $0x1;
	s10 =	sld [smem:$0x3FB4]  }
0x3d: {  	_ =	shalt  }
0x3e: {  	_ =	shalt  }
0x3f: {  	_ =	shalt  }
0x40: {  	_ =	shalt  }
0x41: {  	_ =	shalt  }
0x42: {  	_ =	shalt  }
0x43: {  	_ =	shalt  }
0x44: {  	_ =	shalt  }
0x45: {  	_ =	shalt  }
0x46: {  	_ =	shalt  }
0x47: {  	_ =	shalt  }
0x48: {  	_ =	shalt  }
0x49: {  	_ =	shalt  }
0x4a: {  	_ =	shalt  }
0x4b: {  	_ =	shalt  }
0x4c: {  	_ =	shalt  }
0x4d: {  	_ =	shalt  }
0x4e: {  	_ =	shalt  }
0x4f: {  	_ =	shalt  }
0x50: {  	_ =	shalt  }
0x51: {  	_ =	shalt  }
0x52: {  	_ =	shalt  }
0x53: {  	_ =	shalt  }
0x54: {  	_ =	shalt  }
0x55: {  	_ =	shalt  }
0x56: {  	_ =	shalt  }
0x57: {  	_ =	shalt  }
0x58: {  	_ =	shalt  }
0x59: {  	_ =	shalt  }
0x5a: {  	_ =	shalt  }
0x5b: {  	_ =	shalt  }
0x5c: {  	_ =	shalt  }
0x5d: {  	_ =	shalt  }
0x5e: {  	_ =	shalt  }
0x5f: {  	_ =	shalt  }
0x60: {  	_ =	shalt  }
0x61: {  	_ =	shalt  }
0x62: {  	_ =	shalt  }
0x63: {  	_ =	shalt  }
0x64: {  	_ =	shalt  }
0x65: {  	_ =	shalt  }
0x66: {  	_ =	shalt  }
0x67: {  	_ =	shalt  }
0x68: {  	_ =	shalt  }
0x69: {  	_ =	shalt  }
0x6a: {  	_ =	shalt  }
0x6b: {  	_ =	shalt  }
0x6c: {  	_ =	shalt  }
0x6d: {  	_ =	shalt  }
0x6e: {  	_ =	shalt  }
0x6f: {  	_ =	shalt  }
0x70: {  	_ =	shalt  }
0x71: {  	_ =	shalt  }
0x72: {  	_ =	shalt  }
0x73: {  	_ =	shalt  }
0x74: {  	_ =	shalt  }
0x75: {  	_ =	shalt  }
0x76: {  	_ =	shalt  }
0x77: {  	_ =	shalt  }
0x78: {  	_ =	shalt  }
0x79: {  	_ =	shalt  }
0x7a: {  	_ =	shalt  }
0x7b: {  	_ =	shalt  }
0x7c: {  	_ =	shalt  }
0x7d: {  	_ =	shalt  }
0x7e: {  	_ =	shalt  }
0x7f: {  	_ =	shalt  }
0x80: {  	_ =	shalt  }
0x81: {  	_ =	shalt  }
0x82: {  	_ =	shalt  }
0x83: {  	_ =	shalt  }
0x84: {  	_ =	shalt  }
0x85: {  	_ =	shalt  }
0x86: {  	_ =	shalt  }
0x87: {  	_ =	shalt  }
.Lfunc_end0:
.L_simem_size_0:
called_computation_lowered:
.L_overlay_start_0:
0x88: {  	s2 =	sld [smem:$0x3FD9]  }
0x89: {  	s3 =	sld [smem:$0x3FFE];
	_ =	sdelay $0x1  }
0x8a: {  	s1 =	srdreg.scid  }
0x8b: {  	s0 =	sand.u32 $0x1, s1  }
0x8c: {  	s16 =	sshll.u32 s0, $0xA;
	s2 =	sadd.s32 s3, s2  }
0x8d: {  	s2 =	sadd.s32 s2, s16  }
0x8e: {  	[smem:$0x3FC0] =	sst s2  }
0x8f: {  	_ = 	snop  }
0x90: {  	(tm) =	ssettm $0x1  }
0x91: {  	s17 =	sld [smem:$0x3FFB];
	_ =	sdelay $0x3  }
0x92: {  	_ =	strace s17  }
0x93: {  	s2 =	sld [smem:$0x3FFC];
	_ =	sdelay $0x3  }
0x94: {  	_ =	strace s2  }
0x95: {  	s2 =	sld [smem:$0x3FFD];
	_ =	sdelay $0x3  }
0x96: {  	_ =	strace s2  }
0x97: {  	_ =	strace $0x8FFFFFFF  }
0x98: {  	s18 =	sld [smem:$0x3FDB];
	_ =	sdelay $0x1  }
0x99: {  	s19 =	simm.s32 $_scs_section_size  }
0x9a: {  	s4 =	simm.s32 $_size__tile_overlayer_lowered;
	s5 =	simm.s32 $_tile_overlayer_lowered  }
0x9b: {  	s22 =	simm.s32 $0x1BFF;
	s21 =	sshll.u32 s5, $0x1;
	s2 =	sadd.s32 s19, s18  }
0x9c: {  	s6 =	simm.s32 $0x0;
	s20 =	sshll.u32 s4, $0x1;
	s4 =	sadd.s32 s21, s2  }
0x9d: {  	[timem:s6], [sflag:s22] =	dma.local [hbm:s4], s20  }
0x9e: {  	_ =	swait.ge [sflag:s22], s20  }
0x9f: {  	s3 =	ssub.s32 $0x0, s20;
	[sflag:s22] =	ssyncset.done $0x0  }
0xa0: {  	[sflag:s22] =	ssyncadd.s32 s3;
	_ =	sdelay $0x1  }
0xa1: {  	s23 =	simm.s32 $0x1B8B  }
0xa2: {  	_ =	swait.ge [sflag:s23], $0x1  }
0xa3: {  	[sflag:s23] =	ssyncset.done $0x0  }
0xa4: {  	s25 =	simm.s32 $0x1B8E;
	s24 =	sld [smem:$0x3FFE];
	[sflag:s23] =	ssyncadd.s32 $0xFFFFFFFF  }
0xa5: {  	s26 =	simm.s32 $execute0_lowered;
	[smem:$0x3FD2] =	sst s25  }
0xa6: {  	s4 =	sshll.u32 s26, $0x1;
	_ =	strace $0x80000049;
	[dreg:$0x1] =	wrdreg $0xFFFFFFFF  }
0xa7: {  	s28 =	simm.s32 $_size_execute0_lowered;
	s2 =	sadd.s32 s2, s4;
	[dreg:$0x0] =	wrdreg $0x0  }
0xa8: {  	s4 =	sshll.u32 s28, $0x1;
	[dreg:$0x2] =	wrdreg s2  }
0xa9: {  	[dreg:$0x3] =	wrdreg s4  }
0xaa: {  	[dreg:$0x4] =	wrdreg $0xC0  }
0xab: {  	_ =	task [dreg:s6], $0x5FFFF  }
0xac: {  	[dreg:$0x1] =	wrdreg $0xFFFFFFFF  }
0xad: {  	[dreg:$0x0] =	wrdreg $0x60  }
0xae: {  	[dreg:$0x2] =	wrdreg s24  }
0xaf: {  	[dreg:$0x3] =	wrdreg $0x9  }
0xb0: {  	_ =	task.clear_ibuf [dreg:s6], $0x4FFFF;
	_ =	strace $0x90000049  }
0xb1: {  	s29 =	simm.s32 $0x9;
	_ =	strace $0x8000004B  }
0xb2: {  	_ =	swait.ge [sflag:s29], $0x1  }
0xb3: {  	[sflag:s29] =	ssyncadd.s32 $0xFFFFFFFF  }
0xb4: {  	_ =	strace $0x9000004B  }
0xb5: {  	_ =	sfence  }
0xb6: {  	s30 =	sld [smem:$0x0];
	_ =	sdelay $0x2  }
0xb7: {  	s31 =	sshll.u32 s1, $0xD;
	s1 =	sshrl.u32 s1, $0x2  }
0xb8: {  	s3 =	sand.u32 $0x4000, s31;
	s1 =	sadd.s32 s1, s30  }
0xb9: {  	s0 =	sor.u32 s3, s0;
	s1 =	sshll.u32 s1, $0x11  }
0xba: {  	s0 =	sor.u32 s1, s0  }
0xbb: {  	s0 =	sadd.s32 $0x8F2B, s0  }
0xbc: {  	[sflag:s0] =	ssyncadd.remote.s32 $0x1  }
0xbd: {  	_ =	sfence.sel $0xFFFF  }
0xbe: {  	[dreg:$0x0] =	wrdreg $0xFFFFFFFF;
	(pc) =	sbr.abs _section_cstart, $3  }
0xbf: {  	[dreg:$0x1] =	wrdreg $0xFFFFFFFF  }
0xc0: {  	_ =	task.clear_ibuf [dreg:s6], $0x2FFFF;
	_ =	strace $0x9FFFFFFF  }
0xc1: {  	(tm) =	ssettm $0x7FFFFFFF  }
tec
execute0_lowered:
.L_overlay_start_1:
0x0: {  	(tag) =	ssettag $0x1  }
0x1: {  	s1 =	stileid.u32  }
0x2: {  	p0 =	sgt.u32 s1, $0xD  }
.Ltmp0:
0x3: {  	_ = 	snop;
	(pc) =	sbr.rel @p0 .LBB2_7-.Ltmp0, $4  }
0x4: {  	_ = 	snop  }
0x5: {  	s4 =	rddreg [dreg:$0x0];
	s2 =	simm.s32 $0x0  }
0x6: {  	[smem:$0x7FF] =	sst s2  }
0x7: {  	s0 =	rddreg [dreg:$0x1];
	_ =	strace $0x8000004A  }
0x8: {  	s3 =	srdreg.scid  }
0x9: {  	s26 =	sshll.u32 s1, $0x1;
	s5 =	sand.u32 $0x1, s3  }
0xa: {  	s11 =	smul.u32 $0x25, s1;
	s6 =	sor.u32 s5, s26  }
0xb: {  	s3 =	smul.u32 $0x25, s6  }
0xc: {  	s8 =	sadd.s32 $0x137E00, s4;
	s10 =	sadd.s32 $0x3000, s4;
	s28 =	sshrl.u32 s11, $0x8  }
0xd: {  	s29 =	ssub.s32 $0x2, s5;
	s5 =	smul.u32 $0xC3500, s28;
	s7 =	sshrl.u32 s3, $0x8  }
0xe: {  	s11 =	simm.s32 $0x14100;
	s30 =	sshrl.u32 s29, $0x1;
	s9 =	smul.u32 $0x7, s7  }
0xf: {  	s31 =	ssub.s32 s29, s30;
	s3 =	sadd.s32 $0xFAC00, s4;
	s7 =	sand.u32 $0x1, s7  }
0x10: {  	p0 =	seq.s32 s7, $0x1;
	s6 =	ssub.s32 s6, s9;
	s9 =	simm.s32 $0x7  }
0x11: {  	s4 =	sadd.s32 $0x144200, s4;
	s6 =	sand.u32 $0xFF, s6;
	s9 =	simm.s32 @!p0 $0x0  }
0x12: {  	s3 =	smov.u32 @p0 s10;
	s12 =	smul.u32 $0x1880, s6;
	s6 =	sadd.s32 s6, s9  }
0x13: {  	s10 =	simm.s32 $0xC400;
	s9 =	simm.s32 $0x1;
	s6 =	smul.u32 $0x187000, s6  }
0x14: {  	s7 =	sadd.s32 s8, s12;
	s8 =	smax.u32 s31, $0x1;
	s12 =	simm.s32 $0x0  }
.LBB2_2:
0x15: {  	s13 =	simm.s32 $0x0  }
0x16: {  	[tilespmem:s13], [sflag:$0x1] =	stream.linear.gather [hbm4b:s7+s13], $0xC400, $0x38;
	[tilespmem:$0x1BE00] =	vst v63  }
0x17: {  	_ =	swait.ge [sflag:s9], $0xC400  }
0x18: {  	[sflag:s9] =	ssyncset.done $0x0  }
0x19: {  	[sflag:s9] =	ssyncadd.s32 $0xFFFF3C00  }
.LBB2_3:
0x1a: {  	s14 =	smul.u32 $0x7D00, s13;
	_ =	sdelay $0x1  }
0x1b: {  	s14 =	sadd.s32 s5, s14  }
0x1c: {  	s15 =	sshrl.u32 s14, $0x3  }
0x1d: {  	s15 =	sadd.s32 s3, s15  }
0x1e: {  	[tilespmem:s10], [sflag:$0x1] =	stream.linear.gather [hbm4b:s15+s2], $0x7D00, $0x38;
	[tilespmem:$0x1BE00] =	vst v63  }
0x1f: {  	_ =	swait.ge [sflag:s9], $0x7D00  }
0x20: {  	[sflag:s9] =	ssyncset.done $0x0  }
0x21: {  	s31 =	simm.s32 $0xC440;
	[sflag:s9] =	ssyncadd.s32 $0xFFFF8300  }
0x22: {  	v0 =	vld [tilespmem:s31+$0x30]  }
0x23: {  	v1 =	vld [tilespmem:s31+$0xFFFFFFD0]  }
0x24: {  	v2 =	vld [tilespmem:s31+$0xFFFFFFE0]  }
0x25: {  	v3 =	vld [tilespmem:s31+$0xFFFFFFF0]  }
0x26: {  	v6 =	vld [tilespmem:s31+$0x0]  }
0x27: {  	v7 =	vld [tilespmem:s31+$0x10]  }
0x28: {  	v8 =	vld [tilespmem:s31+$0x20]  }
0x29: {  	v9 =	vld [tilespmem:s31+$0xFFFFFFC0]  }
0x2a: {  	v10 =	vld.idx.msk [tilespmem:v0+s2+$0x0], $0xffff  }
0x2b: {  	v11 =	vld.idx.msk [tilespmem:v1+s2+$0x0], $0xffff  }
0x2c: {  	v5 =	vld.idx.msk [tilespmem:v2+s2+$0x0], $0xffff  }
0x2d: {  	v4 =	vld.idx.msk [tilespmem:v3+s2+$0x0], $0xffff  }
0x2e: {  	v1 =	vld.idx.msk [tilespmem:v6+s2+$0x0], $0xffff  }
0x2f: {  	s15 =	simm.s32 $0x14140;
	v2 =	vld.idx.msk [tilespmem:v7+s2+$0x0], $0xffff  }
0x30: {  	v0 =	vld.idx.msk [tilespmem:v8+s2+$0x0], $0xffff;
	[tilespmem:s15+$0x30] =	vst v10  }
0x31: {  	s16 =	simm.s32 $0x0;
	s17 =	simm.s32 $0xC4C0;
	v3 =	vld.idx.msk [tilespmem:v9+s2+$0x0], $0xffff;
	[tilespmem:s15+$0xFFFFFFD0] =	vst v11  }
.LBB2_4:
0x32: {  	v6 =	vld [tilespmem:s17+$0x30];
	s16 =	sadd.s32 $0x8, s16;
	[tilespmem:s15+$0xFFFFFFE0] =	vst v5  }
0x33: {  	v5 =	vld [tilespmem:s17+$0xFFFFFFD0];
	p0 =	slt.u32 s16, $0x7C8;
	[tilespmem:s15+$0xFFFFFFF0] =	vst v4  }
0x34: {  	v4 =	vld [tilespmem:s17+$0xFFFFFFE0];
	[tilespmem:s15+$0x0] =	vst v1  }
0x35: {  	v1 =	vld [tilespmem:s17+$0xFFFFFFF0];
	[tilespmem:s15+$0x10] =	vst v2  }
0x36: {  	v2 =	vld [tilespmem:s17+$0x0];
	[tilespmem:s15+$0x20] =	vst v0  }
0x37: {  	v0 =	vld [tilespmem:s17+$0x10];
	[tilespmem:s15+$0xFFFFFFC0] =	vst v3  }
0x38: {  	v3 =	vld [tilespmem:s17+$0x20]  }
0x39: {  	v7 =	vld [tilespmem:s17+$0xFFFFFFC0]  }
0x3a: {  	v6 =	vld.idx.msk [tilespmem:v6+s2+$0x0], $0xffff  }
0x3b: {  	v8 =	vld.idx.msk [tilespmem:v5+s2+$0x0], $0xffff  }
0x3c: {  	v5 =	vld.idx.msk [tilespmem:v4+s2+$0x0], $0xffff  }
.Ltmp1:
0x3d: {  	v4 =	vld.idx.msk [tilespmem:v1+s2+$0x0], $0xffff;
	(pc) =	sbr.rel @p0 .LBB2_4-.Ltmp1, $4  }
0x3e: {  	v1 =	vld.idx.msk [tilespmem:v2+s2+$0x0], $0xffff  }
0x3f: {  	s15 =	sadd.s32 $0x80, s15;
	v2 =	vld.idx.msk [tilespmem:v0+s2+$0x0], $0xffff  }
0x40: {  	v0 =	vld.idx.msk [tilespmem:v3+s2+$0x0], $0xffff;
	[tilespmem:s15+$0x30] =	vst v6  }
0x41: {  	s17 =	sadd.s32 $0x80, s17;
	v3 =	vld.idx.msk [tilespmem:v7+s2+$0x0], $0xffff;
	[tilespmem:s15+$0xFFFFFFD0] =	vst v8  }
0x42: {  	[tilespmem:s15+$0xFFFFFFE0] =	vst v5  }
0x43: {  	[tilespmem:s15+$0xFFFFFFF0] =	vst v4  }
0x44: {  	[tilespmem:s15+$0x0] =	vst v1  }
0x45: {  	s14 =	sadd.s32 s6, s14;
	s13 =	sadd.s32 $0x1, s13;
	[tilespmem:s15+$0x10] =	vst v2  }
0x46: {  	s14 =	sshrl.u32 s14, $0x3;
	p0 =	sne.s32 s13, $0x19;
	[tilespmem:s15+$0x20] =	vst v0  }
.Ltmp2:
0x47: {  	s14 =	sadd.s32 s4, s14;
	[tilespmem:s15+$0xFFFFFFC0] =	vst v3;
	(pc) =	sbr.rel @p0 .LBB2_3-.Ltmp2, $4  }
0x48: {  	[hbm4b:s14+s2] =	stream.linear.scatter [tilespmem:s11], [sflag:$0x1], $0x7D00, $0x38;
	[tilespmem:$0x1BE00] =	vst v63  }
0x49: {  	_ =	swait.ge [sflag:s9], $0x7D00  }
0x4a: {  	[sflag:s9] =	ssyncset.done $0x0  }
0x4b: {  	[sflag:s9] =	ssyncadd.s32 $0xFFFF8300  }
0x4c: {  	s12 =	sadd.s32 $0x1, s12  }
0x4d: {  	p0 =	sne.s32 s12, s8  }
.Ltmp3:
0x4e: {  	_ = 	snop;
	(pc) =	sbr.rel @p0 .LBB2_2-.Ltmp3, $1  }
0x4f: {  	_ =	sdelay $0x3  }
.LBB2_7:
0x50: {  	_ =	sfence.sel $0x180000  }
0x51: {  	[bflag:$0x0] =	sbarrier.arrive $0xFFFF  }
0x52: {  	p0 =	sne.s32 s1, $0x0;
	_ =	strace $0x9000004A  }
0x53: {  	s0 =	sadd.s32 @!p0 $0x100000, s0;
	[bflag:$0x2] =	sbarrier.arrive $0xFFFF  }
0x54: {  	[sflag:s0] =	ssyncadd.tile.s32 @!p0 $0x1;
	_ =	shalt  }
.Lfunc_end2:
_tile_overlayer_lowered:
.L_overlay_start_2:
0x55: {  	(tag) =	ssettag $0x2  }
0x56: {  	s0 =	rddreg [dreg:$0x0];
	s2 =	stileid.u32  }
0x57: {  	s1 =	rddreg [dreg:$0x1];
	p0 =	sne.s32 s2, $0x0  }
0x58: {  	s3 =	rddreg [dreg:$0x2];
	[bflag:$0x3] =	sbarrier.arrive $0xFFFF;
	s2 =	simm.s32 @!p0 $0x1C01  }
0x59: {  	[timem:s3], [sflag:s2] =	dma.local @!p0 [hbm:s0], s1  }
0x5a: {  	s0 =	simm.s32 @!p0 $0x1  }
0x5b: {  	_ =	swait.ge @!p0 [sflag:s0], s1  }
0x5c: {  	s1 =	ssub.s32 @!p0 $0x0, s1;
	[sflag:s0] =	ssyncset.done @!p0 $0x0  }
0x5d: {  	[sflag:s0] =	ssyncadd.s32 @!p0 s1  }
0x5e: {  	[bflag:$0x3] =	sbarrier.arrive $0xFFFF  }
0x5f: {  	_ =	shalt  }

// kernel: body.26.cloned.1.call-start
scs
__scs_entry_jumppad:
0x0: {  	(pc) =	sbr.rel $0x88, $3  }
0x1: {  	(tag) =	ssettag $0x0;
	lr =	simm.s32 $0x1  }
0x2: {  	[smem:$0x3F99] =	sst lr;
	_ =	strace $0xD0000000  }
0x3: {  	_ = 	snop  }
0x4: {  	_ = 	snop  }
0x5: {  	_ = 	snop  }
0x6: {  	_ = 	snop  }
0x7: {  	_ = 	snop  }
__scs_overlays_trampoline_lowered:
0x8: {  	[smem:$0x3FA8] =	sst s0  }
0x9: {  	[smem:$0x3FA9] =	sst s1  }
0xa: {  	[smem:$0x3FAA] =	sst s2  }
0xb: {  	[smem:$0x3FAB] =	sst s3  }
0xc: {  	[smem:$0x3FAC] =	sst s4  }
0xd: {  	[smem:$0x3FAD] =	sst s5  }
0xe: {  	[smem:$0x3FAE] =	sst s6  }
0xf: {  	[smem:$0x3FAF] =	sst s7  }
0x10: {  	[smem:$0x3FB0] =	sst s8  }
0x11: {  	[smem:$0x3FB1] =	sst s9;
	s0 =	simm.s32 @!p0 $0x0  }
0x12: {  	s1 =	sld [smem:$0x3F97];
	s0 =	simm.s32 @p0 $0x1  }
0x13: {  	[smem:$0x3FB2] =	sst s0;
	s0 =	simm.s32 @!p1 $0x0  }
0x14: {  	s2 =	sld [smem:$0x3F96];
	s0 =	simm.s32 @p1 $0x1  }
0x15: {  	[smem:$0x3FB3] =	sst s0;
	s0 =	simm.s32 @!p2 $0x0  }
0x16: {  	s3 =	sld [smem:$0x3FDB];
	s0 =	simm.s32 @p2 $0x1  }
0x17: {  	s4 =	simm.s32 $0x1BF5;
	[smem:$0x3FB5] =	sst s0  }
0x18: {  	s0 =	sld [smem:$0x3F98];
	_ =	swait.ge [sflag:s4], $0x0  }
0x19: {  	s7 =	sld [smem:$0x3F99]  }
0x1a: {  	s8 =	sadd.s32 $0xFFFFE003, lr  }
0x1b: {  	s9 =	sadd.s32 $0xFFFFFEF7, lr;
	s5 =	simm.s32 $0xFFFFFFFF;
	p2 =	slt.u32 s8, $0xFFFFF086  }
0x1c: {  	p1 =	slt.u32 s9, $0xF7A;
	s5 =	simm.s32 @!p2 $0x0  }
0x1d: {  	s5 =	simm.s32 @p1 $0x1;
	p0 =	seq.s32 s7, s2  }
0x1e: {  	s7 =	smul.u32 @!p0 $0xF7A, s2;
	p2 =	seq.s32 @!p0 s5, $0x0  }
0x1f: {  	s9 =	smul.u32 $0xF7A, s1;
	s8 =	simm.s32 @!p0 $0x1BF5;
	p2 =	por !p2, p0  }
0x20: {  	[sflag:s8] =	ssyncset.s32 @!p0 $0xFFFFF086;
	s6 =	sadd.s32 @!p0 s3, s7;
	s7 =	simm.s32 @!p0 $0x108  }
0x21: {  	s3 =	sadd.s32 s3, s9;
	s6 =	sadd.s32 @!p0 $0x88, s6;
	s7 =	simm.s32 @p2 $0x1082  }
0x22: {  	[simem:s7], [sflag:s8] =	dma.local @!p0 [hbm:s6], $0xF7A  }
0x23: {  	s9 =	sor.u32 $0xD0000000, s2;
	s6 =	simm.s32 $0x108;
	_ =	swait.ge @!p0 [sflag:s8], $0x0  }
0x24: {  	s3 =	sadd.s32 $0x88, s3;
	s6 =	simm.s32 @!p1 $0x1082;
	[sflag:s4] =	ssyncset.s32 $0xFFFFF086  }
0x25: {  	[simem:s6], [sflag:s4] =	dma.local [hbm:s3], $0xF7A  }
0x26: {  	[smem:$0x3F99] =	sst s1;
	(tag) =	ssettag s2;
	_ =	strace s9  }
0x27: {  	s1 =	sld [smem:$0x3FA9]  }
0x28: {  	s2 =	sld [smem:$0x3FAA]  }
0x29: {  	s4 =	sld [smem:$0x3FAC]  }
0x2a: {  	p0 =	seq.s32 s5, $0x0;
	s5 =	sld [smem:$0x3FAD]  }
0x2b: {  	s6 =	sld [smem:$0x3FAE]  }
0x2c: {  	s7 =	sld [smem:$0x3FAF]  }
0x2d: {  	s3 =	simm.s32 $0x108;
	s8 =	sld [smem:$0x3FB0]  }
0x2e: {  	s3 =	simm.s32 @!p0 $0x1082;
	s9 =	sld [smem:$0x3FB1]  }
0x2f: {  	lr =	sadd.s32 s0, s3;
	s0 =	sld [smem:$0x3FA8]  }
0x30: {  	s3 =	sld [smem:$0x3FAB]  }
0x31: {  	[smem:$0x3FB4] =	sst s10  }
0x32: {  	s10 =	sld [smem:$0x3FB2];
	_ =	sdelay $0x3  }
0x33: {  	p0 =	seq.s32 s10, $0x1;
	s10 =	sld [smem:$0x3FB4];
	_ =	sdelay $0x3  }
0x34: {  	[smem:$0x3FB4] =	sst s10  }
0x35: {  	s10 =	sld [smem:$0x3FB3];
	_ =	sdelay $0x3  }
0x36: {  	p1 =	seq.s32 s10, $0x1;
	s10 =	sld [smem:$0x3FB4];
	_ =	sdelay $0x3  }
0x37: {  	[smem:$0x3FB4] =	sst s10  }
0x38: {  	s10 =	sld [smem:$0x3FB5]  }
0x39: {  	_ = 	snop;
	(pc) =	sbr.ind lr, $3  }
0x3a: {  	_ = 	snop  }
0x3b: {  	_ = 	snop  }
0x3c: {  	p2 =	seq.s32 s10, $0x1;
	s10 =	sld [smem:$0x3FB4]  }
0x3d: {  	_ =	shalt  }
0x3e: {  	_ =	shalt  }
0x3f: {  	_ =	shalt  }
0x40: {  	_ =	shalt  }
0x41: {  	_ =	shalt  }
0x42: {  	_ =	shalt  }
0x43: {  	_ =	shalt  }
0x44: {  	_ =	shalt  }
0x45: {  	_ =	shalt  }
0x46: {  	_ =	shalt  }
0x47: {  	_ =	shalt  }
0x48: {  	_ =	shalt  }
0x49: {  	_ =	shalt  }
0x4a: {  	_ =	shalt  }
0x4b: {  	_ =	shalt  }
0x4c: {  	_ =	shalt  }
0x4d: {  	_ =	shalt  }
0x4e: {  	_ =	shalt  }
0x4f: {  	_ =	shalt  }
0x50: {  	_ =	shalt  }
0x51: {  	_ =	shalt  }
0x52: {  	_ =	shalt  }
0x53: {  	_ =	shalt  }
0x54: {  	_ =	shalt  }
0x55: {  	_ =	shalt  }
0x56: {  	_ =	shalt  }
0x57: {  	_ =	shalt  }
0x58: {  	_ =	shalt  }
0x59: {  	_ =	shalt  }
0x5a: {  	_ =	shalt  }
0x5b: {  	_ =	shalt  }
0x5c: {  	_ =	shalt  }
0x5d: {  	_ =	shalt  }
0x5e: {  	_ =	shalt  }
0x5f: {  	_ =	shalt  }
0x60: {  	_ =	shalt  }
0x61: {  	_ =	shalt  }
0x62: {  	_ =	shalt  }
0x63: {  	_ =	shalt  }
0x64: {  	_ =	shalt  }
0x65: {  	_ =	shalt  }
0x66: {  	_ =	shalt  }
0x67: {  	_ =	shalt  }
0x68: {  	_ =	shalt  }
0x69: {  	_ =	shalt  }
0x6a: {  	_ =	shalt  }
0x6b: {  	_ =	shalt  }
0x6c: {  	_ =	shalt  }
0x6d: {  	_ =	shalt  }
0x6e: {  	_ =	shalt  }
0x6f: {  	_ =	shalt  }
0x70: {  	_ =	shalt  }
0x71: {  	_ =	shalt  }
0x72: {  	_ =	shalt  }
0x73: {  	_ =	shalt  }
0x74: {  	_ =	shalt  }
0x75: {  	_ =	shalt  }
0x76: {  	_ =	shalt  }
0x77: {  	_ =	shalt  }
0x78: {  	_ =	shalt  }
0x79: {  	_ =	shalt  }
0x7a: {  	_ =	shalt  }
0x7b: {  	_ =	shalt  }
0x7c: {  	_ =	shalt  }
0x7d: {  	_ =	shalt  }
0x7e: {  	_ =	shalt  }
0x7f: {  	_ =	shalt  }
0x80: {  	_ =	shalt  }
0x81: {  	_ =	shalt  }
0x82: {  	_ =	shalt  }
0x83: {  	_ =	shalt  }
0x84: {  	_ =	shalt  }
0x85: {  	_ =	shalt  }
0x86: {  	_ =	shalt  }
0x87: {  	_ =	shalt  }
.Lfunc_end0:
.L_simem_size_0:
called_computation.1_lowered:
.L_overlay_start_0:
0x88: {  	s2 =	sld [smem:$0x3FD9]  }
0x89: {  	s3 =	sld [smem:$0x3FFE];
	_ =	sdelay $0x1  }
0x8a: {  	s1 =	srdreg.scid  }
0x8b: {  	s0 =	sand.u32 $0x1, s1  }
0x8c: {  	s16 =	sshll.u32 s0, $0xA;
	s2 =	sadd.s32 s3, s2  }
0x8d: {  	s2 =	sadd.s32 s2, s16  }
0x8e: {  	[smem:$0x3FC0] =	sst s2  }
0x8f: {  	_ = 	snop  }
0x90: {  	(tm) =	ssettm $0x1  }
0x91: {  	s17 =	sld [smem:$0x3FFB];
	_ =	sdelay $0x3  }
0x92: {  	_ =	strace s17  }
0x93: {  	s2 =	sld [smem:$0x3FFC];
	_ =	sdelay $0x3  }
0x94: {  	_ =	strace s2  }
0x95: {  	s2 =	sld [smem:$0x3FFD];
	_ =	sdelay $0x3  }
0x96: {  	_ =	strace s2  }
0x97: {  	_ =	strace $0x8FFFFFFF  }
0x98: {  	s18 =	sld [smem:$0x3FDB];
	_ =	sdelay $0x1  }
0x99: {  	s19 =	simm.s32 $_scs_section_size  }
0x9a: {  	s4 =	simm.s32 $_size__tile_overlayer_lowered;
	s5 =	simm.s32 $_tile_overlayer_lowered  }
0x9b: {  	s22 =	simm.s32 $0x1BFF;
	s21 =	sshll.u32 s5, $0x1;
	s2 =	sadd.s32 s19, s18  }
0x9c: {  	s6 =	simm.s32 $0x0;
	s20 =	sshll.u32 s4, $0x1;
	s4 =	sadd.s32 s21, s2  }
0x9d: {  	[timem:s6], [sflag:s22] =	dma.local [hbm:s4], s20  }
0x9e: {  	_ =	swait.ge [sflag:s22], s20  }
0x9f: {  	s3 =	ssub.s32 $0x0, s20;
	[sflag:s22] =	ssyncset.done $0x0  }
0xa0: {  	[sflag:s22] =	ssyncadd.s32 s3;
	_ =	sdelay $0x1  }
0xa1: {  	s23 =	simm.s32 $0x1B8B  }
0xa2: {  	_ =	swait.ge [sflag:s23], $0x1  }
0xa3: {  	[sflag:s23] =	ssyncset.done $0x0  }
0xa4: {  	s25 =	simm.s32 $0x1B8E;
	s24 =	sld [smem:$0x3FFE];
	[sflag:s23] =	ssyncadd.s32 $0xFFFFFFFF  }
0xa5: {  	s26 =	simm.s32 $execute0_lowered;
	[smem:$0x3FD2] =	sst s25  }
0xa6: {  	s4 =	sshll.u32 s26, $0x1;
	_ =	strace $0x8000004C;
	[dreg:$0x1] =	wrdreg $0xFFFFFFFF  }
0xa7: {  	s28 =	simm.s32 $_size_execute0_lowered;
	s2 =	sadd.s32 s2, s4;
	[dreg:$0x0] =	wrdreg $0x0  }
0xa8: {  	s4 =	sshll.u32 s28, $0x1;
	[dreg:$0x2] =	wrdreg s2  }
0xa9: {  	[dreg:$0x3] =	wrdreg s4  }
0xaa: {  	[dreg:$0x4] =	wrdreg $0xC0  }
0xab: {  	_ =	task [dreg:s6], $0x5FFFF  }
0xac: {  	[dreg:$0x1] =	wrdreg $0xFFFFFFFF  }
0xad: {  	[dreg:$0x0] =	wrdreg $0x60  }
0xae: {  	[dreg:$0x2] =	wrdreg s24  }
0xaf: {  	[dreg:$0x3] =	wrdreg $0x113000  }
0xb0: {  	[dreg:$0x4] =	wrdreg $0x9  }
0xb1: {  	_ =	task.clear_ibuf [dreg:s6], $0x5FFFF;
	_ =	strace $0x9000004C  }
0xb2: {  	s29 =	simm.s32 $0x9;
	_ =	strace $0x8000004E  }
0xb3: {  	_ =	swait.ge [sflag:s29], $0x1  }
0xb4: {  	[sflag:s29] =	ssyncadd.s32 $0xFFFFFFFF  }
0xb5: {  	_ =	strace $0x9000004E  }
0xb6: {  	_ =	sfence  }
0xb7: {  	s30 =	sld [smem:$0x0];
	_ =	sdelay $0x2  }
0xb8: {  	s31 =	sshll.u32 s1, $0xD;
	s1 =	sshrl.u32 s1, $0x2  }
0xb9: {  	s3 =	sand.u32 $0x4000, s31;
	s1 =	sadd.s32 s1, s30  }
0xba: {  	s0 =	sor.u32 s3, s0;
	s1 =	sshll.u32 s1, $0x11  }
0xbb: {  	s0 =	sor.u32 s1, s0  }
0xbc: {  	s0 =	sadd.s32 $0x8F2B, s0  }
0xbd: {  	[sflag:s0] =	ssyncadd.remote.s32 $0x1  }
0xbe: {  	_ =	sfence.sel $0xFFFF  }
0xbf: {  	[dreg:$0x0] =	wrdreg $0xFFFFFFFF;
	(pc) =	sbr.abs _section_cstart, $3  }
0xc0: {  	[dreg:$0x1] =	wrdreg $0xFFFFFFFF  }
0xc1: {  	_ =	task.clear_ibuf [dreg:s6], $0x2FFFF;
	_ =	strace $0x9FFFFFFF  }
0xc2: {  	(tm) =	ssettm $0x7FFFFFFF  }
0xc3: {  	_ =	shalt  }
tec
execute0_lowered:
.L_overlay_start_1:
0x0: {  	(tag) =	ssettag $0x1  }
0x1: {  	s6 =	rddreg [dreg:$0x0]  }
0x2: {  	s7 =	rddreg [dreg:$0x1];
	s1 =	stileid.u32  }
0x3: {  	s0 =	rddreg [dreg:$0x2];
	s3 =	srdreg.scid;
	s2 =	simm.s32 $0x0  }
0x4: {  	s16 =	simm.s32 $0xEB80;
	s17 =	simm.s32 $0x3100;
	s18 =	simm.s32 $0x6200  }
0x5: {  	s19 =	simm.s32 $0x9300;
	s8 =	sand.u32 $0x3, s1;
	s14 =	smul.u32 $0x31000, s1  }
0x6: {  	s9 =	sand.u32 $0x1, s3;
	[smem:$0x7FF] =	sst s2;
	s10 =	smul.u32 $0xC400, s8  }
0x7: {  	s4 =	sshrl.u32 s1, $0x2;
	s3 =	sadd.s32 $0x3F0600, s6;
	s5 =	smul.u32 $0x31000, s9  }
0x8: {  	s20 =	simm.s32 $0x0;
	_ =	strace $0x8000004D;
	s11 =	smul.u32 $0x3100, s4  }
0x9: {  	s12 =	sshll.u32 s9, $0x2;
	s9 =	ssub.s32 $0x2, s9;
	s28 =	smul.u32 $0x31000, s8  }
0xa: {  	s12 =	sor.u32 s4, s12;
	s4 =	sadd.s32 $0x3000, s6;
	s29 =	sshrl.u32 s9, $0x1  }
0xb: {  	s31 =	sshrl.u32 s14, $0x2;
	s14 =	simm.s32 $0xC400;
	s5 =	sadd.s32 s5, s10  }
0xc: {  	s15 =	ssub.s32 s9, s29;
	s30 =	sshrl.u32 s28, $0x2;
	s13 =	sadd.s32 s11, s5  }
0xd: {  	s10 =	sadd.s32 s10, s7;
	s5 =	smul.u32 $0x30D40, s12;
	s26 =	sshrl.u32 s13, $0x3  }
0xe: {  	s13 =	sadd.s32 s30, s7;
	s7 =	sadd.s32 s31, s7;
	s12 =	sadd.s32 s26, s6  }
0xf: {  	s6 =	smul.u32 $0x187000, s8;
	s8 =	sadd.s32 s11, s10;
	s11 =	sadd.s32 s11, s13  }
0x10: {  	s13 =	smax.u32 s15, $0x1;
	s15 =	simm.s32 $0x1;
	s9 =	sadd.s32 $0x31000, s11  }
0x11: {  	v0 =	vimm.f32 $0.0e+00;
	s10 =	sadd.s32 $0x62000, s11;
	s11 =	sadd.s32 $0x93000, s11;
	s12 =	sadd.s32 $0x137E00, s12  }
.LBB2_1:
0x12: {  	s21 =	simm.s32 $0x0  }
.LBB2_2:
0x13: {  	p0 =	sne.s32 s21, $0x30FC0  }
.Ltmp0:
0x14: {  	_ = 	snop;
	(pc) =	sbr.rel @p0 .LBB2_2-.Ltmp0, $3  }
0x15: {  	_ =	sdelay $0x1  }
0x16: {  	s22 =	sshra.s32 s21, $0x2  }
0x17: {  	s21 =	sadd.s32 $0x40, s21;
	[tilespmem:s22+$0x0] =	vst v0  }
0x18: {  	s21 =	simm.s32 $0x0  }
.LBB2_4:
0x19: {  	s22 =	smul.u32 $0x2710, s21;
	_ =	sdelay $0x1  }
0x1a: {  	s22 =	sadd.s32 s5, s22  }
0x1b: {  	s23 =	sadd.s32 s6, s22  }
0x1c: {  	s23 =	sshrl.u32 s23, $0x3  }
0x1d: {  	s23 =	sadd.s32 s3, s23  }
0x1e: {  	[tilespmem:s14], [sflag:$0x1] =	stream.linear.gather [hbm4b:s23+s2], $0x2710, $0x38;
	[tilespmem:$0x1D700] =	vst v63  }
0x1f: {  	_ =	swait.ge [sflag:s15], $0x2710  }
0x20: {  	s22 =	sshrl.u32 s22, $0x3;
	[sflag:s15] =	ssyncset.done $0x0  }
0x21: {  	s22 =	sadd.s32 s4, s22;
	[sflag:s15] =	ssyncadd.s32 $0xFFFFD8F0  }
0x22: {  	[tilespmem:s16], [sflag:$0x1] =	stream.linear.gather [hbm4b:s22+s2], $0x2710, $0x38;
	[tilespmem:$0x1D700] =	vst v63  }
0x23: {  	_ =	swait.ge [sflag:s15], $0x2710  }
0x24: {  	s24 =	simm.s32 $0xEBA0;
	[sflag:s15] =	ssyncset.done $0x0  }
0x25: {  	s23 =	simm.s32 $0xC420;
	s22 =	simm.s32 $0xFFFFFFFC;
	[sflag:s15] =	ssyncadd.s32 $0xFFFFD8F0  }
.LBB2_5:
0x26: {  	v1 =	vld [tilespmem:s24+$0xFFFFFFE0];
	_ =	sdelay $0x2  }
0x27: {  	v2 =	vld [tilespmem:s23+$0xFFFFFFE0];
	_ =	sdelay $0x4  }
0x28: {  	[tilespmem:v1+s2+$0x0] =	vst.idx.add.f32.msk $0xffff, v2  }
0x29: {  	v1 =	vld [tilespmem:s24+$0xFFFFFFF0];
	_ =	sdelay $0x2  }
0x2a: {  	v2 =	vld [tilespmem:s23+$0xFFFFFFF0];
	_ =	sdelay $0x4  }
0x2b: {  	[tilespmem:v1+s2+$0x0] =	vst.idx.add.f32.msk $0xffff, v2  }
0x2c: {  	v1 =	vld [tilespmem:s24+$0x0];
	_ =	sdelay $0x2  }
0x2d: {  	v2 =	vld [tilespmem:s23+$0x0];
	_ =	sdelay $0x4  }
0x2e: {  	[tilespmem:v1+s2+$0x0] =	vst.idx.add.f32.msk $0xffff, v2  }
0x2f: {  	v1 =	vld [tilespmem:s24+$0x10];
	_ =	sdelay $0x1  }
0x30: {  	s22 =	sadd.s32 $0x4, s22  }
0x31: {  	p0 =	slt.u32 s22, $0x26C;
	v2 =	vld [tilespmem:s23+$0x10]  }
.Ltmp1:
0x32: {  	_ = 	snop;
	(pc) =	sbr.rel @p0 .LBB2_5-.Ltmp1, $2  }
0x33: {  	_ =	sdelay $0x2  }
0x34: {  	s23 =	sadd.s32 $0x40, s23;
	s24 =	sadd.s32 $0x40, s24;
	[tilespmem:v1+s2+$0x0] =	vst.idx.add.f32.msk $0xffff, v2  }
0x35: {  	v1 =	vld [tilespmem:$0x11280];
	_ =	sdelay $0x1  }
0x36: {  	s21 =	sadd.s32 $0x1, s21  }
0x37: {  	v2 =	vld [tilespmem:$0xEB00];
	p0 =	sne.s32 s21, $0x14  }
.Ltmp2:
0x38: {  	_ = 	snop;
	(pc) =	sbr.rel @p0 .LBB2_4-.Ltmp2, $2  }
0x39: {  	_ =	sdelay $0x2  }
0x3a: {  	[tilespmem:v1+s2+$0x0] =	vst.idx.add.f32.msk $0xffff, v2  }
0x3b: {  	s21 =	simm.s32 $0x0  }
0x3c: {  	[spmem:s7] =	stream.linear.scatter [tilespmem:s21], [sflag:$0x1], $0xC400, $0x38;
	[tilespmem:$0x1D700] =	vst v63  }
0x3d: {  	_ =	swait.ge [sflag:s15], $0xC400  }
0x3e: {  	[sflag:s15] =	ssyncset.done $0x0  }
0x3f: {  	[sflag:s15] =	ssyncadd.s32 $0xFFFF3C00  }
0x40: {  	[bflag:$0x0] =	sbarrier.arrive $0xFFFF  }
0x41: {  	[tilespmem:s21], [sflag:$0x1] =	stream.linear.gather [spmem:s8], $0x3100, $0x38;
	[tilespmem:$0x1D700] =	vst v63  }
0x42: {  	_ =	swait.ge [sflag:s15], $0x3100  }
0x43: {  	[sflag:s15] =	ssyncset.done $0x0  }
0x44: {  	[sflag:s15] =	ssyncadd.s32 $0xFFFFCF00  }
0x45: {  	[tilespmem:s17], [sflag:$0x1] =	stream.linear.gather [spmem:s9], $0x3100, $0x38;
	[tilespmem:$0x1D700] =	vst v63  }
0x46: {  	_ =	swait.ge [sflag:s15], $0x3100  }
0x47: {  	[sflag:s15] =	ssyncset.done $0x0  }
0x48: {  	[sflag:s15] =	ssyncadd.s32 $0xFFFFCF00  }
0x49: {  	[tilespmem:s18], [sflag:$0x1] =	stream.linear.gather [spmem:s10], $0x3100, $0x38;
	[tilespmem:$0x1D700] =	vst v63  }
0x4a: {  	_ =	swait.ge [sflag:s15], $0x3100  }
0x4b: {  	[sflag:s15] =	ssyncset.done $0x0  }
0x4c: {  	[sflag:s15] =	ssyncadd.s32 $0xFFFFCF00  }
0x4d: {  	[tilespmem:s19], [sflag:$0x1] =	stream.linear.gather [spmem:s11], $0x3100, $0x38;
	[tilespmem:$0x1D700] =	vst v63  }
0x4e: {  	_ =	swait.ge [sflag:s15], $0x3100  }
0x4f: {  	[sflag:s15] =	ssyncset.done $0x0  }
0x50: {  	s22 =	simm.s32 $0x9330;
	[sflag:s15] =	ssyncadd.s32 $0xFFFFCF00  }
0x51: {  	v2 =	vld [tilespmem:s22+$0xFFFFFFE0]  }
0x52: {  	v1 =	vld [tilespmem:s22+$0xFFFFFFF0]  }
0x53: {  	v10 =	vld [tilespmem:s22+$0xFFFFCEF0]  }
0x54: {  	v9 =	vld [tilespmem:s22+$0xFFFF9DE0]  }
0x55: {  	v3 =	vld [tilespmem:s22+$0xFFFF9DF0]  }
0x56: {  	v7 =	vld [tilespmem:s22+$0xFFFF9E00]  }
0x57: {  	v4 =	vld [tilespmem:s22+$0xFFFF6CF0]  }
0x58: {  	v8 =	vld [tilespmem:s22+$0xFFFF6D00]  }
0x59: {  	v11 =	vld [tilespmem:s22+$0xFFFF6CE0]  }
0x5a: {  	v6 =	vld [tilespmem:s22+$0xFFFFCF00]  }
0x5b: {  	v5 =	vld [tilespmem:s22+$0xFFFFCEE0]  }
0x5c: {  	v12 =	vadd.f32 v3, v4;
	v3 =	vld [tilespmem:s22+$0x0]  }
0x5d: {  	s25 =	sand.u32 $0x3FC0, s21;
	v4 =	vld [tilespmem:s22+$0xFFFF6CD0];
	v8 =	vadd.f32 v7, v8  }
0x5e: {  	s23 =	simm.s32 $0x0;
	s24 =	simm.s32 $0x9370;
	v7 =	vld [tilespmem:s25+$0x3100];
	v9 =	vadd.f32 v9, v11;
	v10 =	vadd.f32 v10, v12  }
.LBB2_8:
0x5f: {  	v11 =	vld [tilespmem:s24+$0xFFFFFFE0];
	v6 =	vadd.f32 v6, v8  }
0x60: {  	v8 =	vld [tilespmem:s25+$0x6200];
	v5 =	vadd.f32 v5, v9;
	v9 =	vadd.f32 v1, v10  }
0x61: {  	v1 =	vld [tilespmem:s24+$0xFFFFFFF0];
	v3 =	vadd.f32 v3, v6  }
0x62: {  	v6 =	vld [tilespmem:s25+$0x9300];
	v5 =	vadd.f32 v2, v5;
	[tilespmem:s22+$0xFFFF6CF0] =	vst v9  }
0x63: {  	v10 =	vld [tilespmem:s24+$0xFFFFCEF0];
	v4 =	vadd.f32 v7, v4;
	[tilespmem:s22+$0xFFFF6D00] =	vst v3  }
0x64: {  	v9 =	vld [tilespmem:s24+$0xFFFF9DE0];
	[tilespmem:s22+$0xFFFF6CE0] =	vst v5;
	v2 =	vmov v11  }
0x65: {  	v3 =	vld [tilespmem:s24+$0xFFFF9DF0];
	v4 =	vadd.f32 v8, v4  }
0x66: {  	v7 =	vld [tilespmem:s24+$0xFFFF9E00]  }
0x67: {  	v8 =	vld [tilespmem:s24+$0xFFFF6CF0];
	v4 =	vadd.f32 v6, v4  }
0x68: {  	s23 =	sadd.s32 $0x4, s23;
	v11 =	vld [tilespmem:s24+$0xFFFF6D00]  }
0x69: {  	p0 =	slt.u32 s23, $0x30C;
	v12 =	vld [tilespmem:s24+$0xFFFF6CE0];
	[tilespmem:s22+$0xFFFF6CD0] =	vst v4;
	s22 =	smov.u32 s24  }
.Ltmp3:
0x6a: {  	v6 =	vld [tilespmem:s24+$0xFFFFCF00];
	(pc) =	sbr.rel @p0 .LBB2_8-.Ltmp3, $4  }
0x6b: {  	v5 =	vld [tilespmem:s24+$0xFFFFCEE0]  }
0x6c: {  	s21 =	sadd.s32 $0x40, s21;
	v13 =	vadd.f32 v3, v8;
	v3 =	vld [tilespmem:s24+$0x0]  }
0x6d: {  	s25 =	sand.u32 $0x3FC0, s21;
	v4 =	vld [tilespmem:s24+$0xFFFF6CD0];
	v8 =	vadd.f32 v7, v11  }
0x6e: {  	s24 =	sadd.s32 $0x40, s24;
	v7 =	vld [tilespmem:s25+$0x3100];
	v9 =	vadd.f32 v9, v12;
	v10 =	vadd.f32 v10, v13  }
0x6f: {  	_ = 	snop  }
0x70: {  	v11 =	vld [tilespmem:s25+$0x6200];
	_ =	sdelay $0x1  }
0x71: {  	v12 =	vld [tilespmem:s25+$0x9300]  }
0x72: {  	v6 =	vadd.f32 v6, v8;
	v4 =	vadd.f32 v7, v4  }
0x73: {  	v5 =	vadd.f32 v5, v9;
	v1 =	vadd.f32 v1, v10  }
0x74: {  	v3 =	vadd.f32 v3, v6;
	v4 =	vadd.f32 v11, v4  }
0x75: {  	v2 =	vadd.f32 v2, v5;
	[tilespmem:s22+$0xFFFF6CF0] =	vst v1  }
0x76: {  	s20 =	sadd.s32 $0x1, s20;
	[tilespmem:s22+$0xFFFF6D00] =	vst v3;
	v1 =	vadd.f32 v12, v4  }
0x77: {  	p0 =	sne.s32 s20, s13;
	[tilespmem:s22+$0xFFFF6CE0] =	vst v2  }
.Ltmp4:
0x78: {  	[tilespmem:s22+$0xFFFF6CD0] =	vst v1;
	(pc) =	sbr.rel @p0 .LBB2_1-.Ltmp4, $4  }
0x79: {  	[hbm4b:s12+s2] =	stream.linear.scatter [tilespmem:s2], [sflag:$0x1], $0x3100, $0x38;
	[tilespmem:$0x1D700] =	vst v63  }
0x7a: {  	_ =	swait.ge [sflag:s15], $0x3100  }
0x7b: {  	[sflag:s15] =	ssyncset.done $0x0  }
0x7c: {  	[sflag:s15] =	ssyncadd.s32 $0xFFFFCF00  }
0x7d: {  	_ =	sfence.sel $0x180000  }
0x7e: {  	[bflag:$0x0] =	sbarrier.arrive $0xFFFF  }
0x7f: {  	p0 =	sne.s32 s1, $0x0;
	_ =	strace $0x9000004D  }
0x80: {  	s0 =	sadd.s32 @!p0 $0x100000, s0;
	[bflag:$0x2] =	sbarrier.arrive $0xFFFF  }
0x81: {  	[sflag:s0] =	ssyncadd.tile.s32 @!p0 $0x1;
	_ =	shalt  }
.Lfunc_end2:
_tile_overlayer_lowered:
.L_overlay_start_2:
0x82: {  	(tag) =	ssettag $0x2  }
0x83: {  	s0 =	rddreg [dreg:$0x0];
	s2 =	stileid.u32  }
0x84: {  	s1 =	rddreg [dreg:$0x1];
	p0 =	sne.s32 s2, $0x0  }
0x85: {  	s3 =	rddreg [dreg:$0x2];
	[bflag:$0x3] =	sbarrier.arrive $0xFFFF;
	s2 =	simm.s32 @!p0 $0x1C01  }
0x86: {  	[timem:s3], [sflag:s2] =	dma.local @!p0 [hbm:s0], s1  }
0x87: {  	s0 =	simm.s32 @!p0 $0x1  }
0x88: {  	_ =	swait.ge @!p0 [sflag:s0], s1  }
0x89: {  	s1 =	ssub.s32 @!p0 $0x0, s1;
	[sflag:s0] =	ssyncset.done @!p0 $0x0  }
0x8a: {  	[sflag:s0] =	ssyncadd.s32 @!p0 s1  }
0x8b: {  	[bflag:$0x3] =	sbarrier.arrive $0xFFFF  }
0x8c: {  	_ =	shalt  }

// kernel: body.29.cloned.1.call-start
scs
__scs_entry_jumppad:
0x0: {  	(pc) =	sbr.rel $0x88, $3  }
0x1: {  	(tag) =	ssettag $0x0;
	lr =	simm.s32 $0x1  }
0x2: {  	[smem:$0x3F99] =	sst lr;
	_ =	strace $0xD0000000  }
0x3: {  	_ = 	snop  }
0x4: {  	_ = 	snop  }
0x5: {  	_ = 	snop  }
0x6: {  	_ = 	snop  }
0x7: {  	_ = 	snop  }
__scs_overlays_trampoline_lowered:
0x8: {  	[smem:$0x3FA8] =	sst s0  }
0x9: {  	[smem:$0x3FA9] =	sst s1  }
0xa: {  	[smem:$0x3FAA] =	sst s2  }
0xb: {  	[smem:$0x3FAB] =	sst s3  }
0xc: {  	[smem:$0x3FAC] =	sst s4  }
0xd: {  	[smem:$0x3FAD] =	sst s5  }
0xe: {  	[smem:$0x3FAE] =	sst s6  }
0xf: {  	[smem:$0x3FAF] =	sst s7  }
0x10: {  	[smem:$0x3FB0] =	sst s8  }
0x11: {  	[smem:$0x3FB1] =	sst s9;
	s0 =	simm.s32 @!p0 $0x0  }
0x12: {  	s1 =	sld [smem:$0x3F97];
	s0 =	simm.s32 @p0 $0x1  }
0x13: {  	[smem:$0x3FB2] =	sst s0;
	s0 =	simm.s32 @!p1 $0x0  }
0x14: {  	s2 =	sld [smem:$0x3F96];
	s0 =	simm.s32 @p1 $0x1  }
0x15: {  	[smem:$0x3FB3] =	sst s0;
	s0 =	simm.s32 @!p2 $0x0  }
0x16: {  	s3 =	sld [smem:$0x3FDB];
	s0 =	simm.s32 @p2 $0x1  }
0x17: {  	s4 =	simm.s32 $0x1BF5;
	[smem:$0x3FB5] =	sst s0  }
0x18: {  	s0 =	sld [smem:$0x3F98];
	_ =	swait.ge [sflag:s4], $0x0  }
0x19: {  	s7 =	sld [smem:$0x3F99]  }
0x1a: {  	s8 =	sadd.s32 $0xFFFFE003, lr  }
0x1b: {  	s9 =	sadd.s32 $0xFFFFFEF7, lr;
	s5 =	simm.s32 $0xFFFFFFFF;
	p2 =	slt.u32 s8, $0xFFFFF086  }
0x1c: {  	p1 =	slt.u32 s9, $0xF7A;
	s5 =	simm.s32 @!p2 $0x0  }
0x1d: {  	s5 =	simm.s32 @p1 $0x1;
	p0 =	seq.s32 s7, s2  }
0x1e: {  	s7 =	smul.u32 @!p0 $0xF7A, s2;
	p2 =	seq.s32 @!p0 s5, $0x0  }
0x1f: {  	s9 =	smul.u32 $0xF7A, s1;
	s8 =	simm.s32 @!p0 $0x1BF5;
	p2 =	por !p2, p0  }
0x20: {  	[sflag:s8] =	ssyncset.s32 @!p0 $0xFFFFF086;
	s6 =	sadd.s32 @!p0 s3, s7;
	s7 =	simm.s32 @!p0 $0x108  }
0x21: {  	s3 =	sadd.s32 s3, s9;
	s6 =	sadd.s32 @!p0 $0x88, s6;
	s7 =	simm.s32 @p2 $0x1082  }
0x22: {  	[simem:s7], [sflag:s8] =	dma.local @!p0 [hbm:s6], $0xF7A  }
0x23: {  	s9 =	sor.u32 $0xD0000000, s2;
	s6 =	simm.s32 $0x108;
	_ =	swait.ge @!p0 [sflag:s8], $0x0  }
0x24: {  	s3 =	sadd.s32 $0x88, s3;
	s6 =	simm.s32 @!p1 $0x1082;
	[sflag:s4] =	ssyncset.s32 $0xFFFFF086  }
0x25: {  	[simem:s6], [sflag:s4] =	dma.local [hbm:s3], $0xF7A  }
0x26: {  	[smem:$0x3F99] =	sst s1;
	(tag) =	ssettag s2;
	_ =	strace s9  }
0x27: {  	s1 =	sld [smem:$0x3FA9]  }
0x28: {  	s2 =	sld [smem:$0x3FAA]  }
0x29: {  	s4 =	sld [smem:$0x3FAC]  }
0x2a: {  	p0 =	seq.s32 s5, $0x0;
	s5 =	sld [smem:$0x3FAD]  }
0x2b: {  	s6 =	sld [smem:$0x3FAE]  }
0x2c: {  	s7 =	sld [smem:$0x3FAF]  }
0x2d: {  	s3 =	simm.s32 $0x108;
	s8 =	sld [smem:$0x3FB0]  }
0x2e: {  	s3 =	simm.s32 @!p0 $0x1082;
	s9 =	sld [smem:$0x3FB1]  }
0x2f: {  	lr =	sadd.s32 s0, s3;
	s0 =	sld [smem:$0x3FA8]  }
0x30: {  	s3 =	sld [smem:$0x3FAB]  }
0x31: {  	[smem:$0x3FB4] =	sst s10  }
0x32: {  	s10 =	sld [smem:$0x3FB2];
	_ =	sdelay $0x3  }
0x33: {  	p0 =	seq.s32 s10, $0x1;
	s10 =	sld [smem:$0x3FB4];
	_ =	sdelay $0x3  }
0x34: {  	[smem:$0x3FB4] =	sst s10  }
0x35: {  	s10 =	sld [smem:$0x3FB3];
	_ =	sdelay $0x3  }
0x36: {  	p1 =	seq.s32 s10, $0x1;
	s10 =	sld [smem:$0x3FB4];
	_ =	sdelay $0x3  }
0x37: {  	[smem:$0x3FB4] =	sst s10  }
0x38: {  	s10 =	sld [smem:$0x3FB5]  }
0x39: {  	_ = 	snop;
	(pc) =	sbr.ind lr, $3  }
0x3a: {  	_ = 	snop  }
0x3b: {  	_ = 	snop  }
0x3c: {  	p2 =	seq.s32 s10, $0x1;
	s10 =	sld [smem:$0x3FB4]  }
0x3d: {  	_ =	shalt  }
0x3e: {  	_ =	shalt  }
0x3f: {  	_ =	shalt  }
0x40: {  	_ =	shalt  }
0x41: {  	_ =	shalt  }
0x42: {  	_ =	shalt  }
0x43: {  	_ =	shalt  }
0x44: {  	_ =	shalt  }
0x45: {  	_ =	shalt  }
0x46: {  	_ =	shalt  }
0x47: {  	_ =	shalt  }
0x48: {  	_ =	shalt  }
0x49: {  	_ =	shalt  }
0x4a: {  	_ =	shalt  }
0x4b: {  	_ =	shalt  }
0x4c: {  	_ =	shalt  }
0x4d: {  	_ =	shalt  }
0x4e: {  	_ =	shalt  }
0x4f: {  	_ =	shalt  }
0x50: {  	_ =	shalt  }
0x51: {  	_ =	shalt  }
0x52: {  	_ =	shalt  }
0x53: {  	_ =	shalt  }
0x54: {  	_ =	shalt  }
0x55: {  	_ =	shalt  }
0x56: {  	_ =	shalt  }
0x57: {  	_ =	shalt  }
0x58: {  	_ =	shalt  }
0x59: {  	_ =	shalt  }
0x5a: {  	_ =	shalt  }
0x5b: {  	_ =	shalt  }
0x5c: {  	_ =	shalt  }
0x5d: {  	_ =	shalt  }
0x5e: {  	_ =	shalt  }
0x5f: {  	_ =	shalt  }
0x60: {  	_ =	shalt  }
0x61: {  	_ =	shalt  }
0x62: {  	_ =	shalt  }
0x63: {  	_ =	shalt  }
0x64: {  	_ =	shalt  }
0x65: {  	_ =	shalt  }
0x66: {  	_ =	shalt  }
0x67: {  	_ =	shalt  }
0x68: {  	_ =	shalt  }
0x69: {  	_ =	shalt  }
0x6a: {  	_ =	shalt  }
0x6b: {  	_ =	shalt  }
0x6c: {  	_ =	shalt  }
0x6d: {  	_ =	shalt  }
0x6e: {  	_ =	shalt  }
0x6f: {  	_ =	shalt  }
0x70: {  	_ =	shalt  }
0x71: {  	_ =	shalt  }
0x72: {  	_ =	shalt  }
0x73: {  	_ =	shalt  }
0x74: {  	_ =	shalt  }
0x75: {  	_ =	shalt  }
0x76: {  	_ =	shalt  }
0x77: {  	_ =	shalt  }
0x78: {  	_ =	shalt  }
0x79: {  	_ =	shalt  }
0x7a: {  	_ =	shalt  }
0x7b: {  	_ =	shalt  }
0x7c: {  	_ =	shalt  }
0x7d: {  	_ =	shalt  }
0x7e: {  	_ =	shalt  }
0x7f: {  	_ =	shalt  }
0x80: {  	_ =	shalt  }
0x81: {  	_ =	shalt  }
0x82: {  	_ =	shalt  }
0x83: {  	_ =	shalt  }
0x84: {  	_ =	shalt  }
0x85: {  	_ =	shalt  }
0x86: {  	_ =	shalt  }
0x87: {  	_ =	shalt  }
.Lfunc_end0:
.L_simem_size_0:
called_computation.2_lowered:
.L_overlay_start_0:
0x88: {  	s2 =	sld [smem:$0x3FD9]  }
0x89: {  	s3 =	sld [smem:$0x3FFE];
	_ =	sdelay $0x1  }
0x8a: {  	s1 =	srdreg.scid  }
0x8b: {  	s0 =	sand.u32 $0x1, s1  }
0x8c: {  	s16 =	sshll.u32 s0, $0xA;
	s2 =	sadd.s32 s3, s2  }
0x8d: {  	s2 =	sadd.s32 s2, s16  }
0x8e: {  	[smem:$0x3FC0] =	sst s2  }
0x8f: {  	_ = 	snop  }
0x90: {  	(tm) =	ssettm $0x1  }
0x91: {  	s17 =	sld [smem:$0x3FFB];
	_ =	sdelay $0x3  }
0x92: {  	_ =	strace s17  }
0x93: {  	s2 =	sld [smem:$0x3FFC];
	_ =	sdelay $0x3  }
0x94: {  	_ =	strace s2  }
0x95: {  	s2 =	sld [smem:$0x3FFD];
	_ =	sdelay $0x3  }
0x96: {  	_ =	strace s2  }
0x97: {  	_ =	strace $0x8FFFFFFF  }
0x98: {  	s18 =	sld [smem:$0x3FDB];
	_ =	sdelay $0x1  }
0x99: {  	s19 =	simm.s32 $_scs_section_size  }
0x9a: {  	s4 =	simm.s32 $_size__tile_overlayer_lowered;
	s5 =	simm.s32 $_tile_overlayer_lowered  }
0x9b: {  	s22 =	simm.s32 $0x1BFF;
	s21 =	sshll.u32 s5, $0x1;
	s2 =	sadd.s32 s19, s18  }
0x9c: {  	s6 =	simm.s32 $0x0;
	s20 =	sshll.u32 s4, $0x1;
	s4 =	sadd.s32 s21, s2  }
0x9d: {  	[timem:s6], [sflag:s22] =	dma.local [hbm:s4], s20  }
0x9e: {  	_ =	swait.ge [sflag:s22], s20  }
0x9f: {  	s3 =	ssub.s32 $0x0, s20;
	[sflag:s22] =	ssyncset.done $0x0  }
0xa0: {  	[sflag:s22] =	ssyncadd.s32 s3;
	_ =	sdelay $0x1  }
0xa1: {  	s23 =	simm.s32 $0x1B8B  }
0xa2: {  	_ =	swait.ge [sflag:s23], $0x1  }
0xa3: {  	[sflag:s23] =	ssyncset.done $0x0  }
0xa4: {  	s25 =	simm.s32 $0x1B8E;
	s24 =	sld [smem:$0x3FFE];
	[sflag:s23] =	ssyncadd.s32 $0xFFFFFFFF  }
0xa5: {  	s26 =	simm.s32 $execute0_lowered;
	[smem:$0x3FD2] =	sst s25  }
0xa6: {  	s4 =	sshll.u32 s26, $0x1;
	_ =	strace $0x8000004F;
	[dreg:$0x1] =	wrdreg $0xFFFFFFFF  }
0xa7: {  	s28 =	simm.s32 $_size_execute0_lowered;
	s2 =	sadd.s32 s2, s4;
	[dreg:$0x0] =	wrdreg $0x0  }
0xa8: {  	s4 =	sshll.u32 s28, $0x1;
	[dreg:$0x2] =	wrdreg s2  }
0xa9: {  	[dreg:$0x3] =	wrdreg s4  }
0xaa: {  	[dreg:$0x4] =	wrdreg $0xC0  }
0xab: {  	_ =	task [dreg:s6], $0x5FFFF  }
0xac: {  	[dreg:$0x1] =	wrdreg $0xFFFFFFFF  }
0xad: {  	[dreg:$0x0] =	wrdreg $0x60  }
0xae: {  	[dreg:$0x2] =	wrdreg s24  }
0xaf: {  	[dreg:$0x3] =	wrdreg $0x9  }
0xb0: {  	_ =	task.clear_ibuf [dreg:s6], $0x4FFFF;
	_ =	strace $0x9000004F  }
0xb1: {  	s29 =	simm.s32 $0x9;
	_ =	strace $0x80000051  }
0xb2: {  	_ =	swait.ge [sflag:s29], $0x1  }
0xb3: {  	[sflag:s29] =	ssyncadd.s32 $0xFFFFFFFF  }
0xb4: {  	_ =	strace $0x90000051  }
0xb5: {  	_ =	sfence  }
0xb6: {  	s30 =	sld [smem:$0x0];
	_ =	sdelay $0x2  }
0xb7: {  	s31 =	sshll.u32 s1, $0xD;
	s1 =	sshrl.u32 s1, $0x2  }
0xb8: {  	s3 =	sand.u32 $0x4000, s31;
	s1 =	sadd.s32 s1, s30  }
0xb9: {  	s0 =	sor.u32 s3, s0;
	s1 =	sshll.u32 s1, $0x11  }
0xba: {  	s0 =	sor.u32 s1, s0  }
0xbb: {  	s0 =	sadd.s32 $0x8F2B, s0  }
0xbc: {  	[sflag:s0] =	ssyncadd.remote.s32 $0x1  }
0xbd: {  	_ =	sfence.sel $0xFFFF  }
0xbe: {  	[dreg:$0x0] =	wrdreg $0xFFFFFFFF;
	(pc) =	sbr.abs _section_cstart, $3  }
0xbf: {  	[dreg:$0x1] =	wrdreg $0xFFFFFFFF  }
0xc0: {  	_ =	task.clear_ibuf [dreg:s6], $0x2FFFF;
	_ =	strace $0x9FFFFFFF  }
0xc1: {  	(tm) =	ssettm $0x7FFFFFFF  }
tec
execute0_lowered:
.L_overlay_start_1:
0x0: {  	(tag) =	ssettag $0x1  }
0x1: {  	s8 =	rddreg [dreg:$0x0]  }
0x2: {  	s0 =	rddreg [dreg:$0x1]  }
0x3: {  	s1 =	simm.s32 $0x0;
	s3 =	srdreg.scid;
	s11 =	simm.s32 $0xC400  }
0x4: {  	s12 =	simm.s32 $0x18800;
	s13 =	simm.s32 $0x1AF80;
	s14 =	simm.s32 $0x1D700  }
0x5: {  	s15 =	simm.s32 $0x0;
	[smem:$0x7FF] =	sst s1;
	s2 =	sadd.s32 $0x12BA00, s8  }
0x6: {  	s6 =	sand.u32 $0x1, s3;
	s4 =	sadd.s32 $0xFAC00, s8;
	s5 =	sadd.s32 $0x3000, s8  }
0x7: {  	s3 =	stileid.u32;
	_ =	strace $0x80000050;
	s7 =	ssub.s32 $0x2, s6  }
0x8: {  	s10 =	sshll.u32 s6, $0x4;
	s6 =	sadd.s32 $0x137E00, s8;
	s9 =	sshrl.u32 s7, $0x1  }
0x9: {  	s8 =	sadd.s32 $0x12D280, s8;
	s31 =	sor.u32 s3, s10;
	s9 =	ssub.s32 s7, s9  }
0xa: {  	v0 =	vimm.f32 $0.0e+00;
	s10 =	simm.s32 $0x1;
	s7 =	smul.u32 $0xC350, s31;
	s9 =	smax.u32 s9, $0x1  }
.LBB2_1:
0xb: {  	[tilespmem:s1], [sflag:$0x1] =	stream.linear.gather [hbm4b:s2+s1], $0xC400, $0x38;
	[tilespmem:$0x1FE80] =	vst v63  }
0xc: {  	_ =	swait.ge [sflag:s10], $0xC400  }
0xd: {  	[sflag:s10] =	ssyncset.done $0x0  }
0xe: {  	[sflag:s10] =	ssyncadd.s32 $0xFFFF3C00  }
0xf: {  	[tilespmem:s11], [sflag:$0x1] =	stream.linear.gather [hbm4b:s8+s1], $0xC400, $0x38;
	[tilespmem:$0x1FE80] =	vst v63  }
0x10: {  	_ =	swait.ge [sflag:s10], $0xC400  }
0x11: {  	[sflag:s10] =	ssyncset.done $0x0  }
0x12: {  	s16 =	simm.s32 $0x0;
	[sflag:s10] =	ssyncadd.s32 $0xFFFF3C00  }
.LBB2_2:
0x13: {  	s17 =	smul.u32 $0x2710, s16;
	_ =	sdelay $0x1  }
0x14: {  	s17 =	sadd.s32 s7, s17  }
0x15: {  	s17 =	sshrl.u32 s17, $0x3  }
0x16: {  	s18 =	sadd.s32 s4, s17  }
0x17: {  	[tilespmem:s12], [sflag:$0x1] =	stream.linear.gather [hbm4b:s18+s1], $0x2710, $0x38;
	[tilespmem:$0x1FE80] =	vst v63  }
0x18: {  	_ =	swait.ge [sflag:s10], $0x2710  }
0x19: {  	[sflag:s10] =	ssyncset.done $0x0  }
0x1a: {  	s29 =	sadd.s32 s5, s17;
	[sflag:s10] =	ssyncadd.s32 $0xFFFFD8F0  }
0x1b: {  	[tilespmem:s13], [sflag:$0x1] =	stream.linear.gather [hbm4b:s29+s1], $0x2710, $0x38;
	[tilespmem:$0x1FE80] =	vst v63  }
0x1c: {  	_ =	swait.ge [sflag:s10], $0x2710  }
0x1d: {  	[sflag:s10] =	ssyncset.done $0x0  }
0x1e: {  	s30 =	simm.s32 $0x18820;
	[sflag:s10] =	ssyncadd.s32 $0xFFFFD8F0  }
0x1f: {  	v1 =	vld [tilespmem:s30+$0x10]  }
0x20: {  	s19 =	simm.s32 $0x1AFA0;
	v2 =	vld [tilespmem:s30+$0xFFFFFFF0]  }
0x21: {  	v3 =	vld [tilespmem:s19+$0x10]  }
0x22: {  	v4 =	vld [tilespmem:s19+$0xFFFFFFE0]  }
0x23: {  	v5 =	vld [tilespmem:s19+$0xFFFFFFF0]  }
0x24: {  	v6 =	vld [tilespmem:s30+$0x0]  }
0x25: {  	v7 =	vld [tilespmem:s19+$0x0]  }
0x26: {  	s31 =	simm.s32 $0x18860;
	v8 =	vld [tilespmem:s30+$0xFFFFFFE0]  }
0x27: {  	v17 =	vld [tilespmem:s31+$0x10]  }
0x28: {  	s18 =	simm.s32 $0x1AFE0;
	v18 =	vld [tilespmem:s31+$0xFFFFFFF0]  }
0x29: {  	v19 =	vld [tilespmem:s18+$0x10]  }
0x2a: {  	v20 =	vld [tilespmem:s18+$0xFFFFFFE0]  }
0x2b: {  	v21 =	vld [tilespmem:s18+$0xFFFFFFF0]  }
0x2c: {  	v22 =	vld [tilespmem:s31+$0x0]  }
0x2d: {  	v23 =	vld [tilespmem:s18+$0x0]  }
0x2e: {  	v24 =	vld [tilespmem:s31+$0xFFFFFFE0]  }
0x2f: {  	v9 =	vld.idx.msk [tilespmem:v1+s1+$0x0], $0xffff  }
0x30: {  	v1 =	vld.idx.msk [tilespmem:v1+s11+$0x0], $0xffff  }
0x31: {  	v10 =	vld.idx.msk [tilespmem:v3+s1+$0x0], $0xffff  }
0x32: {  	v3 =	vld.idx.msk [tilespmem:v3+s11+$0x0], $0xffff  }
0x33: {  	v11 =	vld.idx.msk [tilespmem:v4+s1+$0x0], $0xffff  }
0x34: {  	v4 =	vld.idx.msk [tilespmem:v4+s11+$0x0], $0xffff  }
0x35: {  	v12 =	vld.idx.msk [tilespmem:v2+s1+$0x0], $0xffff  }
0x36: {  	v13 =	vld.idx.msk [tilespmem:v8+s1+$0x0], $0xffff  }
0x37: {  	v8 =	vld.idx.msk [tilespmem:v8+s11+$0x0], $0xffff  }
0x38: {  	v2 =	vld.idx.msk [tilespmem:v2+s11+$0x0], $0xffff  }
0x39: {  	v14 =	vld.idx.msk [tilespmem:v5+s1+$0x0], $0xffff  }
0x3a: {  	v5 =	vld.idx.msk [tilespmem:v5+s11+$0x0], $0xffff  }
0x3b: {  	v15 =	vld.idx.msk [tilespmem:v6+s1+$0x0], $0xffff  }
0x3c: {  	v6 =	vld.idx.msk [tilespmem:v6+s11+$0x0], $0xffff  }
0x3d: {  	v16 =	vld.idx.msk [tilespmem:v7+s1+$0x0], $0xffff  }
0x3e: {  	v7 =	vld.idx.msk [tilespmem:v7+s11+$0x0], $0xffff  }
0x3f: {  	v60 =	vld.idx.msk [tilespmem:v19+s11+$0x0], $0xffff;
	v9 =	vsub.f32 v9, v10  }
0x40: {  	v1 =	vsub.f32 v1, v3;
	v3 =	vld.idx.msk [tilespmem:v17+s1+$0x0], $0xffff;
	v10 =	vsub.f32 v13, v11  }
0x41: {  	v4 =	vsub.f32 v8, v4;
	v2 =	vsub.f32 v2, v5;
	v5 =	vld.idx.msk [tilespmem:v19+s1+$0x0], $0xffff  }
0x42: {  	v61 =	vld.idx.msk [tilespmem:v20+s11+$0x0], $0xffff;
	v11 =	vsub.f32 v12, v14;
	v9 =	vmul.f32 v9, v9;
	v1 =	vmul.f32 v1, v1  }
0x43: {  	v8 =	vld.idx.msk [tilespmem:v17+s11+$0x0], $0xffff;
	v6 =	vsub.f32 v6, v7;
	v10 =	vmul.f32 v10, v10;
	v4 =	vmul.f32 v4, v4  }
0x44: {  	v62 =	vld.idx.msk [tilespmem:v24+s1+$0x0], $0xffff;
	v59 =	vsub.f32 v15, v16;
	v11 =	vmul.f32 v11, v11;
	v2 =	vmul.f32 v2, v2  }
0x45: {  	v7 =	vld.idx.msk [tilespmem:v20+s1+$0x0], $0xffff;
	v6 =	vmul.f32 v6, v6;
	v9 =	vadd.f32 v1, v9;
	v4 =	vadd.f32 v4, v10  }
0x46: {  	v10 =	vmul.f32 v59, v59;
	v1 =	vld.idx.msk [tilespmem:v18+s1+$0x0], $0xffff;
	v11 =	vadd.f32 v2, v11;
	v3 =	vsub.f32 v3, v5  }
0x47: {  	v2 =	vld.idx.msk [tilespmem:v18+s11+$0x0], $0xffff;
	v9 =	vadd.f32 $9.999999970e-07, v9;
	v4 =	vadd.f32 $9.999999970e-07, v4  }
0x48: {  	v8 =	vsub.f32 v8, v60;
	v6 =	vadd.f32 v6, v10;
	v10 =	vld.idx.msk [tilespmem:v24+s11+$0x0], $0xffff;
	v63 =	vmul.f32 v3, v3  }
0x49: {  	v5 =	vld.idx.msk [tilespmem:v21+s1+$0x0], $0xffff;
	vm0 =	vlt.f32 v9, $9.999999770e-03;
	vm13 =	vlt.f32 v4, $9.999999770e-03;
	v4 =	vadd.f32 $9.999999970e-07, v11  }
0x4a: {  	s19 =	simm.s32 $0x1D720;
	v8 =	vmul.f32 v8, v8;
	v3 =	vld.idx.msk [tilespmem:v22+s1+$0x0], $0xffff;
	v11 =	vadd.f32 $9.999999970e-07, v6;
	v9 =	vsel vm0, $0x3F800000, v0  }
0x4b: {  	v12 =	vsub.f32 v62, v7;
	v6 =	vld.idx.msk [tilespmem:v21+s11+$0x0], $0xffff;
	[tilespmem:s19+$0x10] =	vst v9;
	v9 =	vsel vm13, $0x3F800000, v0;
	vm14 =	vlt.f32 v4, $9.999999770e-03  }
0x4c: {  	v13 =	vadd.f32 v8, v63;
	vm15 =	vlt.f32 v11, $9.999999770e-03;
	v4 =	vld.idx.msk [tilespmem:v22+s11+$0x0], $0xffff;
	[tilespmem:s19+$0xFFFFFFE0] =	vst v9;
	v7 =	vsel vm14, $0x3F800000, v0  }
0x4d: {  	v8 =	vsel vm15, $0x3F800000, v0;
	v11 =	vsub.f32 v10, v61;
	[tilespmem:s19+$0xFFFFFFF0] =	vst v7;
	v7 =	vld.idx.msk [tilespmem:v23+s1+$0x0], $0xffff  }
0x4e: {  	s20 =	simm.s32 $0x4;
	s21 =	simm.s32 $0x188A0;
	v9 =	vmul.f32 v12, v12;
	v10 =	vadd.f32 $9.999999970e-07, v13;
	[tilespmem:s19+$0x0] =	vst v8;
	v8 =	vld.idx.msk [tilespmem:v23+s11+$0x0], $0xffff  }
.LBB2_3:
0x4f: {  	v12 =	vld [tilespmem:s21+$0x10];
	v11 =	vmul.f32 v11, v11;
	v1 =	vsub.f32 v1, v5  }
0x50: {  	v2 =	vsub.f32 v2, v6;
	s18 =	sadd.s32 $0x40, s18;
	v5 =	vld [tilespmem:s21+$0xFFFFFFF0];
	vm0 =	vlt.f32 v10, $9.999999770e-03  }
0x51: {  	s19 =	sadd.s32 $0x40, s19;
	v6 =	vld [tilespmem:s18+$0x10];
	v9 =	vadd.f32 v11, v9;
	v1 =	vmul.f32 v1, v1;
	v10 =	vsel vm0, $0x3F800000, v0  }
0x52: {  	s20 =	sadd.s32 $0x4, s20;
	v2 =	vmul.f32 v2, v2;
	v11 =	vld [tilespmem:s18+$0xFFFFFFE0];
	[tilespmem:s19+$0x10] =	vst v10  }
0x53: {  	p0 =	slt.u32 s20, $0x26C;
	v3 =	vsub.f32 v3, v7;
	v10 =	vld [tilespmem:s18+$0xFFFFFFF0];
	v9 =	vadd.f32 $9.999999970e-07, v9  }
0x54: {  	v1 =	vadd.f32 v2, v1;
	v2 =	vsub.f32 v4, v8;
	v7 =	vld [tilespmem:s21+$0x0]  }
0x55: {  	v3 =	vmul.f32 v3, v3;
	v8 =	vld [tilespmem:s18+$0x0];
	vm0 =	vlt.f32 v9, $9.999999770e-03  }
0x56: {  	v1 =	vadd.f32 $9.999999970e-07, v1;
	v2 =	vmul.f32 v2, v2;
	v4 =	vld [tilespmem:s21+$0xFFFFFFE0];
	v9 =	vsel vm0, $0x3F800000, v0  }
0x57: {  	v13 =	vld.idx.msk [tilespmem:v12+s1+$0x0], $0xffff;
	[tilespmem:s19+$0xFFFFFFE0] =	vst v9  }
0x58: {  	vm0 =	vlt.f32 v1, $9.999999770e-03;
	v1 =	vadd.f32 v2, v3;
	v9 =	vld.idx.msk [tilespmem:v12+s11+$0x0], $0xffff  }
0x59: {  	v2 =	vsel vm0, $0x3F800000, v0;
	v3 =	vld.idx.msk [tilespmem:v6+s1+$0x0], $0xffff  }
0x5a: {  	v1 =	vadd.f32 $9.999999970e-07, v1;
	v6 =	vld.idx.msk [tilespmem:v6+s11+$0x0], $0xffff;
	[tilespmem:s19+$0xFFFFFFF0] =	vst v2  }
0x5b: {  	v12 =	vld.idx.msk [tilespmem:v11+s1+$0x0], $0xffff  }
0x5c: {  	vm0 =	vlt.f32 v1, $9.999999770e-03;
	v11 =	vld.idx.msk [tilespmem:v11+s11+$0x0], $0xffff  }
0x5d: {  	v2 =	vsel vm0, $0x3F800000, v0;
	v1 =	vld.idx.msk [tilespmem:v5+s1+$0x0], $0xffff  }
0x5e: {  	v14 =	vld.idx.msk [tilespmem:v4+s1+$0x0], $0xffff;
	[tilespmem:s19+$0x0] =	vst v2  }
0x5f: {  	v15 =	vld.idx.msk [tilespmem:v4+s11+$0x0], $0xffff  }
0x60: {  	v3 =	vsub.f32 v13, v3;
	v4 =	vsub.f32 v9, v6;
	v2 =	vld.idx.msk [tilespmem:v5+s11+$0x0], $0xffff  }
0x61: {  	v5 =	vld.idx.msk [tilespmem:v10+s1+$0x0], $0xffff  }
.Ltmp0:
0x62: {  	v9 =	vmul.f32 v3, v3;
	v6 =	vld.idx.msk [tilespmem:v10+s11+$0x0], $0xffff;
	v10 =	vmul.f32 v4, v4;
	(pc) =	sbr.rel @p0 .LBB2_3-.Ltmp0, $4  }
0x63: {  	v3 =	vld.idx.msk [tilespmem:v7+s1+$0x0], $0xffff  }
0x64: {  	v12 =	vsub.f32 v14, v12;
	v4 =	vld.idx.msk [tilespmem:v7+s11+$0x0], $0xffff;
	v10 =	vadd.f32 v10, v9  }
0x65: {  	v11 =	vsub.f32 v15, v11;
	v7 =	vld.idx.msk [tilespmem:v8+s1+$0x0], $0xffff  }
0x66: {  	s21 =	sadd.s32 $0x40, s21;
	v9 =	vmul.f32 v12, v12;
	v8 =	vld.idx.msk [tilespmem:v8+s11+$0x0], $0xffff;
	v10 =	vadd.f32 $9.999999970e-07, v10  }
0x67: {  	_ = 	snop  }
0x68: {  	v1 =	vsub.f32 v1, v5  }
0x69: {  	v2 =	vsub.f32 v2, v6  }
0x6a: {  	v62 =	vmul.f32 v11, v11;
	v1 =	vmul.f32 v1, v1  }
0x6b: {  	v2 =	vmul.f32 v2, v2;
	v3 =	vsub.f32 v3, v7;
	v4 =	vsub.f32 v4, v8  }
0x6c: {  	v5 =	vadd.f32 v62, v9  }
0x6d: {  	v1 =	vadd.f32 v2, v1;
	v3 =	vmul.f32 v3, v3;
	v4 =	vmul.f32 v4, v4  }
0x6e: {  	v2 =	vadd.f32 $9.999999970e-07, v5  }
0x6f: {  	vm0 =	vlt.f32 v10, $9.999999770e-03;
	v1 =	vadd.f32 $9.999999970e-07, v1;
	v3 =	vadd.f32 v4, v3  }
0x70: {  	v63 =	vsel vm0, $0x3F800000, v0  }
0x71: {  	s18 =	sadd.s32 $0x40, s19;
	vm12 =	vlt.f32 v2, $9.999999770e-03;
	vm13 =	vlt.f32 v1, $9.999999770e-03;
	v2 =	vadd.f32 $9.999999970e-07, v3  }
0x72: {  	[tilespmem:s18+$0x10] =	vst v63;
	v1 =	vsel vm13, $0x3F800000, v0  }
0x73: {  	v3 =	vsel vm12, $0x3F800000, v0;
	[tilespmem:s18+$0xFFFFFFF0] =	vst v1;
	vm14 =	vlt.f32 v2, $9.999999770e-03  }
0x74: {  	[tilespmem:s18+$0xFFFFFFE0] =	vst v3;
	v1 =	vsel vm14, $0x3F800000, v0  }
0x75: {  	[tilespmem:s18+$0x0] =	vst v1  }
0x76: {  	v1 =	vld [tilespmem:$0x1AF00];
	_ =	sdelay $0x1  }
0x77: {  	v2 =	vld [tilespmem:$0x1D680];
	_ =	sdelay $0x5  }
0x78: {  	v3 =	vld.idx.msk [tilespmem:v1+s1+$0x0], $0xffff  }
0x79: {  	v1 =	vld.idx.msk [tilespmem:v1+s11+$0x0], $0xffff  }
0x7a: {  	v4 =	vld.idx.msk [tilespmem:v2+s1+$0x0], $0xffff  }
0x7b: {  	v2 =	vld.idx.msk [tilespmem:v2+s11+$0x0], $0xffff;
	_ =	sdelay $0x4  }
0x7c: {  	v3 =	vsub.f32 v3, v4;
	v1 =	vsub.f32 v1, v2;
	_ =	sdelay $0x1  }
0x7d: {  	v2 =	vmul.f32 v3, v3;
	v1 =	vmul.f32 v1, v1;
	_ =	sdelay $0x1  }
0x7e: {  	v1 =	vadd.f32 v1, v2;
	_ =	sdelay $0x1  }
0x7f: {  	v1 =	vadd.f32 $9.999999970e-07, v1;
	_ =	sdelay $0x1  }
0x80: {  	s16 =	sadd.s32 $0x1, s16;
	vm15 =	vlt.f32 v1, $9.999999770e-03  }
0x81: {  	p0 =	sne.s32 s16, $0x5;
	v1 =	vsel vm15, $0x3F800000, v0  }
.Ltmp1:
0x82: {  	s17 =	sadd.s32 s6, s17;
	[tilespmem:$0x1FE00] =	vst v1;
	(pc) =	sbr.rel @p0 .LBB2_2-.Ltmp1, $4  }
0x83: {  	[hbm4b:s17+s1] =	stream.linear.scatter [tilespmem:s14], [sflag:$0x1], $0x2710, $0x38;
	[tilespmem:$0x1FE80] =	vst v63  }
0x84: {  	_ =	swait.ge [sflag:s10], $0x2710  }
0x85: {  	[sflag:s10] =	ssyncset.done $0x0  }
0x86: {  	[sflag:s10] =	ssyncadd.s32 $0xFFFFD8F0  }
0x87: {  	s15 =	sadd.s32 $0x1, s15  }
0x88: {  	p0 =	sne.s32 s15, s9  }
.Ltmp2:
0x89: {  	_ = 	snop;
	(pc) =	sbr.rel @p0 .LBB2_1-.Ltmp2, $1  }
0x8a: {  	_ =	sdelay $0x3  }
0x8b: {  	_ =	sfence.sel $0x180000  }
0x8c: {  	[bflag:$0x0] =	sbarrier.arrive $0xFFFF  }
0x8d: {  	p0 =	sne.s32 s3, $0x0;
	_ =	strace $0x90000050  }
0x8e: {  	s0 =	sadd.s32 @!p0 $0x100000, s0;
	[bflag:$0x2] =	sbarrier.arrive $0xFFFF  }
0x8f: {  	[sflag:s0] =	ssyncadd.tile.s32 @!p0 $0x1;
	_ =	shalt  }
.Lfunc_end2:
_tile_overlayer_lowered:
.L_overlay_start_2:
0x90: {  	(tag) =	ssettag $0x2  }
0x91: {  	s0 =	rddreg [dreg:$0x0];
	s2 =	stileid.u32  }
0x92: {  	s1 =	rddreg [dreg:$0x1];
	p0 =	sne.s32 s2, $0x0  }
0x93: {  	s3 =	rddreg [dreg:$0x2];
	[bflag:$0x3] =	sbarrier.arrive $0xFFFF;
	s2 =	simm.s32 @!p0 $0x1C01  }
0x94: {  	[timem:s3], [sflag:s2] =	dma.local @!p0 [hbm:s0], s1  }
0x95: {  	s0 =	simm.s32 @!p0 $0x1  }
0x96: {  	_ =	swait.ge @!p0 [sflag:s0], s1  }
0x97: {  	s1 =	ssub.s32 @!p0 $0x0, s1;
	[sflag:s0] =	ssyncset.done @!p0 $0x0  }
0x98: {  	[sflag:s0] =	ssyncadd.s32 @!p0 s1  }
0x99: {  	[bflag:$0x3] =	sbarrier.arrive $0xFFFF  }
0x9a: {  	_ =	shalt  }

// kernel: body.32.cloned.1.call-start
scs
__scs_entry_jumppad:
0x0: {  	(pc) =	sbr.rel $0x88, $3  }
0x1: {  	(tag) =	ssettag $0x0;
	lr =	simm.s32 $0x1  }
0x2: {  	[smem:$0x3F99] =	sst lr;
	_ =	strace $0xD0000000  }
0x3: {  	_ = 	snop  }
0x4: {  	_ = 	snop  }
0x5: {  	_ = 	snop  }
0x6: {  	_ = 	snop  }
0x7: {  	_ = 	snop  }
__scs_overlays_trampoline_lowered:
0x8: {  	[smem:$0x3FA8] =	sst s0  }
0x9: {  	[smem:$0x3FA9] =	sst s1  }
0xa: {  	[smem:$0x3FAA] =	sst s2  }
0xb: {  	[smem:$0x3FAB] =	sst s3  }
0xc: {  	[smem:$0x3FAC] =	sst s4  }
0xd: {  	[smem:$0x3FAD] =	sst s5  }
0xe: {  	[smem:$0x3FAE] =	sst s6  }
0xf: {  	[smem:$0x3FAF] =	sst s7  }
0x10: {  	[smem:$0x3FB0] =	sst s8  }
0x11: {  	[smem:$0x3FB1] =	sst s9;
	s0 =	simm.s32 @!p0 $0x0  }
0x12: {  	s1 =	sld [smem:$0x3F97];
	s0 =	simm.s32 @p0 $0x1  }
0x13: {  	[smem:$0x3FB2] =	sst s0;
	s0 =	simm.s32 @!p1 $0x0  }
0x14: {  	s2 =	sld [smem:$0x3F96];
	s0 =	simm.s32 @p1 $0x1  }
0x15: {  	[smem:$0x3FB3] =	sst s0;
	s0 =	simm.s32 @!p2 $0x0  }
0x16: {  	s3 =	sld [smem:$0x3FDB];
	s0 =	simm.s32 @p2 $0x1  }
0x17: {  	s4 =	simm.s32 $0x1BF5;
	[smem:$0x3FB5] =	sst s0  }
0x18: {  	s0 =	sld [smem:$0x3F98];
	_ =	swait.ge [sflag:s4], $0x0  }
0x19: {  	s7 =	sld [smem:$0x3F99]  }
0x1a: {  	s8 =	sadd.s32 $0xFFFFE003, lr  }
0x1b: {  	s9 =	sadd.s32 $0xFFFFFEF7, lr;
	s5 =	simm.s32 $0xFFFFFFFF;
	p2 =	slt.u32 s8, $0xFFFFF086  }
0x1c: {  	p1 =	slt.u32 s9, $0xF7A;
	s5 =	simm.s32 @!p2 $0x0  }
0x1d: {  	s5 =	simm.s32 @p1 $0x1;
	p0 =	seq.s32 s7, s2  }
0x1e: {  	s7 =	smul.u32 @!p0 $0xF7A, s2;
	p2 =	seq.s32 @!p0 s5, $0x0  }
0x1f: {  	s9 =	smul.u32 $0xF7A, s1;
	s8 =	simm.s32 @!p0 $0x1BF5;
	p2 =	por !p2, p0  }
0x20: {  	[sflag:s8] =	ssyncset.s32 @!p0 $0xFFFFF086;
	s6 =	sadd.s32 @!p0 s3, s7;
	s7 =	simm.s32 @!p0 $0x108  }
0x21: {  	s3 =	sadd.s32 s3, s9;
	s6 =	sadd.s32 @!p0 $0x88, s6;
	s7 =	simm.s32 @p2 $0x1082  }
0x22: {  	[simem:s7], [sflag:s8] =	dma.local @!p0 [hbm:s6], $0xF7A  }
0x23: {  	s9 =	sor.u32 $0xD0000000, s2;
	s6 =	simm.s32 $0x108;
	_ =	swait.ge @!p0 [sflag:s8], $0x0  }
0x24: {  	s3 =	sadd.s32 $0x88, s3;
	s6 =	simm.s32 @!p1 $0x1082;
	[sflag:s4] =	ssyncset.s32 $0xFFFFF086  }
0x25: {  	[simem:s6], [sflag:s4] =	dma.local [hbm:s3], $0xF7A  }
0x26: {  	[smem:$0x3F99] =	sst s1;
	(tag) =	ssettag s2;
	_ =	strace s9  }
0x27: {  	s1 =	sld [smem:$0x3FA9]  }
0x28: {  	s2 =	sld [smem:$0x3FAA]  }
0x29: {  	s4 =	sld [smem:$0x3FAC]  }
0x2a: {  	p0 =	seq.s32 s5, $0x0;
	s5 =	sld [smem:$0x3FAD]  }
0x2b: {  	s6 =	sld [smem:$0x3FAE]  }
0x2c: {  	s7 =	sld [smem:$0x3FAF]  }
0x2d: {  	s3 =	simm.s32 $0x108;
	s8 =	sld [smem:$0x3FB0]  }
0x2e: {  	s3 =	simm.s32 @!p0 $0x1082;
	s9 =	sld [smem:$0x3FB1]  }
0x2f: {  	lr =	sadd.s32 s0, s3;
	s0 =	sld [smem:$0x3FA8]  }
0x30: {  	s3 =	sld [smem:$0x3FAB]  }
0x31: {  	[smem:$0x3FB4] =	sst s10  }
0x32: {  	s10 =	sld [smem:$0x3FB2];
	_ =	sdelay $0x3  }
0x33: {  	p0 =	seq.s32 s10, $0x1;
	s10 =	sld [smem:$0x3FB4];
	_ =	sdelay $0x3  }
0x34: {  	[smem:$0x3FB4] =	sst s10  }
0x35: {  	s10 =	sld [smem:$0x3FB3];
	_ =	sdelay $0x3  }
0x36: {  	p1 =	seq.s32 s10, $0x1;
	s10 =	sld [smem:$0x3FB4];
	_ =	sdelay $0x3  }
0x37: {  	[smem:$0x3FB4] =	sst s10  }
0x38: {  	s10 =	sld [smem:$0x3FB5]  }
0x39: {  	_ = 	snop;
	(pc) =	sbr.ind lr, $3  }
0x3a: {  	_ = 	snop  }
0x3b: {  	_ = 	snop  }
0x3c: {  	p2 =	seq.s32 s10, $0x1;
	s10 =	sld [smem:$0x3FB4]  }
0x3d: {  	_ =	shalt  }
0x3e: {  	_ =	shalt  }
0x3f: {  	_ =	shalt  }
0x40: {  	_ =	shalt  }
0x41: {  	_ =	shalt  }
0x42: {  	_ =	shalt  }
0x43: {  	_ =	shalt  }
0x44: {  	_ =	shalt  }
0x45: {  	_ =	shalt  }
0x46: {  	_ =	shalt  }
0x47: {  	_ =	shalt  }
0x48: {  	_ =	shalt  }
0x49: {  	_ =	shalt  }
0x4a: {  	_ =	shalt  }
0x4b: {  	_ =	shalt  }
0x4c: {  	_ =	shalt  }
0x4d: {  	_ =	shalt  }
0x4e: {  	_ =	shalt  }
0x4f: {  	_ =	shalt  }
0x50: {  	_ =	shalt  }
0x51: {  	_ =	shalt  }
0x52: {  	_ =	shalt  }
0x53: {  	_ =	shalt  }
0x54: {  	_ =	shalt  }
0x55: {  	_ =	shalt  }
0x56: {  	_ =	shalt  }
0x57: {  	_ =	shalt  }
0x58: {  	_ =	shalt  }
0x59: {  	_ =	shalt  }
0x5a: {  	_ =	shalt  }
0x5b: {  	_ =	shalt  }
0x5c: {  	_ =	shalt  }
0x5d: {  	_ =	shalt  }
0x5e: {  	_ =	shalt  }
0x5f: {  	_ =	shalt  }
0x60: {  	_ =	shalt  }
0x61: {  	_ =	shalt  }
0x62: {  	_ =	shalt  }
0x63: {  	_ =	shalt  }
0x64: {  	_ =	shalt  }
0x65: {  	_ =	shalt  }
0x66: {  	_ =	shalt  }
0x67: {  	_ =	shalt  }
0x68: {  	_ =	shalt  }
0x69: {  	_ =	shalt  }
0x6a: {  	_ =	shalt  }
0x6b: {  	_ =	shalt  }
0x6c: {  	_ =	shalt  }
0x6d: {  	_ =	shalt  }
0x6e: {  	_ =	shalt  }
0x6f: {  	_ =	shalt  }
0x70: {  	_ =	shalt  }
0x71: {  	_ =	shalt  }
0x72: {  	_ =	shalt  }
0x73: {  	_ =	shalt  }
0x74: {  	_ =	shalt  }
0x75: {  	_ =	shalt  }
0x76: {  	_ =	shalt  }
0x77: {  	_ =	shalt  }
0x78: {  	_ =	shalt  }
0x79: {  	_ =	shalt  }
0x7a: {  	_ =	shalt  }
0x7b: {  	_ =	shalt  }
0x7c: {  	_ =	shalt  }
0x7d: {  	_ =	shalt  }
0x7e: {  	_ =	shalt  }
0x7f: {  	_ =	shalt  }
0x80: {  	_ =	shalt  }
0x81: {  	_ =	shalt  }
0x82: {  	_ =	shalt  }
0x83: {  	_ =	shalt  }
0x84: {  	_ =	shalt  }
0x85: {  	_ =	shalt  }
0x86: {  	_ =	shalt  }
0x87: {  	_ =	shalt  }
.Lfunc_end0:
.L_simem_size_0:
called_computation.3_lowered:
.L_overlay_start_0:
0x88: {  	s2 =	sld [smem:$0x3FD9]  }
0x89: {  	s3 =	sld [smem:$0x3FFE];
	_ =	sdelay $0x1  }
0x8a: {  	s1 =	srdreg.scid  }
0x8b: {  	s0 =	sand.u32 $0x1, s1  }
0x8c: {  	s14 =	sshll.u32 s0, $0xA;
	s2 =	sadd.s32 s3, s2  }
0x8d: {  	s2 =	sadd.s32 s2, s14  }
0x8e: {  	[smem:$0x3FC0] =	sst s2  }
0x8f: {  	_ = 	snop  }
0x90: {  	s2 =	sld [smem:$0x3FD0];
	_ =	sdelay $0x2  }
0x91: {  	s15 =	simm.s32 $0xA;
	s4 =	simm.s32 $0x10  }
0x92: {  	[smem:s4], [sflag:s15] =	dma.local [hbm:s2], $0x1  }
0x93: {  	_ =	swait.eq [sflag:s15], $0x1  }
0x94: {  	[sflag:s15] =	ssyncset.done $0x0  }
0x95: {  	[sflag:s15] =	ssyncadd.s32 $0xFFFFFFFF  }
0x96: {  	s16 =	sld [smem:$0x10];
	(tm) =	ssettm $0x1  }
0x97: {  	s17 =	sld [smem:$0x3FFB];
	_ =	sdelay $0x3  }
0x98: {  	_ =	strace s17  }
0x99: {  	s3 =	sld [smem:$0x3FFC];
	_ =	sdelay $0x3  }
0x9a: {  	_ =	strace s3  }
0x9b: {  	s3 =	sld [smem:$0x3FFD];
	_ =	sdelay $0x3  }
0x9c: {  	_ =	strace s3  }
0x9d: {  	_ =	strace $0x8FFFFFFF  }
0x9e: {  	s18 =	sld [smem:$0x3FDB];
	_ =	sdelay $0x1  }
0x9f: {  	s19 =	simm.s32 $_scs_section_size  }
0xa0: {  	s5 =	simm.s32 $_size__tile_overlayer_lowered;
	s6 =	simm.s32 $_tile_overlayer_lowered  }
0xa1: {  	s22 =	simm.s32 $0x1BFF;
	s21 =	sshll.u32 s6, $0x1;
	s3 =	sadd.s32 s19, s18  }
0xa2: {  	s7 =	simm.s32 $0x0;
	s20 =	sshll.u32 s5, $0x1;
	s5 =	sadd.s32 s21, s3  }
0xa3: {  	[timem:s7], [sflag:s22] =	dma.local [hbm:s5], s20  }
0xa4: {  	_ =	swait.ge [sflag:s22], s20  }
0xa5: {  	s4 =	ssub.s32 $0x0, s20;
	[sflag:s22] =	ssyncset.done $0x0  }
0xa6: {  	[sflag:s22] =	ssyncadd.s32 s4;
	_ =	sdelay $0x1  }
0xa7: {  	s23 =	simm.s32 $0x1B8B  }
0xa8: {  	_ =	swait.ge [sflag:s23], $0x1  }
0xa9: {  	[sflag:s23] =	ssyncset.done $0x0  }
0xaa: {  	s25 =	simm.s32 $0x1B8E;
	s24 =	sld [smem:$0x3FFE];
	[sflag:s23] =	ssyncadd.s32 $0xFFFFFFFF  }
0xab: {  	s26 =	simm.s32 $execute0_lowered;
	[smem:$0x3FD2] =	sst s25  }
0xac: {  	s5 =	sshll.u32 s26, $0x1;
	_ =	strace $0x80000052;
	[dreg:$0x1] =	wrdreg $0xFFFFFFFF  }
0xad: {  	s28 =	simm.s32 $_size_execute0_lowered;
	s3 =	sadd.s32 s3, s5;
	[dreg:$0x0] =	wrdreg $0x0  }
0xae: {  	s5 =	sshll.u32 s28, $0x1;
	[dreg:$0x2] =	wrdreg s3  }
0xaf: {  	[dreg:$0x3] =	wrdreg s5  }
0xb0: {  	[dreg:$0x4] =	wrdreg $0xC0  }
0xb1: {  	_ =	task [dreg:s7], $0x5FFFF  }
0xb2: {  	[dreg:$0x1] =	wrdreg $0xFFFFFFFF  }
0xb3: {  	[dreg:$0x0] =	wrdreg $0x60  }
0xb4: {  	[dreg:$0x2] =	wrdreg s24  }
0xb5: {  	[dreg:$0x3] =	wrdreg s16  }
0xb6: {  	[dreg:$0x4] =	wrdreg $0x113000  }
0xb7: {  	[dreg:$0x5] =	wrdreg $0x9  }
0xb8: {  	_ =	task.clear_ibuf [dreg:s7], $0x6FFFF;
	_ =	strace $0x90000052  }
0xb9: {  	s29 =	simm.s32 $0x9;
	_ =	strace $0x80000054  }
0xba: {  	_ =	swait.ge [sflag:s29], $0x1  }
0xbb: {  	[sflag:s29] =	ssyncadd.s32 $0xFFFFFFFF  }
0xbc: {  	_ =	strace $0x90000054  }
0xbd: {  	_ =	sfence  }
0xbe: {  	s30 =	sld [smem:$0x0];
	_ =	sdelay $0x2  }
0xbf: {  	s31 =	sshll.u32 s1, $0xD;
	s1 =	sshrl.u32 s1, $0x2  }
0xc0: {  	s3 =	sand.u32 $0x4000, s31;
	s1 =	sadd.s32 s1, s30  }
0xc1: {  	s0 =	sor.u32 s3, s0;
	s1 =	sshll.u32 s1, $0x11  }
0xc2: {  	s0 =	sor.u32 s1, s0  }
0xc3: {  	s0 =	sadd.s32 $0x8F2B, s0  }
0xc4: {  	[sflag:s0] =	ssyncadd.remote.s32 $0x1  }
0xc5: {  	_ =	sfence.sel $0xFFFF  }
0xc6: {  	[dreg:$0x0] =	wrdreg $0xFFFFFFFF;
	(pc) =	sbr.abs _section_cstart, $3  }
0xc7: {  	[dreg:$0x1] =	wrdreg $0xFFFFFFFF  }
0xc8: {  	_ =	task.clear_ibuf [dreg:s7], $0x2FFFF;
	_ =	strace $0x9FFFFFFF  }
0xc9: {  	(tm) =	ssettm $0x7FFFFFFF  }
tec
execute0_lowered:
.L_overlay_start_1:
0x0: {  	(tag) =	ssettag $0x1  }
0x1: {  	s0 =	rddreg [dreg:$0x0]  }
0x2: {  	s2 =	rddreg [dreg:$0x1]  }
0x3: {  	s6 =	rddreg [dreg:$0x2];
	s1 =	simm.s32 $0x0;
	s4 =	srdreg.scid  }
0x4: {  	s9 =	stileid.u32;
	s28 =	simm.s32 $0xEB80;
	s29 =	simm.s32 $0x0  }
0x5: {  	[smem:$0x7FF] =	sst s1;
	s3 =	sadd.s32 $0x137E00, s0;
	s5 =	smul.u32 $0x31000, s9  }
0x6: {  	s16 =	sand.u32 $0x1, s4;
	s4 =	sadd.s32 $0x3000, s0;
	s21 =	smul.u32 $0xC40, s9  }
0x7: {  	_ =	strace $0x80000053;
	s24 =	ssub.s32 $0x2, s16;
	s8 =	sshll.u32 s16, $0x4  }
0x8: {  	s31 =	smul.u32 $0xC400, s16;
	s7 =	sshrl.u32 s24, $0x1;
	s25 =	sor.u32 s9, s8  }
0x9: {  	s26 =	sshrl.u32 s5, $0x2;
	s0 =	ssub.s32 s24, s7;
	s5 =	smul.u32 $0xC350, s25  }
0xa: {  	s30 =	sadd.s32 s26, s6;
	s7 =	sadd.s32 s21, s6;
	s6 =	sadd.s32 s21, s31  }
0xb: {  	s25 =	simm.s32 $0xC400;
	s26 =	simm.s32 $0x1;
	[dreg:$0x4] =	wrdreg s30  }
0xc: {  	s8 =	sadd.s32 $0xC400, s7;
	s9 =	sadd.s32 $0x18800, s7;
	s10 =	sadd.s32 $0x24C00, s7  }
0xd: {  	s11 =	sadd.s32 $0x31000, s7;
	s12 =	sadd.s32 $0x3D400, s7;
	s13 =	sadd.s32 $0x49800, s7  }
0xe: {  	s14 =	sadd.s32 $0x55C00, s7;
	s15 =	sadd.s32 $0x62000, s7;
	s16 =	sadd.s32 $0x6E400, s7  }
0xf: {  	s17 =	sadd.s32 $0x7A800, s7;
	s18 =	sadd.s32 $0x86C00, s7;
	s19 =	sadd.s32 $0x93000, s7  }
0x10: {  	s20 =	sadd.s32 $0x9F400, s7;
	s21 =	sadd.s32 $0xAB800, s7;
	s6 =	sshrl.u32 s6, $0x3  }
0x11: {  	v0 =	vimm.f32 $0.0e+00;
	s22 =	sadd.s32 $0xB7C00, s7;
	s24 =	smax.u32 s0, $0x1;
	s23 =	sadd.s32 s2, s6  }
.LBB2_1:
0x12: {  	s0 =	simm.s32 $0x0  }
.LBB2_2:
0x13: {  	p0 =	sne.s32 s0, $0x30FC0  }
.Ltmp0:
0x14: {  	_ = 	snop;
	(pc) =	sbr.rel @p0 .LBB2_2-.Ltmp0, $3  }
0x15: {  	_ =	sdelay $0x1  }
0x16: {  	s2 =	sshra.s32 s0, $0x2  }
0x17: {  	s0 =	sadd.s32 $0x40, s0;
	[tilespmem:s2+$0x0] =	vst v0  }
0x18: {  	s0 =	simm.s32 $0x0  }
.LBB2_4:
0x19: {  	s2 =	smul.u32 $0x2710, s0;
	_ =	sdelay $0x1  }
0x1a: {  	s2 =	sadd.s32 s5, s2  }
0x1b: {  	s2 =	sshrl.u32 s2, $0x3  }
0x1c: {  	s6 =	sadd.s32 s4, s2  }
0x1d: {  	[tilespmem:s25], [sflag:$0x1] =	stream.linear.gather [hbm4b:s6+s1], $0x2710, $0x38;
	[tilespmem:$0x1D700] =	vst v63  }
0x1e: {  	_ =	swait.ge [sflag:s26], $0x2710  }
0x1f: {  	[sflag:s26] =	ssyncset.done $0x0  }
0x20: {  	s2 =	sadd.s32 s3, s2;
	[sflag:s26] =	ssyncadd.s32 $0xFFFFD8F0  }
0x21: {  	[tilespmem:s28], [sflag:$0x1] =	stream.linear.gather [hbm4b:s2+s1], $0x2710, $0x38;
	[tilespmem:$0x1D700] =	vst v63  }
0x22: {  	_ =	swait.ge [sflag:s26], $0x2710  }
0x23: {  	s30 =	simm.s32 $0xC420;
	[sflag:s26] =	ssyncset.done $0x0  }
0x24: {  	s6 =	simm.s32 $0xEBA0;
	s2 =	simm.s32 $0xFFFFFFFC;
	[sflag:s26] =	ssyncadd.s32 $0xFFFFD8F0  }
.LBB2_5:
0x25: {  	v1 =	vld [tilespmem:s30+$0xFFFFFFE0];
	_ =	sdelay $0x2  }
0x26: {  	v2 =	vld [tilespmem:s6+$0xFFFFFFE0];
	_ =	sdelay $0x4  }
0x27: {  	[tilespmem:v1+s1+$0x0] =	vst.idx.add.f32.msk $0xffff, v2  }
0x28: {  	v1 =	vld [tilespmem:s30+$0xFFFFFFF0];
	_ =	sdelay $0x2  }
0x29: {  	v2 =	vld [tilespmem:s6+$0xFFFFFFF0];
	_ =	sdelay $0x4  }
0x2a: {  	[tilespmem:v1+s1+$0x0] =	vst.idx.add.f32.msk $0xffff, v2  }
0x2b: {  	v1 =	vld [tilespmem:s30+$0x0];
	_ =	sdelay $0x2  }
0x2c: {  	v2 =	vld [tilespmem:s6+$0x0];
	_ =	sdelay $0x4  }
0x2d: {  	[tilespmem:v1+s1+$0x0] =	vst.idx.add.f32.msk $0xffff, v2  }
0x2e: {  	v1 =	vld [tilespmem:s30+$0x10];
	_ =	sdelay $0x1  }
0x2f: {  	s2 =	sadd.s32 $0x4, s2  }
0x30: {  	p0 =	slt.u32 s2, $0x26C;
	v2 =	vld [tilespmem:s6+$0x10]  }
.Ltmp1:
0x31: {  	_ = 	snop;
	(pc) =	sbr.rel @p0 .LBB2_5-.Ltmp1, $2  }
0x32: {  	_ =	sdelay $0x2  }
0x33: {  	s6 =	sadd.s32 $0x40, s6;
	s30 =	sadd.s32 $0x40, s30;
	[tilespmem:v1+s1+$0x0] =	vst.idx.add.f32.msk $0xffff, v2  }
0x34: {  	v1 =	vld [tilespmem:$0xEB00];
	_ =	sdelay $0x1  }
0x35: {  	s0 =	sadd.s32 $0x1, s0  }
0x36: {  	v2 =	vld [tilespmem:$0x11280];
	p0 =	sne.s32 s0, $0x5  }
.Ltmp2:
0x37: {  	_ = 	snop;
	(pc) =	sbr.rel @p0 .LBB2_4-.Ltmp2, $2  }
0x38: {  	_ =	sdelay $0x2  }
0x39: {  	[tilespmem:v1+s1+$0x0] =	vst.idx.add.f32.msk $0xffff, v2  }
0x3a: {  	s30 =	simm.s32 $0x0;
	s0 =	rddreg [dreg:$0x4]  }
0x3b: {  	[spmem:s0] =	stream.linear.scatter [tilespmem:s30], [sflag:$0x1], $0xC400, $0x38;
	[tilespmem:$0x1D700] =	vst v63  }
0x3c: {  	_ =	swait.ge [sflag:s26], $0xC400  }
0x3d: {  	[sflag:s26] =	ssyncset.done $0x0  }
0x3e: {  	[sflag:s26] =	ssyncadd.s32 $0xFFFF3C00  }
0x3f: {  	[bflag:$0x0] =	sbarrier.arrive $0xFFFF  }
0x40: {  	[tilespmem:s30], [sflag:$0x1] =	stream.linear.gather [spmem:s7], $0xC40, $0x38;
	[tilespmem:$0x1D700] =	vst v63  }
0x41: {  	_ =	swait.ge [sflag:s26], $0xC40  }
0x42: {  	[sflag:s26] =	ssyncset.done $0x0  }
0x43: {  	s2 =	simm.s32 $0xC40;
	[sflag:s26] =	ssyncadd.s32 $0xFFFFF3C0  }
0x44: {  	[tilespmem:s2], [sflag:$0x1] =	stream.linear.gather [spmem:s8], $0xC40, $0x38;
	[tilespmem:$0x1D700] =	vst v63  }
0x45: {  	_ =	swait.ge [sflag:s26], $0xC40  }
0x46: {  	[sflag:s26] =	ssyncset.done $0x0  }
0x47: {  	s6 =	simm.s32 $0x1880;
	[sflag:s26] =	ssyncadd.s32 $0xFFFFF3C0  }
0x48: {  	[tilespmem:s6], [sflag:$0x1] =	stream.linear.gather [spmem:s9], $0xC40, $0x38;
	[tilespmem:$0x1D700] =	vst v63  }
0x49: {  	_ =	swait.ge [sflag:s26], $0xC40  }
0x4a: {  	[sflag:s26] =	ssyncset.done $0x0  }
0x4b: {  	s2 =	simm.s32 $0x24C0;
	[sflag:s26] =	ssyncadd.s32 $0xFFFFF3C0  }
0x4c: {  	[tilespmem:s2], [sflag:$0x1] =	stream.linear.gather [spmem:s10], $0xC40, $0x38;
	[tilespmem:$0x1D700] =	vst v63  }
0x4d: {  	_ =	swait.ge [sflag:s26], $0xC40  }
0x4e: {  	[sflag:s26] =	ssyncset.done $0x0  }
0x4f: {  	s6 =	simm.s32 $0x3100;
	[sflag:s26] =	ssyncadd.s32 $0xFFFFF3C0  }
0x50: {  	[tilespmem:s6], [sflag:$0x1] =	stream.linear.gather [spmem:s11], $0xC40, $0x38;
	[tilespmem:$0x1D700] =	vst v63  }
0x51: {  	_ =	swait.ge [sflag:s26], $0xC40  }
0x52: {  	[sflag:s26] =	ssyncset.done $0x0  }
0x53: {  	s2 =	simm.s32 $0x3D40;
	[sflag:s26] =	ssyncadd.s32 $0xFFFFF3C0  }
0x54: {  	[tilespmem:s2], [sflag:$0x1] =	stream.linear.gather [spmem:s12], $0xC40, $0x38;
	[tilespmem:$0x1D700] =	vst v63  }
0x55: {  	_ =	swait.ge [sflag:s26], $0xC40  }
0x56: {  	[sflag:s26] =	ssyncset.done $0x0  }
0x57: {  	s6 =	simm.s32 $0x4980;
	[sflag:s26] =	ssyncadd.s32 $0xFFFFF3C0  }
0x58: {  	[tilespmem:s6], [sflag:$0x1] =	stream.linear.gather [spmem:s13], $0xC40, $0x38;
	[tilespmem:$0x1D700] =	vst v63  }
0x59: {  	_ =	swait.ge [sflag:s26], $0xC40  }
0x5a: {  	[sflag:s26] =	ssyncset.done $0x0  }
0x5b: {  	s2 =	simm.s32 $0x55C0;
	[sflag:s26] =	ssyncadd.s32 $0xFFFFF3C0  }
0x5c: {  	[tilespmem:s2], [sflag:$0x1] =	stream.linear.gather [spmem:s14], $0xC40, $0x38;
	[tilespmem:$0x1D700] =	vst v63  }
0x5d: {  	_ =	swait.ge [sflag:s26], $0xC40  }
0x5e: {  	[sflag:s26] =	ssyncset.done $0x0  }
0x5f: {  	s6 =	simm.s32 $0x6200;
	[sflag:s26] =	ssyncadd.s32 $0xFFFFF3C0  }
0x60: {  	[tilespmem:s6], [sflag:$0x1] =	stream.linear.gather [spmem:s15], $0xC40, $0x38;
	[tilespmem:$0x1D700] =	vst v63  }
0x61: {  	_ =	swait.ge [sflag:s26], $0xC40  }
0x62: {  	[sflag:s26] =	ssyncset.done $0x0  }
0x63: {  	s2 =	simm.s32 $0x6E40;
	[sflag:s26] =	ssyncadd.s32 $0xFFFFF3C0  }
0x64: {  	[tilespmem:s2], [sflag:$0x1] =	stream.linear.gather [spmem:s16], $0xC40, $0x38;
	[tilespmem:$0x1D700] =	vst v63  }
0x65: {  	_ =	swait.ge [sflag:s26], $0xC40  }
0x66: {  	[sflag:s26] =	ssyncset.done $0x0  }
0x67: {  	s6 =	simm.s32 $0x7A80;
	[sflag:s26] =	ssyncadd.s32 $0xFFFFF3C0  }
0x68: {  	[tilespmem:s6], [sflag:$0x1] =	stream.linear.gather [spmem:s17], $0xC40, $0x38;
	[tilespmem:$0x1D700] =	vst v63  }
0x69: {  	_ =	swait.ge [sflag:s26], $0xC40  }
0x6a: {  	[sflag:s26] =	ssyncset.done $0x0  }
0x6b: {  	s2 =	simm.s32 $0x86C0;
	[sflag:s26] =	ssyncadd.s32 $0xFFFFF3C0  }
0x6c: {  	[tilespmem:s2], [sflag:$0x1] =	stream.linear.gather [spmem:s18], $0xC40, $0x38;
	[tilespmem:$0x1D700] =	vst v63  }
0x6d: {  	_ =	swait.ge [sflag:s26], $0xC40  }
0x6e: {  	[sflag:s26] =	ssyncset.done $0x0  }
0x6f: {  	s6 =	simm.s32 $0x9300;
	[sflag:s26] =	ssyncadd.s32 $0xFFFFF3C0  }
0x70: {  	[tilespmem:s6], [sflag:$0x1] =	stream.linear.gather [spmem:s19], $0xC40, $0x38;
	[tilespmem:$0x1D700] =	vst v63  }
0x71: {  	_ =	swait.ge [sflag:s26], $0xC40  }
0x72: {  	[sflag:s26] =	ssyncset.done $0x0  }
0x73: {  	s2 =	simm.s32 $0x9F40;
	[sflag:s26] =	ssyncadd.s32 $0xFFFFF3C0  }
0x74: {  	[tilespmem:s2], [sflag:$0x1] =	stream.linear.gather [spmem:s20], $0xC40, $0x38;
	[tilespmem:$0x1D700] =	vst v63  }
0x75: {  	_ =	swait.ge [sflag:s26], $0xC40  }
0x76: {  	[sflag:s26] =	ssyncset.done $0x0  }
0x77: {  	s6 =	simm.s32 $0xAB80;
	[sflag:s26] =	ssyncadd.s32 $0xFFFFF3C0  }
0x78: {  	[tilespmem:s6], [sflag:$0x1] =	stream.linear.gather [spmem:s21], $0xC40, $0x38;
	[tilespmem:$0x1D700] =	vst v63  }
0x79: {  	_ =	swait.ge [sflag:s26], $0xC40  }
0x7a: {  	[sflag:s26] =	ssyncset.done $0x0  }
0x7b: {  	s2 =	simm.s32 $0xB7C0;
	[sflag:s26] =	ssyncadd.s32 $0xFFFFF3C0  }
0x7c: {  	[tilespmem:s2], [sflag:$0x1] =	stream.linear.gather [spmem:s22], $0xC40, $0x38;
	[tilespmem:$0x1D700] =	vst v63  }
0x7d: {  	_ =	swait.ge [sflag:s26], $0xC40  }
0x7e: {  	[sflag:s26] =	ssyncset.done $0x0  }
0x7f: {  	s31 =	simm.s32 $0xB7D0;
	[sflag:s26] =	ssyncadd.s32 $0xFFFFF3C0  }
0x80: {  	v1 =	vld [tilespmem:s31+$0xFFFF5470]  }
0x81: {  	v2 =	vld [tilespmem:s31+$0xFFFF5480]  }
0x82: {  	v3 =	vld [tilespmem:s31+$0xFFFF4830]  }
0x83: {  	s6 =	sand.u32 $0xFE0, s30;
	v4 =	vld [tilespmem:s31+$0xFFFF4840]  }
0x84: {  	v6 =	vld [tilespmem:s6+$0x1880]  }
0x85: {  	v5 =	vld [tilespmem:s31+$0xFFFF60C0]  }
0x86: {  	v7 =	vld [tilespmem:s31+$0xFFFF6CF0]  }
0x87: {  	v8 =	vld [tilespmem:s31+$0xFFFF6D00];
	v1 =	vadd.f32 v1, v3  }
0x88: {  	v3 =	vld [tilespmem:s6+$0x3100];
	v2 =	vadd.f32 v2, v4  }
0x89: {  	v4 =	vld [tilespmem:s31+$0xFFFF7940];
	v1 =	vadd.f32 v6, v1  }
0x8a: {  	v6 =	vld [tilespmem:s31+$0xFFFF8570];
	v2 =	vadd.f32 v5, v2  }
0x8b: {  	v5 =	vld [tilespmem:s31+$0xFFFF8580];
	v1 =	vadd.f32 v7, v1  }
0x8c: {  	v7 =	vld [tilespmem:s6+$0x4980];
	v2 =	vadd.f32 v8, v2  }
0x8d: {  	v61 =	vld [tilespmem:s31+$0xFFFF91C0];
	v1 =	vadd.f32 v3, v1  }
0x8e: {  	v3 =	vld [tilespmem:s31+$0xFFFF9DF0];
	v2 =	vadd.f32 v4, v2  }
0x8f: {  	v4 =	vld [tilespmem:s31+$0xFFFF9E00];
	v1 =	vadd.f32 v6, v1  }
0x90: {  	v6 =	vld [tilespmem:s6+$0x6200];
	v2 =	vadd.f32 v5, v2  }
0x91: {  	v5 =	vld [tilespmem:s31+$0xFFFFAA40];
	v1 =	vadd.f32 v7, v1  }
0x92: {  	v7 =	vld [tilespmem:s31+$0xFFFFB670];
	v2 =	vadd.f32 v61, v2  }
0x93: {  	v62 =	vld [tilespmem:s31+$0xFFFFB680];
	v1 =	vadd.f32 v3, v1  }
0x94: {  	v3 =	vld [tilespmem:s6+$0x7A80];
	v2 =	vadd.f32 v4, v2  }
0x95: {  	v4 =	vld [tilespmem:s31+$0xFFFFC2C0];
	v1 =	vadd.f32 v6, v1  }
0x96: {  	v6 =	vld [tilespmem:s31+$0xFFFFCEF0];
	v2 =	vadd.f32 v5, v2  }
0x97: {  	v5 =	vld [tilespmem:s31+$0xFFFFCF00];
	v1 =	vadd.f32 v7, v1  }
0x98: {  	v7 =	vld [tilespmem:s6+$0x9300];
	v2 =	vadd.f32 v62, v2  }
0x99: {  	v63 =	vld [tilespmem:s31+$0xFFFFDB40];
	v1 =	vadd.f32 v3, v1  }
0x9a: {  	v3 =	vld [tilespmem:s31+$0xFFFFE770];
	v2 =	vadd.f32 v4, v2  }
0x9b: {  	v4 =	vld [tilespmem:s31+$0xFFFFE780];
	v1 =	vadd.f32 v6, v1  }
0x9c: {  	v2 =	vadd.f32 v5, v2  }
0x9d: {  	v6 =	vld [tilespmem:s6+$0xAB80];
	v1 =	vadd.f32 v7, v1  }
0x9e: {  	v5 =	vld [tilespmem:s31+$0xFFFFF3C0];
	v2 =	vadd.f32 v63, v2  }
0x9f: {  	v3 =	vadd.f32 v3, v1;
	v1 =	vld [tilespmem:s31+$0xFFFFFFF0]  }
0xa0: {  	v7 =	vadd.f32 v4, v2;
	v2 =	vld [tilespmem:s31+$0x0];
	_ =	sdelay $0x1  }
0xa1: {  	v4 =	vadd.f32 v6, v3  }
0xa2: {  	s0 =	simm.s32 $0x0;
	s2 =	simm.s32 $0xB7F0;
	v3 =	vadd.f32 v5, v7  }
.LBB2_8:
0xa3: {  	v5 =	vld [tilespmem:s2+$0xFFFF5470];
	s0 =	sadd.s32 $0x2, s0;
	v1 =	vadd.f32 v1, v4;
	s30 =	sadd.s32 $0x20, s30  }
0xa4: {  	v4 =	vld [tilespmem:s2+$0xFFFF60C0];
	p0 =	slt.u32 s0, $0xC2;
	v2 =	vadd.f32 v2, v3  }
0xa5: {  	s6 =	sand.u32 $0xFE0, s30;
	v3 =	vld [tilespmem:s2+$0xFFFF5480];
	[tilespmem:s31+$0xFFFF4830] =	vst v1  }
0xa6: {  	v1 =	vld [tilespmem:s2+$0xFFFF4830];
	[tilespmem:s31+$0xFFFF4840] =	vst v2;
	s31 =	smov.u32 s2  }
0xa7: {  	v2 =	vld [tilespmem:s2+$0xFFFF4840]  }
0xa8: {  	v6 =	vld [tilespmem:s6+$0x1880]  }
0xa9: {  	v7 =	vld [tilespmem:s2+$0xFFFF6CF0]  }
0xaa: {  	v8 =	vld [tilespmem:s2+$0xFFFF6D00]  }
0xab: {  	v1 =	vadd.f32 v5, v1;
	v5 =	vld [tilespmem:s6+$0x3100]  }
0xac: {  	v2 =	vadd.f32 v3, v2;
	v3 =	vld [tilespmem:s2+$0xFFFF7940]  }
0xad: {  	v1 =	vadd.f32 v6, v1;
	v6 =	vld [tilespmem:s2+$0xFFFF8570]  }
0xae: {  	v2 =	vadd.f32 v4, v2;
	v4 =	vld [tilespmem:s2+$0xFFFF8580]  }
0xaf: {  	v1 =	vadd.f32 v7, v1;
	v7 =	vld [tilespmem:s6+$0x4980]  }
0xb0: {  	v2 =	vadd.f32 v8, v2;
	v8 =	vld [tilespmem:s2+$0xFFFF91C0]  }
0xb1: {  	v1 =	vadd.f32 v5, v1;
	v5 =	vld [tilespmem:s2+$0xFFFF9DF0]  }
0xb2: {  	v2 =	vadd.f32 v3, v2;
	v3 =	vld [tilespmem:s2+$0xFFFF9E00]  }
0xb3: {  	v1 =	vadd.f32 v6, v1;
	v6 =	vld [tilespmem:s6+$0x6200]  }
0xb4: {  	v2 =	vadd.f32 v4, v2;
	v4 =	vld [tilespmem:s2+$0xFFFFAA40]  }
0xb5: {  	v1 =	vadd.f32 v7, v1;
	v7 =	vld [tilespmem:s2+$0xFFFFB670]  }
0xb6: {  	v2 =	vadd.f32 v8, v2;
	v8 =	vld [tilespmem:s2+$0xFFFFB680]  }
0xb7: {  	v1 =	vadd.f32 v5, v1;
	v5 =	vld [tilespmem:s6+$0x7A80]  }
0xb8: {  	v2 =	vadd.f32 v3, v2;
	v3 =	vld [tilespmem:s2+$0xFFFFC2C0]  }
0xb9: {  	v1 =	vadd.f32 v6, v1;
	v6 =	vld [tilespmem:s2+$0xFFFFCEF0]  }
0xba: {  	v2 =	vadd.f32 v4, v2;
	v4 =	vld [tilespmem:s2+$0xFFFFCF00]  }
0xbb: {  	v1 =	vadd.f32 v7, v1;
	v7 =	vld [tilespmem:s6+$0x9300]  }
0xbc: {  	v2 =	vadd.f32 v8, v2;
	v8 =	vld [tilespmem:s2+$0xFFFFDB40]  }
0xbd: {  	v1 =	vadd.f32 v5, v1;
	v5 =	vld [tilespmem:s2+$0xFFFFE770]  }
0xbe: {  	v2 =	vadd.f32 v3, v2;
	v3 =	vld [tilespmem:s2+$0xFFFFE780]  }
0xbf: {  	v1 =	vadd.f32 v6, v1;
	v6 =	vld [tilespmem:s6+$0xAB80]  }
0xc0: {  	v2 =	vadd.f32 v4, v2;
	v9 =	vld [tilespmem:s2+$0xFFFFF3C0]  }
0xc1: {  	v4 =	vadd.f32 v7, v1;
	v1 =	vld [tilespmem:s2+$0xFFFFFFF0]  }
.Ltmp3:
0xc2: {  	v7 =	vadd.f32 v8, v2;
	(pc) =	sbr.rel @p0 .LBB2_8-.Ltmp3, $4  }
0xc3: {  	v4 =	vadd.f32 v5, v4;
	v2 =	vld [tilespmem:s2+$0x0]  }
0xc4: {  	v3 =	vadd.f32 v3, v7  }
0xc5: {  	v4 =	vadd.f32 v6, v4  }
0xc6: {  	s2 =	sadd.s32 $0x20, s2;
	v3 =	vadd.f32 v9, v3  }
0xc7: {  	v1 =	vadd.f32 v1, v4  }
0xc8: {  	s29 =	sadd.s32 $0x1, s29;
	v2 =	vadd.f32 v2, v3  }
0xc9: {  	p0 =	sne.s32 s29, s24;
	[tilespmem:s31+$0xFFFF4830] =	vst v1  }
.Ltmp4:
0xca: {  	[tilespmem:s31+$0xFFFF4840] =	vst v2;
	(pc) =	sbr.rel @p0 .LBB2_1-.Ltmp4, $4  }
0xcb: {  	[hbm4b:s23+s1] =	stream.linear.scatter [tilespmem:s1], [sflag:$0x1], $0xC40, $0x38;
	[tilespmem:$0x1D700] =	vst v63  }
0xcc: {  	_ =	swait.ge [sflag:s26], $0xC40  }
0xcd: {  	[sflag:s26] =	ssyncset.done $0x0  }
0xce: {  	[sflag:s26] =	ssyncadd.s32 $0xFFFFF3C0  }
0xcf: {  	_ =	sfence.sel $0x180000  }
0xd0: {  	[bflag:$0x0] =	sbarrier.arrive $0xFFFF  }
0xd1: {  	_ =	strace $0x90000053  }
0xd2: {  	s0 =	stileid.u32;
	[bflag:$0x2] =	sbarrier.arrive $0xFFFF  }
0xd3: {  	p0 =	sne.s32 s0, $0x0;
	s0 =	rddreg [dreg:$0x3]  }
0xd4: {  	s0 =	sadd.s32 @!p0 $0x100000, s0  }
0xd5: {  	[sflag:s0] =	ssyncadd.tile.s32 @!p0 $0x1;
	_ =	shalt  }
.Lfunc_end2:
_tile_overlayer_lowered:
.L_overlay_start_2:
0xd6: {  	(tag) =	ssettag $0x2  }
0xd7: {  	s0 =	rddreg [dreg:$0x0];
	s2 =	stileid.u32  }
0xd8: {  	s1 =	rddreg [dreg:$0x1];
	p0 =	sne.s32 s2, $0x0  }
0xd9: {  	s3 =	rddreg [dreg:$0x2];
	[bflag:$0x3] =	sbarrier.arrive $0xFFFF;
	s2 =	simm.s32 @!p0 $0x1C01  }
0xda: {  	[timem:s3], [sflag:s2] =	dma.local @!p0 [hbm:s0], s1  }
0xdb: {  	s0 =	simm.s32 @!p0 $0x1  }
0xdc: {  	_ =	swait.ge @!p0 [sflag:s0], s1  }
0xdd: {  	s1 =	ssub.s32 @!p0 $0x0, s1;
	[sflag:s0] =	ssyncset.done @!p0 $0x0  }
0xde: {  	[sflag:s0] =	ssyncadd.s32 @!p0 s1  }
0xdf: {  	[bflag:$0x3] =	sbarrier.arrive $0xFFFF  }
0xe0: {  	_ =	shalt  }

// kernel: kernel.4.cloned.1.call-start
scs
__scs_entry_jumppad:
0x0: {  	(pc) =	sbr.rel $0x88, $3  }
0x1: {  	(tag) =	ssettag $0x0;
	lr =	simm.s32 $0x1  }
0x2: {  	[smem:$0x3F99] =	sst lr;
	_ =	strace $0xD0000000  }
0x3: {  	_ = 	snop  }
0x4: {  	_ = 	snop  }
0x5: {  	_ = 	snop  }
0x6: {  	_ = 	snop  }
0x7: {  	_ = 	snop  }
__scs_overlays_trampoline_lowered:
0x8: {  	[smem:$0x3FA8] =	sst s0  }
0x9: {  	[smem:$0x3FA9] =	sst s1  }
0xa: {  	[smem:$0x3FAA] =	sst s2  }
0xb: {  	[smem:$0x3FAB] =	sst s3  }
0xc: {  	[smem:$0x3FAC] =	sst s4  }
0xd: {  	[smem:$0x3FAD] =	sst s5  }
0xe: {  	[smem:$0x3FAE] =	sst s6  }
0xf: {  	[smem:$0x3FAF] =	sst s7  }
0x10: {  	[smem:$0x3FB0] =	sst s8  }
0x11: {  	[smem:$0x3FB1] =	sst s9;
	s0 =	simm.s32 @!p0 $0x0  }
0x12: {  	s1 =	sld [smem:$0x3F97];
	s0 =	simm.s32 @p0 $0x1  }
0x13: {  	[smem:$0x3FB2] =	sst s0;
	s0 =	simm.s32 @!p1 $0x0  }
0x14: {  	s2 =	sld [smem:$0x3F96];
	s0 =	simm.s32 @p1 $0x1  }
0x15: {  	[smem:$0x3FB3] =	sst s0;
	s0 =	simm.s32 @!p2 $0x0  }
0x16: {  	s3 =	sld [smem:$0x3FDB];
	s0 =	simm.s32 @p2 $0x1  }
0x17: {  	s4 =	simm.s32 $0x1BF5;
	[smem:$0x3FB5] =	sst s0  }
0x18: {  	s0 =	sld [smem:$0x3F98];
	_ =	swait.ge [sflag:s4], $0x0  }
0x19: {  	s7 =	sld [smem:$0x3F99]  }
0x1a: {  	s8 =	sadd.s32 $0xFFFFE003, lr  }
0x1b: {  	s9 =	sadd.s32 $0xFFFFFEF7, lr;
	s5 =	simm.s32 $0xFFFFFFFF;
	p2 =	slt.u32 s8, $0xFFFFF086  }
0x1c: {  	p1 =	slt.u32 s9, $0xF7A;
	s5 =	simm.s32 @!p2 $0x0  }
0x1d: {  	s5 =	simm.s32 @p1 $0x1;
	p0 =	seq.s32 s7, s2  }
0x1e: {  	s7 =	smul.u32 @!p0 $0xF7A, s2;
	p2 =	seq.s32 @!p0 s5, $0x0  }
0x1f: {  	s9 =	smul.u32 $0xF7A, s1;
	s8 =	simm.s32 @!p0 $0x1BF5;
	p2 =	por !p2, p0  }
0x20: {  	[sflag:s8] =	ssyncset.s32 @!p0 $0xFFFFF086;
	s6 =	sadd.s32 @!p0 s3, s7;
	s7 =	simm.s32 @!p0 $0x108  }
0x21: {  	s3 =	sadd.s32 s3, s9;
	s6 =	sadd.s32 @!p0 $0x88, s6;
	s7 =	simm.s32 @p2 $0x1082  }
0x22: {  	[simem:s7], [sflag:s8] =	dma.local @!p0 [hbm:s6], $0xF7A  }
0x23: {  	s9 =	sor.u32 $0xD0000000, s2;
	s6 =	simm.s32 $0x108;
	_ =	swait.ge @!p0 [sflag:s8], $0x0  }
0x24: {  	s3 =	sadd.s32 $0x88, s3;
	s6 =	simm.s32 @!p1 $0x1082;
	[sflag:s4] =	ssyncset.s32 $0xFFFFF086  }
0x25: {  	[simem:s6], [sflag:s4] =	dma.local [hbm:s3], $0xF7A  }
0x26: {  	[smem:$0x3F99] =	sst s1;
	(tag) =	ssettag s2;
	_ =	strace s9  }
0x27: {  	s1 =	sld [smem:$0x3FA9]  }
0x28: {  	s2 =	sld [smem:$0x3FAA]  }
0x29: {  	s4 =	sld [smem:$0x3FAC]  }
0x2a: {  	p0 =	seq.s32 s5, $0x0;
	s5 =	sld [smem:$0x3FAD]  }
0x2b: {  	s6 =	sld [smem:$0x3FAE]  }
0x2c: {  	s7 =	sld [smem:$0x3FAF]  }
0x2d: {  	s3 =	simm.s32 $0x108;
	s8 =	sld [smem:$0x3FB0]  }
0x2e: {  	s3 =	simm.s32 @!p0 $0x1082;
	s9 =	sld [smem:$0x3FB1]  }
0x2f: {  	lr =	sadd.s32 s0, s3;
	s0 =	sld [smem:$0x3FA8]  }
0x30: {  	s3 =	sld [smem:$0x3FAB]  }
0x31: {  	[smem:$0x3FB4] =	sst s10  }
0x32: {  	s10 =	sld [smem:$0x3FB2];
	_ =	sdelay $0x3  }
0x33: {  	p0 =	seq.s32 s10, $0x1;
	s10 =	sld [smem:$0x3FB4];
	_ =	sdelay $0x3  }
0x34: {  	[smem:$0x3FB4] =	sst s10  }
0x35: {  	s10 =	sld [smem:$0x3FB3];
	_ =	sdelay $0x3  }
0x36: {  	p1 =	seq.s32 s10, $0x1;
	s10 =	sld [smem:$0x3FB4];
	_ =	sdelay $0x3  }
0x37: {  	[smem:$0x3FB4] =	sst s10  }
0x38: {  	s10 =	sld [smem:$0x3FB5]  }
0x39: {  	_ = 	snop;
	(pc) =	sbr.ind lr, $3  }
0x3a: {  	_ = 	snop  }
0x3b: {  	_ = 	snop  }
0x3c: {  	p2 =	seq.s32 s10, $0x1;
	s10 =	sld [smem:$0x3FB4]  }
0x3d: {  	_ =	shalt  }
0x3e: {  	_ =	shalt  }
0x3f: {  	_ =	shalt  }
0x40: {  	_ =	shalt  }
0x41: {  	_ =	shalt  }
0x42: {  	_ =	shalt  }
0x43: {  	_ =	shalt  }
0x44: {  	_ =	shalt  }
0x45: {  	_ =	shalt  }
0x46: {  	_ =	shalt  }
0x47: {  	_ =	shalt  }
0x48: {  	_ =	shalt  }
0x49: {  	_ =	shalt  }
0x4a: {  	_ =	shalt  }
0x4b: {  	_ =	shalt  }
0x4c: {  	_ =	shalt  }
0x4d: {  	_ =	shalt  }
0x4e: {  	_ =	shalt  }
0x4f: {  	_ =	shalt  }
0x50: {  	_ =	shalt  }
0x51: {  	_ =	shalt  }
0x52: {  	_ =	shalt  }
0x53: {  	_ =	shalt  }
0x54: {  	_ =	shalt  }
0x55: {  	_ =	shalt  }
0x56: {  	_ =	shalt  }
0x57: {  	_ =	shalt  }
0x58: {  	_ =	shalt  }
0x59: {  	_ =	shalt  }
0x5a: {  	_ =	shalt  }
0x5b: {  	_ =	shalt  }
0x5c: {  	_ =	shalt  }
0x5d: {  	_ =	shalt  }
0x5e: {  	_ =	shalt  }
0x5f: {  	_ =	shalt  }
0x60: {  	_ =	shalt  }
0x61: {  	_ =	shalt  }
0x62: {  	_ =	shalt  }
0x63: {  	_ =	shalt  }
0x64: {  	_ =	shalt  }
0x65: {  	_ =	shalt  }
0x66: {  	_ =	shalt  }
0x67: {  	_ =	shalt  }
0x68: {  	_ =	shalt  }
0x69: {  	_ =	shalt  }
0x6a: {  	_ =	shalt  }
0x6b: {  	_ =	shalt  }
0x6c: {  	_ =	shalt  }
0x6d: {  	_ =	shalt  }
0x6e: {  	_ =	shalt  }
0x6f: {  	_ =	shalt  }
0x70: {  	_ =	shalt  }
0x71: {  	_ =	shalt  }
0x72: {  	_ =	shalt  }
0x73: {  	_ =	shalt  }
0x74: {  	_ =	shalt  }
0x75: {  	_ =	shalt  }
0x76: {  	_ =	shalt  }
0x77: {  	_ =	shalt  }
0x78: {  	_ =	shalt  }
0x79: {  	_ =	shalt  }
0x7a: {  	_ =	shalt  }
0x7b: {  	_ =	shalt  }
0x7c: {  	_ =	shalt  }
0x7d: {  	_ =	shalt  }
0x7e: {  	_ =	shalt  }
0x7f: {  	_ =	shalt  }
0x80: {  	_ =	shalt  }
0x81: {  	_ =	shalt  }
0x82: {  	_ =	shalt  }
0x83: {  	_ =	shalt  }
0x84: {  	_ =	shalt  }
0x85: {  	_ =	shalt  }
0x86: {  	_ =	shalt  }
0x87: {  	_ =	shalt  }
.Lfunc_end0:
.L_simem_size_0:
called_computation.4_lowered:
.L_overlay_start_0:
0x88: {  	s2 =	sld [smem:$0x3FD9]  }
0x89: {  	s3 =	sld [smem:$0x3FFE];
	_ =	sdelay $0x1  }
0x8a: {  	s1 =	srdreg.scid  }
0x8b: {  	s0 =	sand.u32 $0x1, s1  }
0x8c: {  	s16 =	sshll.u32 s0, $0xA;
	s2 =	sadd.s32 s3, s2  }
0x8d: {  	s2 =	sadd.s32 s2, s16  }
0x8e: {  	[smem:$0x3FC0] =	sst s2  }
0x8f: {  	_ = 	snop  }
0x90: {  	(tm) =	ssettm $0x1  }
0x91: {  	s17 =	sld [smem:$0x3FFB];
	_ =	sdelay $0x3  }
0x92: {  	_ =	strace s17  }
0x93: {  	s2 =	sld [smem:$0x3FFC];
	_ =	sdelay $0x3  }
0x94: {  	_ =	strace s2  }
0x95: {  	s2 =	sld [smem:$0x3FFD];
	_ =	sdelay $0x3  }
0x96: {  	_ =	strace s2  }
0x97: {  	_ =	strace $0x8FFFFFFF  }
0x98: {  	s18 =	sld [smem:$0x3FDB];
	_ =	sdelay $0x1  }
0x99: {  	s19 =	simm.s32 $_scs_section_size  }
0x9a: {  	s4 =	simm.s32 $_size__tile_overlayer_lowered;
	s5 =	simm.s32 $_tile_overlayer_lowered  }
0x9b: {  	s22 =	simm.s32 $0x1BFF;
	s21 =	sshll.u32 s5, $0x1;
	s2 =	sadd.s32 s19, s18  }
0x9c: {  	s6 =	simm.s32 $0x0;
	s20 =	sshll.u32 s4, $0x1;
	s4 =	sadd.s32 s21, s2  }
0x9d: {  	[timem:s6], [sflag:s22] =	dma.local [hbm:s4], s20  }
0x9e: {  	_ =	swait.ge [sflag:s22], s20  }
0x9f: {  	s3 =	ssub.s32 $0x0, s20;
	[sflag:s22] =	ssyncset.done $0x0  }
0xa0: {  	[sflag:s22] =	ssyncadd.s32 s3;
	_ =	sdelay $0x1  }
0xa1: {  	s23 =	simm.s32 $0x1B8B  }
0xa2: {  	_ =	swait.ge [sflag:s23], $0x1  }
0xa3: {  	[sflag:s23] =	ssyncset.done $0x0  }
0xa4: {  	s25 =	simm.s32 $0x1B8E;
	s24 =	sld [smem:$0x3FFE];
	[sflag:s23] =	ssyncadd.s32 $0xFFFFFFFF  }
0xa5: {  	s26 =	simm.s32 $execute0_lowered;
	[smem:$0x3FD2] =	sst s25  }
0xa6: {  	s4 =	sshll.u32 s26, $0x1;
	_ =	strace $0x80000046;
	[dreg:$0x1] =	wrdreg $0xFFFFFFFF  }
0xa7: {  	s28 =	simm.s32 $_size_execute0_lowered;
	s2 =	sadd.s32 s2, s4;
	[dreg:$0x0] =	wrdreg $0x0  }
0xa8: {  	s4 =	sshll.u32 s28, $0x1;
	[dreg:$0x2] =	wrdreg s2  }
0xa9: {  	[dreg:$0x3] =	wrdreg s4  }
0xaa: {  	[dreg:$0x4] =	wrdreg $0xC0  }
0xab: {  	_ =	task [dreg:s6], $0x5FFFF  }
0xac: {  	[dreg:$0x1] =	wrdreg $0xFFFFFFFF  }
0xad: {  	[dreg:$0x0] =	wrdreg $0x60  }
0xae: {  	[dreg:$0x2] =	wrdreg s24  }
0xaf: {  	[dreg:$0x3] =	wrdreg $0xEB800  }
0xb0: {  	[dreg:$0x4] =	wrdreg $0x9  }
0xb1: {  	_ =	task.clear_ibuf [dreg:s6], $0x5FFFF;
	_ =	strace $0x90000046  }
0xb2: {  	s29 =	simm.s32 $0x9;
	_ =	strace $0x80000048  }
0xb3: {  	_ =	swait.ge [sflag:s29], $0x1  }
0xb4: {  	[sflag:s29] =	ssyncadd.s32 $0xFFFFFFFF  }
0xb5: {  	_ =	strace $0x90000048  }
0xb6: {  	_ =	sfence  }
0xb7: {  	s30 =	sld [smem:$0x0];
	_ =	sdelay $0x2  }
0xb8: {  	s31 =	sshll.u32 s1, $0xD;
	s1 =	sshrl.u32 s1, $0x2  }
0xb9: {  	s3 =	sand.u32 $0x4000, s31;
	s1 =	sadd.s32 s1, s30  }
0xba: {  	s0 =	sor.u32 s3, s0;
	s1 =	sshll.u32 s1, $0x11  }
0xbb: {  	s0 =	sor.u32 s1, s0  }
0xbc: {  	s0 =	sadd.s32 $0x8F2B, s0  }
0xbd: {  	[sflag:s0] =	ssyncadd.remote.s32 $0x1  }
0xbe: {  	_ =	sfence.sel $0xFFFF  }
0xbf: {  	[dreg:$0x0] =	wrdreg $0xFFFFFFFF;
	(pc) =	sbr.abs _section_cstart, $3  }
0xc0: {  	[dreg:$0x1] =	wrdreg $0xFFFFFFFF  }
0xc1: {  	_ =	task.clear_ibuf [dreg:s6], $0x2FFFF;
	_ =	strace $0x9FFFFFFF  }
0xc2: {  	(tm) =	ssettm $0x7FFFFFFF  }
0xc3: {  	_ =	shalt  }
tec
execute0_lowered:
.L_overlay_start_1:
0x0: {  	(tag) =	ssettag $0x1  }
0x1: {  	s0 =	rddreg [dreg:$0x0];
	s1 =	srdreg.scid  }
0x2: {  	s4 =	rddreg [dreg:$0x1];
	s7 =	stileid.u32  }
0x3: {  	s2 =	simm.s32 $0x0;
	s28 =	simm.s32 $0xC400;
	s29 =	simm.s32 $0x1  }
0x4: {  	s1 =	sand.u32 $0x1, s1;
	s5 =	smul.u32 $0xC40, s7;
	[smem:$0x7FF] =	sst s2  }
0x5: {  	s3 =	sshll.u32 s1, $0x4;
	s6 =	smul.u32 $0xC400, s1;
	_ =	strace $0x80000047  }
0x6: {  	s1 =	ssub.s32 $0x2, s1;
	s3 =	sor.u32 s7, s3;
	s7 =	smul.u32 $0x31000, s7  }
0x7: {  	s30 =	sshrl.u32 s1, $0x1;
	s3 =	smul.u32 $0xC350, s3;
	s6 =	sadd.s32 s5, s6  }
0x8: {  	s1 =	ssub.s32 s1, s30;
	s6 =	sshrl.u32 s6, $0x3;
	s7 =	sshrl.u32 s7, $0x2  }
0x9: {  	s20 =	smax.u32 s1, $0x1;
	s1 =	simm.s32 $0x0;
	s3 =	sshrl.u32 s3, $0x3  }
0xa: {  	s25 =	sadd.s32 s3, s0;
	s3 =	sadd.s32 s5, s4;
	s4 =	sadd.s32 s7, s4  }
0xb: {  	s0 =	sadd.s32 s6, s0;
	[dreg:$0x3] =	wrdreg s4;
	s31 =	sadd.s32 $0xC400, s3  }
0xc: {  	s6 =	sadd.s32 $0x18800, s3;
	s7 =	sadd.s32 $0x24C00, s3;
	s8 =	sadd.s32 $0x31000, s3  }
0xd: {  	s9 =	sadd.s32 $0x3D400, s3;
	s10 =	sadd.s32 $0x49800, s3;
	s11 =	sadd.s32 $0x55C00, s3  }
0xe: {  	s12 =	sadd.s32 $0x62000, s3;
	s13 =	sadd.s32 $0x6E400, s3;
	s14 =	sadd.s32 $0x7A800, s3  }
0xf: {  	s15 =	sadd.s32 $0x86C00, s3;
	s16 =	sadd.s32 $0x93000, s3;
	s17 =	sadd.s32 $0x9F400, s3  }
0x10: {  	s18 =	sadd.s32 $0xAB800, s3;
	s19 =	sadd.s32 $0x33E00, s0;
	s21 =	sadd.s32 $0x3000, s25  }
0x11: {  	s22 =	sadd.s32 $0x34E2, s25;
	s23 =	sadd.s32 $0x39C4, s25;
	s24 =	sadd.s32 $0x3EA6, s25  }
0x12: {  	v0 =	vimm.f32 $0.0e+00;
	v1 =	vimm.f32 $1.000000000e+00;
	s25 =	sadd.s32 $0x4388, s25;
	s26 =	sadd.s32 $0xB7C00, s3;
	[dreg:$0x4] =	wrdreg s31  }
.LBB2_1:
0x13: {  	s0 =	simm.s32 $0x40;
	s4 =	simm.s32 $0x0  }
.LBB2_2:
0x14: {  	p0 =	sne.s32 s0, $0x30FC0;
	[tilespmem:s4+$0x0] =	vst v0;
	s4 =	smov.u32 s0;
	s0 =	sadd.s32 $0x40, s0  }
.Ltmp0:
0x15: {  	(pc) =	sbr.rel @p0 .LBB2_2-.Ltmp0, $2  }
0x16: {  	_ =	sdelay $0x2  }
0x17: {  	s4 =	sshra.s32 s4, $0x2  }
0x18: {  	[tilespmem:s4+$0x0] =	vst v0  }
0x19: {  	[tilespmem:s28], [sflag:$0x1] =	stream.linear.gather [hbm4b:s21+s2], $0x2710, $0x38;
	[tilespmem:$0x1AF80] =	vst v63  }
0x1a: {  	_ =	swait.ge [sflag:s29], $0x2710  }
0x1b: {  	[sflag:s29] =	ssyncset.done $0x0  }
0x1c: {  	s0 =	simm.s32 $0xFFFFFFFC;
	s4 =	simm.s32 $0xC420;
	[sflag:s29] =	ssyncadd.s32 $0xFFFFD8F0  }
.LBB2_4:
0x1d: {  	v2 =	vld [tilespmem:s4+$0xFFFFFFE0];
	_ =	sdelay $0x7  }
0x1e: {  	[tilespmem:v2+s2+$0x0] =	vst.idx.add.f32.msk $0xffff, v1  }
0x1f: {  	v2 =	vld [tilespmem:s4+$0xFFFFFFF0];
	_ =	sdelay $0x7  }
0x20: {  	[tilespmem:v2+s2+$0x0] =	vst.idx.add.f32.msk $0xffff, v1  }
0x21: {  	v2 =	vld [tilespmem:s4+$0x0];
	_ =	sdelay $0x7  }
0x22: {  	[tilespmem:v2+s2+$0x0] =	vst.idx.add.f32.msk $0xffff, v1  }
0x23: {  	v2 =	vld [tilespmem:s4+$0x10];
	_ =	sdelay $0x1  }
0x24: {  	s0 =	sadd.s32 $0x4, s0  }
0x25: {  	p0 =	slt.u32 s0, $0x26C  }
.Ltmp1:
0x26: {  	_ = 	snop;
	(pc) =	sbr.rel @p0 .LBB2_4-.Ltmp1, $2  }
0x27: {  	_ =	sdelay $0x2  }
0x28: {  	s4 =	sadd.s32 $0x40, s4;
	[tilespmem:v2+s2+$0x0] =	vst.idx.add.f32.msk $0xffff, v1  }
0x29: {  	v2 =	vld [tilespmem:$0xEB00];
	_ =	sdelay $0x7  }
0x2a: {  	[tilespmem:v2+s2+$0x0] =	vst.idx.add.f32.msk $0xffff, v1  }
0x2b: {  	[tilespmem:s28], [sflag:$0x1] =	stream.linear.gather [hbm4b:s22+s2], $0x2710, $0x38;
	[tilespmem:$0x1AF80] =	vst v63  }
0x2c: {  	_ =	swait.ge [sflag:s29], $0x2710  }
0x2d: {  	[sflag:s29] =	ssyncset.done $0x0  }
0x2e: {  	s0 =	simm.s32 $0xFFFFFFFC;
	s4 =	simm.s32 $0xC420;
	[sflag:s29] =	ssyncadd.s32 $0xFFFFD8F0  }
.LBB2_6:
0x2f: {  	v2 =	vld [tilespmem:s4+$0xFFFFFFE0];
	_ =	sdelay $0x7  }
0x30: {  	[tilespmem:v2+s2+$0x0] =	vst.idx.add.f32.msk $0xffff, v1  }
0x31: {  	v2 =	vld [tilespmem:s4+$0xFFFFFFF0];
	_ =	sdelay $0x7  }
0x32: {  	[tilespmem:v2+s2+$0x0] =	vst.idx.add.f32.msk $0xffff, v1  }
0x33: {  	v2 =	vld [tilespmem:s4+$0x0];
	_ =	sdelay $0x7  }
0x34: {  	[tilespmem:v2+s2+$0x0] =	vst.idx.add.f32.msk $0xffff, v1  }
0x35: {  	v2 =	vld [tilespmem:s4+$0x10];
	_ =	sdelay $0x1  }
0x36: {  	s0 =	sadd.s32 $0x4, s0  }
0x37: {  	p0 =	slt.u32 s0, $0x26C  }
.Ltmp2:
0x38: {  	_ = 	snop;
	(pc) =	sbr.rel @p0 .LBB2_6-.Ltmp2, $2  }
0x39: {  	_ =	sdelay $0x2  }
0x3a: {  	s4 =	sadd.s32 $0x40, s4;
	[tilespmem:v2+s2+$0x0] =	vst.idx.add.f32.msk $0xffff, v1  }
0x3b: {  	v2 =	vld [tilespmem:$0xEB00];
	_ =	sdelay $0x7  }
0x3c: {  	[tilespmem:v2+s2+$0x0] =	vst.idx.add.f32.msk $0xffff, v1  }
0x3d: {  	[tilespmem:s28], [sflag:$0x1] =	stream.linear.gather [hbm4b:s23+s2], $0x2710, $0x38;
	[tilespmem:$0x1AF80] =	vst v63  }
0x3e: {  	_ =	swait.ge [sflag:s29], $0x2710  }
0x3f: {  	[sflag:s29] =	ssyncset.done $0x0  }
0x40: {  	s0 =	simm.s32 $0xFFFFFFFC;
	s4 =	simm.s32 $0xC420;
	[sflag:s29] =	ssyncadd.s32 $0xFFFFD8F0  }
.LBB2_8:
0x41: {  	v2 =	vld [tilespmem:s4+$0xFFFFFFE0];
	_ =	sdelay $0x7  }
0x42: {  	[tilespmem:v2+s2+$0x0] =	vst.idx.add.f32.msk $0xffff, v1  }
0x43: {  	v2 =	vld [tilespmem:s4+$0xFFFFFFF0];
	_ =	sdelay $0x7  }
0x44: {  	[tilespmem:v2+s2+$0x0] =	vst.idx.add.f32.msk $0xffff, v1  }
0x45: {  	v2 =	vld [tilespmem:s4+$0x0];
	_ =	sdelay $0x7  }
0x46: {  	[tilespmem:v2+s2+$0x0] =	vst.idx.add.f32.msk $0xffff, v1  }
0x47: {  	v2 =	vld [tilespmem:s4+$0x10];
	_ =	sdelay $0x1  }
0x48: {  	s0 =	sadd.s32 $0x4, s0  }
0x49: {  	p0 =	slt.u32 s0, $0x26C  }
.Ltmp3:
0x4a: {  	_ = 	snop;
	(pc) =	sbr.rel @p0 .LBB2_8-.Ltmp3, $2  }
0x4b: {  	_ =	sdelay $0x2  }
0x4c: {  	s4 =	sadd.s32 $0x40, s4;
	[tilespmem:v2+s2+$0x0] =	vst.idx.add.f32.msk $0xffff, v1  }
0x4d: {  	v2 =	vld [tilespmem:$0xEB00];
	_ =	sdelay $0x7  }
0x4e: {  	[tilespmem:v2+s2+$0x0] =	vst.idx.add.f32.msk $0xffff, v1  }
0x4f: {  	[tilespmem:s28], [sflag:$0x1] =	stream.linear.gather [hbm4b:s24+s2], $0x2710, $0x38;
	[tilespmem:$0x1AF80] =	vst v63  }
0x50: {  	_ =	swait.ge [sflag:s29], $0x2710  }
0x51: {  	[sflag:s29] =	ssyncset.done $0x0  }
0x52: {  	s0 =	simm.s32 $0xFFFFFFFC;
	s4 =	simm.s32 $0xC420;
	[sflag:s29] =	ssyncadd.s32 $0xFFFFD8F0  }
.LBB2_10:
0x53: {  	v2 =	vld [tilespmem:s4+$0xFFFFFFE0];
	_ =	sdelay $0x7  }
0x54: {  	[tilespmem:v2+s2+$0x0] =	vst.idx.add.f32.msk $0xffff, v1  }
0x55: {  	v2 =	vld [tilespmem:s4+$0xFFFFFFF0];
	_ =	sdelay $0x7  }
0x56: {  	[tilespmem:v2+s2+$0x0] =	vst.idx.add.f32.msk $0xffff, v1  }
0x57: {  	v2 =	vld [tilespmem:s4+$0x0];
	_ =	sdelay $0x7  }
0x58: {  	[tilespmem:v2+s2+$0x0] =	vst.idx.add.f32.msk $0xffff, v1  }
0x59: {  	v2 =	vld [tilespmem:s4+$0x10];
	_ =	sdelay $0x1  }
0x5a: {  	s0 =	sadd.s32 $0x4, s0  }
0x5b: {  	p0 =	slt.u32 s0, $0x26C  }
.Ltmp4:
0x5c: {  	_ = 	snop;
	(pc) =	sbr.rel @p0 .LBB2_10-.Ltmp4, $2  }
0x5d: {  	_ =	sdelay $0x2  }
0x5e: {  	s4 =	sadd.s32 $0x40, s4;
	[tilespmem:v2+s2+$0x0] =	vst.idx.add.f32.msk $0xffff, v1  }
0x5f: {  	v2 =	vld [tilespmem:$0xEB00];
	_ =	sdelay $0x7  }
0x60: {  	[tilespmem:v2+s2+$0x0] =	vst.idx.add.f32.msk $0xffff, v1  }
0x61: {  	[tilespmem:s28], [sflag:$0x1] =	stream.linear.gather [hbm4b:s25+s2], $0x2710, $0x38;
	[tilespmem:$0x1AF80] =	vst v63  }
0x62: {  	_ =	swait.ge [sflag:s29], $0x2710  }
0x63: {  	[sflag:s29] =	ssyncset.done $0x0  }
0x64: {  	s0 =	simm.s32 $0xFFFFFFFC;
	s4 =	simm.s32 $0xC420;
	[sflag:s29] =	ssyncadd.s32 $0xFFFFD8F0  }
.LBB2_12:
0x65: {  	v2 =	vld [tilespmem:s4+$0xFFFFFFE0];
	_ =	sdelay $0x7  }
0x66: {  	[tilespmem:v2+s2+$0x0] =	vst.idx.add.f32.msk $0xffff, v1  }
0x67: {  	v2 =	vld [tilespmem:s4+$0xFFFFFFF0];
	_ =	sdelay $0x7  }
0x68: {  	[tilespmem:v2+s2+$0x0] =	vst.idx.add.f32.msk $0xffff, v1  }
0x69: {  	v2 =	vld [tilespmem:s4+$0x0];
	_ =	sdelay $0x7  }
0x6a: {  	[tilespmem:v2+s2+$0x0] =	vst.idx.add.f32.msk $0xffff, v1  }
0x6b: {  	v2 =	vld [tilespmem:s4+$0x10];
	_ =	sdelay $0x1  }
0x6c: {  	s0 =	sadd.s32 $0x4, s0  }
0x6d: {  	p0 =	slt.u32 s0, $0x26C  }
.Ltmp5:
0x6e: {  	_ = 	snop;
	(pc) =	sbr.rel @p0 .LBB2_12-.Ltmp5, $2  }
0x6f: {  	_ =	sdelay $0x2  }
0x70: {  	s4 =	sadd.s32 $0x40, s4;
	[tilespmem:v2+s2+$0x0] =	vst.idx.add.f32.msk $0xffff, v1  }
0x71: {  	v2 =	vld [tilespmem:$0xEB00];
	_ =	sdelay $0x6  }
0x72: {  	s30 =	simm.s32 $0x0  }
0x73: {  	s0 =	rddreg [dreg:$0x3];
	[tilespmem:v2+s30+$0x0] =	vst.idx.add.f32.msk $0xffff, v1  }
0x74: {  	[spmem:s0] =	stream.linear.scatter [tilespmem:s30], [sflag:$0x1], $0xC400, $0x38;
	[tilespmem:$0x1AF80] =	vst v63  }
0x75: {  	_ =	swait.ge [sflag:s29], $0xC400  }
0x76: {  	[sflag:s29] =	ssyncset.done $0x0  }
0x77: {  	[sflag:s29] =	ssyncadd.s32 $0xFFFF3C00  }
0x78: {  	[bflag:$0x0] =	sbarrier.arrive $0xFFFF  }
0x79: {  	[tilespmem:s30], [sflag:$0x1] =	stream.linear.gather [spmem:s3], $0xC40, $0x38;
	[tilespmem:$0x1AF80] =	vst v63  }
0x7a: {  	_ =	swait.ge [sflag:s29], $0xC40  }
0x7b: {  	[sflag:s29] =	ssyncset.done $0x0  }
0x7c: {  	s4 =	simm.s32 $0xC40;
	s5 =	rddreg [dreg:$0x4];
	[sflag:s29] =	ssyncadd.s32 $0xFFFFF3C0  }
0x7d: {  	[tilespmem:s4], [sflag:$0x1] =	stream.linear.gather [spmem:s5], $0xC40, $0x38;
	[tilespmem:$0x1AF80] =	vst v63  }
0x7e: {  	_ =	swait.ge [sflag:s29], $0xC40  }
0x7f: {  	[sflag:s29] =	ssyncset.done $0x0  }
0x80: {  	s5 =	simm.s32 $0x1880;
	[sflag:s29] =	ssyncadd.s32 $0xFFFFF3C0  }
0x81: {  	[tilespmem:s5], [sflag:$0x1] =	stream.linear.gather [spmem:s6], $0xC40, $0x38;
	[tilespmem:$0x1AF80] =	vst v63  }
0x82: {  	_ =	swait.ge [sflag:s29], $0xC40  }
0x83: {  	[sflag:s29] =	ssyncset.done $0x0  }
0x84: {  	s4 =	simm.s32 $0x24C0;
	[sflag:s29] =	ssyncadd.s32 $0xFFFFF3C0  }
0x85: {  	[tilespmem:s4], [sflag:$0x1] =	stream.linear.gather [spmem:s7], $0xC40, $0x38;
	[tilespmem:$0x1AF80] =	vst v63  }
0x86: {  	_ =	swait.ge [sflag:s29], $0xC40  }
0x87: {  	[sflag:s29] =	ssyncset.done $0x0  }
0x88: {  	s5 =	simm.s32 $0x3100;
	[sflag:s29] =	ssyncadd.s32 $0xFFFFF3C0  }
0x89: {  	[tilespmem:s5], [sflag:$0x1] =	stream.linear.gather [spmem:s8], $0xC40, $0x38;
	[tilespmem:$0x1AF80] =	vst v63  }
0x8a: {  	_ =	swait.ge [sflag:s29], $0xC40  }
0x8b: {  	[sflag:s29] =	ssyncset.done $0x0  }
0x8c: {  	s4 =	simm.s32 $0x3D40;
	[sflag:s29] =	ssyncadd.s32 $0xFFFFF3C0  }
0x8d: {  	[tilespmem:s4], [sflag:$0x1] =	stream.linear.gather [spmem:s9], $0xC40, $0x38;
	[tilespmem:$0x1AF80] =	vst v63  }
0x8e: {  	_ =	swait.ge [sflag:s29], $0xC40  }
0x8f: {  	[sflag:s29] =	ssyncset.done $0x0  }
0x90: {  	s5 =	simm.s32 $0x4980;
	[sflag:s29] =	ssyncadd.s32 $0xFFFFF3C0  }
0x91: {  	[tilespmem:s5], [sflag:$0x1] =	stream.linear.gather [spmem:s10], $0xC40, $0x38;
	[tilespmem:$0x1AF80] =	vst v63  }
0x92: {  	_ =	swait.ge [sflag:s29], $0xC40  }
0x93: {  	[sflag:s29] =	ssyncset.done $0x0  }
0x94: {  	s4 =	simm.s32 $0x55C0;
	[sflag:s29] =	ssyncadd.s32 $0xFFFFF3C0  }
0x95: {  	[tilespmem:s4], [sflag:$0x1] =	stream.linear.gather [spmem:s11], $0xC40, $0x38;
	[tilespmem:$0x1AF80] =	vst v63  }
0x96: {  	_ =	swait.ge [sflag:s29], $0xC40  }
0x97: {  	[sflag:s29] =	ssyncset.done $0x0  }
0x98: {  	s5 =	simm.s32 $0x6200;
	[sflag:s29] =	ssyncadd.s32 $0xFFFFF3C0  }
0x99: {  	[tilespmem:s5], [sflag:$0x1] =	stream.linear.gather [spmem:s12], $0xC40, $0x38;
	[tilespmem:$0x1AF80] =	vst v63  }
0x9a: {  	_ =	swait.ge [sflag:s29], $0xC40  }
0x9b: {  	[sflag:s29] =	ssyncset.done $0x0  }
0x9c: {  	s4 =	simm.s32 $0x6E40;
	[sflag:s29] =	ssyncadd.s32 $0xFFFFF3C0  }
0x9d: {  	[tilespmem:s4], [sflag:$0x1] =	stream.linear.gather [spmem:s13], $0xC40, $0x38;
	[tilespmem:$0x1AF80] =	vst v63  }
0x9e: {  	_ =	swait.ge [sflag:s29], $0xC40  }
0x9f: {  	[sflag:s29] =	ssyncset.done $0x0  }
0xa0: {  	s5 =	simm.s32 $0x7A80;
	[sflag:s29] =	ssyncadd.s32 $0xFFFFF3C0  }
0xa1: {  	[tilespmem:s5], [sflag:$0x1] =	stream.linear.gather [spmem:s14], $0xC40, $0x38;
	[tilespmem:$0x1AF80] =	vst v63  }
0xa2: {  	_ =	swait.ge [sflag:s29], $0xC40  }
0xa3: {  	[sflag:s29] =	ssyncset.done $0x0  }
0xa4: {  	s4 =	simm.s32 $0x86C0;
	[sflag:s29] =	ssyncadd.s32 $0xFFFFF3C0  }
0xa5: {  	[tilespmem:s4], [sflag:$0x1] =	stream.linear.gather [spmem:s15], $0xC40, $0x38;
	[tilespmem:$0x1AF80] =	vst v63  }
0xa6: {  	_ =	swait.ge [sflag:s29], $0xC40  }
0xa7: {  	[sflag:s29] =	ssyncset.done $0x0  }
0xa8: {  	s5 =	simm.s32 $0x9300;
	[sflag:s29] =	ssyncadd.s32 $0xFFFFF3C0  }
0xa9: {  	[tilespmem:s5], [sflag:$0x1] =	stream.linear.gather [spmem:s16], $0xC40, $0x38;
	[tilespmem:$0x1AF80] =	vst v63  }
0xaa: {  	_ =	swait.ge [sflag:s29], $0xC40  }
0xab: {  	[sflag:s29] =	ssyncset.done $0x0  }
0xac: {  	s4 =	simm.s32 $0x9F40;
	[sflag:s29] =	ssyncadd.s32 $0xFFFFF3C0  }
0xad: {  	[tilespmem:s4], [sflag:$0x1] =	stream.linear.gather [spmem:s17], $0xC40, $0x38;
	[tilespmem:$0x1AF80] =	vst v63  }
0xae: {  	_ =	swait.ge [sflag:s29], $0xC40  }
0xaf: {  	[sflag:s29] =	ssyncset.done $0x0  }
0xb0: {  	s5 =	simm.s32 $0xAB80;
	[sflag:s29] =	ssyncadd.s32 $0xFFFFF3C0  }
0xb1: {  	[tilespmem:s5], [sflag:$0x1] =	stream.linear.gather [spmem:s18], $0xC40, $0x38;
	[tilespmem:$0x1AF80] =	vst v63  }
0xb2: {  	_ =	swait.ge [sflag:s29], $0xC40  }
0xb3: {  	[sflag:s29] =	ssyncset.done $0x0  }
0xb4: {  	s4 =	simm.s32 $0xB7C0;
	[sflag:s29] =	ssyncadd.s32 $0xFFFFF3C0  }
0xb5: {  	[tilespmem:s4], [sflag:$0x1] =	stream.linear.gather [spmem:s26], $0xC40, $0x38;
	[tilespmem:$0x1AF80] =	vst v63  }
0xb6: {  	_ =	swait.ge [sflag:s29], $0xC40  }
0xb7: {  	[sflag:s29] =	ssyncset.done $0x0  }
0xb8: {  	s31 =	simm.s32 $0xB7D0;
	[sflag:s29] =	ssyncadd.s32 $0xFFFFF3C0  }
0xb9: {  	v2 =	vld [tilespmem:s31+$0xFFFF5470]  }
0xba: {  	v3 =	vld [tilespmem:s31+$0xFFFF5480]  }
0xbb: {  	v4 =	vld [tilespmem:s31+$0xFFFF4830]  }
0xbc: {  	s5 =	sand.u32 $0xFE0, s30;
	v5 =	vld [tilespmem:s31+$0xFFFF4840]  }
0xbd: {  	v7 =	vld [tilespmem:s5+$0x1880]  }
0xbe: {  	v6 =	vld [tilespmem:s31+$0xFFFF60C0]  }
0xbf: {  	v8 =	vld [tilespmem:s31+$0xFFFF6CF0]  }
0xc0: {  	v9 =	vld [tilespmem:s31+$0xFFFF6D00];
	v2 =	vadd.f32 v2, v4  }
0xc1: {  	v4 =	vld [tilespmem:s5+$0x3100];
	v3 =	vadd.f32 v3, v5  }
0xc2: {  	v5 =	vld [tilespmem:s31+$0xFFFF7940];
	v2 =	vadd.f32 v7, v2  }
0xc3: {  	v7 =	vld [tilespmem:s31+$0xFFFF8570];
	v3 =	vadd.f32 v6, v3  }
0xc4: {  	v6 =	vld [tilespmem:s31+$0xFFFF8580];
	v2 =	vadd.f32 v8, v2  }
0xc5: {  	v57 =	vld [tilespmem:s5+$0x4980];
	v3 =	vadd.f32 v9, v3  }
0xc6: {  	v58 =	vld [tilespmem:s31+$0xFFFF91C0];
	v2 =	vadd.f32 v4, v2  }
0xc7: {  	v4 =	vld [tilespmem:s31+$0xFFFF9DF0];
	v3 =	vadd.f32 v5, v3  }
0xc8: {  	v5 =	vld [tilespmem:s31+$0xFFFF9E00];
	v2 =	vadd.f32 v7, v2  }
0xc9: {  	v7 =	vld [tilespmem:s5+$0x6200];
	v3 =	vadd.f32 v6, v3  }
0xca: {  	v6 =	vld [tilespmem:s31+$0xFFFFAA40];
	v2 =	vadd.f32 v57, v2  }
0xcb: {  	v59 =	vld [tilespmem:s31+$0xFFFFB670];
	v3 =	vadd.f32 v58, v3  }
0xcc: {  	v60 =	vld [tilespmem:s31+$0xFFFFB680];
	v2 =	vadd.f32 v4, v2  }
0xcd: {  	v4 =	vld [tilespmem:s5+$0x7A80];
	v3 =	vadd.f32 v5, v3  }
0xce: {  	v5 =	vld [tilespmem:s31+$0xFFFFC2C0];
	v2 =	vadd.f32 v7, v2  }
0xcf: {  	v7 =	vld [tilespmem:s31+$0xFFFFCEF0];
	v3 =	vadd.f32 v6, v3  }
0xd0: {  	v6 =	vld [tilespmem:s31+$0xFFFFCF00];
	v2 =	vadd.f32 v59, v2  }
0xd1: {  	v61 =	vld [tilespmem:s5+$0x9300];
	v3 =	vadd.f32 v60, v3  }
0xd2: {  	v62 =	vld [tilespmem:s31+$0xFFFFDB40];
	v2 =	vadd.f32 v4, v2  }
0xd3: {  	v4 =	vld [tilespmem:s31+$0xFFFFE770];
	v3 =	vadd.f32 v5, v3  }
0xd4: {  	v5 =	vld [tilespmem:s31+$0xFFFFE780];
	v2 =	vadd.f32 v7, v2  }
0xd5: {  	v3 =	vadd.f32 v6, v3  }
0xd6: {  	v7 =	vld [tilespmem:s5+$0xAB80];
	v2 =	vadd.f32 v61, v2  }
0xd7: {  	v6 =	vld [tilespmem:s31+$0xFFFFF3C0];
	v3 =	vadd.f32 v62, v3  }
0xd8: {  	v4 =	vadd.f32 v4, v2;
	v2 =	vld [tilespmem:s31+$0xFFFFFFF0]  }
0xd9: {  	v63 =	vadd.f32 v5, v3;
	v3 =	vld [tilespmem:s31+$0x0];
	_ =	sdelay $0x1  }
0xda: {  	v5 =	vadd.f32 v7, v4  }
0xdb: {  	s0 =	simm.s32 $0x0;
	s4 =	simm.s32 $0xB7F0;
	v4 =	vadd.f32 v6, v63  }
.LBB2_14:
0xdc: {  	v6 =	vld [tilespmem:s4+$0xFFFF5470];
	s0 =	sadd.s32 $0x2, s0;
	v2 =	vadd.f32 v2, v5;
	s30 =	sadd.s32 $0x20, s30  }
0xdd: {  	v5 =	vld [tilespmem:s4+$0xFFFF60C0];
	p0 =	slt.u32 s0, $0xC2;
	v3 =	vadd.f32 v3, v4  }
0xde: {  	s5 =	sand.u32 $0xFE0, s30;
	v4 =	vld [tilespmem:s4+$0xFFFF5480];
	[tilespmem:s31+$0xFFFF4830] =	vst v2  }
0xdf: {  	v2 =	vld [tilespmem:s4+$0xFFFF4830];
	[tilespmem:s31+$0xFFFF4840] =	vst v3;
	s31 =	smov.u32 s4  }
0xe0: {  	v3 =	vld [tilespmem:s4+$0xFFFF4840]  }
0xe1: {  	v7 =	vld [tilespmem:s5+$0x1880]  }
0xe2: {  	v8 =	vld [tilespmem:s4+$0xFFFF6CF0]  }
0xe3: {  	v9 =	vld [tilespmem:s4+$0xFFFF6D00]  }
0xe4: {  	v2 =	vadd.f32 v6, v2;
	v6 =	vld [tilespmem:s5+$0x3100]  }
0xe5: {  	v3 =	vadd.f32 v4, v3;
	v4 =	vld [tilespmem:s4+$0xFFFF7940]  }
0xe6: {  	v2 =	vadd.f32 v7, v2;
	v7 =	vld [tilespmem:s4+$0xFFFF8570]  }
0xe7: {  	v3 =	vadd.f32 v5, v3;
	v5 =	vld [tilespmem:s4+$0xFFFF8580]  }
0xe8: {  	v2 =	vadd.f32 v8, v2;
	v8 =	vld [tilespmem:s5+$0x4980]  }
0xe9: {  	v3 =	vadd.f32 v9, v3;
	v9 =	vld [tilespmem:s4+$0xFFFF91C0]  }
0xea: {  	v2 =	vadd.f32 v6, v2;
	v6 =	vld [tilespmem:s4+$0xFFFF9DF0]  }
0xeb: {  	v3 =	vadd.f32 v4, v3;
	v4 =	vld [tilespmem:s4+$0xFFFF9E00]  }
0xec: {  	v2 =	vadd.f32 v7, v2;
	v7 =	vld [tilespmem:s5+$0x6200]  }
0xed: {  	v3 =	vadd.f32 v5, v3;
	v5 =	vld [tilespmem:s4+$0xFFFFAA40]  }
0xee: {  	v2 =	vadd.f32 v8, v2;
	v8 =	vld [tilespmem:s4+$0xFFFFB670]  }
0xef: {  	v3 =	vadd.f32 v9, v3;
	v9 =	vld [tilespmem:s4+$0xFFFFB680]  }
0xf0: {  	v2 =	vadd.f32 v6, v2;
	v6 =	vld [tilespmem:s5+$0x7A80]  }
0xf1: {  	v3 =	vadd.f32 v4, v3;
	v4 =	vld [tilespmem:s4+$0xFFFFC2C0]  }
0xf2: {  	v2 =	vadd.f32 v7, v2;
	v7 =	vld [tilespmem:s4+$0xFFFFCEF0]  }
0xf3: {  	v3 =	vadd.f32 v5, v3;
	v5 =	vld [tilespmem:s4+$0xFFFFCF00]  }
0xf4: {  	v2 =	vadd.f32 v8, v2;
	v8 =	vld [tilespmem:s5+$0x9300]  }
0xf5: {  	v3 =	vadd.f32 v9, v3;
	v9 =	vld [tilespmem:s4+$0xFFFFDB40]  }
0xf6: {  	v2 =	vadd.f32 v6, v2;
	v6 =	vld [tilespmem:s4+$0xFFFFE770]  }
0xf7: {  	v3 =	vadd.f32 v4, v3;
	v4 =	vld [tilespmem:s4+$0xFFFFE780]  }
0xf8: {  	v2 =	vadd.f32 v7, v2;
	v7 =	vld [tilespmem:s5+$0xAB80]  }
0xf9: {  	v3 =	vadd.f32 v5, v3;
	v10 =	vld [tilespmem:s4+$0xFFFFF3C0]  }
0xfa: {  	v5 =	vadd.f32 v8, v2;
	v2 =	vld [tilespmem:s4+$0xFFFFFFF0]  }
.Ltmp6:
0xfb: {  	v8 =	vadd.f32 v9, v3;
	(pc) =	sbr.rel @p0 .LBB2_14-.Ltmp6, $4  }
0xfc: {  	v5 =	vadd.f32 v6, v5;
	v3 =	vld [tilespmem:s4+$0x0]  }
0xfd: {  	v4 =	vadd.f32 v4, v8  }
0xfe: {  	v5 =	vadd.f32 v7, v5  }
0xff: {  	s4 =	sadd.s32 $0x20, s4;
	v4 =	vadd.f32 v10, v4  }
0x100: {  	v2 =	vadd.f32 v2, v5  }
0x101: {  	s1 =	sadd.s32 $0x1, s1;
	v3 =	vadd.f32 v3, v4  }
0x102: {  	p0 =	sne.s32 s1, s20;
	[tilespmem:s31+$0xFFFF4830] =	vst v2  }
.Ltmp7:
0x103: {  	[tilespmem:s31+$0xFFFF4840] =	vst v3;
	(pc) =	sbr.rel @p0 .LBB2_1-.Ltmp7, $4  }
0x104: {  	[hbm4b:s19+s2] =	stream.linear.scatter [tilespmem:s2], [sflag:$0x1], $0xC40, $0x38;
	[tilespmem:$0x1AF80] =	vst v63  }
0x105: {  	_ =	swait.ge [sflag:s29], $0xC40  }
0x106: {  	[sflag:s29] =	ssyncset.done $0x0  }
0x107: {  	[sflag:s29] =	ssyncadd.s32 $0xFFFFF3C0  }
0x108: {  	_ =	sfence.sel $0x180000  }
0x109: {  	[bflag:$0x0] =	sbarrier.arrive $0xFFFF  }
0x10a: {  	_ =	strace $0x90000047  }
0x10b: {  	s0 =	stileid.u32;
	[bflag:$0x2] =	sbarrier.arrive $0xFFFF  }
0x10c: {  	p0 =	sne.s32 s0, $0x0;
	s0 =	rddreg [dreg:$0x2]  }
0x10d: {  	s0 =	sadd.s32 @!p0 $0x100000, s0  }
0x10e: {  	[sflag:s0] =	ssyncadd.tile.s32 @!p0 $0x1;
	_ =	shalt  }
.Lfunc_end2:
_tile_overlayer_lowered:
.L_overlay_start_2:
0x10f: {  	(tag) =	ssettag $0x2  }
0x110: {  	s0 =	rddreg [dreg:$0x0];
	s2 =	stileid.u32  }
0x111: {  	s1 =	rddreg [dreg:$0x1];
	p0 =	sne.s32 s2, $0x0  }
0x112: {  	s3 =	rddreg [dreg:$0x2];
	[bflag:$0x3] =	sbarrier.arrive $0xFFFF;
	s2 =	simm.s32 @!p0 $0x1C01  }
0x113: {  	[timem:s3], [sflag:s2] =	dma.local @!p0 [hbm:s0], s1  }
0x114: {  	s0 =	simm.s32 @!p0 $0x1  }
0x115: {  	_ =	swait.ge @!p0 [sflag:s0], s1  }
0x116: {  	s1 =	ssub.s32 @!p0 $0x0, s1;
	[sflag:s0] =	ssyncset.done @!p0 $0x0  }
0x117: {  	[sflag:s0] =	ssyncadd.s32 @!p0 s1  }
0x118: {  	[bflag:$0x3] =	sbarrier.arrive $0xFFFF  }
0x119: {  	_ =	shalt  }

</sc_bundles>
